<compile_context>
chip_gen: v7x
topology: tpu7x:2x2x1
jax: 0.10.2.dev20260603
libtpu: 0.0.44.dev20260713+nightly
codegen_flags: <defaults>
</compile_context>

<pallas_src>
import functools
import math

import jax
import jax.numpy as jnp
from jax import lax
from jax.experimental import pallas as pl
from jax.experimental.pallas import tpu as pltpu
from jax.experimental.pallas import tpu_sc as plsc

B, N, M, C, H, K = 4, 2048, 4096, 256, 8, 8
RADIUS = 0.2
DH = C // H
FF = 4 * C

TQ = 256
TT = 512
TA = 256
GCHUNK = 128


HC = C // 2

def _pack_pair(x):
    xb = x.astype(jnp.bfloat16).astype(jnp.float32)
    be = lax.bitcast_convert_type(xb[:, :HC], jnp.int32)
    bo = lax.bitcast_convert_type(xb[:, HC:], jnp.int32)
    return lax.shift_right_logical(be, 16) | (bo & jnp.int32(-65536))


def _unpack_pair(w):
    e = lax.bitcast_convert_type(lax.shift_left(w, 16), jnp.float32)
    o = lax.bitcast_convert_type(w & jnp.int32(-65536), jnp.float32)
    return e, o


def _proj_kv_body(xyz_ref, feat_ref, Wp_ref, bp_ref, Wk_ref, bk_ref,
                  Wv_ref, bv_ref, kv_ref):
    feat = feat_ref[...]
    pos = (xyz_ref[:, 0:1] * Wp_ref[0:1, :]
           + xyz_ref[:, 1:2] * Wp_ref[1:2, :]
           + xyz_ref[:, 2:3] * Wp_ref[2:3, :]) + bp_ref[...]
    tk = (feat + pos).astype(jnp.bfloat16)
    fb = feat.astype(jnp.bfloat16)
    kk = lax.dot_general(tk, Wk_ref[...].astype(jnp.bfloat16),
                         (((1,), (0,)), ((), ())),
                         preferred_element_type=jnp.float32) + bk_ref[...]
    vv = lax.dot_general(fb, Wv_ref[...].astype(jnp.bfloat16),
                         (((1,), (0,)), ((), ())),
                         preferred_element_type=jnp.float32) + bv_ref[...]
    kv_ref[:, :HC] = _pack_pair(kk)
    kv_ref[:, HC:] = _pack_pair(vv)


def _proj_q_body(xyz_ref, feat_ref, Wp_ref, bp_ref, Wq_ref, bq_ref,
                 Wk_ref, bk_ref, Wv_ref, bv_ref, q0_ref, kq_ref, vq_ref):
    feat = feat_ref[...]
    pos = (xyz_ref[:, 0:1] * Wp_ref[0:1, :]
           + xyz_ref[:, 1:2] * Wp_ref[1:2, :]
           + xyz_ref[:, 2:3] * Wp_ref[2:3, :]) + bp_ref[...]
    qk_in = (feat + pos).astype(jnp.bfloat16)
    fb = feat.astype(jnp.bfloat16)
    q0_ref[...] = lax.dot_general(qk_in, Wq_ref[...].astype(jnp.bfloat16),
                                  (((1,), (0,)), ((), ())),
                                  preferred_element_type=jnp.float32) + bq_ref[...]
    kq_ref[...] = lax.dot_general(qk_in, Wk_ref[...].astype(jnp.bfloat16),
                                  (((1,), (0,)), ((), ())),
                                  preferred_element_type=jnp.float32) + bk_ref[...]
    vq_ref[...] = lax.dot_general(fb, Wv_ref[...].astype(jnp.bfloat16),
                                  (((1,), (0,)), ((), ())),
                                  preferred_element_type=jnp.float32) + bv_ref[...]


def _topk_body(q_ref, kt_ref, idx_ref, inv_ref, d2_ref):
    b = pl.program_id(0)
    inf = jnp.float32(jnp.inf)

    qx = q_ref[0, :, 0:1]
    qy = q_ref[0, :, 1:2]
    qz = q_ref[0, :, 2:3]
    kx = kt_ref[0, 0:1, :]
    ky = kt_ref[0, 1:2, :]
    kz = kt_ref[0, 2:3, :]
    qb = q_ref[0].astype(jnp.bfloat16)
    kb = kt_ref[0].astype(jnp.bfloat16)
    cross = lax.dot_general(qb, kb, (((1,), (0,)), ((), ())),
                            preferred_element_type=jnp.float32)
    qn = qx * qx + qy * qy + qz * qz
    kn = kx * kx + ky * ky + kz * kz
    d2 = (qn + kn) - 2.0 * cross
    dist = jnp.sqrt(jnp.maximum(d2, 1e-12))
    d2m = jnp.where(dist <= RADIUS, dist, inf)
    d2_ref[...] = d2m

    iota_f = lax.broadcasted_iota(jnp.int32, (1, M), 1).astype(jnp.float32)
    idx_cols = []
    inv_cols = []
    m = jnp.min(d2m, axis=1, keepdims=True)
    for k in range(K):
        d2s = d2_ref[...]
        cand = jnp.where(d2s <= m, iota_f, jnp.float32(M))
        self_f = jnp.min(cand, axis=1, keepdims=True)
        invalid = m == inf
        sel = jnp.where(invalid, 0, self_f.astype(jnp.int32))
        idx_cols.append(sel + b * M)
        inv_cols.append(invalid.astype(jnp.float32))
        if k < K - 1:
            d2_new = jnp.where(iota_f == self_f, inf, d2s)
            d2_ref[...] = d2_new
            m = jnp.min(d2_new, axis=1, keepdims=True)
    idx_ref[0] = jnp.concatenate(idx_cols, axis=1)
    inv_ref[0] = jnp.concatenate(inv_cols, axis=1)


def _attn_body(q0_ref, kq_ref, vq_ref, kvg_ref, inv_ref, qf_ref,
               Wo_ref, bo_ref, g1_ref, be1_ref, g2_ref, be2_ref,
               W1_ref, b1_ref, W2_ref, b2_ref, out_ref):
    scale = jnp.float32(1.0 / math.sqrt(DH))
    rows = lax.broadcasted_iota(jnp.int32, (HC, HC), 0)
    cols = lax.broadcasted_iota(jnp.int32, (HC, HC), 1)
    seg = (rows // (DH // 2) == cols // (DH // 2)).astype(jnp.bfloat16)

    def head_dot(prod):
        return lax.dot_general(prod.astype(jnp.bfloat16), seg,
                               (((1,), (0,)), ((), ())),
                               preferred_element_type=jnp.float32) * scale

    q0e = q0_ref[:, :HC]
    q0o = q0_ref[:, HC:]
    s = [head_dot(q0e * kq_ref[:, :HC] + q0o * kq_ref[:, HC:])]
    vs = []
    for j in range(K):
        ke, ko = _unpack_pair(kvg_ref[j, :, :HC])
        vs.append(_unpack_pair(kvg_ref[j, :, HC:]))
        sj = head_dot(q0e * ke + q0o * ko)
        sj = jnp.where(inv_ref[:, j:j + 1] > 0.5, jnp.float32(-1e9), sj)
        s.append(sj)
    mx = s[0]
    for j in range(1, K + 1):
        mx = jnp.maximum(mx, s[j])
    e0 = jnp.exp(s[0] - mx)
    denom = e0
    acc_e = e0 * vq_ref[:, :HC]
    acc_o = e0 * vq_ref[:, HC:]
    for j in range(K):
        ej = jnp.exp(s[j + 1] - mx)
        denom = denom + ej
        acc_e = acc_e + ej * vs[j][0]
        acc_o = acc_o + ej * vs[j][1]
    out0 = jnp.concatenate([acc_e / denom, acc_o / denom], axis=1)

    proj = lax.dot_general(out0.astype(jnp.bfloat16),
                           Wo_ref[...].astype(jnp.bfloat16),
                           (((1,), (0,)), ((), ())),
                           preferred_element_type=jnp.float32) + bo_ref[...]
    x = qf_ref[...] + proj
    mu = jnp.mean(x, axis=1, keepdims=True)
    cxt = x - mu
    var = jnp.mean(cxt * cxt, axis=1, keepdims=True)
    x = cxt / jnp.sqrt(var + 1e-5) * g1_ref[...] + be1_ref[...]

    h1 = lax.dot_general(x.astype(jnp.bfloat16), W1_ref[...].astype(jnp.bfloat16),
                         (((1,), (0,)), ((), ())),
                         preferred_element_type=jnp.float32) + b1_ref[...]
    h1 = jnp.maximum(h1, 0.0)
    ff = lax.dot_general(h1.astype(jnp.bfloat16), W2_ref[...].astype(jnp.bfloat16),
                         (((1,), (0,)), ((), ())),
                         preferred_element_type=jnp.float32) + b2_ref[...]
    y = x + ff
    mu2 = jnp.mean(y, axis=1, keepdims=True)
    cy = y - mu2
    var2 = jnp.mean(cy * cy, axis=1, keepdims=True)
    y = cy / jnp.sqrt(var2 + 1e-5) * g2_ref[...] + be2_ref[...]
    out_ref[...] = y + qf_ref[...]


def _make_sc_gather():
    info = plsc.get_sparse_core_info()
    nw = info.num_cores * info.num_subcores
    total = B * N * K
    per_w = total // nw
    chunks = per_w // GCHUNK
    mesh = plsc.VectorSubcoreMesh(core_axis_name="c", subcore_axis_name="s")

    @functools.partial(
        pl.kernel, mesh=mesh,
        out_type=jax.ShapeDtypeStruct((total, C), jnp.int32),
        scratch_types=[pltpu.VMEM((GCHUNK,), jnp.int32),
                       pltpu.VMEM((GCHUNK,), jnp.int32),
                       pltpu.VMEM((GCHUNK, C), jnp.int32),
                       pltpu.VMEM((GCHUNK, C), jnp.int32),
                       pltpu.SemaphoreType.DMA,
                       pltpu.SemaphoreType.DMA],
    )
    def gather(tab_hbm, idx_hbm, out_hbm,
               idx_v0, idx_v1, rows_v0, rows_v1, sem0, sem1):
        wid = lax.axis_index("s") * info.num_cores + lax.axis_index("c")
        idx_v = (idx_v0, idx_v1)
        rows_v = (rows_v0, rows_v1)
        sem = (sem0, sem1)

        def start(c, buf):
            base = wid * per_w + c * GCHUNK
            pltpu.sync_copy(idx_hbm.at[pl.ds(base, GCHUNK)], idx_v[buf])
            return pltpu.async_copy(tab_hbm.at[idx_v[buf]], rows_v[buf], sem[buf])

        cp = start(0, 0)
        for c in range(chunks):
            cur = c % 2
            nxt = None
            if c + 1 < chunks:
                nxt = start(c + 1, 1 - cur)
            cp.wait()
            base = wid * per_w + c * GCHUNK
            pltpu.sync_copy(rows_v[cur], out_hbm.at[pl.ds(base, GCHUNK)])
            cp = nxt

    return gather


_sc_gather = None


def _full(shape):
    return pl.BlockSpec(shape, lambda *a: (0,) * len(shape))


def kernel(q_xyz, q_feat, kv_xyz, kv_feat, Wp, bp, Wq, bq, Wk, bk, Wv, bv,
           Wo, bo, g1, be1, g2, be2, W1, b1, W2, b2):
    global _sc_gather
    if _sc_gather is None:
        _sc_gather = _make_sc_gather()

    perm = jnp.concatenate([jnp.arange(0, C, 2), jnp.arange(1, C, 2)])
    Wq = Wq[:, perm]
    Wk = Wk[:, perm]
    Wv = Wv[:, perm]
    Wo = Wo[perm, :]
    bq = bq[perm]
    bk = bk[perm]
    bv = bv[perm]
    bp2, bq2, bk2, bv2, bo2 = (x.reshape(1, C) for x in (bp, bq, bk, bv, bo))
    g1r, be1r, g2r, be2r, b2r = (x.reshape(1, C) for x in (g1, be1, g2, be2, b2))
    b1r = b1.reshape(1, FF)

    kv_flat_xyz = kv_xyz.reshape(B * M, 3)
    kv_flat_feat = kv_feat.reshape(B * M, C)
    q_flat_xyz = q_xyz.reshape(B * N, 3)
    q_flat_feat = q_feat.reshape(B * N, C)

    kvtab = pl.pallas_call(
        _proj_kv_body,
        grid=(B * M // TQ,),
        in_specs=[pl.BlockSpec((TQ, 3), lambda i: (i, 0)),
                  pl.BlockSpec((TQ, C), lambda i: (i, 0)),
                  _full((3, C)), _full((1, C)),
                  _full((C, C)), _full((1, C)),
                  _full((C, C)), _full((1, C))],
        out_specs=pl.BlockSpec((TQ, C), lambda i: (i, 0)),
        out_shape=jax.ShapeDtypeStruct((B * M, C), jnp.int32),
    )(kv_flat_xyz, kv_flat_feat, Wp, bp2, Wk, bk2, Wv, bv2)

    q0, kq, vq = pl.pallas_call(
        _proj_q_body,
        grid=(B * N // TQ,),
        in_specs=[pl.BlockSpec((TQ, 3), lambda i: (i, 0)),
                  pl.BlockSpec((TQ, C), lambda i: (i, 0)),
                  _full((3, C)), _full((1, C)),
                  _full((C, C)), _full((1, C)),
                  _full((C, C)), _full((1, C)),
                  _full((C, C)), _full((1, C))],
        out_specs=[pl.BlockSpec((TQ, C), lambda i: (i, 0)),
                   pl.BlockSpec((TQ, C), lambda i: (i, 0)),
                   pl.BlockSpec((TQ, C), lambda i: (i, 0))],
        out_shape=[jax.ShapeDtypeStruct((B * N, C), jnp.float32),
                   jax.ShapeDtypeStruct((B * N, C), jnp.float32),
                   jax.ShapeDtypeStruct((B * N, C), jnp.float32)],
    )(q_flat_xyz, q_flat_feat, Wp, bp2, Wq, bq2, Wk, bk2, Wv, bv2)

    kv_xyz_t = kv_xyz.transpose(0, 2, 1)
    idx, invalid = pl.pallas_call(
        _topk_body,
        grid=(B, N // TT),
        in_specs=[pl.BlockSpec((1, TT, 3), lambda b, i: (b, i, 0)),
                  pl.BlockSpec((1, 3, M), lambda b, i: (b, 0, 0))],
        out_specs=[pl.BlockSpec((1, TT, K), lambda b, i: (b, i, 0)),
                   pl.BlockSpec((1, TT, K), lambda b, i: (b, i, 0))],
        out_shape=[jax.ShapeDtypeStruct((B, N, K), jnp.int32),
                   jax.ShapeDtypeStruct((B, N, K), jnp.float32)],
        scratch_shapes=[pltpu.VMEM((TT, M), jnp.float32)],
    )(q_xyz, kv_xyz_t)

    flat_idx = idx.reshape(B * N, K).T.reshape(B * N * K)
    kvg = _sc_gather(kvtab, flat_idx)
    kvg = kvg.reshape(K, B * N, C)
    inv2 = invalid.reshape(B * N, K)

    out = pl.pallas_call(
        _attn_body,
        grid=(B * N // TA,),
        in_specs=[pl.BlockSpec((TA, C), lambda i: (i, 0)),
                  pl.BlockSpec((TA, C), lambda i: (i, 0)),
                  pl.BlockSpec((TA, C), lambda i: (i, 0)),
                  pl.BlockSpec((K, TA, C), lambda i: (0, i, 0)),
                  pl.BlockSpec((TA, K), lambda i: (i, 0)),
                  pl.BlockSpec((TA, C), lambda i: (i, 0)),
                  _full((C, C)), _full((1, C)),
                  _full((1, C)), _full((1, C)),
                  _full((1, C)), _full((1, C)),
                  _full((C, FF)), _full((1, FF)),
                  _full((FF, C)), _full((1, C))],
        out_specs=pl.BlockSpec((TA, C), lambda i: (i, 0)),
        out_shape=jax.ShapeDtypeStruct((B * N, C), jnp.float32),
    )(q0, kq, vq, kvg, inv2, q_flat_feat,
      Wo, bo2, g1r, be1r, g2r, be2r, W1, b1r, W2, b2r)

    return out.reshape(B, N, C)

# --- scband reference (transcript-rebuilt; emitter-appended) ---
"""Pipeline reference for scband-local-feature-fusion-12601434046898 (READ-ONLY COPY).

The authoritative reference and input builder live on the scoring server;
editing this copy changes nothing except your own understanding.
"""

import jax, jax.numpy as jnp
import numpy as np

B, N, M, C, H, K = 4, 2048, 4096, 256, 8, 8
RADIUS = 0.2
DH = C // H
FF = 4 * C

def _ln(x, g, b):
    mu = jnp.mean(x, axis=-1, keepdims=True)
    var = jnp.var(x, axis=-1, keepdims=True)
    return (x - mu) / jnp.sqrt(var + 1e-5) * g + b

def setup_inputs(seed: int = 0):
    key = jax.random.key(seed)
    ks = jax.random.split(key, 12)
    return {
        "q_xyz": jax.random.uniform(ks[0], (B, N, 3), dtype=jnp.float32),
        "q_feat": jax.random.normal(ks[1], (B, N, C), dtype=jnp.float32) * 0.5,
        "kv_xyz": jax.random.uniform(ks[2], (B, M, 3), dtype=jnp.float32),
        "kv_feat": jax.random.normal(ks[3], (B, M, C), dtype=jnp.float32) * 0.5,
        "Wp": jax.random.normal(ks[4], (3, C), dtype=jnp.float32) * 0.1,
        "bp": jnp.zeros((C,), jnp.float32),
        "Wq": jax.random.normal(ks[5], (C, C), dtype=jnp.float32) * 0.05,
        "bq": jnp.zeros((C,), jnp.float32),
        "Wk": jax.random.normal(ks[6], (C, C), dtype=jnp.float32) * 0.05,
        "bk": jnp.zeros((C,), jnp.float32),
        "Wv": jax.random.normal(ks[7], (C, C), dtype=jnp.float32) * 0.05,
        "bv": jnp.zeros((C,), jnp.float32),
        "Wo": jax.random.normal(ks[8], (C, C), dtype=jnp.float32) * 0.05,
        "bo": jnp.zeros((C,), jnp.float32),
        "g1": jnp.ones((C,), jnp.float32),
        "be1": jnp.zeros((C,), jnp.float32),
        "g2": jnp.ones((C,), jnp.float32),
        "be2": jnp.zeros((C,), jnp.float32),
        "W1": jax.random.normal(ks[9], (C, FF), dtype=jnp.float32) * 0.05,
        "b1": jnp.zeros((FF,), jnp.float32),
        "W2": jax.random.normal(ks[10], (FF, C), dtype=jnp.float32) * 0.05,
        "b2": jnp.zeros((C,), jnp.float32),
    }

def _forward(q_xyz, q_feat, kv_xyz, kv_feat, Wp, bp, Wq, bq, Wk, bk, Wv, bv, Wo, bo, g1, be1, g2, be2, W1, b1, W2, b2):
    # pairwise distances (cdist) via norms to avoid B*N*M*3 intermediate
    d2 = (jnp.sum(q_xyz ** 2, -1)[:, :, None]
          + jnp.sum(kv_xyz ** 2, -1)[:, None, :]
          - 2.0 * jnp.einsum('bnd,bmd->bnm', q_xyz, kv_xyz))
    dist = jnp.sqrt(jnp.maximum(d2, 1e-12))
    dist = jnp.where(dist <= RADIUS, dist, jnp.inf)
    neg_vals, idx = jax.lax.top_k(-dist, K)  # k smallest distances
    gather_dist = -neg_vals
    invalid = jnp.isinf(gather_dist)
    idx = jnp.where(invalid, 0, idx)
    gather = jax.vmap(lambda a, i: a[i])
    neigh_xyz = gather(kv_xyz, idx)   # (B,N,K,3)
    neigh_feat = gather(kv_feat, idx)  # (B,N,K,C)
    neigh_xyz = jnp.where(invalid[..., None], q_xyz[:, :, None, :], neigh_xyz)
    neigh_feat = jnp.where(invalid[..., None], q_feat[:, :, None, :], neigh_feat)
    tokens = jnp.concatenate([q_feat[:, :, None, :], neigh_feat], axis=2).reshape(B * N, K + 1, C)
    coords = jnp.concatenate([q_xyz[:, :, None, :], neigh_xyz], axis=2).reshape(B * N, K + 1, 3)
    pad = jnp.concatenate([jnp.zeros_like(invalid[..., :1]), invalid], axis=-1).reshape(B * N, K + 1)
    # TransformerLayer: coord positional embedding added to q/k, MHA with key padding mask, post-norm FFN
    pos = coords @ Wp + bp
    qk_in = tokens + pos
    q = (qk_in @ Wq + bq).reshape(B * N, K + 1, H, DH).transpose(0, 2, 1, 3)
    k = (qk_in @ Wk + bk).reshape(B * N, K + 1, H, DH).transpose(0, 2, 1, 3)
    v = (tokens @ Wv + bv).reshape(B * N, K + 1, H, DH).transpose(0, 2, 1, 3)
    scores = jnp.einsum('bhqd,bhkd->bhqk', q, k) / np.sqrt(DH)
    scores = jnp.where(pad[:, None, None, :], -1e9, scores)
    attn = jax.nn.softmax(scores, axis=-1)
    out = jnp.einsum('bhqk,bhkd->bhqd', attn, v).transpose(0, 2, 1, 3).reshape(B * N, K + 1, C)
    out = out @ Wo + bo
    x = _ln(tokens + out, g1, be1)
    ff = jax.nn.relu(x @ W1 + b1) @ W2 + b2
    x = _ln(x + ff, g2, be2)
    fused_q = x[:, 0, :].reshape(B, N, C) + q_feat
    return fused_q

def reference(q_xyz, q_feat, kv_xyz, kv_feat, Wp, bp, Wq, bq, Wk, bk, Wv, bv, Wo, bo, g1, be1, g2, be2, W1, b1, W2, b2):
    return _forward(q_xyz, q_feat, kv_xyz, kv_feat, Wp, bp, Wq, bq, Wk, bk, Wv, bv, Wo, bo, g1, be1, g2, be2, W1, b1, W2, b2)

if __name__ == "__main__":
    import jax
    _d = setup_inputs()
    print(jax.jit(kernel)(*tuple(_d.values())))

</pallas_src>

<mosaic_0001>
#map = affine_map<(d0, d1) -> (0, 0)>
#map1 = affine_map<(d0, d1) -> (0)>
module attributes {stable_mosaic.version = 14 : i64} {
  func.func @gather(%arg0: i32, %arg1: i32, %arg2: memref<16384x256xi32, #tpu.memory_space<hbm>>, %arg3: memref<65536xi32, #tpu.memory_space<hbm>>, %arg4: memref<65536x256xi32, #tpu.memory_space<hbm>>, %arg5: memref<128xi32, #tpu.memory_space<vmem>>, %arg6: memref<128xi32, #tpu.memory_space<vmem>>, %arg7: memref<128x256xi32, #tpu.memory_space<vmem>>, %arg8: memref<128x256xi32, #tpu.memory_space<vmem>>, %arg9: memref<!tpu.dma_semaphore, #tpu.memory_space<semaphore_mem>>, %arg10: memref<!tpu.dma_semaphore, #tpu.memory_space<semaphore_mem>>) attributes {dimension_semantics = [#tpu.dimension_semantics<core_parallel>, #tpu.dimension_semantics<subcore_parallel>], iteration_bounds = array<i64: 2, 16>, scalar_prefetch = 0 : i64, scratch_operands = 6 : i64, tpu.core_type = #tpu.core_type<sc_vector_subcore>, window_params = [{transform_indices = #map}, {transform_indices = #map1}, {transform_indices = #map}]} {
    %mul3A = arith.constant 2 : i32
    %mul3A_0 = arith.muli %arg1, %mul3A : i32
    %add3A = arith.addi %mul3A_0, %arg0 : i32
    %mul3A_1 = arith.constant 2048 : i32
    %mul3A_2 = arith.muli %add3A, %mul3A_1 : i32
    %add3A_3 = arith.constant 0 : i32
    %add3A_4 = arith.addi %mul3A_2, %add3A_3 : i32
    "tpu.region"() ({
      %run_scoped3A = tpu.sem_alloc : memref<!tpu.dma_semaphore, #tpu.memory_space<semaphore_mem>>
      %dma_start3A_223 = tpu.memref_slice %arg3[%add3A_4] : memref<65536xi32, #tpu.memory_space<hbm>> -> memref<128xi32, #tpu.memory_space<hbm>>
      %dma_start3A_224 = tpu.memref_slice %arg3[%add3A_4] : memref<65536xi32, #tpu.memory_space<hbm>> -> memref<128xi32, #tpu.memory_space<hbm>>
      tpu.enqueue_dma source(%dma_start3A_224 : memref<128xi32, #tpu.memory_space<hbm>>) target(%arg5 : memref<128xi32, #tpu.memory_space<vmem>>) target_semaphore(%run_scoped3A : memref<!tpu.dma_semaphore, #tpu.memory_space<semaphore_mem>>)
      %dma_wait3A_225 = tpu.memref_slice %arg3[%add3A_4] : memref<65536xi32, #tpu.memory_space<hbm>> -> memref<128xi32, #tpu.memory_space<hbm>>
      %dma_wait3A_226 = tpu.memref_slice %arg3[%add3A_4] : memref<65536xi32, #tpu.memory_space<hbm>> -> memref<128xi32, #tpu.memory_space<hbm>>
      tpu.wait_dma2 semaphore(%run_scoped3A : memref<!tpu.dma_semaphore, #tpu.memory_space<semaphore_mem>>) src(%dma_wait3A_226 : memref<128xi32, #tpu.memory_space<hbm>>) dst(%arg5 : memref<128xi32, #tpu.memory_space<vmem>>)
      tpu.yield
    }) : () -> ()
    %dma_start3A = arith.constant 0 : i32
    %dma_start3A_5 = arith.constant 0 : i32
    %dma_start3A_6 = tpu.memref_slice %arg2[%dma_start3A, %dma_start3A_5] : memref<16384x256xi32, #tpu.memory_space<hbm>> -> memref<16384x256xi32, #tpu.memory_space<hbm>>
    tpu.enqueue_indirect_dma source(%dma_start3A_6 : memref<16384x256xi32, #tpu.memory_space<hbm>>) target(%arg7 : memref<128x256xi32, #tpu.memory_space<vmem>>) offsets(%arg5 : memref<128xi32, #tpu.memory_space<vmem>>) semaphore(%arg9 : memref<!tpu.dma_semaphore, #tpu.memory_space<semaphore_mem>>)
    %mul3A_7 = arith.constant 2048 : i32
    %mul3A_8 = arith.muli %add3A, %mul3A_7 : i32
    %add3A_9 = arith.constant 128 : i32
    %add3A_10 = arith.addi %mul3A_8, %add3A_9 : i32
    "tpu.region"() ({
      %run_scoped3A = tpu.sem_alloc : memref<!tpu.dma_semaphore, #tpu.memory_space<semaphore_mem>>
      %dma_start3A_223 = tpu.memref_slice %arg3[%add3A_10] : memref<65536xi32, #tpu.memory_space<hbm>> -> memref<128xi32, #tpu.memory_space<hbm>>
      %dma_start3A_224 = tpu.memref_slice %arg3[%add3A_10] : memref<65536xi32, #tpu.memory_space<hbm>> -> memref<128xi32, #tpu.memory_space<hbm>>
      tpu.enqueue_dma source(%dma_start3A_224 : memref<128xi32, #tpu.memory_space<hbm>>) target(%arg6 : memref<128xi32, #tpu.memory_space<vmem>>) target_semaphore(%run_scoped3A : memref<!tpu.dma_semaphore, #tpu.memory_space<semaphore_mem>>)
      %dma_wait3A_225 = tpu.memref_slice %arg3[%add3A_10] : memref<65536xi32, #tpu.memory_space<hbm>> -> memref<128xi32, #tpu.memory_space<hbm>>
      %dma_wait3A_226 = tpu.memref_slice %arg3[%add3A_10] : memref<65536xi32, #tpu.memory_space<hbm>> -> memref<128xi32, #tpu.memory_space<hbm>>
      tpu.wait_dma2 semaphore(%run_scoped3A : memref<!tpu.dma_semaphore, #tpu.memory_space<semaphore_mem>>) src(%dma_wait3A_226 : memref<128xi32, #tpu.memory_space<hbm>>) dst(%arg6 : memref<128xi32, #tpu.memory_space<vmem>>)
      tpu.yield
    }) : () -> ()
    %dma_start3A_11 = arith.constant 0 : i32
    %dma_start3A_12 = arith.constant 0 : i32
    %dma_start3A_13 = tpu.memref_slice %arg2[%dma_start3A_11, %dma_start3A_12] : memref<16384x256xi32, #tpu.memory_space<hbm>> -> memref<16384x256xi32, #tpu.memory_space<hbm>>
    tpu.enqueue_indirect_dma source(%dma_start3A_13 : memref<16384x256xi32, #tpu.memory_space<hbm>>) target(%arg8 : memref<128x256xi32, #tpu.memory_space<vmem>>) offsets(%arg6 : memref<128xi32, #tpu.memory_space<vmem>>) semaphore(%arg10 : memref<!tpu.dma_semaphore, #tpu.memory_space<semaphore_mem>>)
    %dma_wait3A = arith.constant 0 : i32
    %dma_wait3A_14 = arith.constant 0 : i32
    %dma_wait3A_15 = tpu.memref_slice %arg2[%dma_wait3A, %dma_wait3A_14] : memref<16384x256xi32, #tpu.memory_space<hbm>> -> memref<16384x256xi32, #tpu.memory_space<hbm>>
    tpu.wait_indirect_dma semaphore(%arg9 : memref<!tpu.dma_semaphore, #tpu.memory_space<semaphore_mem>>) src(%dma_wait3A_15 : memref<16384x256xi32, #tpu.memory_space<hbm>>) dst(%arg7 : memref<128x256xi32, #tpu.memory_space<vmem>>)
    %mul3A_16 = arith.constant 2048 : i32
    %mul3A_17 = arith.muli %add3A, %mul3A_16 : i32
    %add3A_18 = arith.constant 0 : i32
    %add3A_19 = arith.addi %mul3A_17, %add3A_18 : i32
    "tpu.region"() ({
      %run_scoped3A = tpu.sem_alloc : memref<!tpu.dma_semaphore, #tpu.memory_space<semaphore_mem>>
      %dma_start3A_223 = arith.constant 0 : i32
      %dma_start3A_224 = tpu.memref_slice %arg4[%add3A_19, %dma_start3A_223] : memref<65536x256xi32, #tpu.memory_space<hbm>> -> memref<128x256xi32, #tpu.memory_space<hbm>>
      %dma_start3A_225 = arith.constant 0 : i32
      %dma_start3A_226 = tpu.memref_slice %arg4[%add3A_19, %dma_start3A_225] : memref<65536x256xi32, #tpu.memory_space<hbm>> -> memref<128x256xi32, #tpu.memory_space<hbm>>
      tpu.enqueue_dma source(%arg7 : memref<128x256xi32, #tpu.memory_space<vmem>>) target(%dma_start3A_226 : memref<128x256xi32, #tpu.memory_space<hbm>>) target_semaphore(%run_scoped3A : memref<!tpu.dma_semaphore, #tpu.memory_space<semaphore_mem>>)
      %dma_wait3A_227 = arith.constant 0 : i32
      %dma_wait3A_228 = tpu.memref_slice %arg4[%add3A_19, %dma_wait3A_227] : memref<65536x256xi32, #tpu.memory_space<hbm>> -> memref<128x256xi32, #tpu.memory_space<hbm>>
      %dma_wait3A_229 = arith.constant 0 : i32
      %dma_wait3A_230 = tpu.memref_slice %arg4[%add3A_19, %dma_wait3A_229] : memref<65536x256xi32, #tpu.memory_space<hbm>> -> memref<128x256xi32, #tpu.memory_space<hbm>>
      tpu.wait_dma2 semaphore(%run_scoped3A : memref<!tpu.dma_semaphore, #tpu.memory_space<semaphore_mem>>) src(%arg7 : memref<128x256xi32, #tpu.memory_space<vmem>>) dst(%dma_wait3A_230 : memref<128x256xi32, #tpu.memory_space<hbm>>)
      tpu.yield
    }) : () -> ()
    %mul3A_20 = arith.constant 2048 : i32
    %mul3A_21 = arith.muli %add3A, %mul3A_20 : i32
    %add3A_22 = arith.constant 256 : i32
    %add3A_23 = arith.addi %mul3A_21, %add3A_22 : i32
    "tpu.region"() ({
      %run_scoped3A = tpu.sem_alloc : memref<!tpu.dma_semaphore, #tpu.memory_space<semaphore_mem>>
      %dma_start3A_223 = tpu.memref_slice %arg3[%add3A_23] : memref<65536xi32, #tpu.memory_space<hbm>> -> memref<128xi32, #tpu.memory_space<hbm>>
      %dma_start3A_224 = tpu.memref_slice %arg3[%add3A_23] : memref<65536xi32, #tpu.memory_space<hbm>> -> memref<128xi32, #tpu.memory_space<hbm>>
      tpu.enqueue_dma source(%dma_start3A_224 : memref<128xi32, #tpu.memory_space<hbm>>) target(%arg5 : memref<128xi32, #tpu.memory_space<vmem>>) target_semaphore(%run_scoped3A : memref<!tpu.dma_semaphore, #tpu.memory_space<semaphore_mem>>)
      %dma_wait3A_225 = tpu.memref_slice %arg3[%add3A_23] : memref<65536xi32, #tpu.memory_space<hbm>> -> memref<128xi32, #tpu.memory_space<hbm>>
      %dma_wait3A_226 = tpu.memref_slice %arg3[%add3A_23] : memref<65536xi32, #tpu.memory_space<hbm>> -> memref<128xi32, #tpu.memory_space<hbm>>
      tpu.wait_dma2 semaphore(%run_scoped3A : memref<!tpu.dma_semaphore, #tpu.memory_space<semaphore_mem>>) src(%dma_wait3A_226 : memref<128xi32, #tpu.memory_space<hbm>>) dst(%arg5 : memref<128xi32, #tpu.memory_space<vmem>>)
      tpu.yield
    }) : () -> ()
    %dma_start3A_24 = arith.constant 0 : i32
    %dma_start3A_25 = arith.constant 0 : i32
    %dma_start3A_26 = tpu.memref_slice %arg2[%dma_start3A_24, %dma_start3A_25] : memref<16384x256xi32, #tpu.memory_space<hbm>> -> memref<16384x256xi32, #tpu.memory_space<hbm>>
    tpu.enqueue_indirect_dma source(%dma_start3A_26 : memref<16384x256xi32, #tpu.memory_space<hbm>>) target(%arg7 : memref<128x256xi32, #tpu.memory_space<vmem>>) offsets(%arg5 : memref<128xi32, #tpu.memory_space<vmem>>) semaphore(%arg9 : memref<!tpu.dma_semaphore, #tpu.memory_space<semaphore_mem>>)
    %dma_wait3A_27 = arith.constant 0 : i32
    %dma_wait3A_28 = arith.constant 0 : i32
    %dma_wait3A_29 = tpu.memref_slice %arg2[%dma_wait3A_27, %dma_wait3A_28] : memref<16384x256xi32, #tpu.memory_space<hbm>> -> memref<16384x256xi32, #tpu.memory_space<hbm>>
    tpu.wait_indirect_dma semaphore(%arg10 : memref<!tpu.dma_semaphore, #tpu.memory_space<semaphore_mem>>) src(%dma_wait3A_29 : memref<16384x256xi32, #tpu.memory_space<hbm>>) dst(%arg8 : memref<128x256xi32, #tpu.memory_space<vmem>>)
    %mul3A_30 = arith.constant 2048 : i32
    %mul3A_31 = arith.muli %add3A, %mul3A_30 : i32
    %add3A_32 = arith.constant 128 : i32
    %add3A_33 = arith.addi %mul3A_31, %add3A_32 : i32
    "tpu.region"() ({
      %run_scoped3A = tpu.sem_alloc : memref<!tpu.dma_semaphore, #tpu.memory_space<semaphore_mem>>
      %dma_start3A_223 = arith.constant 0 : i32
      %dma_start3A_224 = tpu.memref_slice %arg4[%add3A_33, %dma_start3A_223] : memref<65536x256xi32, #tpu.memory_space<hbm>> -> memref<128x256xi32, #tpu.memory_space<hbm>>
      %dma_start3A_225 = arith.constant 0 : i32
      %dma_start3A_226 = tpu.memref_slice %arg4[%add3A_33, %dma_start3A_225] : memref<65536x256xi32, #tpu.memory_space<hbm>> -> memref<128x256xi32, #tpu.memory_space<hbm>>
      tpu.enqueue_dma source(%arg8 : memref<128x256xi32, #tpu.memory_space<vmem>>) target(%dma_start3A_226 : memref<128x256xi32, #tpu.memory_space<hbm>>) target_semaphore(%run_scoped3A : memref<!tpu.dma_semaphore, #tpu.memory_space<semaphore_mem>>)
      %dma_wait3A_227 = arith.constant 0 : i32
      %dma_wait3A_228 = tpu.memref_slice %arg4[%add3A_33, %dma_wait3A_227] : memref<65536x256xi32, #tpu.memory_space<hbm>> -> memref<128x256xi32, #tpu.memory_space<hbm>>
      %dma_wait3A_229 = arith.constant 0 : i32
      %dma_wait3A_230 = tpu.memref_slice %arg4[%add3A_33, %dma_wait3A_229] : memref<65536x256xi32, #tpu.memory_space<hbm>> -> memref<128x256xi32, #tpu.memory_space<hbm>>
      tpu.wait_dma2 semaphore(%run_scoped3A : memref<!tpu.dma_semaphore, #tpu.memory_space<semaphore_mem>>) src(%arg8 : memref<128x256xi32, #tpu.memory_space<vmem>>) dst(%dma_wait3A_230 : memref<128x256xi32, #tpu.memory_space<hbm>>)
      tpu.yield
    }) : () -> ()
    %mul3A_34 = arith.constant 2048 : i32
    %mul3A_35 = arith.muli %add3A, %mul3A_34 : i32
    %add3A_36 = arith.constant 384 : i32
    %add3A_37 = arith.addi %mul3A_35, %add3A_36 : i32
    "tpu.region"() ({
      %run_scoped3A = tpu.sem_alloc : memref<!tpu.dma_semaphore, #tpu.memory_space<semaphore_mem>>
      %dma_start3A_223 = tpu.memref_slice %arg3[%add3A_37] : memref<65536xi32, #tpu.memory_space<hbm>> -> memref<128xi32, #tpu.memory_space<hbm>>
      %dma_start3A_224 = tpu.memref_slice %arg3[%add3A_37] : memref<65536xi32, #tpu.memory_space<hbm>> -> memref<128xi32, #tpu.memory_space<hbm>>
      tpu.enqueue_dma source(%dma_start3A_224 : memref<128xi32, #tpu.memory_space<hbm>>) target(%arg6 : memref<128xi32, #tpu.memory_space<vmem>>) target_semaphore(%run_scoped3A : memref<!tpu.dma_semaphore, #tpu.memory_space<semaphore_mem>>)
      %dma_wait3A_225 = tpu.memref_slice %arg3[%add3A_37] : memref<65536xi32, #tpu.memory_space<hbm>> -> memref<128xi32, #tpu.memory_space<hbm>>
      %dma_wait3A_226 = tpu.memref_slice %arg3[%add3A_37] : memref<65536xi32, #tpu.memory_space<hbm>> -> memref<128xi32, #tpu.memory_space<hbm>>
      tpu.wait_dma2 semaphore(%run_scoped3A : memref<!tpu.dma_semaphore, #tpu.memory_space<semaphore_mem>>) src(%dma_wait3A_226 : memref<128xi32, #tpu.memory_space<hbm>>) dst(%arg6 : memref<128xi32, #tpu.memory_space<vmem>>)
      tpu.yield
    }) : () -> ()
    %dma_start3A_38 = arith.constant 0 : i32
    %dma_start3A_39 = arith.constant 0 : i32
    %dma_start3A_40 = tpu.memref_slice %arg2[%dma_start3A_38, %dma_start3A_39] : memref<16384x256xi32, #tpu.memory_space<hbm>> -> memref<16384x256xi32, #tpu.memory_space<hbm>>
    tpu.enqueue_indirect_dma source(%dma_start3A_40 : memref<16384x256xi32, #tpu.memory_space<hbm>>) target(%arg8 : memref<128x256xi32, #tpu.memory_space<vmem>>) offsets(%arg6 : memref<128xi32, #tpu.memory_space<vmem>>) semaphore(%arg10 : memref<!tpu.dma_semaphore, #tpu.memory_space<semaphore_mem>>)
    %dma_wait3A_41 = arith.constant 0 : i32
    %dma_wait3A_42 = arith.constant 0 : i32
    %dma_wait3A_43 = tpu.memref_slice %arg2[%dma_wait3A_41, %dma_wait3A_42] : memref<16384x256xi32, #tpu.memory_space<hbm>> -> memref<16384x256xi32, #tpu.memory_space<hbm>>
    tpu.wait_indirect_dma semaphore(%arg9 : memref<!tpu.dma_semaphore, #tpu.memory_space<semaphore_mem>>) src(%dma_wait3A_43 : memref<16384x256xi32, #tpu.memory_space<hbm>>) dst(%arg7 : memref<128x256xi32, #tpu.memory_space<vmem>>)
    %mul3A_44 = arith.constant 2048 : i32
    %mul3A_45 = arith.muli %add3A, %mul3A_44 : i32
    %add3A_46 = arith.constant 256 : i32
    %add3A_47 = arith.addi %mul3A_45, %add3A_46 : i32
    "tpu.region"() ({
      %run_scoped3A = tpu.sem_alloc : memref<!tpu.dma_semaphore, #tpu.memory_space<semaphore_mem>>
      %dma_start3A_223 = arith.constant 0 : i32
      %dma_start3A_224 = tpu.memref_slice %arg4[%add3A_47, %dma_start3A_223] : memref<65536x256xi32, #tpu.memory_space<hbm>> -> memref<128x256xi32, #tpu.memory_space<hbm>>
      %dma_start3A_225 = arith.constant 0 : i32
      %dma_start3A_226 = tpu.memref_slice %arg4[%add3A_47, %dma_start3A_225] : memref<65536x256xi32, #tpu.memory_space<hbm>> -> memref<128x256xi32, #tpu.memory_space<hbm>>
      tpu.enqueue_dma source(%arg7 : memref<128x256xi32, #tpu.memory_space<vmem>>) target(%dma_start3A_226 : memref<128x256xi32, #tpu.memory_space<hbm>>) target_semaphore(%run_scoped3A : memref<!tpu.dma_semaphore, #tpu.memory_space<semaphore_mem>>)
      %dma_wait3A_227 = arith.constant 0 : i32
      %dma_wait3A_228 = tpu.memref_slice %arg4[%add3A_47, %dma_wait3A_227] : memref<65536x256xi32, #tpu.memory_space<hbm>> -> memref<128x256xi32, #tpu.memory_space<hbm>>
      %dma_wait3A_229 = arith.constant 0 : i32
      %dma_wait3A_230 = tpu.memref_slice %arg4[%add3A_47, %dma_wait3A_229] : memref<65536x256xi32, #tpu.memory_space<hbm>> -> memref<128x256xi32, #tpu.memory_space<hbm>>
      tpu.wait_dma2 semaphore(%run_scoped3A : memref<!tpu.dma_semaphore, #tpu.memory_space<semaphore_mem>>) src(%arg7 : memref<128x256xi32, #tpu.memory_space<vmem>>) dst(%dma_wait3A_230 : memref<128x256xi32, #tpu.memory_space<hbm>>)
      tpu.yield
    }) : () -> ()
    %mul3A_48 = arith.constant 2048 : i32
    %mul3A_49 = arith.muli %add3A, %mul3A_48 : i32
    %add3A_50 = arith.constant 512 : i32
    %add3A_51 = arith.addi %mul3A_49, %add3A_50 : i32
    "tpu.region"() ({
      %run_scoped3A = tpu.sem_alloc : memref<!tpu.dma_semaphore, #tpu.memory_space<semaphore_mem>>
      %dma_start3A_223 = tpu.memref_slice %arg3[%add3A_51] : memref<65536xi32, #tpu.memory_space<hbm>> -> memref<128xi32, #tpu.memory_space<hbm>>
      %dma_start3A_224 = tpu.memref_slice %arg3[%add3A_51] : memref<65536xi32, #tpu.memory_space<hbm>> -> memref<128xi32, #tpu.memory_space<hbm>>
      tpu.enqueue_dma source(%dma_start3A_224 : memref<128xi32, #tpu.memory_space<hbm>>) target(%arg5 : memref<128xi32, #tpu.memory_space<vmem>>) target_semaphore(%run_scoped3A : memref<!tpu.dma_semaphore, #tpu.memory_space<semaphore_mem>>)
      %dma_wait3A_225 = tpu.memref_slice %arg3[%add3A_51] : memref<65536xi32, #tpu.memory_space<hbm>> -> memref<128xi32, #tpu.memory_space<hbm>>
      %dma_wait3A_226 = tpu.memref_slice %arg3[%add3A_51] : memref<65536xi32, #tpu.memory_space<hbm>> -> memref<128xi32, #tpu.memory_space<hbm>>
      tpu.wait_dma2 semaphore(%run_scoped3A : memref<!tpu.dma_semaphore, #tpu.memory_space<semaphore_mem>>) src(%dma_wait3A_226 : memref<128xi32, #tpu.memory_space<hbm>>) dst(%arg5 : memref<128xi32, #tpu.memory_space<vmem>>)
      tpu.yield
    }) : () -> ()
    %dma_start3A_52 = arith.constant 0 : i32
    %dma_start3A_53 = arith.constant 0 : i32
    %dma_start3A_54 = tpu.memref_slice %arg2[%dma_start3A_52, %dma_start3A_53] : memref<16384x256xi32, #tpu.memory_space<hbm>> -> memref<16384x256xi32, #tpu.memory_space<hbm>>
    tpu.enqueue_indirect_dma source(%dma_start3A_54 : memref<16384x256xi32, #tpu.memory_space<hbm>>) target(%arg7 : memref<128x256xi32, #tpu.memory_space<vmem>>) offsets(%arg5 : memref<128xi32, #tpu.memory_space<vmem>>) semaphore(%arg9 : memref<!tpu.dma_semaphore, #tpu.memory_space<semaphore_mem>>)
    %dma_wait3A_55 = arith.constant 0 : i32
    %dma_wait3A_56 = arith.constant 0 : i32
    %dma_wait3A_57 = tpu.memref_slice %arg2[%dma_wait3A_55, %dma_wait3A_56] : memref<16384x256xi32, #tpu.memory_space<hbm>> -> memref<16384x256xi32, #tpu.memory_space<hbm>>
    tpu.wait_indirect_dma semaphore(%arg10 : memref<!tpu.dma_semaphore, #tpu.memory_space<semaphore_mem>>) src(%dma_wait3A_57 : memref<16384x256xi32, #tpu.memory_space<hbm>>) dst(%arg8 : memref<128x256xi32, #tpu.memory_space<vmem>>)
    %mul3A_58 = arith.constant 2048 : i32
    %mul3A_59 = arith.muli %add3A, %mul3A_58 : i32
    %add3A_60 = arith.constant 384 : i32
    %add3A_61 = arith.addi %mul3A_59, %add3A_60 : i32
    "tpu.region"() ({
      %run_scoped3A = tpu.sem_alloc : memref<!tpu.dma_semaphore, #tpu.memory_space<semaphore_mem>>
      %dma_start3A_223 = arith.constant 0 : i32
      %dma_start3A_224 = tpu.memref_slice %arg4[%add3A_61, %dma_start3A_223] : memref<65536x256xi32, #tpu.memory_space<hbm>> -> memref<128x256xi32, #tpu.memory_space<hbm>>
      %dma_start3A_225 = arith.constant 0 : i32
      %dma_start3A_226 = tpu.memref_slice %arg4[%add3A_61, %dma_start3A_225] : memref<65536x256xi32, #tpu.memory_space<hbm>> -> memref<128x256xi32, #tpu.memory_space<hbm>>
      tpu.enqueue_dma source(%arg8 : memref<128x256xi32, #tpu.memory_space<vmem>>) target(%dma_start3A_226 : memref<128x256xi32, #tpu.memory_space<hbm>>) target_semaphore(%run_scoped3A : memref<!tpu.dma_semaphore, #tpu.memory_space<semaphore_mem>>)
      %dma_wait3A_227 = arith.constant 0 : i32
      %dma_wait3A_228 = tpu.memref_slice %arg4[%add3A_61, %dma_wait3A_227] : memref<65536x256xi32, #tpu.memory_space<hbm>> -> memref<128x256xi32, #tpu.memory_space<hbm>>
      %dma_wait3A_229 = arith.constant 0 : i32
      %dma_wait3A_230 = tpu.memref_slice %arg4[%add3A_61, %dma_wait3A_229] : memref<65536x256xi32, #tpu.memory_space<hbm>> -> memref<128x256xi32, #tpu.memory_space<hbm>>
      tpu.wait_dma2 semaphore(%run_scoped3A : memref<!tpu.dma_semaphore, #tpu.memory_space<semaphore_mem>>) src(%arg8 : memref<128x256xi32, #tpu.memory_space<vmem>>) dst(%dma_wait3A_230 : memref<128x256xi32, #tpu.memory_space<hbm>>)
      tpu.yield
    }) : () -> ()
    %mul3A_62 = arith.constant 2048 : i32
    %mul3A_63 = arith.muli %add3A, %mul3A_62 : i32
    %add3A_64 = arith.constant 640 : i32
    %add3A_65 = arith.addi %mul3A_63, %add3A_64 : i32
    "tpu.region"() ({
      %run_scoped3A = tpu.sem_alloc : memref<!tpu.dma_semaphore, #tpu.memory_space<semaphore_mem>>
      %dma_start3A_223 = tpu.memref_slice %arg3[%add3A_65] : memref<65536xi32, #tpu.memory_space<hbm>> -> memref<128xi32, #tpu.memory_space<hbm>>
      %dma_start3A_224 = tpu.memref_slice %arg3[%add3A_65] : memref<65536xi32, #tpu.memory_space<hbm>> -> memref<128xi32, #tpu.memory_space<hbm>>
      tpu.enqueue_dma source(%dma_start3A_224 : memref<128xi32, #tpu.memory_space<hbm>>) target(%arg6 : memref<128xi32, #tpu.memory_space<vmem>>) target_semaphore(%run_scoped3A : memref<!tpu.dma_semaphore, #tpu.memory_space<semaphore_mem>>)
      %dma_wait3A_225 = tpu.memref_slice %arg3[%add3A_65] : memref<65536xi32, #tpu.memory_space<hbm>> -> memref<128xi32, #tpu.memory_space<hbm>>
      %dma_wait3A_226 = tpu.memref_slice %arg3[%add3A_65] : memref<65536xi32, #tpu.memory_space<hbm>> -> memref<128xi32, #tpu.memory_space<hbm>>
      tpu.wait_dma2 semaphore(%run_scoped3A : memref<!tpu.dma_semaphore, #tpu.memory_space<semaphore_mem>>) src(%dma_wait3A_226 : memref<128xi32, #tpu.memory_space<hbm>>) dst(%arg6 : memref<128xi32, #tpu.memory_space<vmem>>)
      tpu.yield
    }) : () -> ()
    %dma_start3A_66 = arith.constant 0 : i32
    %dma_start3A_67 = arith.constant 0 : i32
    %dma_start3A_68 = tpu.memref_slice %arg2[%dma_start3A_66, %dma_start3A_67] : memref<16384x256xi32, #tpu.memory_space<hbm>> -> memref<16384x256xi32, #tpu.memory_space<hbm>>
    tpu.enqueue_indirect_dma source(%dma_start3A_68 : memref<16384x256xi32, #tpu.memory_space<hbm>>) target(%arg8 : memref<128x256xi32, #tpu.memory_space<vmem>>) offsets(%arg6 : memref<128xi32, #tpu.memory_space<vmem>>) semaphore(%arg10 : memref<!tpu.dma_semaphore, #tpu.memory_space<semaphore_mem>>)
    %dma_wait3A_69 = arith.constant 0 : i32
    %dma_wait3A_70 = arith.constant 0 : i32
    %dma_wait3A_71 = tpu.memref_slice %arg2[%dma_wait3A_69, %dma_wait3A_70] : memref<16384x256xi32, #tpu.memory_space<hbm>> -> memref<16384x256xi32, #tpu.memory_space<hbm>>
    tpu.wait_indirect_dma semaphore(%arg9 : memref<!tpu.dma_semaphore, #tpu.memory_space<semaphore_mem>>) src(%dma_wait3A_71 : memref<16384x256xi32, #tpu.memory_space<hbm>>) dst(%arg7 : memref<128x256xi32, #tpu.memory_space<vmem>>)
    %mul3A_72 = arith.constant 2048 : i32
    %mul3A_73 = arith.muli %add3A, %mul3A_72 : i32
    %add3A_74 = arith.constant 512 : i32
    %add3A_75 = arith.addi %mul3A_73, %add3A_74 : i32
    "tpu.region"() ({
      %run_scoped3A = tpu.sem_alloc : memref<!tpu.dma_semaphore, #tpu.memory_space<semaphore_mem>>
      %dma_start3A_223 = arith.constant 0 : i32
      %dma_start3A_224 = tpu.memref_slice %arg4[%add3A_75, %dma_start3A_223] : memref<65536x256xi32, #tpu.memory_space<hbm>> -> memref<128x256xi32, #tpu.memory_space<hbm>>
      %dma_start3A_225 = arith.constant 0 : i32
      %dma_start3A_226 = tpu.memref_slice %arg4[%add3A_75, %dma_start3A_225] : memref<65536x256xi32, #tpu.memory_space<hbm>> -> memref<128x256xi32, #tpu.memory_space<hbm>>
      tpu.enqueue_dma source(%arg7 : memref<128x256xi32, #tpu.memory_space<vmem>>) target(%dma_start3A_226 : memref<128x256xi32, #tpu.memory_space<hbm>>) target_semaphore(%run_scoped3A : memref<!tpu.dma_semaphore, #tpu.memory_space<semaphore_mem>>)
      %dma_wait3A_227 = arith.constant 0 : i32
      %dma_wait3A_228 = tpu.memref_slice %arg4[%add3A_75, %dma_wait3A_227] : memref<65536x256xi32, #tpu.memory_space<hbm>> -> memref<128x256xi32, #tpu.memory_space<hbm>>
      %dma_wait3A_229 = arith.constant 0 : i32
      %dma_wait3A_230 = tpu.memref_slice %arg4[%add3A_75, %dma_wait3A_229] : memref<65536x256xi32, #tpu.memory_space<hbm>> -> memref<128x256xi32, #tpu.memory_space<hbm>>
      tpu.wait_dma2 semaphore(%run_scoped3A : memref<!tpu.dma_semaphore, #tpu.memory_space<semaphore_mem>>) src(%arg7 : memref<128x256xi32, #tpu.memory_space<vmem>>) dst(%dma_wait3A_230 : memref<128x256xi32, #tpu.memory_space<hbm>>)
      tpu.yield
    }) : () -> ()
    %mul3A_76 = arith.constant 2048 : i32
    %mul3A_77 = arith.muli %add3A, %mul3A_76 : i32
    %add3A_78 = arith.constant 768 : i32
    %add3A_79 = arith.addi %mul3A_77, %add3A_78 : i32
    "tpu.region"() ({
      %run_scoped3A = tpu.sem_alloc : memref<!tpu.dma_semaphore, #tpu.memory_space<semaphore_mem>>
      %dma_start3A_223 = tpu.memref_slice %arg3[%add3A_79] : memref<65536xi32, #tpu.memory_space<hbm>> -> memref<128xi32, #tpu.memory_space<hbm>>
      %dma_start3A_224 = tpu.memref_slice %arg3[%add3A_79] : memref<65536xi32, #tpu.memory_space<hbm>> -> memref<128xi32, #tpu.memory_space<hbm>>
      tpu.enqueue_dma source(%dma_start3A_224 : memref<128xi32, #tpu.memory_space<hbm>>) target(%arg5 : memref<128xi32, #tpu.memory_space<vmem>>) target_semaphore(%run_scoped3A : memref<!tpu.dma_semaphore, #tpu.memory_space<semaphore_mem>>)
      %dma_wait3A_225 = tpu.memref_slice %arg3[%add3A_79] : memref<65536xi32, #tpu.memory_space<hbm>> -> memref<128xi32, #tpu.memory_space<hbm>>
      %dma_wait3A_226 = tpu.memref_slice %arg3[%add3A_79] : memref<65536xi32, #tpu.memory_space<hbm>> -> memref<128xi32, #tpu.memory_space<hbm>>
      tpu.wait_dma2 semaphore(%run_scoped3A : memref<!tpu.dma_semaphore, #tpu.memory_space<semaphore_mem>>) src(%dma_wait3A_226 : memref<128xi32, #tpu.memory_space<hbm>>) dst(%arg5 : memref<128xi32, #tpu.memory_space<vmem>>)
      tpu.yield
    }) : () -> ()
    %dma_start3A_80 = arith.constant 0 : i32
    %dma_start3A_81 = arith.constant 0 : i32
    %dma_start3A_82 = tpu.memref_slice %arg2[%dma_start3A_80, %dma_start3A_81] : memref<16384x256xi32, #tpu.memory_space<hbm>> -> memref<16384x256xi32, #tpu.memory_space<hbm>>
    tpu.enqueue_indirect_dma source(%dma_start3A_82 : memref<16384x256xi32, #tpu.memory_space<hbm>>) target(%arg7 : memref<128x256xi32, #tpu.memory_space<vmem>>) offsets(%arg5 : memref<128xi32, #tpu.memory_space<vmem>>) semaphore(%arg9 : memref<!tpu.dma_semaphore, #tpu.memory_space<semaphore_mem>>)
    %dma_wait3A_83 = arith.constant 0 : i32
    %dma_wait3A_84 = arith.constant 0 : i32
    %dma_wait3A_85 = tpu.memref_slice %arg2[%dma_wait3A_83, %dma_wait3A_84] : memref<16384x256xi32, #tpu.memory_space<hbm>> -> memref<16384x256xi32, #tpu.memory_space<hbm>>
    tpu.wait_indirect_dma semaphore(%arg10 : memref<!tpu.dma_semaphore, #tpu.memory_space<semaphore_mem>>) src(%dma_wait3A_85 : memref<16384x256xi32, #tpu.memory_space<hbm>>) dst(%arg8 : memref<128x256xi32, #tpu.memory_space<vmem>>)
    %mul3A_86 = arith.constant 2048 : i32
    %mul3A_87 = arith.muli %add3A, %mul3A_86 : i32
    %add3A_88 = arith.constant 640 : i32
    %add3A_89 = arith.addi %mul3A_87, %add3A_88 : i32
    "tpu.region"() ({
      %run_scoped3A = tpu.sem_alloc : memref<!tpu.dma_semaphore, #tpu.memory_space<semaphore_mem>>
      %dma_start3A_223 = arith.constant 0 : i32
      %dma_start3A_224 = tpu.memref_slice %arg4[%add3A_89, %dma_start3A_223] : memref<65536x256xi32, #tpu.memory_space<hbm>> -> memref<128x256xi32, #tpu.memory_space<hbm>>
      %dma_start3A_225 = arith.constant 0 : i32
      %dma_start3A_226 = tpu.memref_slice %arg4[%add3A_89, %dma_start3A_225] : memref<65536x256xi32, #tpu.memory_space<hbm>> -> memref<128x256xi32, #tpu.memory_space<hbm>>
      tpu.enqueue_dma source(%arg8 : memref<128x256xi32, #tpu.memory_space<vmem>>) target(%dma_start3A_226 : memref<128x256xi32, #tpu.memory_space<hbm>>) target_semaphore(%run_scoped3A : memref<!tpu.dma_semaphore, #tpu.memory_space<semaphore_mem>>)
      %dma_wait3A_227 = arith.constant 0 : i32
      %dma_wait3A_228 = tpu.memref_slice %arg4[%add3A_89, %dma_wait3A_227] : memref<65536x256xi32, #tpu.memory_space<hbm>> -> memref<128x256xi32, #tpu.memory_space<hbm>>
      %dma_wait3A_229 = arith.constant 0 : i32
      %dma_wait3A_230 = tpu.memref_slice %arg4[%add3A_89, %dma_wait3A_229] : memref<65536x256xi32, #tpu.memory_space<hbm>> -> memref<128x256xi32, #tpu.memory_space<hbm>>
      tpu.wait_dma2 semaphore(%run_scoped3A : memref<!tpu.dma_semaphore, #tpu.memory_space<semaphore_mem>>) src(%arg8 : memref<128x256xi32, #tpu.memory_space<vmem>>) dst(%dma_wait3A_230 : memref<128x256xi32, #tpu.memory_space<hbm>>)
      tpu.yield
    }) : () -> ()
    %mul3A_90 = arith.constant 2048 : i32
    %mul3A_91 = arith.muli %add3A, %mul3A_90 : i32
    %add3A_92 = arith.constant 896 : i32
    %add3A_93 = arith.addi %mul3A_91, %add3A_92 : i32
    "tpu.region"() ({
      %run_scoped3A = tpu.sem_alloc : memref<!tpu.dma_semaphore, #tpu.memory_space<semaphore_mem>>
      %dma_start3A_223 = tpu.memref_slice %arg3[%add3A_93] : memref<65536xi32, #tpu.memory_space<hbm>> -> memref<128xi32, #tpu.memory_space<hbm>>
      %dma_start3A_224 = tpu.memref_slice %arg3[%add3A_93] : memref<65536xi32, #tpu.memory_space<hbm>> -> memref<128xi32, #tpu.memory_space<hbm>>
      tpu.enqueue_dma source(%dma_start3A_224 : memref<128xi32, #tpu.memory_space<hbm>>) target(%arg6 : memref<128xi32, #tpu.memory_space<vmem>>) target_semaphore(%run_scoped3A : memref<!tpu.dma_semaphore, #tpu.memory_space<semaphore_mem>>)
      %dma_wait3A_225 = tpu.memref_slice %arg3[%add3A_93] : memref<65536xi32, #tpu.memory_space<hbm>> -> memref<128xi32, #tpu.memory_space<hbm>>
      %dma_wait3A_226 = tpu.memref_slice %arg3[%add3A_93] : memref<65536xi32, #tpu.memory_space<hbm>> -> memref<128xi32, #tpu.memory_space<hbm>>
      tpu.wait_dma2 semaphore(%run_scoped3A : memref<!tpu.dma_semaphore, #tpu.memory_space<semaphore_mem>>) src(%dma_wait3A_226 : memref<128xi32, #tpu.memory_space<hbm>>) dst(%arg6 : memref<128xi32, #tpu.memory_space<vmem>>)
      tpu.yield
    }) : () -> ()
    %dma_start3A_94 = arith.constant 0 : i32
    %dma_start3A_95 = arith.constant 0 : i32
    %dma_start3A_96 = tpu.memref_slice %arg2[%dma_start3A_94, %dma_start3A_95] : memref<16384x256xi32, #tpu.memory_space<hbm>> -> memref<16384x256xi32, #tpu.memory_space<hbm>>
    tpu.enqueue_indirect_dma source(%dma_start3A_96 : memref<16384x256xi32, #tpu.memory_space<hbm>>) target(%arg8 : memref<128x256xi32, #tpu.memory_space<vmem>>) offsets(%arg6 : memref<128xi32, #tpu.memory_space<vmem>>) semaphore(%arg10 : memref<!tpu.dma_semaphore, #tpu.memory_space<semaphore_mem>>)
    %dma_wait3A_97 = arith.constant 0 : i32
    %dma_wait3A_98 = arith.constant 0 : i32
    %dma_wait3A_99 = tpu.memref_slice %arg2[%dma_wait3A_97, %dma_wait3A_98] : memref<16384x256xi32, #tpu.memory_space<hbm>> -> memref<16384x256xi32, #tpu.memory_space<hbm>>
    tpu.wait_indirect_dma semaphore(%arg9 : memref<!tpu.dma_semaphore, #tpu.memory_space<semaphore_mem>>) src(%dma_wait3A_99 : memref<16384x256xi32, #tpu.memory_space<hbm>>) dst(%arg7 : memref<128x256xi32, #tpu.memory_space<vmem>>)
    %mul3A_100 = arith.constant 2048 : i32
    %mul3A_101 = arith.muli %add3A, %mul3A_100 : i32
    %add3A_102 = arith.constant 768 : i32
    %add3A_103 = arith.addi %mul3A_101, %add3A_102 : i32
    "tpu.region"() ({
      %run_scoped3A = tpu.sem_alloc : memref<!tpu.dma_semaphore, #tpu.memory_space<semaphore_mem>>
      %dma_start3A_223 = arith.constant 0 : i32
      %dma_start3A_224 = tpu.memref_slice %arg4[%add3A_103, %dma_start3A_223] : memref<65536x256xi32, #tpu.memory_space<hbm>> -> memref<128x256xi32, #tpu.memory_space<hbm>>
      %dma_start3A_225 = arith.constant 0 : i32
      %dma_start3A_226 = tpu.memref_slice %arg4[%add3A_103, %dma_start3A_225] : memref<65536x256xi32, #tpu.memory_space<hbm>> -> memref<128x256xi32, #tpu.memory_space<hbm>>
      tpu.enqueue_dma source(%arg7 : memref<128x256xi32, #tpu.memory_space<vmem>>) target(%dma_start3A_226 : memref<128x256xi32, #tpu.memory_space<hbm>>) target_semaphore(%run_scoped3A : memref<!tpu.dma_semaphore, #tpu.memory_space<semaphore_mem>>)
      %dma_wait3A_227 = arith.constant 0 : i32
      %dma_wait3A_228 = tpu.memref_slice %arg4[%add3A_103, %dma_wait3A_227] : memref<65536x256xi32, #tpu.memory_space<hbm>> -> memref<128x256xi32, #tpu.memory_space<hbm>>
      %dma_wait3A_229 = arith.constant 0 : i32
      %dma_wait3A_230 = tpu.memref_slice %arg4[%add3A_103, %dma_wait3A_229] : memref<65536x256xi32, #tpu.memory_space<hbm>> -> memref<128x256xi32, #tpu.memory_space<hbm>>
      tpu.wait_dma2 semaphore(%run_scoped3A : memref<!tpu.dma_semaphore, #tpu.memory_space<semaphore_mem>>) src(%arg7 : memref<128x256xi32, #tpu.memory_space<vmem>>) dst(%dma_wait3A_230 : memref<128x256xi32, #tpu.memory_space<hbm>>)
      tpu.yield
    }) : () -> ()
    %mul3A_104 = arith.constant 2048 : i32
    %mul3A_105 = arith.muli %add3A, %mul3A_104 : i32
    %add3A_106 = arith.constant 1024 : i32
    %add3A_107 = arith.addi %mul3A_105, %add3A_106 : i32
    "tpu.region"() ({
      %run_scoped3A = tpu.sem_alloc : memref<!tpu.dma_semaphore, #tpu.memory_space<semaphore_mem>>
      %dma_start3A_223 = tpu.memref_slice %arg3[%add3A_107] : memref<65536xi32, #tpu.memory_space<hbm>> -> memref<128xi32, #tpu.memory_space<hbm>>
      %dma_start3A_224 = tpu.memref_slice %arg3[%add3A_107] : memref<65536xi32, #tpu.memory_space<hbm>> -> memref<128xi32, #tpu.memory_space<hbm>>
      tpu.enqueue_dma source(%dma_start3A_224 : memref<128xi32, #tpu.memory_space<hbm>>) target(%arg5 : memref<128xi32, #tpu.memory_space<vmem>>) target_semaphore(%run_scoped3A : memref<!tpu.dma_semaphore, #tpu.memory_space<semaphore_mem>>)
      %dma_wait3A_225 = tpu.memref_slice %arg3[%add3A_107] : memref<65536xi32, #tpu.memory_space<hbm>> -> memref<128xi32, #tpu.memory_space<hbm>>
      %dma_wait3A_226 = tpu.memref_slice %arg3[%add3A_107] : memref<65536xi32, #tpu.memory_space<hbm>> -> memref<128xi32, #tpu.memory_space<hbm>>
      tpu.wait_dma2 semaphore(%run_scoped3A : memref<!tpu.dma_semaphore, #tpu.memory_space<semaphore_mem>>) src(%dma_wait3A_226 : memref<128xi32, #tpu.memory_space<hbm>>) dst(%arg5 : memref<128xi32, #tpu.memory_space<vmem>>)
      tpu.yield
    }) : () -> ()
    %dma_start3A_108 = arith.constant 0 : i32
    %dma_start3A_109 = arith.constant 0 : i32
    %dma_start3A_110 = tpu.memref_slice %arg2[%dma_start3A_108, %dma_start3A_109] : memref<16384x256xi32, #tpu.memory_space<hbm>> -> memref<16384x256xi32, #tpu.memory_space<hbm>>
    tpu.enqueue_indirect_dma source(%dma_start3A_110 : memref<16384x256xi32, #tpu.memory_space<hbm>>) target(%arg7 : memref<128x256xi32, #tpu.memory_space<vmem>>) offsets(%arg5 : memref<128xi32, #tpu.memory_space<vmem>>) semaphore(%arg9 : memref<!tpu.dma_semaphore, #tpu.memory_space<semaphore_mem>>)
    %dma_wait3A_111 = arith.constant 0 : i32
    %dma_wait3A_112 = arith.constant 0 : i32
    %dma_wait3A_113 = tpu.memref_slice %arg2[%dma_wait3A_111, %dma_wait3A_112] : memref<16384x256xi32, #tpu.memory_space<hbm>> -> memref<16384x256xi32, #tpu.memory_space<hbm>>
    tpu.wait_indirect_dma semaphore(%arg10 : memref<!tpu.dma_semaphore, #tpu.memory_space<semaphore_mem>>) src(%dma_wait3A_113 : memref<16384x256xi32, #tpu.memory_space<hbm>>) dst(%arg8 : memref<128x256xi32, #tpu.memory_space<vmem>>)
    %mul3A_114 = arith.constant 2048 : i32
    %mul3A_115 = arith.muli %add3A, %mul3A_114 : i32
    %add3A_116 = arith.constant 896 : i32
    %add3A_117 = arith.addi %mul3A_115, %add3A_116 : i32
    "tpu.region"() ({
      %run_scoped3A = tpu.sem_alloc : memref<!tpu.dma_semaphore, #tpu.memory_space<semaphore_mem>>
      %dma_start3A_223 = arith.constant 0 : i32
      %dma_start3A_224 = tpu.memref_slice %arg4[%add3A_117, %dma_start3A_223] : memref<65536x256xi32, #tpu.memory_space<hbm>> -> memref<128x256xi32, #tpu.memory_space<hbm>>
      %dma_start3A_225 = arith.constant 0 : i32
      %dma_start3A_226 = tpu.memref_slice %arg4[%add3A_117, %dma_start3A_225] : memref<65536x256xi32, #tpu.memory_space<hbm>> -> memref<128x256xi32, #tpu.memory_space<hbm>>
      tpu.enqueue_dma source(%arg8 : memref<128x256xi32, #tpu.memory_space<vmem>>) target(%dma_start3A_226 : memref<128x256xi32, #tpu.memory_space<hbm>>) target_semaphore(%run_scoped3A : memref<!tpu.dma_semaphore, #tpu.memory_space<semaphore_mem>>)
      %dma_wait3A_227 = arith.constant 0 : i32
      %dma_wait3A_228 = tpu.memref_slice %arg4[%add3A_117, %dma_wait3A_227] : memref<65536x256xi32, #tpu.memory_space<hbm>> -> memref<128x256xi32, #tpu.memory_space<hbm>>
      %dma_wait3A_229 = arith.constant 0 : i32
      %dma_wait3A_230 = tpu.memref_slice %arg4[%add3A_117, %dma_wait3A_229] : memref<65536x256xi32, #tpu.memory_space<hbm>> -> memref<128x256xi32, #tpu.memory_space<hbm>>
      tpu.wait_dma2 semaphore(%run_scoped3A : memref<!tpu.dma_semaphore, #tpu.memory_space<semaphore_mem>>) src(%arg8 : memref<128x256xi32, #tpu.memory_space<vmem>>) dst(%dma_wait3A_230 : memref<128x256xi32, #tpu.memory_space<hbm>>)
      tpu.yield
    }) : () -> ()
    %mul3A_118 = arith.constant 2048 : i32
    %mul3A_119 = arith.muli %add3A, %mul3A_118 : i32
    %add3A_120 = arith.constant 1152 : i32
    %add3A_121 = arith.addi %mul3A_119, %add3A_120 : i32
    "tpu.region"() ({
      %run_scoped3A = tpu.sem_alloc : memref<!tpu.dma_semaphore, #tpu.memory_space<semaphore_mem>>
      %dma_start3A_223 = tpu.memref_slice %arg3[%add3A_121] : memref<65536xi32, #tpu.memory_space<hbm>> -> memref<128xi32, #tpu.memory_space<hbm>>
      %dma_start3A_224 = tpu.memref_slice %arg3[%add3A_121] : memref<65536xi32, #tpu.memory_space<hbm>> -> memref<128xi32, #tpu.memory_space<hbm>>
      tpu.enqueue_dma source(%dma_start3A_224 : memref<128xi32, #tpu.memory_space<hbm>>) target(%arg6 : memref<128xi32, #tpu.memory_space<vmem>>) target_semaphore(%run_scoped3A : memref<!tpu.dma_semaphore, #tpu.memory_space<semaphore_mem>>)
      %dma_wait3A_225 = tpu.memref_slice %arg3[%add3A_121] : memref<65536xi32, #tpu.memory_space<hbm>> -> memref<128xi32, #tpu.memory_space<hbm>>
      %dma_wait3A_226 = tpu.memref_slice %arg3[%add3A_121] : memref<65536xi32, #tpu.memory_space<hbm>> -> memref<128xi32, #tpu.memory_space<hbm>>
      tpu.wait_dma2 semaphore(%run_scoped3A : memref<!tpu.dma_semaphore, #tpu.memory_space<semaphore_mem>>) src(%dma_wait3A_226 : memref<128xi32, #tpu.memory_space<hbm>>) dst(%arg6 : memref<128xi32, #tpu.memory_space<vmem>>)
      tpu.yield
    }) : () -> ()
    %dma_start3A_122 = arith.constant 0 : i32
    %dma_start3A_123 = arith.constant 0 : i32
    %dma_start3A_124 = tpu.memref_slice %arg2[%dma_start3A_122, %dma_start3A_123] : memref<16384x256xi32, #tpu.memory_space<hbm>> -> memref<16384x256xi32, #tpu.memory_space<hbm>>
    tpu.enqueue_indirect_dma source(%dma_start3A_124 : memref<16384x256xi32, #tpu.memory_space<hbm>>) target(%arg8 : memref<128x256xi32, #tpu.memory_space<vmem>>) offsets(%arg6 : memref<128xi32, #tpu.memory_space<vmem>>) semaphore(%arg10 : memref<!tpu.dma_semaphore, #tpu.memory_space<semaphore_mem>>)
    %dma_wait3A_125 = arith.constant 0 : i32
    %dma_wait3A_126 = arith.constant 0 : i32
    %dma_wait3A_127 = tpu.memref_slice %arg2[%dma_wait3A_125, %dma_wait3A_126] : memref<16384x256xi32, #tpu.memory_space<hbm>> -> memref<16384x256xi32, #tpu.memory_space<hbm>>
    tpu.wait_indirect_dma semaphore(%arg9 : memref<!tpu.dma_semaphore, #tpu.memory_space<semaphore_mem>>) src(%dma_wait3A_127 : memref<16384x256xi32, #tpu.memory_space<hbm>>) dst(%arg7 : memref<128x256xi32, #tpu.memory_space<vmem>>)
    %mul3A_128 = arith.constant 2048 : i32
    %mul3A_129 = arith.muli %add3A, %mul3A_128 : i32
    %add3A_130 = arith.constant 1024 : i32
    %add3A_131 = arith.addi %mul3A_129, %add3A_130 : i32
    "tpu.region"() ({
      %run_scoped3A = tpu.sem_alloc : memref<!tpu.dma_semaphore, #tpu.memory_space<semaphore_mem>>
      %dma_start3A_223 = arith.constant 0 : i32
      %dma_start3A_224 = tpu.memref_slice %arg4[%add3A_131, %dma_start3A_223] : memref<65536x256xi32, #tpu.memory_space<hbm>> -> memref<128x256xi32, #tpu.memory_space<hbm>>
      %dma_start3A_225 = arith.constant 0 : i32
      %dma_start3A_226 = tpu.memref_slice %arg4[%add3A_131, %dma_start3A_225] : memref<65536x256xi32, #tpu.memory_space<hbm>> -> memref<128x256xi32, #tpu.memory_space<hbm>>
      tpu.enqueue_dma source(%arg7 : memref<128x256xi32, #tpu.memory_space<vmem>>) target(%dma_start3A_226 : memref<128x256xi32, #tpu.memory_space<hbm>>) target_semaphore(%run_scoped3A : memref<!tpu.dma_semaphore, #tpu.memory_space<semaphore_mem>>)
      %dma_wait3A_227 = arith.constant 0 : i32
      %dma_wait3A_228 = tpu.memref_slice %arg4[%add3A_131, %dma_wait3A_227] : memref<65536x256xi32, #tpu.memory_space<hbm>> -> memref<128x256xi32, #tpu.memory_space<hbm>>
      %dma_wait3A_229 = arith.constant 0 : i32
      %dma_wait3A_230 = tpu.memref_slice %arg4[%add3A_131, %dma_wait3A_229] : memref<65536x256xi32, #tpu.memory_space<hbm>> -> memref<128x256xi32, #tpu.memory_space<hbm>>
      tpu.wait_dma2 semaphore(%run_scoped3A : memref<!tpu.dma_semaphore, #tpu.memory_space<semaphore_mem>>) src(%arg7 : memref<128x256xi32, #tpu.memory_space<vmem>>) dst(%dma_wait3A_230 : memref<128x256xi32, #tpu.memory_space<hbm>>)
      tpu.yield
    }) : () -> ()
    %mul3A_132 = arith.constant 2048 : i32
    %mul3A_133 = arith.muli %add3A, %mul3A_132 : i32
    %add3A_134 = arith.constant 1280 : i32
    %add3A_135 = arith.addi %mul3A_133, %add3A_134 : i32
    "tpu.region"() ({
      %run_scoped3A = tpu.sem_alloc : memref<!tpu.dma_semaphore, #tpu.memory_space<semaphore_mem>>
      %dma_start3A_223 = tpu.memref_slice %arg3[%add3A_135] : memref<65536xi32, #tpu.memory_space<hbm>> -> memref<128xi32, #tpu.memory_space<hbm>>
      %dma_start3A_224 = tpu.memref_slice %arg3[%add3A_135] : memref<65536xi32, #tpu.memory_space<hbm>> -> memref<128xi32, #tpu.memory_space<hbm>>
      tpu.enqueue_dma source(%dma_start3A_224 : memref<128xi32, #tpu.memory_space<hbm>>) target(%arg5 : memref<128xi32, #tpu.memory_space<vmem>>) target_semaphore(%run_scoped3A : memref<!tpu.dma_semaphore, #tpu.memory_space<semaphore_mem>>)
      %dma_wait3A_225 = tpu.memref_slice %arg3[%add3A_135] : memref<65536xi32, #tpu.memory_space<hbm>> -> memref<128xi32, #tpu.memory_space<hbm>>
      %dma_wait3A_226 = tpu.memref_slice %arg3[%add3A_135] : memref<65536xi32, #tpu.memory_space<hbm>> -> memref<128xi32, #tpu.memory_space<hbm>>
      tpu.wait_dma2 semaphore(%run_scoped3A : memref<!tpu.dma_semaphore, #tpu.memory_space<semaphore_mem>>) src(%dma_wait3A_226 : memref<128xi32, #tpu.memory_space<hbm>>) dst(%arg5 : memref<128xi32, #tpu.memory_space<vmem>>)
      tpu.yield
    }) : () -> ()
    %dma_start3A_136 = arith.constant 0 : i32
    %dma_start3A_137 = arith.constant 0 : i32
    %dma_start3A_138 = tpu.memref_slice %arg2[%dma_start3A_136, %dma_start3A_137] : memref<16384x256xi32, #tpu.memory_space<hbm>> -> memref<16384x256xi32, #tpu.memory_space<hbm>>
    tpu.enqueue_indirect_dma source(%dma_start3A_138 : memref<16384x256xi32, #tpu.memory_space<hbm>>) target(%arg7 : memref<128x256xi32, #tpu.memory_space<vmem>>) offsets(%arg5 : memref<128xi32, #tpu.memory_space<vmem>>) semaphore(%arg9 : memref<!tpu.dma_semaphore, #tpu.memory_space<semaphore_mem>>)
    %dma_wait3A_139 = arith.constant 0 : i32
    %dma_wait3A_140 = arith.constant 0 : i32
    %dma_wait3A_141 = tpu.memref_slice %arg2[%dma_wait3A_139, %dma_wait3A_140] : memref<16384x256xi32, #tpu.memory_space<hbm>> -> memref<16384x256xi32, #tpu.memory_space<hbm>>
    tpu.wait_indirect_dma semaphore(%arg10 : memref<!tpu.dma_semaphore, #tpu.memory_space<semaphore_mem>>) src(%dma_wait3A_141 : memref<16384x256xi32, #tpu.memory_space<hbm>>) dst(%arg8 : memref<128x256xi32, #tpu.memory_space<vmem>>)
    %mul3A_142 = arith.constant 2048 : i32
    %mul3A_143 = arith.muli %add3A, %mul3A_142 : i32
    %add3A_144 = arith.constant 1152 : i32
    %add3A_145 = arith.addi %mul3A_143, %add3A_144 : i32
    "tpu.region"() ({
      %run_scoped3A = tpu.sem_alloc : memref<!tpu.dma_semaphore, #tpu.memory_space<semaphore_mem>>
      %dma_start3A_223 = arith.constant 0 : i32
      %dma_start3A_224 = tpu.memref_slice %arg4[%add3A_145, %dma_start3A_223] : memref<65536x256xi32, #tpu.memory_space<hbm>> -> memref<128x256xi32, #tpu.memory_space<hbm>>
      %dma_start3A_225 = arith.constant 0 : i32
      %dma_start3A_226 = tpu.memref_slice %arg4[%add3A_145, %dma_start3A_225] : memref<65536x256xi32, #tpu.memory_space<hbm>> -> memref<128x256xi32, #tpu.memory_space<hbm>>
      tpu.enqueue_dma source(%arg8 : memref<128x256xi32, #tpu.memory_space<vmem>>) target(%dma_start3A_226 : memref<128x256xi32, #tpu.memory_space<hbm>>) target_semaphore(%run_scoped3A : memref<!tpu.dma_semaphore, #tpu.memory_space<semaphore_mem>>)
      %dma_wait3A_227 = arith.constant 0 : i32
      %dma_wait3A_228 = tpu.memref_slice %arg4[%add3A_145, %dma_wait3A_227] : memref<65536x256xi32, #tpu.memory_space<hbm>> -> memref<128x256xi32, #tpu.memory_space<hbm>>
      %dma_wait3A_229 = arith.constant 0 : i32
      %dma_wait3A_230 = tpu.memref_slice %arg4[%add3A_145, %dma_wait3A_229] : memref<65536x256xi32, #tpu.memory_space<hbm>> -> memref<128x256xi32, #tpu.memory_space<hbm>>
      tpu.wait_dma2 semaphore(%run_scoped3A : memref<!tpu.dma_semaphore, #tpu.memory_space<semaphore_mem>>) src(%arg8 : memref<128x256xi32, #tpu.memory_space<vmem>>) dst(%dma_wait3A_230 : memref<128x256xi32, #tpu.memory_space<hbm>>)
      tpu.yield
    }) : () -> ()
    %mul3A_146 = arith.constant 2048 : i32
    %mul3A_147 = arith.muli %add3A, %mul3A_146 : i32
    %add3A_148 = arith.constant 1408 : i32
    %add3A_149 = arith.addi %mul3A_147, %add3A_148 : i32
    "tpu.region"() ({
      %run_scoped3A = tpu.sem_alloc : memref<!tpu.dma_semaphore, #tpu.memory_space<semaphore_mem>>
      %dma_start3A_223 = tpu.memref_slice %arg3[%add3A_149] : memref<65536xi32, #tpu.memory_space<hbm>> -> memref<128xi32, #tpu.memory_space<hbm>>
      %dma_start3A_224 = tpu.memref_slice %arg3[%add3A_149] : memref<65536xi32, #tpu.memory_space<hbm>> -> memref<128xi32, #tpu.memory_space<hbm>>
      tpu.enqueue_dma source(%dma_start3A_224 : memref<128xi32, #tpu.memory_space<hbm>>) target(%arg6 : memref<128xi32, #tpu.memory_space<vmem>>) target_semaphore(%run_scoped3A : memref<!tpu.dma_semaphore, #tpu.memory_space<semaphore_mem>>)
      %dma_wait3A_225 = tpu.memref_slice %arg3[%add3A_149] : memref<65536xi32, #tpu.memory_space<hbm>> -> memref<128xi32, #tpu.memory_space<hbm>>
      %dma_wait3A_226 = tpu.memref_slice %arg3[%add3A_149] : memref<65536xi32, #tpu.memory_space<hbm>> -> memref<128xi32, #tpu.memory_space<hbm>>
      tpu.wait_dma2 semaphore(%run_scoped3A : memref<!tpu.dma_semaphore, #tpu.memory_space<semaphore_mem>>) src(%dma_wait3A_226 : memref<128xi32, #tpu.memory_space<hbm>>) dst(%arg6 : memref<128xi32, #tpu.memory_space<vmem>>)
      tpu.yield
    }) : () -> ()
    %dma_start3A_150 = arith.constant 0 : i32
    %dma_start3A_151 = arith.constant 0 : i32
    %dma_start3A_152 = tpu.memref_slice %arg2[%dma_start3A_150, %dma_start3A_151] : memref<16384x256xi32, #tpu.memory_space<hbm>> -> memref<16384x256xi32, #tpu.memory_space<hbm>>
    tpu.enqueue_indirect_dma source(%dma_start3A_152 : memref<16384x256xi32, #tpu.memory_space<hbm>>) target(%arg8 : memref<128x256xi32, #tpu.memory_space<vmem>>) offsets(%arg6 : memref<128xi32, #tpu.memory_space<vmem>>) semaphore(%arg10 : memref<!tpu.dma_semaphore, #tpu.memory_space<semaphore_mem>>)
    %dma_wait3A_153 = arith.constant 0 : i32
    %dma_wait3A_154 = arith.constant 0 : i32
    %dma_wait3A_155 = tpu.memref_slice %arg2[%dma_wait3A_153, %dma_wait3A_154] : memref<16384x256xi32, #tpu.memory_space<hbm>> -> memref<16384x256xi32, #tpu.memory_space<hbm>>
    tpu.wait_indirect_dma semaphore(%arg9 : memref<!tpu.dma_semaphore, #tpu.memory_space<semaphore_mem>>) src(%dma_wait3A_155 : memref<16384x256xi32, #tpu.memory_space<hbm>>) dst(%arg7 : memref<128x256xi32, #tpu.memory_space<vmem>>)
    %mul3A_156 = arith.constant 2048 : i32
    %mul3A_157 = arith.muli %add3A, %mul3A_156 : i32
    %add3A_158 = arith.constant 1280 : i32
    %add3A_159 = arith.addi %mul3A_157, %add3A_158 : i32
    "tpu.region"() ({
      %run_scoped3A = tpu.sem_alloc : memref<!tpu.dma_semaphore, #tpu.memory_space<semaphore_mem>>
      %dma_start3A_223 = arith.constant 0 : i32
      %dma_start3A_224 = tpu.memref_slice %arg4[%add3A_159, %dma_start3A_223] : memref<65536x256xi32, #tpu.memory_space<hbm>> -> memref<128x256xi32, #tpu.memory_space<hbm>>
      %dma_start3A_225 = arith.constant 0 : i32
      %dma_start3A_226 = tpu.memref_slice %arg4[%add3A_159, %dma_start3A_225] : memref<65536x256xi32, #tpu.memory_space<hbm>> -> memref<128x256xi32, #tpu.memory_space<hbm>>
      tpu.enqueue_dma source(%arg7 : memref<128x256xi32, #tpu.memory_space<vmem>>) target(%dma_start3A_226 : memref<128x256xi32, #tpu.memory_space<hbm>>) target_semaphore(%run_scoped3A : memref<!tpu.dma_semaphore, #tpu.memory_space<semaphore_mem>>)
      %dma_wait3A_227 = arith.constant 0 : i32
      %dma_wait3A_228 = tpu.memref_slice %arg4[%add3A_159, %dma_wait3A_227] : memref<65536x256xi32, #tpu.memory_space<hbm>> -> memref<128x256xi32, #tpu.memory_space<hbm>>
      %dma_wait3A_229 = arith.constant 0 : i32
      %dma_wait3A_230 = tpu.memref_slice %arg4[%add3A_159, %dma_wait3A_229] : memref<65536x256xi32, #tpu.memory_space<hbm>> -> memref<128x256xi32, #tpu.memory_space<hbm>>
      tpu.wait_dma2 semaphore(%run_scoped3A : memref<!tpu.dma_semaphore, #tpu.memory_space<semaphore_mem>>) src(%arg7 : memref<128x256xi32, #tpu.memory_space<vmem>>) dst(%dma_wait3A_230 : memref<128x256xi32, #tpu.memory_space<hbm>>)
      tpu.yield
    }) : () -> ()
    %mul3A_160 = arith.constant 2048 : i32
    %mul3A_161 = arith.muli %add3A, %mul3A_160 : i32
    %add3A_162 = arith.constant 1536 : i32
    %add3A_163 = arith.addi %mul3A_161, %add3A_162 : i32
    "tpu.region"() ({
      %run_scoped3A = tpu.sem_alloc : memref<!tpu.dma_semaphore, #tpu.memory_space<semaphore_mem>>
      %dma_start3A_223 = tpu.memref_slice %arg3[%add3A_163] : memref<65536xi32, #tpu.memory_space<hbm>> -> memref<128xi32, #tpu.memory_space<hbm>>
      %dma_start3A_224 = tpu.memref_slice %arg3[%add3A_163] : memref<65536xi32, #tpu.memory_space<hbm>> -> memref<128xi32, #tpu.memory_space<hbm>>
      tpu.enqueue_dma source(%dma_start3A_224 : memref<128xi32, #tpu.memory_space<hbm>>) target(%arg5 : memref<128xi32, #tpu.memory_space<vmem>>) target_semaphore(%run_scoped3A : memref<!tpu.dma_semaphore, #tpu.memory_space<semaphore_mem>>)
      %dma_wait3A_225 = tpu.memref_slice %arg3[%add3A_163] : memref<65536xi32, #tpu.memory_space<hbm>> -> memref<128xi32, #tpu.memory_space<hbm>>
      %dma_wait3A_226 = tpu.memref_slice %arg3[%add3A_163] : memref<65536xi32, #tpu.memory_space<hbm>> -> memref<128xi32, #tpu.memory_space<hbm>>
      tpu.wait_dma2 semaphore(%run_scoped3A : memref<!tpu.dma_semaphore, #tpu.memory_space<semaphore_mem>>) src(%dma_wait3A_226 : memref<128xi32, #tpu.memory_space<hbm>>) dst(%arg5 : memref<128xi32, #tpu.memory_space<vmem>>)
      tpu.yield
    }) : () -> ()
    %dma_start3A_164 = arith.constant 0 : i32
    %dma_start3A_165 = arith.constant 0 : i32
    %dma_start3A_166 = tpu.memref_slice %arg2[%dma_start3A_164, %dma_start3A_165] : memref<16384x256xi32, #tpu.memory_space<hbm>> -> memref<16384x256xi32, #tpu.memory_space<hbm>>
    tpu.enqueue_indirect_dma source(%dma_start3A_166 : memref<16384x256xi32, #tpu.memory_space<hbm>>) target(%arg7 : memref<128x256xi32, #tpu.memory_space<vmem>>) offsets(%arg5 : memref<128xi32, #tpu.memory_space<vmem>>) semaphore(%arg9 : memref<!tpu.dma_semaphore, #tpu.memory_space<semaphore_mem>>)
    %dma_wait3A_167 = arith.constant 0 : i32
    %dma_wait3A_168 = arith.constant 0 : i32
    %dma_wait3A_169 = tpu.memref_slice %arg2[%dma_wait3A_167, %dma_wait3A_168] : memref<16384x256xi32, #tpu.memory_space<hbm>> -> memref<16384x256xi32, #tpu.memory_space<hbm>>
    tpu.wait_indirect_dma semaphore(%arg10 : memref<!tpu.dma_semaphore, #tpu.memory_space<semaphore_mem>>) src(%dma_wait3A_169 : memref<16384x256xi32, #tpu.memory_space<hbm>>) dst(%arg8 : memref<128x256xi32, #tpu.memory_space<vmem>>)
    %mul3A_170 = arith.constant 2048 : i32
    %mul3A_171 = arith.muli %add3A, %mul3A_170 : i32
    %add3A_172 = arith.constant 1408 : i32
    %add3A_173 = arith.addi %mul3A_171, %add3A_172 : i32
    "tpu.region"() ({
      %run_scoped3A = tpu.sem_alloc : memref<!tpu.dma_semaphore, #tpu.memory_space<semaphore_mem>>
      %dma_start3A_223 = arith.constant 0 : i32
      %dma_start3A_224 = tpu.memref_slice %arg4[%add3A_173, %dma_start3A_223] : memref<65536x256xi32, #tpu.memory_space<hbm>> -> memref<128x256xi32, #tpu.memory_space<hbm>>
      %dma_start3A_225 = arith.constant 0 : i32
      %dma_start3A_226 = tpu.memref_slice %arg4[%add3A_173, %dma_start3A_225] : memref<65536x256xi32, #tpu.memory_space<hbm>> -> memref<128x256xi32, #tpu.memory_space<hbm>>
      tpu.enqueue_dma source(%arg8 : memref<128x256xi32, #tpu.memory_space<vmem>>) target(%dma_start3A_226 : memref<128x256xi32, #tpu.memory_space<hbm>>) target_semaphore(%run_scoped3A : memref<!tpu.dma_semaphore, #tpu.memory_space<semaphore_mem>>)
      %dma_wait3A_227 = arith.constant 0 : i32
      %dma_wait3A_228 = tpu.memref_slice %arg4[%add3A_173, %dma_wait3A_227] : memref<65536x256xi32, #tpu.memory_space<hbm>> -> memref<128x256xi32, #tpu.memory_space<hbm>>
      %dma_wait3A_229 = arith.constant 0 : i32
      %dma_wait3A_230 = tpu.memref_slice %arg4[%add3A_173, %dma_wait3A_229] : memref<65536x256xi32, #tpu.memory_space<hbm>> -> memref<128x256xi32, #tpu.memory_space<hbm>>
      tpu.wait_dma2 semaphore(%run_scoped3A : memref<!tpu.dma_semaphore, #tpu.memory_space<semaphore_mem>>) src(%arg8 : memref<128x256xi32, #tpu.memory_space<vmem>>) dst(%dma_wait3A_230 : memref<128x256xi32, #tpu.memory_space<hbm>>)
      tpu.yield
    }) : () -> ()
    %mul3A_174 = arith.constant 2048 : i32
    %mul3A_175 = arith.muli %add3A, %mul3A_174 : i32
    %add3A_176 = arith.constant 1664 : i32
    %add3A_177 = arith.addi %mul3A_175, %add3A_176 : i32
    "tpu.region"() ({
      %run_scoped3A = tpu.sem_alloc : memref<!tpu.dma_semaphore, #tpu.memory_space<semaphore_mem>>
      %dma_start3A_223 = tpu.memref_slice %arg3[%add3A_177] : memref<65536xi32, #tpu.memory_space<hbm>> -> memref<128xi32, #tpu.memory_space<hbm>>
      %dma_start3A_224 = tpu.memref_slice %arg3[%add3A_177] : memref<65536xi32, #tpu.memory_space<hbm>> -> memref<128xi32, #tpu.memory_space<hbm>>
      tpu.enqueue_dma source(%dma_start3A_224 : memref<128xi32, #tpu.memory_space<hbm>>) target(%arg6 : memref<128xi32, #tpu.memory_space<vmem>>) target_semaphore(%run_scoped3A : memref<!tpu.dma_semaphore, #tpu.memory_space<semaphore_mem>>)
      %dma_wait3A_225 = tpu.memref_slice %arg3[%add3A_177] : memref<65536xi32, #tpu.memory_space<hbm>> -> memref<128xi32, #tpu.memory_space<hbm>>
      %dma_wait3A_226 = tpu.memref_slice %arg3[%add3A_177] : memref<65536xi32, #tpu.memory_space<hbm>> -> memref<128xi32, #tpu.memory_space<hbm>>
      tpu.wait_dma2 semaphore(%run_scoped3A : memref<!tpu.dma_semaphore, #tpu.memory_space<semaphore_mem>>) src(%dma_wait3A_226 : memref<128xi32, #tpu.memory_space<hbm>>) dst(%arg6 : memref<128xi32, #tpu.memory_space<vmem>>)
      tpu.yield
    }) : () -> ()
    %dma_start3A_178 = arith.constant 0 : i32
    %dma_start3A_179 = arith.constant 0 : i32
    %dma_start3A_180 = tpu.memref_slice %arg2[%dma_start3A_178, %dma_start3A_179] : memref<16384x256xi32, #tpu.memory_space<hbm>> -> memref<16384x256xi32, #tpu.memory_space<hbm>>
    tpu.enqueue_indirect_dma source(%dma_start3A_180 : memref<16384x256xi32, #tpu.memory_space<hbm>>) target(%arg8 : memref<128x256xi32, #tpu.memory_space<vmem>>) offsets(%arg6 : memref<128xi32, #tpu.memory_space<vmem>>) semaphore(%arg10 : memref<!tpu.dma_semaphore, #tpu.memory_space<semaphore_mem>>)
    %dma_wait3A_181 = arith.constant 0 : i32
    %dma_wait3A_182 = arith.constant 0 : i32
    %dma_wait3A_183 = tpu.memref_slice %arg2[%dma_wait3A_181, %dma_wait3A_182] : memref<16384x256xi32, #tpu.memory_space<hbm>> -> memref<16384x256xi32, #tpu.memory_space<hbm>>
    tpu.wait_indirect_dma semaphore(%arg9 : memref<!tpu.dma_semaphore, #tpu.memory_space<semaphore_mem>>) src(%dma_wait3A_183 : memref<16384x256xi32, #tpu.memory_space<hbm>>) dst(%arg7 : memref<128x256xi32, #tpu.memory_space<vmem>>)
    %mul3A_184 = arith.constant 2048 : i32
    %mul3A_185 = arith.muli %add3A, %mul3A_184 : i32
    %add3A_186 = arith.constant 1536 : i32
    %add3A_187 = arith.addi %mul3A_185, %add3A_186 : i32
    "tpu.region"() ({
      %run_scoped3A = tpu.sem_alloc : memref<!tpu.dma_semaphore, #tpu.memory_space<semaphore_mem>>
      %dma_start3A_223 = arith.constant 0 : i32
      %dma_start3A_224 = tpu.memref_slice %arg4[%add3A_187, %dma_start3A_223] : memref<65536x256xi32, #tpu.memory_space<hbm>> -> memref<128x256xi32, #tpu.memory_space<hbm>>
      %dma_start3A_225 = arith.constant 0 : i32
      %dma_start3A_226 = tpu.memref_slice %arg4[%add3A_187, %dma_start3A_225] : memref<65536x256xi32, #tpu.memory_space<hbm>> -> memref<128x256xi32, #tpu.memory_space<hbm>>
      tpu.enqueue_dma source(%arg7 : memref<128x256xi32, #tpu.memory_space<vmem>>) target(%dma_start3A_226 : memref<128x256xi32, #tpu.memory_space<hbm>>) target_semaphore(%run_scoped3A : memref<!tpu.dma_semaphore, #tpu.memory_space<semaphore_mem>>)
      %dma_wait3A_227 = arith.constant 0 : i32
      %dma_wait3A_228 = tpu.memref_slice %arg4[%add3A_187, %dma_wait3A_227] : memref<65536x256xi32, #tpu.memory_space<hbm>> -> memref<128x256xi32, #tpu.memory_space<hbm>>
      %dma_wait3A_229 = arith.constant 0 : i32
      %dma_wait3A_230 = tpu.memref_slice %arg4[%add3A_187, %dma_wait3A_229] : memref<65536x256xi32, #tpu.memory_space<hbm>> -> memref<128x256xi32, #tpu.memory_space<hbm>>
      tpu.wait_dma2 semaphore(%run_scoped3A : memref<!tpu.dma_semaphore, #tpu.memory_space<semaphore_mem>>) src(%arg7 : memref<128x256xi32, #tpu.memory_space<vmem>>) dst(%dma_wait3A_230 : memref<128x256xi32, #tpu.memory_space<hbm>>)
      tpu.yield
    }) : () -> ()
    %mul3A_188 = arith.constant 2048 : i32
    %mul3A_189 = arith.muli %add3A, %mul3A_188 : i32
    %add3A_190 = arith.constant 1792 : i32
    %add3A_191 = arith.addi %mul3A_189, %add3A_190 : i32
    "tpu.region"() ({
      %run_scoped3A = tpu.sem_alloc : memref<!tpu.dma_semaphore, #tpu.memory_space<semaphore_mem>>
      %dma_start3A_223 = tpu.memref_slice %arg3[%add3A_191] : memref<65536xi32, #tpu.memory_space<hbm>> -> memref<128xi32, #tpu.memory_space<hbm>>
      %dma_start3A_224 = tpu.memref_slice %arg3[%add3A_191] : memref<65536xi32, #tpu.memory_space<hbm>> -> memref<128xi32, #tpu.memory_space<hbm>>
      tpu.enqueue_dma source(%dma_start3A_224 : memref<128xi32, #tpu.memory_space<hbm>>) target(%arg5 : memref<128xi32, #tpu.memory_space<vmem>>) target_semaphore(%run_scoped3A : memref<!tpu.dma_semaphore, #tpu.memory_space<semaphore_mem>>)
      %dma_wait3A_225 = tpu.memref_slice %arg3[%add3A_191] : memref<65536xi32, #tpu.memory_space<hbm>> -> memref<128xi32, #tpu.memory_space<hbm>>
      %dma_wait3A_226 = tpu.memref_slice %arg3[%add3A_191] : memref<65536xi32, #tpu.memory_space<hbm>> -> memref<128xi32, #tpu.memory_space<hbm>>
      tpu.wait_dma2 semaphore(%run_scoped3A : memref<!tpu.dma_semaphore, #tpu.memory_space<semaphore_mem>>) src(%dma_wait3A_226 : memref<128xi32, #tpu.memory_space<hbm>>) dst(%arg5 : memref<128xi32, #tpu.memory_space<vmem>>)
      tpu.yield
    }) : () -> ()
    %dma_start3A_192 = arith.constant 0 : i32
    %dma_start3A_193 = arith.constant 0 : i32
    %dma_start3A_194 = tpu.memref_slice %arg2[%dma_start3A_192, %dma_start3A_193] : memref<16384x256xi32, #tpu.memory_space<hbm>> -> memref<16384x256xi32, #tpu.memory_space<hbm>>
    tpu.enqueue_indirect_dma source(%dma_start3A_194 : memref<16384x256xi32, #tpu.memory_space<hbm>>) target(%arg7 : memref<128x256xi32, #tpu.memory_space<vmem>>) offsets(%arg5 : memref<128xi32, #tpu.memory_space<vmem>>) semaphore(%arg9 : memref<!tpu.dma_semaphore, #tpu.memory_space<semaphore_mem>>)
    %dma_wait3A_195 = arith.constant 0 : i32
    %dma_wait3A_196 = arith.constant 0 : i32
    %dma_wait3A_197 = tpu.memref_slice %arg2[%dma_wait3A_195, %dma_wait3A_196] : memref<16384x256xi32, #tpu.memory_space<hbm>> -> memref<16384x256xi32, #tpu.memory_space<hbm>>
    tpu.wait_indirect_dma semaphore(%arg10 : memref<!tpu.dma_semaphore, #tpu.memory_space<semaphore_mem>>) src(%dma_wait3A_197 : memref<16384x256xi32, #tpu.memory_space<hbm>>) dst(%arg8 : memref<128x256xi32, #tpu.memory_space<vmem>>)
    %mul3A_198 = arith.constant 2048 : i32
    %mul3A_199 = arith.muli %add3A, %mul3A_198 : i32
    %add3A_200 = arith.constant 1664 : i32
    %add3A_201 = arith.addi %mul3A_199, %add3A_200 : i32
    "tpu.region"() ({
      %run_scoped3A = tpu.sem_alloc : memref<!tpu.dma_semaphore, #tpu.memory_space<semaphore_mem>>
      %dma_start3A_223 = arith.constant 0 : i32
      %dma_start3A_224 = tpu.memref_slice %arg4[%add3A_201, %dma_start3A_223] : memref<65536x256xi32, #tpu.memory_space<hbm>> -> memref<128x256xi32, #tpu.memory_space<hbm>>
      %dma_start3A_225 = arith.constant 0 : i32
      %dma_start3A_226 = tpu.memref_slice %arg4[%add3A_201, %dma_start3A_225] : memref<65536x256xi32, #tpu.memory_space<hbm>> -> memref<128x256xi32, #tpu.memory_space<hbm>>
      tpu.enqueue_dma source(%arg8 : memref<128x256xi32, #tpu.memory_space<vmem>>) target(%dma_start3A_226 : memref<128x256xi32, #tpu.memory_space<hbm>>) target_semaphore(%run_scoped3A : memref<!tpu.dma_semaphore, #tpu.memory_space<semaphore_mem>>)
      %dma_wait3A_227 = arith.constant 0 : i32
      %dma_wait3A_228 = tpu.memref_slice %arg4[%add3A_201, %dma_wait3A_227] : memref<65536x256xi32, #tpu.memory_space<hbm>> -> memref<128x256xi32, #tpu.memory_space<hbm>>
      %dma_wait3A_229 = arith.constant 0 : i32
      %dma_wait3A_230 = tpu.memref_slice %arg4[%add3A_201, %dma_wait3A_229] : memref<65536x256xi32, #tpu.memory_space<hbm>> -> memref<128x256xi32, #tpu.memory_space<hbm>>
      tpu.wait_dma2 semaphore(%run_scoped3A : memref<!tpu.dma_semaphore, #tpu.memory_space<semaphore_mem>>) src(%arg8 : memref<128x256xi32, #tpu.memory_space<vmem>>) dst(%dma_wait3A_230 : memref<128x256xi32, #tpu.memory_space<hbm>>)
      tpu.yield
    }) : () -> ()
    %mul3A_202 = arith.constant 2048 : i32
    %mul3A_203 = arith.muli %add3A, %mul3A_202 : i32
    %add3A_204 = arith.constant 1920 : i32
    %add3A_205 = arith.addi %mul3A_203, %add3A_204 : i32
    "tpu.region"() ({
      %run_scoped3A = tpu.sem_alloc : memref<!tpu.dma_semaphore, #tpu.memory_space<semaphore_mem>>
      %dma_start3A_223 = tpu.memref_slice %arg3[%add3A_205] : memref<65536xi32, #tpu.memory_space<hbm>> -> memref<128xi32, #tpu.memory_space<hbm>>
      %dma_start3A_224 = tpu.memref_slice %arg3[%add3A_205] : memref<65536xi32, #tpu.memory_space<hbm>> -> memref<128xi32, #tpu.memory_space<hbm>>
      tpu.enqueue_dma source(%dma_start3A_224 : memref<128xi32, #tpu.memory_space<hbm>>) target(%arg6 : memref<128xi32, #tpu.memory_space<vmem>>) target_semaphore(%run_scoped3A : memref<!tpu.dma_semaphore, #tpu.memory_space<semaphore_mem>>)
      %dma_wait3A_225 = tpu.memref_slice %arg3[%add3A_205] : memref<65536xi32, #tpu.memory_space<hbm>> -> memref<128xi32, #tpu.memory_space<hbm>>
      %dma_wait3A_226 = tpu.memref_slice %arg3[%add3A_205] : memref<65536xi32, #tpu.memory_space<hbm>> -> memref<128xi32, #tpu.memory_space<hbm>>
      tpu.wait_dma2 semaphore(%run_scoped3A : memref<!tpu.dma_semaphore, #tpu.memory_space<semaphore_mem>>) src(%dma_wait3A_226 : memref<128xi32, #tpu.memory_space<hbm>>) dst(%arg6 : memref<128xi32, #tpu.memory_space<vmem>>)
      tpu.yield
    }) : () -> ()
    %dma_start3A_206 = arith.constant 0 : i32
    %dma_start3A_207 = arith.constant 0 : i32
    %dma_start3A_208 = tpu.memref_slice %arg2[%dma_start3A_206, %dma_start3A_207] : memref<16384x256xi32, #tpu.memory_space<hbm>> -> memref<16384x256xi32, #tpu.memory_space<hbm>>
    tpu.enqueue_indirect_dma source(%dma_start3A_208 : memref<16384x256xi32, #tpu.memory_space<hbm>>) target(%arg8 : memref<128x256xi32, #tpu.memory_space<vmem>>) offsets(%arg6 : memref<128xi32, #tpu.memory_space<vmem>>) semaphore(%arg10 : memref<!tpu.dma_semaphore, #tpu.memory_space<semaphore_mem>>)
    %dma_wait3A_209 = arith.constant 0 : i32
    %dma_wait3A_210 = arith.constant 0 : i32
    %dma_wait3A_211 = tpu.memref_slice %arg2[%dma_wait3A_209, %dma_wait3A_210] : memref<16384x256xi32, #tpu.memory_space<hbm>> -> memref<16384x256xi32, #tpu.memory_space<hbm>>
    tpu.wait_indirect_dma semaphore(%arg9 : memref<!tpu.dma_semaphore, #tpu.memory_space<semaphore_mem>>) src(%dma_wait3A_211 : memref<16384x256xi32, #tpu.memory_space<hbm>>) dst(%arg7 : memref<128x256xi32, #tpu.memory_space<vmem>>)
    %mul3A_212 = arith.constant 2048 : i32
    %mul3A_213 = arith.muli %add3A, %mul3A_212 : i32
    %add3A_214 = arith.constant 1792 : i32
    %add3A_215 = arith.addi %mul3A_213, %add3A_214 : i32
    "tpu.region"() ({
      %run_scoped3A = tpu.sem_alloc : memref<!tpu.dma_semaphore, #tpu.memory_space<semaphore_mem>>
      %dma_start3A_223 = arith.constant 0 : i32
      %dma_start3A_224 = tpu.memref_slice %arg4[%add3A_215, %dma_start3A_223] : memref<65536x256xi32, #tpu.memory_space<hbm>> -> memref<128x256xi32, #tpu.memory_space<hbm>>
      %dma_start3A_225 = arith.constant 0 : i32
      %dma_start3A_226 = tpu.memref_slice %arg4[%add3A_215, %dma_start3A_225] : memref<65536x256xi32, #tpu.memory_space<hbm>> -> memref<128x256xi32, #tpu.memory_space<hbm>>
      tpu.enqueue_dma source(%arg7 : memref<128x256xi32, #tpu.memory_space<vmem>>) target(%dma_start3A_226 : memref<128x256xi32, #tpu.memory_space<hbm>>) target_semaphore(%run_scoped3A : memref<!tpu.dma_semaphore, #tpu.memory_space<semaphore_mem>>)
      %dma_wait3A_227 = arith.constant 0 : i32
      %dma_wait3A_228 = tpu.memref_slice %arg4[%add3A_215, %dma_wait3A_227] : memref<65536x256xi32, #tpu.memory_space<hbm>> -> memref<128x256xi32, #tpu.memory_space<hbm>>
      %dma_wait3A_229 = arith.constant 0 : i32
      %dma_wait3A_230 = tpu.memref_slice %arg4[%add3A_215, %dma_wait3A_229] : memref<65536x256xi32, #tpu.memory_space<hbm>> -> memref<128x256xi32, #tpu.memory_space<hbm>>
      tpu.wait_dma2 semaphore(%run_scoped3A : memref<!tpu.dma_semaphore, #tpu.memory_space<semaphore_mem>>) src(%arg7 : memref<128x256xi32, #tpu.memory_space<vmem>>) dst(%dma_wait3A_230 : memref<128x256xi32, #tpu.memory_space<hbm>>)
      tpu.yield
    }) : () -> ()
    %dma_wait3A_216 = arith.constant 0 : i32
    %dma_wait3A_217 = arith.constant 0 : i32
    %dma_wait3A_218 = tpu.memref_slice %arg2[%dma_wait3A_216, %dma_wait3A_217] : memref<16384x256xi32, #tpu.memory_space<hbm>> -> memref<16384x256xi32, #tpu.memory_space<hbm>>
    tpu.wait_indirect_dma semaphore(%arg10 : memref<!tpu.dma_semaphore, #tpu.memory_space<semaphore_mem>>) src(%dma_wait3A_218 : memref<16384x256xi32, #tpu.memory_space<hbm>>) dst(%arg8 : memref<128x256xi32, #tpu.memory_space<vmem>>)
    %mul3A_219 = arith.constant 2048 : i32
    %mul3A_220 = arith.muli %add3A, %mul3A_219 : i32
    %add3A_221 = arith.constant 1920 : i32
    %add3A_222 = arith.addi %mul3A_220, %add3A_221 : i32
    "tpu.region"() ({
      %run_scoped3A = tpu.sem_alloc : memref<!tpu.dma_semaphore, #tpu.memory_space<semaphore_mem>>
      %dma_start3A_223 = arith.constant 0 : i32
      %dma_start3A_224 = tpu.memref_slice %arg4[%add3A_222, %dma_start3A_223] : memref<65536x256xi32, #tpu.memory_space<hbm>> -> memref<128x256xi32, #tpu.memory_space<hbm>>
      %dma_start3A_225 = arith.constant 0 : i32
      %dma_start3A_226 = tpu.memref_slice %arg4[%add3A_222, %dma_start3A_225] : memref<65536x256xi32, #tpu.memory_space<hbm>> -> memref<128x256xi32, #tpu.memory_space<hbm>>
      tpu.enqueue_dma source(%arg8 : memref<128x256xi32, #tpu.memory_space<vmem>>) target(%dma_start3A_226 : memref<128x256xi32, #tpu.memory_space<hbm>>) target_semaphore(%run_scoped3A : memref<!tpu.dma_semaphore, #tpu.memory_space<semaphore_mem>>)
      %dma_wait3A_227 = arith.constant 0 : i32
      %dma_wait3A_228 = tpu.memref_slice %arg4[%add3A_222, %dma_wait3A_227] : memref<65536x256xi32, #tpu.memory_space<hbm>> -> memref<128x256xi32, #tpu.memory_space<hbm>>
      %dma_wait3A_229 = arith.constant 0 : i32
      %dma_wait3A_230 = tpu.memref_slice %arg4[%add3A_222, %dma_wait3A_229] : memref<65536x256xi32, #tpu.memory_space<hbm>> -> memref<128x256xi32, #tpu.memory_space<hbm>>
      tpu.wait_dma2 semaphore(%run_scoped3A : memref<!tpu.dma_semaphore, #tpu.memory_space<semaphore_mem>>) src(%arg8 : memref<128x256xi32, #tpu.memory_space<vmem>>) dst(%dma_wait3A_230 : memref<128x256xi32, #tpu.memory_space<hbm>>)
      tpu.yield
    }) : () -> ()
    return
  }
}

module attributes {stable_mosaic.version = 14 : i64} {
  func.func @_topk_body(%arg0: i32, %arg1: i32, %arg2: memref<1x512x3xf32, #tpu.memory_space<vmem>>, %arg3: memref<1x3x4096xf32, #tpu.memory_space<vmem>>, %arg4: memref<1x512x8xi32, #tpu.memory_space<vmem>>, %arg5: memref<1x512x8xf32, #tpu.memory_space<vmem>>, %arg6: memref<512x4096xf32, #tpu.memory_space<vmem>>) attributes {dimension_semantics = [#tpu.dimension_semantics<arbitrary>, #tpu.dimension_semantics<arbitrary>], iteration_bounds = array<i64: 4, 4>, scalar_prefetch = 0 : i64, scratch_operands = 1 : i64, tpu.core_type = #tpu.core_type<tc>, window_params = [{transform_indices = @transform_0, window_bounds = array<i64: 1, 512, 3>}, {transform_indices = @transform_1, window_bounds = array<i64: 1, 3, 4096>}, {transform_indices = @transform_2, window_bounds = array<i64: 1, 512, 8>}, {transform_indices = @transform_3, window_bounds = array<i64: 1, 512, 8>}]} {
    %get3A = arith.constant 0 : index
    %get3A_0 = arith.constant 0 : index
    %get3A_1 = arith.constant 0 : index
    %get3A_2 = vector.load %arg2[%get3A, %get3A_0, %get3A_1] : memref<1x512x3xf32, #tpu.memory_space<vmem>>, vector<1x512x1xf32>
    %get3A_3 = vector.shape_cast %get3A_2 : vector<1x512x1xf32> to vector<512x1xf32>
    %get3A_4 = arith.constant 0 : index
    %get3A_5 = arith.constant 0 : index
    %get3A_6 = arith.constant 1 : index
    %get3A_7 = vector.load %arg2[%get3A_4, %get3A_5, %get3A_6] : memref<1x512x3xf32, #tpu.memory_space<vmem>>, vector<1x512x1xf32>
    %get3A_8 = vector.shape_cast %get3A_7 : vector<1x512x1xf32> to vector<512x1xf32>
    %get3A_9 = arith.constant 0 : index
    %get3A_10 = arith.constant 0 : index
    %get3A_11 = arith.constant 2 : index
    %get3A_12 = vector.load %arg2[%get3A_9, %get3A_10, %get3A_11] : memref<1x512x3xf32, #tpu.memory_space<vmem>>, vector<1x512x1xf32>
    %get3A_13 = vector.shape_cast %get3A_12 : vector<1x512x1xf32> to vector<512x1xf32>
    %get3A_14 = arith.constant 0 : index
    %get3A_15 = arith.constant 0 : index
    %get3A_16 = arith.constant 0 : index
    %get3A_17 = vector.load %arg3[%get3A_14, %get3A_15, %get3A_16] : memref<1x3x4096xf32, #tpu.memory_space<vmem>>, vector<1x1x4096xf32>
    %get3A_18 = vector.shape_cast %get3A_17 : vector<1x1x4096xf32> to vector<1x4096xf32>
    %get3A_19 = arith.constant 0 : index
    %get3A_20 = arith.constant 1 : index
    %get3A_21 = arith.constant 0 : index
    %get3A_22 = vector.load %arg3[%get3A_19, %get3A_20, %get3A_21] : memref<1x3x4096xf32, #tpu.memory_space<vmem>>, vector<1x1x4096xf32>
    %get3A_23 = vector.shape_cast %get3A_22 : vector<1x1x4096xf32> to vector<1x4096xf32>
    %get3A_24 = arith.constant 0 : index
    %get3A_25 = arith.constant 2 : index
    %get3A_26 = arith.constant 0 : index
    %get3A_27 = vector.load %arg3[%get3A_24, %get3A_25, %get3A_26] : memref<1x3x4096xf32, #tpu.memory_space<vmem>>, vector<1x1x4096xf32>
    %get3A_28 = vector.shape_cast %get3A_27 : vector<1x1x4096xf32> to vector<1x4096xf32>
    %get3A_29 = arith.constant 0 : index
    %get3A_30 = arith.constant 0 : index
    %get3A_31 = arith.constant 0 : index
    %get3A_32 = vector.load %arg2[%get3A_29, %get3A_30, %get3A_31] : memref<1x512x3xf32, #tpu.memory_space<vmem>>, vector<1x512x3xf32>
    %get3A_33 = vector.shape_cast %get3A_32 : vector<1x512x3xf32> to vector<512x3xf32>
    %convert_element_type3A = arith.truncf %get3A_33 : vector<512x3xf32> to vector<512x3xbf16>
    %get3A_34 = arith.constant 0 : index
    %get3A_35 = arith.constant 0 : index
    %get3A_36 = arith.constant 0 : index
    %get3A_37 = vector.load %arg3[%get3A_34, %get3A_35, %get3A_36] : memref<1x3x4096xf32, #tpu.memory_space<vmem>>, vector<1x3x4096xf32>
    %get3A_38 = vector.shape_cast %get3A_37 : vector<1x3x4096xf32> to vector<3x4096xf32>
    %convert_element_type3A_39 = arith.truncf %get3A_38 : vector<3x4096xf32> to vector<3x4096xbf16>
    %dot_general3A = arith.constant dense<0.000000e+00> : vector<512x4096xf32>
    %dot_general3A_40 = tpu.matmul %convert_element_type3A, %convert_element_type3A_39, %dot_general3A {dimension_numbers = #tpu.dot_dimension_numbers<[1], [0], [0], [1], [0, 0, 1, 1], [], []>, transpose_lhs_hint = false} : vector<512x3xbf16>, vector<3x4096xbf16>, vector<512x4096xf32> -> vector<512x4096xf32>
    %mul3A = arith.mulf %get3A_3, %get3A_3 : vector<512x1xf32>
    %mul3A_41 = arith.mulf %get3A_8, %get3A_8 : vector<512x1xf32>
    %add3A = arith.addf %mul3A, %mul3A_41 : vector<512x1xf32>
    %mul3A_42 = arith.mulf %get3A_13, %get3A_13 : vector<512x1xf32>
    %add3A_43 = arith.addf %add3A, %mul3A_42 : vector<512x1xf32>
    %mul3A_44 = arith.mulf %get3A_18, %get3A_18 : vector<1x4096xf32>
    %mul3A_45 = arith.mulf %get3A_23, %get3A_23 : vector<1x4096xf32>
    %add3A_46 = arith.addf %mul3A_44, %mul3A_45 : vector<1x4096xf32>
    %mul3A_47 = arith.mulf %get3A_28, %get3A_28 : vector<1x4096xf32>
    %add3A_48 = arith.addf %add3A_46, %mul3A_47 : vector<1x4096xf32>
    %add3A_49 = vector.broadcast %add3A_43 : vector<512x1xf32> to vector<512x4096xf32>
    %add3A_50 = vector.broadcast %add3A_48 : vector<1x4096xf32> to vector<512x4096xf32>
    %add3A_51 = arith.addf %add3A_49, %add3A_50 : vector<512x4096xf32>
    %mul3A_52 = arith.constant 2.000000e+00 : f32
    %mul3A_53 = vector.broadcast %mul3A_52 : f32 to vector<512x4096xf32>
    %mul3A_54 = arith.mulf %mul3A_53, %dot_general3A_40 : vector<512x4096xf32>
    %sub3A = arith.subf %add3A_51, %mul3A_54 : vector<512x4096xf32>
    %max3A = arith.constant 9.99999996E-13 : f32
    %max3A_55 = vector.broadcast %max3A : f32 to vector<512x4096xf32>
    %max3A_56 = arith.maximumf %sub3A, %max3A_55 : vector<512x4096xf32>
    %sqrt3A = math.sqrt %max3A_56 : vector<512x4096xf32>
    %le3A = arith.constant 2.000000e-01 : f32
    %le3A_57 = vector.broadcast %le3A : f32 to vector<512x4096xf32>
    %le3A_58 = arith.cmpf ole, %sqrt3A, %le3A_57 : vector<512x4096xf32>
    %jit3A = arith.constant 0x7F800000 : f32
    %broadcast_in_dim3A = vector.broadcast %jit3A : f32 to vector<512x4096xf32>
    %select_n3A = arith.select %le3A_58, %sqrt3A, %broadcast_in_dim3A : vector<512x4096xi1>, vector<512x4096xf32>
    %swap3A = arith.constant 0 : index
    %swap3A_59 = arith.constant 0 : index
    %swap3A_60 = vector.load %arg6[%swap3A, %swap3A_59] : memref<512x4096xf32, #tpu.memory_space<vmem>>, vector<512x4096xf32>
    tpu.vector_store %arg6[%swap3A, %swap3A_59], %select_n3A {strides = array<i32>} : memref<512x4096xf32, #tpu.memory_space<vmem>>, vector<512x4096xf32>,
    %iota3A = tpu.iota {dimensions = array<i32: 1>} : vector<1x4096xi32>
    %convert_element_type3A_61 = arith.sitofp %iota3A : vector<1x4096xi32> to vector<1x4096xf32>
    %reduce_min3A = arith.constant dense<0x7F800000> : vector<512xf32>
    %reduce_min3A_62 = vector.multi_reduction <minimumf>, %select_n3A, %reduce_min3A [1] : vector<512x4096xf32> to vector<512xf32>
    %broadcast_in_dim3A_63 = vector.shape_cast %reduce_min3A_62 : vector<512xf32> to vector<512x1xf32>
    %get3A_64 = arith.constant 0 : index
    %get3A_65 = arith.constant 0 : index
    %get3A_66 = vector.load %arg6[%get3A_64, %get3A_65] : memref<512x4096xf32, #tpu.memory_space<vmem>>, vector<512x4096xf32>
    %le3A_67 = vector.broadcast %broadcast_in_dim3A_63 : vector<512x1xf32> to vector<512x4096xf32>
    %le3A_68 = arith.cmpf ole, %get3A_66, %le3A_67 : vector<512x4096xf32>
    %jit3A_69 = arith.constant 4.096000e+03 : f32
    %broadcast_in_dim3A_70 = vector.shape_cast %convert_element_type3A_61 : vector<1x4096xf32> to vector<1x4096xf32>
    %broadcast_in_dim3A_71 = vector.broadcast %broadcast_in_dim3A_70 : vector<1x4096xf32> to vector<512x4096xf32>
    %broadcast_in_dim3A_72 = vector.broadcast %jit3A_69 : f32 to vector<512x4096xf32>
    %select_n3A_73 = arith.select %le3A_68, %broadcast_in_dim3A_71, %broadcast_in_dim3A_72 : vector<512x4096xi1>, vector<512x4096xf32>
    %reduce_min3A_74 = arith.constant dense<0x7F800000> : vector<512xf32>
    %reduce_min3A_75 = vector.multi_reduction <minimumf>, %select_n3A_73, %reduce_min3A_74 [1] : vector<512x4096xf32> to vector<512xf32>
    %broadcast_in_dim3A_76 = vector.shape_cast %reduce_min3A_75 : vector<512xf32> to vector<512x1xf32>
    %eq3A = arith.constant 0x7F800000 : f32
    %eq3A_77 = vector.broadcast %eq3A : f32 to vector<512x1xf32>
    %eq3A_78 = arith.cmpf oeq, %broadcast_in_dim3A_63, %eq3A_77 : vector<512x1xf32>
    %convert_element_type3A_79 = arith.fptosi %broadcast_in_dim3A_76 : vector<512x1xf32> to vector<512x1xi32>
    %jit3A_80 = arith.constant 0 : i32
    %broadcast_in_dim3A_81 = vector.broadcast %jit3A_80 : i32 to vector<512x1xi32>
    %select_n3A_82 = arith.select %eq3A_78, %broadcast_in_dim3A_81, %convert_element_type3A_79 : vector<512x1xi1>, vector<512x1xi32>
    %mul3A_83 = arith.constant 4096 : i32
    %mul3A_84 = arith.muli %arg0, %mul3A_83 : i32
    %add3A_85 = vector.broadcast %mul3A_84 : i32 to vector<512x1xi32>
    %add3A_86 = arith.addi %select_n3A_82, %add3A_85 : vector<512x1xi32>
    %convert_element_type3A_87 = arith.extui %eq3A_78 : vector<512x1xi1> to vector<512x1xi32>
    %convert_element_type3A_88 = arith.sitofp %convert_element_type3A_87 : vector<512x1xi32> to vector<512x1xf32>
    %eq3A_89 = vector.broadcast %convert_element_type3A_61 : vector<1x4096xf32> to vector<512x4096xf32>
    %eq3A_90 = vector.broadcast %broadcast_in_dim3A_76 : vector<512x1xf32> to vector<512x4096xf32>
    %eq3A_91 = arith.cmpf oeq, %eq3A_89, %eq3A_90 : vector<512x4096xf32>
    %jit3A_92 = arith.constant 0x7F800000 : f32
    %broadcast_in_dim3A_93 = vector.broadcast %jit3A_92 : f32 to vector<512x4096xf32>
    %select_n3A_94 = arith.select %eq3A_91, %broadcast_in_dim3A_93, %get3A_66 : vector<512x4096xi1>, vector<512x4096xf32>
    %swap3A_95 = arith.constant 0 : index
    %swap3A_96 = arith.constant 0 : index
    %swap3A_97 = vector.load %arg6[%swap3A_95, %swap3A_96] : memref<512x4096xf32, #tpu.memory_space<vmem>>, vector<512x4096xf32>
    tpu.vector_store %arg6[%swap3A_95, %swap3A_96], %select_n3A_94 {strides = array<i32>} : memref<512x4096xf32, #tpu.memory_space<vmem>>, vector<512x4096xf32>,
    %reduce_min3A_98 = arith.constant dense<0x7F800000> : vector<512xf32>
    %reduce_min3A_99 = vector.multi_reduction <minimumf>, %select_n3A_94, %reduce_min3A_98 [1] : vector<512x4096xf32> to vector<512xf32>
    %broadcast_in_dim3A_100 = vector.shape_cast %reduce_min3A_99 : vector<512xf32> to vector<512x1xf32>
    %get3A_101 = arith.constant 0 : index
    %get3A_102 = arith.constant 0 : index
    %get3A_103 = vector.load %arg6[%get3A_101, %get3A_102] : memref<512x4096xf32, #tpu.memory_space<vmem>>, vector<512x4096xf32>
    %le3A_104 = vector.broadcast %broadcast_in_dim3A_100 : vector<512x1xf32> to vector<512x4096xf32>
    %le3A_105 = arith.cmpf ole, %get3A_103, %le3A_104 : vector<512x4096xf32>
    %jit3A_106 = arith.constant 4.096000e+03 : f32
    %broadcast_in_dim3A_107 = vector.shape_cast %convert_element_type3A_61 : vector<1x4096xf32> to vector<1x4096xf32>
    %broadcast_in_dim3A_108 = vector.broadcast %broadcast_in_dim3A_107 : vector<1x4096xf32> to vector<512x4096xf32>
    %broadcast_in_dim3A_109 = vector.broadcast %jit3A_106 : f32 to vector<512x4096xf32>
    %select_n3A_110 = arith.select %le3A_105, %broadcast_in_dim3A_108, %broadcast_in_dim3A_109 : vector<512x4096xi1>, vector<512x4096xf32>
    %reduce_min3A_111 = arith.constant dense<0x7F800000> : vector<512xf32>
    %reduce_min3A_112 = vector.multi_reduction <minimumf>, %select_n3A_110, %reduce_min3A_111 [1] : vector<512x4096xf32> to vector<512xf32>
    %broadcast_in_dim3A_113 = vector.shape_cast %reduce_min3A_112 : vector<512xf32> to vector<512x1xf32>
    %eq3A_114 = arith.constant 0x7F800000 : f32
    %eq3A_115 = vector.broadcast %eq3A_114 : f32 to vector<512x1xf32>
    %eq3A_116 = arith.cmpf oeq, %broadcast_in_dim3A_100, %eq3A_115 : vector<512x1xf32>
    %convert_element_type3A_117 = arith.fptosi %broadcast_in_dim3A_113 : vector<512x1xf32> to vector<512x1xi32>
    %jit3A_118 = arith.constant 0 : i32
    %broadcast_in_dim3A_119 = vector.broadcast %jit3A_118 : i32 to vector<512x1xi32>
    %select_n3A_120 = arith.select %eq3A_116, %broadcast_in_dim3A_119, %convert_element_type3A_117 : vector<512x1xi1>, vector<512x1xi32>
    %mul3A_121 = arith.constant 4096 : i32
    %mul3A_122 = arith.muli %arg0, %mul3A_121 : i32
    %add3A_123 = vector.broadcast %mul3A_122 : i32 to vector<512x1xi32>
    %add3A_124 = arith.addi %select_n3A_120, %add3A_123 : vector<512x1xi32>
    %convert_element_type3A_125 = arith.extui %eq3A_116 : vector<512x1xi1> to vector<512x1xi32>
    %convert_element_type3A_126 = arith.sitofp %convert_element_type3A_125 : vector<512x1xi32> to vector<512x1xf32>
    %eq3A_127 = vector.broadcast %convert_element_type3A_61 : vector<1x4096xf32> to vector<512x4096xf32>
    %eq3A_128 = vector.broadcast %broadcast_in_dim3A_113 : vector<512x1xf32> to vector<512x4096xf32>
    %eq3A_129 = arith.cmpf oeq, %eq3A_127, %eq3A_128 : vector<512x4096xf32>
    %jit3A_130 = arith.constant 0x7F800000 : f32
    %broadcast_in_dim3A_131 = vector.broadcast %jit3A_130 : f32 to vector<512x4096xf32>
    %select_n3A_132 = arith.select %eq3A_129, %broadcast_in_dim3A_131, %get3A_103 : vector<512x4096xi1>, vector<512x4096xf32>
    %swap3A_133 = arith.constant 0 : index
    %swap3A_134 = arith.constant 0 : index
    %swap3A_135 = vector.load %arg6[%swap3A_133, %swap3A_134] : memref<512x4096xf32, #tpu.memory_space<vmem>>, vector<512x4096xf32>
    tpu.vector_store %arg6[%swap3A_133, %swap3A_134], %select_n3A_132 {strides = array<i32>} : memref<512x4096xf32, #tpu.memory_space<vmem>>, vector<512x4096xf32>,
    %reduce_min3A_136 = arith.constant dense<0x7F800000> : vector<512xf32>
    %reduce_min3A_137 = vector.multi_reduction <minimumf>, %select_n3A_132, %reduce_min3A_136 [1] : vector<512x4096xf32> to vector<512xf32>
    %broadcast_in_dim3A_138 = vector.shape_cast %reduce_min3A_137 : vector<512xf32> to vector<512x1xf32>
    %get3A_139 = arith.constant 0 : index
    %get3A_140 = arith.constant 0 : index
    %get3A_141 = vector.load %arg6[%get3A_139, %get3A_140] : memref<512x4096xf32, #tpu.memory_space<vmem>>, vector<512x4096xf32>
    %le3A_142 = vector.broadcast %broadcast_in_dim3A_138 : vector<512x1xf32> to vector<512x4096xf32>
    %le3A_143 = arith.cmpf ole, %get3A_141, %le3A_142 : vector<512x4096xf32>
    %jit3A_144 = arith.constant 4.096000e+03 : f32
    %broadcast_in_dim3A_145 = vector.shape_cast %convert_element_type3A_61 : vector<1x4096xf32> to vector<1x4096xf32>
    %broadcast_in_dim3A_146 = vector.broadcast %broadcast_in_dim3A_145 : vector<1x4096xf32> to vector<512x4096xf32>
    %broadcast_in_dim3A_147 = vector.broadcast %jit3A_144 : f32 to vector<512x4096xf32>
    %select_n3A_148 = arith.select %le3A_143, %broadcast_in_dim3A_146, %broadcast_in_dim3A_147 : vector<512x4096xi1>, vector<512x4096xf32>
    %reduce_min3A_149 = arith.constant dense<0x7F800000> : vector<512xf32>
    %reduce_min3A_150 = vector.multi_reduction <minimumf>, %select_n3A_148, %reduce_min3A_149 [1] : vector<512x4096xf32> to vector<512xf32>
    %broadcast_in_dim3A_151 = vector.shape_cast %reduce_min3A_150 : vector<512xf32> to vector<512x1xf32>
    %eq3A_152 = arith.constant 0x7F800000 : f32
    %eq3A_153 = vector.broadcast %eq3A_152 : f32 to vector<512x1xf32>
    %eq3A_154 = arith.cmpf oeq, %broadcast_in_dim3A_138, %eq3A_153 : vector<512x1xf32>
    %convert_element_type3A_155 = arith.fptosi %broadcast_in_dim3A_151 : vector<512x1xf32> to vector<512x1xi32>
    %jit3A_156 = arith.constant 0 : i32
    %broadcast_in_dim3A_157 = vector.broadcast %jit3A_156 : i32 to vector<512x1xi32>
    %select_n3A_158 = arith.select %eq3A_154, %broadcast_in_dim3A_157, %convert_element_type3A_155 : vector<512x1xi1>, vector<512x1xi32>
    %mul3A_159 = arith.constant 4096 : i32
    %mul3A_160 = arith.muli %arg0, %mul3A_159 : i32
    %add3A_161 = vector.broadcast %mul3A_160 : i32 to vector<512x1xi32>
    %add3A_162 = arith.addi %select_n3A_158, %add3A_161 : vector<512x1xi32>
    %convert_element_type3A_163 = arith.extui %eq3A_154 : vector<512x1xi1> to vector<512x1xi32>
    %convert_element_type3A_164 = arith.sitofp %convert_element_type3A_163 : vector<512x1xi32> to vector<512x1xf32>
    %eq3A_165 = vector.broadcast %convert_element_type3A_61 : vector<1x4096xf32> to vector<512x4096xf32>
    %eq3A_166 = vector.broadcast %broadcast_in_dim3A_151 : vector<512x1xf32> to vector<512x4096xf32>
    %eq3A_167 = arith.cmpf oeq, %eq3A_165, %eq3A_166 : vector<512x4096xf32>
    %jit3A_168 = arith.constant 0x7F800000 : f32
    %broadcast_in_dim3A_169 = vector.broadcast %jit3A_168 : f32 to vector<512x4096xf32>
    %select_n3A_170 = arith.select %eq3A_167, %broadcast_in_dim3A_169, %get3A_141 : vector<512x4096xi1>, vector<512x4096xf32>
    %swap3A_171 = arith.constant 0 : index
    %swap3A_172 = arith.constant 0 : index
    %swap3A_173 = vector.load %arg6[%swap3A_171, %swap3A_172] : memref<512x4096xf32, #tpu.memory_space<vmem>>, vector<512x4096xf32>
    tpu.vector_store %arg6[%swap3A_171, %swap3A_172], %select_n3A_170 {strides = array<i32>} : memref<512x4096xf32, #tpu.memory_space<vmem>>, vector<512x4096xf32>,
    %reduce_min3A_174 = arith.constant dense<0x7F800000> : vector<512xf32>
    %reduce_min3A_175 = vector.multi_reduction <minimumf>, %select_n3A_170, %reduce_min3A_174 [1] : vector<512x4096xf32> to vector<512xf32>
    %broadcast_in_dim3A_176 = vector.shape_cast %reduce_min3A_175 : vector<512xf32> to vector<512x1xf32>
    %get3A_177 = arith.constant 0 : index
    %get3A_178 = arith.constant 0 : index
    %get3A_179 = vector.load %arg6[%get3A_177, %get3A_178] : memref<512x4096xf32, #tpu.memory_space<vmem>>, vector<512x4096xf32>
    %le3A_180 = vector.broadcast %broadcast_in_dim3A_176 : vector<512x1xf32> to vector<512x4096xf32>
    %le3A_181 = arith.cmpf ole, %get3A_179, %le3A_180 : vector<512x4096xf32>
    %jit3A_182 = arith.constant 4.096000e+03 : f32
    %broadcast_in_dim3A_183 = vector.shape_cast %convert_element_type3A_61 : vector<1x4096xf32> to vector<1x4096xf32>
    %broadcast_in_dim3A_184 = vector.broadcast %broadcast_in_dim3A_183 : vector<1x4096xf32> to vector<512x4096xf32>
    %broadcast_in_dim3A_185 = vector.broadcast %jit3A_182 : f32 to vector<512x4096xf32>
    %select_n3A_186 = arith.select %le3A_181, %broadcast_in_dim3A_184, %broadcast_in_dim3A_185 : vector<512x4096xi1>, vector<512x4096xf32>
    %reduce_min3A_187 = arith.constant dense<0x7F800000> : vector<512xf32>
    %reduce_min3A_188 = vector.multi_reduction <minimumf>, %select_n3A_186, %reduce_min3A_187 [1] : vector<512x4096xf32> to vector<512xf32>
    %broadcast_in_dim3A_189 = vector.shape_cast %reduce_min3A_188 : vector<512xf32> to vector<512x1xf32>
    %eq3A_190 = arith.constant 0x7F800000 : f32
    %eq3A_191 = vector.broadcast %eq3A_190 : f32 to vector<512x1xf32>
    %eq3A_192 = arith.cmpf oeq, %broadcast_in_dim3A_176, %eq3A_191 : vector<512x1xf32>
    %convert_element_type3A_193 = arith.fptosi %broadcast_in_dim3A_189 : vector<512x1xf32> to vector<512x1xi32>
    %jit3A_194 = arith.constant 0 : i32
    %broadcast_in_dim3A_195 = vector.broadcast %jit3A_194 : i32 to vector<512x1xi32>
    %select_n3A_196 = arith.select %eq3A_192, %broadcast_in_dim3A_195, %convert_element_type3A_193 : vector<512x1xi1>, vector<512x1xi32>
    %mul3A_197 = arith.constant 4096 : i32
    %mul3A_198 = arith.muli %arg0, %mul3A_197 : i32
    %add3A_199 = vector.broadcast %mul3A_198 : i32 to vector<512x1xi32>
    %add3A_200 = arith.addi %select_n3A_196, %add3A_199 : vector<512x1xi32>
    %convert_element_type3A_201 = arith.extui %eq3A_192 : vector<512x1xi1> to vector<512x1xi32>
    %convert_element_type3A_202 = arith.sitofp %convert_element_type3A_201 : vector<512x1xi32> to vector<512x1xf32>
    %eq3A_203 = vector.broadcast %convert_element_type3A_61 : vector<1x4096xf32> to vector<512x4096xf32>
    %eq3A_204 = vector.broadcast %broadcast_in_dim3A_189 : vector<512x1xf32> to vector<512x4096xf32>
    %eq3A_205 = arith.cmpf oeq, %eq3A_203, %eq3A_204 : vector<512x4096xf32>
    %jit3A_206 = arith.constant 0x7F800000 : f32
    %broadcast_in_dim3A_207 = vector.broadcast %jit3A_206 : f32 to vector<512x4096xf32>
    %select_n3A_208 = arith.select %eq3A_205, %broadcast_in_dim3A_207, %get3A_179 : vector<512x4096xi1>, vector<512x4096xf32>
    %swap3A_209 = arith.constant 0 : index
    %swap3A_210 = arith.constant 0 : index
    %swap3A_211 = vector.load %arg6[%swap3A_209, %swap3A_210] : memref<512x4096xf32, #tpu.memory_space<vmem>>, vector<512x4096xf32>
    tpu.vector_store %arg6[%swap3A_209, %swap3A_210], %select_n3A_208 {strides = array<i32>} : memref<512x4096xf32, #tpu.memory_space<vmem>>, vector<512x4096xf32>,
    %reduce_min3A_212 = arith.constant dense<0x7F800000> : vector<512xf32>
    %reduce_min3A_213 = vector.multi_reduction <minimumf>, %select_n3A_208, %reduce_min3A_212 [1] : vector<512x4096xf32> to vector<512xf32>
    %broadcast_in_dim3A_214 = vector.shape_cast %reduce_min3A_213 : vector<512xf32> to vector<512x1xf32>
    %get3A_215 = arith.constant 0 : index
    %get3A_216 = arith.constant 0 : index
    %get3A_217 = vector.load %arg6[%get3A_215, %get3A_216] : memref<512x4096xf32, #tpu.memory_space<vmem>>, vector<512x4096xf32>
    %le3A_218 = vector.broadcast %broadcast_in_dim3A_214 : vector<512x1xf32> to vector<512x4096xf32>
    %le3A_219 = arith.cmpf ole, %get3A_217, %le3A_218 : vector<512x4096xf32>
    %jit3A_220 = arith.constant 4.096000e+03 : f32
    %broadcast_in_dim3A_221 = vector.shape_cast %convert_element_type3A_61 : vector<1x4096xf32> to vector<1x4096xf32>
    %broadcast_in_dim3A_222 = vector.broadcast %broadcast_in_dim3A_221 : vector<1x4096xf32> to vector<512x4096xf32>
    %broadcast_in_dim3A_223 = vector.broadcast %jit3A_220 : f32 to vector<512x4096xf32>
    %select_n3A_224 = arith.select %le3A_219, %broadcast_in_dim3A_222, %broadcast_in_dim3A_223 : vector<512x4096xi1>, vector<512x4096xf32>
    %reduce_min3A_225 = arith.constant dense<0x7F800000> : vector<512xf32>
    %reduce_min3A_226 = vector.multi_reduction <minimumf>, %select_n3A_224, %reduce_min3A_225 [1] : vector<512x4096xf32> to vector<512xf32>
    %broadcast_in_dim3A_227 = vector.shape_cast %reduce_min3A_226 : vector<512xf32> to vector<512x1xf32>
    %eq3A_228 = arith.constant 0x7F800000 : f32
    %eq3A_229 = vector.broadcast %eq3A_228 : f32 to vector<512x1xf32>
    %eq3A_230 = arith.cmpf oeq, %broadcast_in_dim3A_214, %eq3A_229 : vector<512x1xf32>
    %convert_element_type3A_231 = arith.fptosi %broadcast_in_dim3A_227 : vector<512x1xf32> to vector<512x1xi32>
    %jit3A_232 = arith.constant 0 : i32
    %broadcast_in_dim3A_233 = vector.broadcast %jit3A_232 : i32 to vector<512x1xi32>
    %select_n3A_234 = arith.select %eq3A_230, %broadcast_in_dim3A_233, %convert_element_type3A_231 : vector<512x1xi1>, vector<512x1xi32>
    %mul3A_235 = arith.constant 4096 : i32
    %mul3A_236 = arith.muli %arg0, %mul3A_235 : i32
    %add3A_237 = vector.broadcast %mul3A_236 : i32 to vector<512x1xi32>
    %add3A_238 = arith.addi %select_n3A_234, %add3A_237 : vector<512x1xi32>
    %convert_element_type3A_239 = arith.extui %eq3A_230 : vector<512x1xi1> to vector<512x1xi32>
    %convert_element_type3A_240 = arith.sitofp %convert_element_type3A_239 : vector<512x1xi32> to vector<512x1xf32>
    %eq3A_241 = vector.broadcast %convert_element_type3A_61 : vector<1x4096xf32> to vector<512x4096xf32>
    %eq3A_242 = vector.broadcast %broadcast_in_dim3A_227 : vector<512x1xf32> to vector<512x4096xf32>
    %eq3A_243 = arith.cmpf oeq, %eq3A_241, %eq3A_242 : vector<512x4096xf32>
    %jit3A_244 = arith.constant 0x7F800000 : f32
    %broadcast_in_dim3A_245 = vector.broadcast %jit3A_244 : f32 to vector<512x4096xf32>
    %select_n3A_246 = arith.select %eq3A_243, %broadcast_in_dim3A_245, %get3A_217 : vector<512x4096xi1>, vector<512x4096xf32>
    %swap3A_247 = arith.constant 0 : index
    %swap3A_248 = arith.constant 0 : index
    %swap3A_249 = vector.load %arg6[%swap3A_247, %swap3A_248] : memref<512x4096xf32, #tpu.memory_space<vmem>>, vector<512x4096xf32>
    tpu.vector_store %arg6[%swap3A_247, %swap3A_248], %select_n3A_246 {strides = array<i32>} : memref<512x4096xf32, #tpu.memory_space<vmem>>, vector<512x4096xf32>,
    %reduce_min3A_250 = arith.constant dense<0x7F800000> : vector<512xf32>
    %reduce_min3A_251 = vector.multi_reduction <minimumf>, %select_n3A_246, %reduce_min3A_250 [1] : vector<512x4096xf32> to vector<512xf32>
    %broadcast_in_dim3A_252 = vector.shape_cast %reduce_min3A_251 : vector<512xf32> to vector<512x1xf32>
    %get3A_253 = arith.constant 0 : index
    %get3A_254 = arith.constant 0 : index
    %get3A_255 = vector.load %arg6[%get3A_253, %get3A_254] : memref<512x4096xf32, #tpu.memory_space<vmem>>, vector<512x4096xf32>
    %le3A_256 = vector.broadcast %broadcast_in_dim3A_252 : vector<512x1xf32> to vector<512x4096xf32>
    %le3A_257 = arith.cmpf ole, %get3A_255, %le3A_256 : vector<512x4096xf32>
    %jit3A_258 = arith.constant 4.096000e+03 : f32
    %broadcast_in_dim3A_259 = vector.shape_cast %convert_element_type3A_61 : vector<1x4096xf32> to vector<1x4096xf32>
    %broadcast_in_dim3A_260 = vector.broadcast %broadcast_in_dim3A_259 : vector<1x4096xf32> to vector<512x4096xf32>
    %broadcast_in_dim3A_261 = vector.broadcast %jit3A_258 : f32 to vector<512x4096xf32>
    %select_n3A_262 = arith.select %le3A_257, %broadcast_in_dim3A_260, %broadcast_in_dim3A_261 : vector<512x4096xi1>, vector<512x4096xf32>
    %reduce_min3A_263 = arith.constant dense<0x7F800000> : vector<512xf32>
    %reduce_min3A_264 = vector.multi_reduction <minimumf>, %select_n3A_262, %reduce_min3A_263 [1] : vector<512x4096xf32> to vector<512xf32>
    %broadcast_in_dim3A_265 = vector.shape_cast %reduce_min3A_264 : vector<512xf32> to vector<512x1xf32>
    %eq3A_266 = arith.constant 0x7F800000 : f32
    %eq3A_267 = vector.broadcast %eq3A_266 : f32 to vector<512x1xf32>
    %eq3A_268 = arith.cmpf oeq, %broadcast_in_dim3A_252, %eq3A_267 : vector<512x1xf32>
    %convert_element_type3A_269 = arith.fptosi %broadcast_in_dim3A_265 : vector<512x1xf32> to vector<512x1xi32>
    %jit3A_270 = arith.constant 0 : i32
    %broadcast_in_dim3A_271 = vector.broadcast %jit3A_270 : i32 to vector<512x1xi32>
    %select_n3A_272 = arith.select %eq3A_268, %broadcast_in_dim3A_271, %convert_element_type3A_269 : vector<512x1xi1>, vector<512x1xi32>
    %mul3A_273 = arith.constant 4096 : i32
    %mul3A_274 = arith.muli %arg0, %mul3A_273 : i32
    %add3A_275 = vector.broadcast %mul3A_274 : i32 to vector<512x1xi32>
    %add3A_276 = arith.addi %select_n3A_272, %add3A_275 : vector<512x1xi32>
    %convert_element_type3A_277 = arith.extui %eq3A_268 : vector<512x1xi1> to vector<512x1xi32>
    %convert_element_type3A_278 = arith.sitofp %convert_element_type3A_277 : vector<512x1xi32> to vector<512x1xf32>
    %eq3A_279 = vector.broadcast %convert_element_type3A_61 : vector<1x4096xf32> to vector<512x4096xf32>
    %eq3A_280 = vector.broadcast %broadcast_in_dim3A_265 : vector<512x1xf32> to vector<512x4096xf32>
    %eq3A_281 = arith.cmpf oeq, %eq3A_279, %eq3A_280 : vector<512x4096xf32>
    %jit3A_282 = arith.constant 0x7F800000 : f32
    %broadcast_in_dim3A_283 = vector.broadcast %jit3A_282 : f32 to vector<512x4096xf32>
    %select_n3A_284 = arith.select %eq3A_281, %broadcast_in_dim3A_283, %get3A_255 : vector<512x4096xi1>, vector<512x4096xf32>
    %swap3A_285 = arith.constant 0 : index
    %swap3A_286 = arith.constant 0 : index
    %swap3A_287 = vector.load %arg6[%swap3A_285, %swap3A_286] : memref<512x4096xf32, #tpu.memory_space<vmem>>, vector<512x4096xf32>
    tpu.vector_store %arg6[%swap3A_285, %swap3A_286], %select_n3A_284 {strides = array<i32>} : memref<512x4096xf32, #tpu.memory_space<vmem>>, vector<512x4096xf32>,
    %reduce_min3A_288 = arith.constant dense<0x7F800000> : vector<512xf32>
    %reduce_min3A_289 = vector.multi_reduction <minimumf>, %select_n3A_284, %reduce_min3A_288 [1] : vector<512x4096xf32> to vector<512xf32>
    %broadcast_in_dim3A_290 = vector.shape_cast %reduce_min3A_289 : vector<512xf32> to vector<512x1xf32>
    %get3A_291 = arith.constant 0 : index
    %get3A_292 = arith.constant 0 : index
    %get3A_293 = vector.load %arg6[%get3A_291, %get3A_292] : memref<512x4096xf32, #tpu.memory_space<vmem>>, vector<512x4096xf32>
    %le3A_294 = vector.broadcast %broadcast_in_dim3A_290 : vector<512x1xf32> to vector<512x4096xf32>
    %le3A_295 = arith.cmpf ole, %get3A_293, %le3A_294 : vector<512x4096xf32>
    %jit3A_296 = arith.constant 4.096000e+03 : f32
    %broadcast_in_dim3A_297 = vector.shape_cast %convert_element_type3A_61 : vector<1x4096xf32> to vector<1x4096xf32>
    %broadcast_in_dim3A_298 = vector.broadcast %broadcast_in_dim3A_297 : vector<1x4096xf32> to vector<512x4096xf32>
    %broadcast_in_dim3A_299 = vector.broadcast %jit3A_296 : f32 to vector<512x4096xf32>
    %select_n3A_300 = arith.select %le3A_295, %broadcast_in_dim3A_298, %broadcast_in_dim3A_299 : vector<512x4096xi1>, vector<512x4096xf32>
    %reduce_min3A_301 = arith.constant dense<0x7F800000> : vector<512xf32>
    %reduce_min3A_302 = vector.multi_reduction <minimumf>, %select_n3A_300, %reduce_min3A_301 [1] : vector<512x4096xf32> to vector<512xf32>
    %broadcast_in_dim3A_303 = vector.shape_cast %reduce_min3A_302 : vector<512xf32> to vector<512x1xf32>
    %eq3A_304 = arith.constant 0x7F800000 : f32
    %eq3A_305 = vector.broadcast %eq3A_304 : f32 to vector<512x1xf32>
    %eq3A_306 = arith.cmpf oeq, %broadcast_in_dim3A_290, %eq3A_305 : vector<512x1xf32>
    %convert_element_type3A_307 = arith.fptosi %broadcast_in_dim3A_303 : vector<512x1xf32> to vector<512x1xi32>
    %jit3A_308 = arith.constant 0 : i32
    %broadcast_in_dim3A_309 = vector.broadcast %jit3A_308 : i32 to vector<512x1xi32>
    %select_n3A_310 = arith.select %eq3A_306, %broadcast_in_dim3A_309, %convert_element_type3A_307 : vector<512x1xi1>, vector<512x1xi32>
    %mul3A_311 = arith.constant 4096 : i32
    %mul3A_312 = arith.muli %arg0, %mul3A_311 : i32
    %add3A_313 = vector.broadcast %mul3A_312 : i32 to vector<512x1xi32>
    %add3A_314 = arith.addi %select_n3A_310, %add3A_313 : vector<512x1xi32>
    %convert_element_type3A_315 = arith.extui %eq3A_306 : vector<512x1xi1> to vector<512x1xi32>
    %convert_element_type3A_316 = arith.sitofp %convert_element_type3A_315 : vector<512x1xi32> to vector<512x1xf32>
    %eq3A_317 = vector.broadcast %convert_element_type3A_61 : vector<1x4096xf32> to vector<512x4096xf32>
    %eq3A_318 = vector.broadcast %broadcast_in_dim3A_303 : vector<512x1xf32> to vector<512x4096xf32>
    %eq3A_319 = arith.cmpf oeq, %eq3A_317, %eq3A_318 : vector<512x4096xf32>
    %jit3A_320 = arith.constant 0x7F800000 : f32
    %broadcast_in_dim3A_321 = vector.broadcast %jit3A_320 : f32 to vector<512x4096xf32>
    %select_n3A_322 = arith.select %eq3A_319, %broadcast_in_dim3A_321, %get3A_293 : vector<512x4096xi1>, vector<512x4096xf32>
    %swap3A_323 = arith.constant 0 : index
    %swap3A_324 = arith.constant 0 : index
    %swap3A_325 = vector.load %arg6[%swap3A_323, %swap3A_324] : memref<512x4096xf32, #tpu.memory_space<vmem>>, vector<512x4096xf32>
    tpu.vector_store %arg6[%swap3A_323, %swap3A_324], %select_n3A_322 {strides = array<i32>} : memref<512x4096xf32, #tpu.memory_space<vmem>>, vector<512x4096xf32>,
    %reduce_min3A_326 = arith.constant dense<0x7F800000> : vector<512xf32>
    %reduce_min3A_327 = vector.multi_reduction <minimumf>, %select_n3A_322, %reduce_min3A_326 [1] : vector<512x4096xf32> to vector<512xf32>
    %broadcast_in_dim3A_328 = vector.shape_cast %reduce_min3A_327 : vector<512xf32> to vector<512x1xf32>
    %get3A_329 = arith.constant 0 : index
    %get3A_330 = arith.constant 0 : index
    %get3A_331 = vector.load %arg6[%get3A_329, %get3A_330] : memref<512x4096xf32, #tpu.memory_space<vmem>>, vector<512x4096xf32>
    %le3A_332 = vector.broadcast %broadcast_in_dim3A_328 : vector<512x1xf32> to vector<512x4096xf32>
    %le3A_333 = arith.cmpf ole, %get3A_331, %le3A_332 : vector<512x4096xf32>
    %jit3A_334 = arith.constant 4.096000e+03 : f32
    %broadcast_in_dim3A_335 = vector.shape_cast %convert_element_type3A_61 : vector<1x4096xf32> to vector<1x4096xf32>
    %broadcast_in_dim3A_336 = vector.broadcast %broadcast_in_dim3A_335 : vector<1x4096xf32> to vector<512x4096xf32>
    %broadcast_in_dim3A_337 = vector.broadcast %jit3A_334 : f32 to vector<512x4096xf32>
    %select_n3A_338 = arith.select %le3A_333, %broadcast_in_dim3A_336, %broadcast_in_dim3A_337 : vector<512x4096xi1>, vector<512x4096xf32>
    %reduce_min3A_339 = arith.constant dense<0x7F800000> : vector<512xf32>
    %reduce_min3A_340 = vector.multi_reduction <minimumf>, %select_n3A_338, %reduce_min3A_339 [1] : vector<512x4096xf32> to vector<512xf32>
    %broadcast_in_dim3A_341 = vector.shape_cast %reduce_min3A_340 : vector<512xf32> to vector<512x1xf32>
    %eq3A_342 = arith.constant 0x7F800000 : f32
    %eq3A_343 = vector.broadcast %eq3A_342 : f32 to vector<512x1xf32>
    %eq3A_344 = arith.cmpf oeq, %broadcast_in_dim3A_328, %eq3A_343 : vector<512x1xf32>
    %convert_element_type3A_345 = arith.fptosi %broadcast_in_dim3A_341 : vector<512x1xf32> to vector<512x1xi32>
    %jit3A_346 = arith.constant 0 : i32
    %broadcast_in_dim3A_347 = vector.broadcast %jit3A_346 : i32 to vector<512x1xi32>
    %select_n3A_348 = arith.select %eq3A_344, %broadcast_in_dim3A_347, %convert_element_type3A_345 : vector<512x1xi1>, vector<512x1xi32>
    %mul3A_349 = arith.constant 4096 : i32
    %mul3A_350 = arith.muli %arg0, %mul3A_349 : i32
    %add3A_351 = vector.broadcast %mul3A_350 : i32 to vector<512x1xi32>
    %add3A_352 = arith.addi %select_n3A_348, %add3A_351 : vector<512x1xi32>
    %convert_element_type3A_353 = arith.extui %eq3A_344 : vector<512x1xi1> to vector<512x1xi32>
    %convert_element_type3A_354 = arith.sitofp %convert_element_type3A_353 : vector<512x1xi32> to vector<512x1xf32>
    %concatenate3A = tpu.concatenate %add3A_86, %add3A_124, %add3A_162, %add3A_200, %add3A_238, %add3A_276, %add3A_314, %add3A_352 in 1 : vector<512x1xi32>, vector<512x1xi32>, vector<512x1xi32>, vector<512x1xi32>, vector<512x1xi32>, vector<512x1xi32>, vector<512x1xi32>, vector<512x1xi32> -> vector<512x8xi32>
    %swap3A_355 = arith.constant 0 : index
    %swap3A_356 = arith.constant 0 : index
    %swap3A_357 = arith.constant 0 : index
    %swap3A_358 = vector.load %arg4[%swap3A_355, %swap3A_356, %swap3A_357] : memref<1x512x8xi32, #tpu.memory_space<vmem>>, vector<1x512x8xi32>
    %swap3A_359 = vector.shape_cast %swap3A_358 : vector<1x512x8xi32> to vector<512x8xi32>
    %swap3A_360 = vector.shape_cast %concatenate3A : vector<512x8xi32> to vector<1x512x8xi32>
    tpu.vector_store %arg4[%swap3A_355, %swap3A_356, %swap3A_357], %swap3A_360 {strides = array<i32>} : memref<1x512x8xi32, #tpu.memory_space<vmem>>, vector<1x512x8xi32>,
    %concatenate3A_361 = tpu.concatenate %convert_element_type3A_88, %convert_element_type3A_126, %convert_element_type3A_164, %convert_element_type3A_202, %convert_element_type3A_240, %convert_element_type3A_278, %convert_element_type3A_316, %convert_element_type3A_354 in 1 : vector<512x1xf32>, vector<512x1xf32>, vector<512x1xf32>, vector<512x1xf32>, vector<512x1xf32>, vector<512x1xf32>, vector<512x1xf32>, vector<512x1xf32> -> vector<512x8xf32>
    %swap3A_362 = arith.constant 0 : index
    %swap3A_363 = arith.constant 0 : index
    %swap3A_364 = arith.constant 0 : index
    %swap3A_365 = vector.load %arg5[%swap3A_362, %swap3A_363, %swap3A_364] : memref<1x512x8xf32, #tpu.memory_space<vmem>>, vector<1x512x8xf32>
    %swap3A_366 = vector.shape_cast %swap3A_365 : vector<1x512x8xf32> to vector<512x8xf32>
    %swap3A_367 = vector.shape_cast %concatenate3A_361 : vector<512x8xf32> to vector<1x512x8xf32>
    tpu.vector_store %arg5[%swap3A_362, %swap3A_363, %swap3A_364], %swap3A_367 {strides = array<i32>} : memref<1x512x8xf32, #tpu.memory_space<vmem>>, vector<1x512x8xf32>,
    return
  }
  func.func @transform_0(%arg0: i32, %arg1: i32) -> (i32, i32, i32) {
    %c0_i32 = arith.constant 0 : i32
    %c0_i32_0 = arith.constant 0 : i32
    return %arg0, %arg1, %c0_i32 : i32, i32, i32
  }
  func.func @transform_1(%arg0: i32, %arg1: i32) -> (i32, i32, i32) {
    %c0_i32 = arith.constant 0 : i32
    %c0_i32_0 = arith.constant 0 : i32
    %c0_i32_1 = arith.constant 0 : i32
    return %arg0, %c0_i32, %c0_i32_0 : i32, i32, i32
  }
  func.func @transform_2(%arg0: i32, %arg1: i32) -> (i32, i32, i32) {
    %c0_i32 = arith.constant 0 : i32
    %c0_i32_0 = arith.constant 0 : i32
    return %arg0, %arg1, %c0_i32 : i32, i32, i32
  }
  func.func @transform_3(%arg0: i32, %arg1: i32) -> (i32, i32, i32) {
    %c0_i32 = arith.constant 0 : i32
    %c0_i32_0 = arith.constant 0 : i32
    return %arg0, %arg1, %c0_i32 : i32, i32, i32
  }
}

module attributes {stable_mosaic.version = 14 : i64} {
  func.func @_proj_kv_body(%arg0: i32, %arg1: memref<256x3xf32, #tpu.memory_space<vmem>>, %arg2: memref<256x256xf32, #tpu.memory_space<vmem>>, %arg3: memref<3x256xf32, #tpu.memory_space<vmem>>, %arg4: memref<1x256xf32, #tpu.memory_space<vmem>>, %arg5: memref<256x256xf32, #tpu.memory_space<vmem>>, %arg6: memref<1x256xf32, #tpu.memory_space<vmem>>, %arg7: memref<256x256xf32, #tpu.memory_space<vmem>>, %arg8: memref<1x256xf32, #tpu.memory_space<vmem>>, %arg9: memref<256x256xi32, #tpu.memory_space<vmem>>) attributes {dimension_semantics = [#tpu.dimension_semantics<arbitrary>], iteration_bounds = array<i64: 64>, scalar_prefetch = 0 : i64, scratch_operands = 0 : i64, tpu.core_type = #tpu.core_type<tc>, window_params = [{transform_indices = @transform_0, window_bounds = array<i64: 256, 3>}, {transform_indices = @transform_1, window_bounds = array<i64: 256, 256>}, {pipeline_mode = #tpu.pipeline_mode<synchronous>, transform_indices = @transform_2, window_bounds = array<i64: 3, 256>}, {pipeline_mode = #tpu.pipeline_mode<synchronous>, transform_indices = @transform_3, window_bounds = array<i64: 1, 256>}, {pipeline_mode = #tpu.pipeline_mode<synchronous>, transform_indices = @transform_4, window_bounds = array<i64: 256, 256>}, {pipeline_mode = #tpu.pipeline_mode<synchronous>, transform_indices = @transform_5, window_bounds = array<i64: 1, 256>}, {pipeline_mode = #tpu.pipeline_mode<synchronous>, transform_indices = @transform_6, window_bounds = array<i64: 256, 256>}, {pipeline_mode = #tpu.pipeline_mode<synchronous>, transform_indices = @transform_7, window_bounds = array<i64: 1, 256>}, {transform_indices = @transform_8, window_bounds = array<i64: 256, 256>}]} {
    %get3A = arith.constant 0 : index
    %get3A_0 = arith.constant 0 : index
    %get3A_1 = vector.load %arg2[%get3A, %get3A_0] : memref<256x256xf32, #tpu.memory_space<vmem>>, vector<256x256xf32>
    %get3A_2 = arith.constant 0 : index
    %get3A_3 = arith.constant 0 : index
    %get3A_4 = vector.load %arg1[%get3A_2, %get3A_3] : memref<256x3xf32, #tpu.memory_space<vmem>>, vector<256x1xf32>
    %get3A_5 = arith.constant 0 : index
    %get3A_6 = arith.constant 0 : index
    %get3A_7 = vector.load %arg3[%get3A_5, %get3A_6] : memref<3x256xf32, #tpu.memory_space<vmem>>, vector<1x256xf32>
    %mul3A = vector.broadcast %get3A_4 : vector<256x1xf32> to vector<256x256xf32>
    %mul3A_8 = vector.broadcast %get3A_7 : vector<1x256xf32> to vector<256x256xf32>
    %mul3A_9 = arith.mulf %mul3A, %mul3A_8 : vector<256x256xf32>
    %get3A_10 = arith.constant 0 : index
    %get3A_11 = arith.constant 1 : index
    %get3A_12 = vector.load %arg1[%get3A_10, %get3A_11] : memref<256x3xf32, #tpu.memory_space<vmem>>, vector<256x1xf32>
    %get3A_13 = arith.constant 1 : index
    %get3A_14 = arith.constant 0 : index
    %get3A_15 = vector.load %arg3[%get3A_13, %get3A_14] : memref<3x256xf32, #tpu.memory_space<vmem>>, vector<1x256xf32>
    %mul3A_16 = vector.broadcast %get3A_12 : vector<256x1xf32> to vector<256x256xf32>
    %mul3A_17 = vector.broadcast %get3A_15 : vector<1x256xf32> to vector<256x256xf32>
    %mul3A_18 = arith.mulf %mul3A_16, %mul3A_17 : vector<256x256xf32>
    %add3A = arith.addf %mul3A_9, %mul3A_18 : vector<256x256xf32>
    %get3A_19 = arith.constant 0 : index
    %get3A_20 = arith.constant 2 : index
    %get3A_21 = vector.load %arg1[%get3A_19, %get3A_20] : memref<256x3xf32, #tpu.memory_space<vmem>>, vector<256x1xf32>
    %get3A_22 = arith.constant 2 : index
    %get3A_23 = arith.constant 0 : index
    %get3A_24 = vector.load %arg3[%get3A_22, %get3A_23] : memref<3x256xf32, #tpu.memory_space<vmem>>, vector<1x256xf32>
    %mul3A_25 = vector.broadcast %get3A_21 : vector<256x1xf32> to vector<256x256xf32>
    %mul3A_26 = vector.broadcast %get3A_24 : vector<1x256xf32> to vector<256x256xf32>
    %mul3A_27 = arith.mulf %mul3A_25, %mul3A_26 : vector<256x256xf32>
    %add3A_28 = arith.addf %add3A, %mul3A_27 : vector<256x256xf32>
    %get3A_29 = arith.constant 0 : index
    %get3A_30 = arith.constant 0 : index
    %get3A_31 = vector.load %arg4[%get3A_29, %get3A_30] : memref<1x256xf32, #tpu.memory_space<vmem>>, vector<1x256xf32>
    %add3A_32 = vector.broadcast %get3A_31 : vector<1x256xf32> to vector<256x256xf32>
    %add3A_33 = arith.addf %add3A_28, %add3A_32 : vector<256x256xf32>
    %add3A_34 = arith.addf %get3A_1, %add3A_33 : vector<256x256xf32>
    %convert_element_type3A = arith.truncf %add3A_34 : vector<256x256xf32> to vector<256x256xbf16>
    %convert_element_type3A_35 = arith.truncf %get3A_1 : vector<256x256xf32> to vector<256x256xbf16>
    %get3A_36 = arith.constant 0 : index
    %get3A_37 = arith.constant 0 : index
    %get3A_38 = vector.load %arg5[%get3A_36, %get3A_37] : memref<256x256xf32, #tpu.memory_space<vmem>>, vector<256x256xf32>
    %convert_element_type3A_39 = arith.truncf %get3A_38 : vector<256x256xf32> to vector<256x256xbf16>
    %dot_general3A = arith.constant dense<0.000000e+00> : vector<256x256xf32>
    %dot_general3A_40 = tpu.matmul %convert_element_type3A, %convert_element_type3A_39, %dot_general3A {dimension_numbers = #tpu.dot_dimension_numbers<[1], [0], [0], [1], [0, 0, 1, 1], [], []>, transpose_lhs_hint = false} : vector<256x256xbf16>, vector<256x256xbf16>, vector<256x256xf32> -> vector<256x256xf32>
    %get3A_41 = arith.constant 0 : index
    %get3A_42 = arith.constant 0 : index
    %get3A_43 = vector.load %arg6[%get3A_41, %get3A_42] : memref<1x256xf32, #tpu.memory_space<vmem>>, vector<1x256xf32>
    %add3A_44 = vector.broadcast %get3A_43 : vector<1x256xf32> to vector<256x256xf32>
    %add3A_45 = arith.addf %dot_general3A_40, %add3A_44 : vector<256x256xf32>
    %get3A_46 = arith.constant 0 : index
    %get3A_47 = arith.constant 0 : index
    %get3A_48 = vector.load %arg7[%get3A_46, %get3A_47] : memref<256x256xf32, #tpu.memory_space<vmem>>, vector<256x256xf32>
    %convert_element_type3A_49 = arith.truncf %get3A_48 : vector<256x256xf32> to vector<256x256xbf16>
    %dot_general3A_50 = arith.constant dense<0.000000e+00> : vector<256x256xf32>
    %dot_general3A_51 = tpu.matmul %convert_element_type3A_35, %convert_element_type3A_49, %dot_general3A_50 {dimension_numbers = #tpu.dot_dimension_numbers<[1], [0], [0], [1], [0, 0, 1, 1], [], []>, transpose_lhs_hint = false} : vector<256x256xbf16>, vector<256x256xbf16>, vector<256x256xf32> -> vector<256x256xf32>
    %get3A_52 = arith.constant 0 : index
    %get3A_53 = arith.constant 0 : index
    %get3A_54 = vector.load %arg8[%get3A_52, %get3A_53] : memref<1x256xf32, #tpu.memory_space<vmem>>, vector<1x256xf32>
    %add3A_55 = vector.broadcast %get3A_54 : vector<1x256xf32> to vector<256x256xf32>
    %add3A_56 = arith.addf %dot_general3A_51, %add3A_55 : vector<256x256xf32>
    %convert_element_type3A_57 = arith.truncf %add3A_45 : vector<256x256xf32> to vector<256x256xbf16>
    %convert_element_type3A_58 = arith.extf %convert_element_type3A_57 : vector<256x256xbf16> to vector<256x256xf32>
    %slice3A = vector.extract_strided_slice %convert_element_type3A_58 {offsets = [0, 0], sizes = [256, 128], strides = [1, 1]} : vector<256x256xf32> to vector<256x128xf32>
    %bitcast_convert_type3A = tpu.bitcast %slice3A : vector<256x128xf32> -> vector<256x128xi32>
    %slice3A_59 = vector.extract_strided_slice %convert_element_type3A_58 {offsets = [0, 128], sizes = [256, 128], strides = [1, 1]} : vector<256x256xf32> to vector<256x128xf32>
    %bitcast_convert_type3A_60 = tpu.bitcast %slice3A_59 : vector<256x128xf32> -> vector<256x128xi32>
    %shift_right_logical3A = arith.constant 16 : i32
    %shift_right_logical3A_61 = vector.broadcast %shift_right_logical3A : i32 to vector<256x128xi32>
    %shift_right_logical3A_62 = arith.shrui %bitcast_convert_type3A, %shift_right_logical3A_61 : vector<256x128xi32>
    %and3A = arith.constant -65536 : i32
    %and3A_63 = vector.broadcast %and3A : i32 to vector<256x128xi32>
    %and3A_64 = arith.andi %bitcast_convert_type3A_60, %and3A_63 : vector<256x128xi32>
    %or3A = arith.ori %shift_right_logical3A_62, %and3A_64 : vector<256x128xi32>
    %swap3A = arith.constant 0 : index
    %swap3A_65 = arith.constant 0 : index
    %swap3A_66 = vector.load %arg9[%swap3A, %swap3A_65] : memref<256x256xi32, #tpu.memory_space<vmem>>, vector<256x128xi32>
    tpu.vector_store %arg9[%swap3A, %swap3A_65], %or3A {strides = array<i32>} : memref<256x256xi32, #tpu.memory_space<vmem>>, vector<256x128xi32>,
    %convert_element_type3A_67 = arith.truncf %add3A_56 : vector<256x256xf32> to vector<256x256xbf16>
    %convert_element_type3A_68 = arith.extf %convert_element_type3A_67 : vector<256x256xbf16> to vector<256x256xf32>
    %slice3A_69 = vector.extract_strided_slice %convert_element_type3A_68 {offsets = [0, 0], sizes = [256, 128], strides = [1, 1]} : vector<256x256xf32> to vector<256x128xf32>
    %bitcast_convert_type3A_70 = tpu.bitcast %slice3A_69 : vector<256x128xf32> -> vector<256x128xi32>
    %slice3A_71 = vector.extract_strided_slice %convert_element_type3A_68 {offsets = [0, 128], sizes = [256, 128], strides = [1, 1]} : vector<256x256xf32> to vector<256x128xf32>
    %bitcast_convert_type3A_72 = tpu.bitcast %slice3A_71 : vector<256x128xf32> -> vector<256x128xi32>
    %shift_right_logical3A_73 = arith.constant 16 : i32
    %shift_right_logical3A_74 = vector.broadcast %shift_right_logical3A_73 : i32 to vector<256x128xi32>
    %shift_right_logical3A_75 = arith.shrui %bitcast_convert_type3A_70, %shift_right_logical3A_74 : vector<256x128xi32>
    %and3A_76 = arith.constant -65536 : i32
    %and3A_77 = vector.broadcast %and3A_76 : i32 to vector<256x128xi32>
    %and3A_78 = arith.andi %bitcast_convert_type3A_72, %and3A_77 : vector<256x128xi32>
    %or3A_79 = arith.ori %shift_right_logical3A_75, %and3A_78 : vector<256x128xi32>
    %swap3A_80 = arith.constant 0 : index
    %swap3A_81 = arith.constant 128 : index
    %swap3A_82 = vector.load %arg9[%swap3A_80, %swap3A_81] : memref<256x256xi32, #tpu.memory_space<vmem>>, vector<256x128xi32>
    tpu.vector_store %arg9[%swap3A_80, %swap3A_81], %or3A_79 {strides = array<i32>} : memref<256x256xi32, #tpu.memory_space<vmem>>, vector<256x128xi32>,
    return
  }
  func.func @transform_0(%arg0: i32) -> (i32, i32) {
    %c0_i32 = arith.constant 0 : i32
    %c0_i32_0 = arith.constant 0 : i32
    return %arg0, %c0_i32 : i32, i32
  }
  func.func @transform_1(%arg0: i32) -> (i32, i32) {
    %c0_i32 = arith.constant 0 : i32
    %c0_i32_0 = arith.constant 0 : i32
    return %arg0, %c0_i32 : i32, i32
  }
  func.func @transform_2(%arg0: i32) -> (i32, i32) {
    %c0_i32 = arith.constant 0 : i32
    %c0_i32_0 = arith.constant 0 : i32
    %c0_i32_1 = arith.constant 0 : i32
    return %c0_i32, %c0_i32_0 : i32, i32
  }
  func.func @transform_3(%arg0: i32) -> (i32, i32) {
    %c0_i32 = arith.constant 0 : i32
    %c0_i32_0 = arith.constant 0 : i32
    %c0_i32_1 = arith.constant 0 : i32
    return %c0_i32, %c0_i32_0 : i32, i32
  }
  func.func @transform_4(%arg0: i32) -> (i32, i32) {
    %c0_i32 = arith.constant 0 : i32
    %c0_i32_0 = arith.constant 0 : i32
    %c0_i32_1 = arith.constant 0 : i32
    return %c0_i32, %c0_i32_0 : i32, i32
  }
  func.func @transform_5(%arg0: i32) -> (i32, i32) {
    %c0_i32 = arith.constant 0 : i32
    %c0_i32_0 = arith.constant 0 : i32
    %c0_i32_1 = arith.constant 0 : i32
    return %c0_i32, %c0_i32_0 : i32, i32
  }
  func.func @transform_6(%arg0: i32) -> (i32, i32) {
    %c0_i32 = arith.constant 0 : i32
    %c0_i32_0 = arith.constant 0 : i32
    %c0_i32_1 = arith.constant 0 : i32
    return %c0_i32, %c0_i32_0 : i32, i32
  }
  func.func @transform_7(%arg0: i32) -> (i32, i32) {
    %c0_i32 = arith.constant 0 : i32
    %c0_i32_0 = arith.constant 0 : i32
    %c0_i32_1 = arith.constant 0 : i32
    return %c0_i32, %c0_i32_0 : i32, i32
  }
  func.func @transform_8(%arg0: i32) -> (i32, i32) {
    %c0_i32 = arith.constant 0 : i32
    %c0_i32_0 = arith.constant 0 : i32
    return %arg0, %c0_i32 : i32, i32
  }
}

module attributes {stable_mosaic.version = 14 : i64} {
  func.func @_proj_q_body(%arg0: i32, %arg1: memref<256x3xf32, #tpu.memory_space<vmem>>, %arg2: memref<256x256xf32, #tpu.memory_space<vmem>>, %arg3: memref<3x256xf32, #tpu.memory_space<vmem>>, %arg4: memref<1x256xf32, #tpu.memory_space<vmem>>, %arg5: memref<256x256xf32, #tpu.memory_space<vmem>>, %arg6: memref<1x256xf32, #tpu.memory_space<vmem>>, %arg7: memref<256x256xf32, #tpu.memory_space<vmem>>, %arg8: memref<1x256xf32, #tpu.memory_space<vmem>>, %arg9: memref<256x256xf32, #tpu.memory_space<vmem>>, %arg10: memref<1x256xf32, #tpu.memory_space<vmem>>, %arg11: memref<256x256xf32, #tpu.memory_space<vmem>>, %arg12: memref<256x256xf32, #tpu.memory_space<vmem>>, %arg13: memref<256x256xf32, #tpu.memory_space<vmem>>) attributes {dimension_semantics = [#tpu.dimension_semantics<arbitrary>], iteration_bounds = array<i64: 32>, scalar_prefetch = 0 : i64, scratch_operands = 0 : i64, tpu.core_type = #tpu.core_type<tc>, window_params = [{transform_indices = @transform_0, window_bounds = array<i64: 256, 3>}, {transform_indices = @transform_1, window_bounds = array<i64: 256, 256>}, {pipeline_mode = #tpu.pipeline_mode<synchronous>, transform_indices = @transform_2, window_bounds = array<i64: 3, 256>}, {pipeline_mode = #tpu.pipeline_mode<synchronous>, transform_indices = @transform_3, window_bounds = array<i64: 1, 256>}, {pipeline_mode = #tpu.pipeline_mode<synchronous>, transform_indices = @transform_4, window_bounds = array<i64: 256, 256>}, {pipeline_mode = #tpu.pipeline_mode<synchronous>, transform_indices = @transform_5, window_bounds = array<i64: 1, 256>}, {pipeline_mode = #tpu.pipeline_mode<synchronous>, transform_indices = @transform_6, window_bounds = array<i64: 256, 256>}, {pipeline_mode = #tpu.pipeline_mode<synchronous>, transform_indices = @transform_7, window_bounds = array<i64: 1, 256>}, {pipeline_mode = #tpu.pipeline_mode<synchronous>, transform_indices = @transform_8, window_bounds = array<i64: 256, 256>}, {pipeline_mode = #tpu.pipeline_mode<synchronous>, transform_indices = @transform_9, window_bounds = array<i64: 1, 256>}, {transform_indices = @transform_10, window_bounds = array<i64: 256, 256>}, {transform_indices = @transform_11, window_bounds = array<i64: 256, 256>}, {transform_indices = @transform_12, window_bounds = array<i64: 256, 256>}]} {
    %get3A = arith.constant 0 : index
    %get3A_0 = arith.constant 0 : index
    %get3A_1 = vector.load %arg2[%get3A, %get3A_0] : memref<256x256xf32, #tpu.memory_space<vmem>>, vector<256x256xf32>
    %get3A_2 = arith.constant 0 : index
    %get3A_3 = arith.constant 0 : index
    %get3A_4 = vector.load %arg1[%get3A_2, %get3A_3] : memref<256x3xf32, #tpu.memory_space<vmem>>, vector<256x1xf32>
    %get3A_5 = arith.constant 0 : index
    %get3A_6 = arith.constant 0 : index
    %get3A_7 = vector.load %arg3[%get3A_5, %get3A_6] : memref<3x256xf32, #tpu.memory_space<vmem>>, vector<1x256xf32>
    %mul3A = vector.broadcast %get3A_4 : vector<256x1xf32> to vector<256x256xf32>
    %mul3A_8 = vector.broadcast %get3A_7 : vector<1x256xf32> to vector<256x256xf32>
    %mul3A_9 = arith.mulf %mul3A, %mul3A_8 : vector<256x256xf32>
    %get3A_10 = arith.constant 0 : index
    %get3A_11 = arith.constant 1 : index
    %get3A_12 = vector.load %arg1[%get3A_10, %get3A_11] : memref<256x3xf32, #tpu.memory_space<vmem>>, vector<256x1xf32>
    %get3A_13 = arith.constant 1 : index
    %get3A_14 = arith.constant 0 : index
    %get3A_15 = vector.load %arg3[%get3A_13, %get3A_14] : memref<3x256xf32, #tpu.memory_space<vmem>>, vector<1x256xf32>
    %mul3A_16 = vector.broadcast %get3A_12 : vector<256x1xf32> to vector<256x256xf32>
    %mul3A_17 = vector.broadcast %get3A_15 : vector<1x256xf32> to vector<256x256xf32>
    %mul3A_18 = arith.mulf %mul3A_16, %mul3A_17 : vector<256x256xf32>
    %add3A = arith.addf %mul3A_9, %mul3A_18 : vector<256x256xf32>
    %get3A_19 = arith.constant 0 : index
    %get3A_20 = arith.constant 2 : index
    %get3A_21 = vector.load %arg1[%get3A_19, %get3A_20] : memref<256x3xf32, #tpu.memory_space<vmem>>, vector<256x1xf32>
    %get3A_22 = arith.constant 2 : index
    %get3A_23 = arith.constant 0 : index
    %get3A_24 = vector.load %arg3[%get3A_22, %get3A_23] : memref<3x256xf32, #tpu.memory_space<vmem>>, vector<1x256xf32>
    %mul3A_25 = vector.broadcast %get3A_21 : vector<256x1xf32> to vector<256x256xf32>
    %mul3A_26 = vector.broadcast %get3A_24 : vector<1x256xf32> to vector<256x256xf32>
    %mul3A_27 = arith.mulf %mul3A_25, %mul3A_26 : vector<256x256xf32>
    %add3A_28 = arith.addf %add3A, %mul3A_27 : vector<256x256xf32>
    %get3A_29 = arith.constant 0 : index
    %get3A_30 = arith.constant 0 : index
    %get3A_31 = vector.load %arg4[%get3A_29, %get3A_30] : memref<1x256xf32, #tpu.memory_space<vmem>>, vector<1x256xf32>
    %add3A_32 = vector.broadcast %get3A_31 : vector<1x256xf32> to vector<256x256xf32>
    %add3A_33 = arith.addf %add3A_28, %add3A_32 : vector<256x256xf32>
    %add3A_34 = arith.addf %get3A_1, %add3A_33 : vector<256x256xf32>
    %convert_element_type3A = arith.truncf %add3A_34 : vector<256x256xf32> to vector<256x256xbf16>
    %convert_element_type3A_35 = arith.truncf %get3A_1 : vector<256x256xf32> to vector<256x256xbf16>
    %get3A_36 = arith.constant 0 : index
    %get3A_37 = arith.constant 0 : index
    %get3A_38 = vector.load %arg5[%get3A_36, %get3A_37] : memref<256x256xf32, #tpu.memory_space<vmem>>, vector<256x256xf32>
    %convert_element_type3A_39 = arith.truncf %get3A_38 : vector<256x256xf32> to vector<256x256xbf16>
    %dot_general3A = arith.constant dense<0.000000e+00> : vector<256x256xf32>
    %dot_general3A_40 = tpu.matmul %convert_element_type3A, %convert_element_type3A_39, %dot_general3A {dimension_numbers = #tpu.dot_dimension_numbers<[1], [0], [0], [1], [0, 0, 1, 1], [], []>, transpose_lhs_hint = false} : vector<256x256xbf16>, vector<256x256xbf16>, vector<256x256xf32> -> vector<256x256xf32>
    %get3A_41 = arith.constant 0 : index
    %get3A_42 = arith.constant 0 : index
    %get3A_43 = vector.load %arg6[%get3A_41, %get3A_42] : memref<1x256xf32, #tpu.memory_space<vmem>>, vector<1x256xf32>
    %add3A_44 = vector.broadcast %get3A_43 : vector<1x256xf32> to vector<256x256xf32>
    %add3A_45 = arith.addf %dot_general3A_40, %add3A_44 : vector<256x256xf32>
    %swap3A = arith.constant 0 : index
    %swap3A_46 = arith.constant 0 : index
    %swap3A_47 = vector.load %arg11[%swap3A, %swap3A_46] : memref<256x256xf32, #tpu.memory_space<vmem>>, vector<256x256xf32>
    tpu.vector_store %arg11[%swap3A, %swap3A_46], %add3A_45 {strides = array<i32>} : memref<256x256xf32, #tpu.memory_space<vmem>>, vector<256x256xf32>,
    %get3A_48 = arith.constant 0 : index
    %get3A_49 = arith.constant 0 : index
    %get3A_50 = vector.load %arg7[%get3A_48, %get3A_49] : memref<256x256xf32, #tpu.memory_space<vmem>>, vector<256x256xf32>
    %convert_element_type3A_51 = arith.truncf %get3A_50 : vector<256x256xf32> to vector<256x256xbf16>
    %dot_general3A_52 = arith.constant dense<0.000000e+00> : vector<256x256xf32>
    %dot_general3A_53 = tpu.matmul %convert_element_type3A, %convert_element_type3A_51, %dot_general3A_52 {dimension_numbers = #tpu.dot_dimension_numbers<[1], [0], [0], [1], [0, 0, 1, 1], [], []>, transpose_lhs_hint = false} : vector<256x256xbf16>, vector<256x256xbf16>, vector<256x256xf32> -> vector<256x256xf32>
    %get3A_54 = arith.constant 0 : index
    %get3A_55 = arith.constant 0 : index
    %get3A_56 = vector.load %arg8[%get3A_54, %get3A_55] : memref<1x256xf32, #tpu.memory_space<vmem>>, vector<1x256xf32>
    %add3A_57 = vector.broadcast %get3A_56 : vector<1x256xf32> to vector<256x256xf32>
    %add3A_58 = arith.addf %dot_general3A_53, %add3A_57 : vector<256x256xf32>
    %swap3A_59 = arith.constant 0 : index
    %swap3A_60 = arith.constant 0 : index
    %swap3A_61 = vector.load %arg12[%swap3A_59, %swap3A_60] : memref<256x256xf32, #tpu.memory_space<vmem>>, vector<256x256xf32>
    tpu.vector_store %arg12[%swap3A_59, %swap3A_60], %add3A_58 {strides = array<i32>} : memref<256x256xf32, #tpu.memory_space<vmem>>, vector<256x256xf32>,
    %get3A_62 = arith.constant 0 : index
    %get3A_63 = arith.constant 0 : index
    %get3A_64 = vector.load %arg9[%get3A_62, %get3A_63] : memref<256x256xf32, #tpu.memory_space<vmem>>, vector<256x256xf32>
    %convert_element_type3A_65 = arith.truncf %get3A_64 : vector<256x256xf32> to vector<256x256xbf16>
    %dot_general3A_66 = arith.constant dense<0.000000e+00> : vector<256x256xf32>
    %dot_general3A_67 = tpu.matmul %convert_element_type3A_35, %convert_element_type3A_65, %dot_general3A_66 {dimension_numbers = #tpu.dot_dimension_numbers<[1], [0], [0], [1], [0, 0, 1, 1], [], []>, transpose_lhs_hint = false} : vector<256x256xbf16>, vector<256x256xbf16>, vector<256x256xf32> -> vector<256x256xf32>
    %get3A_68 = arith.constant 0 : index
    %get3A_69 = arith.constant 0 : index
    %get3A_70 = vector.load %arg10[%get3A_68, %get3A_69] : memref<1x256xf32, #tpu.memory_space<vmem>>, vector<1x256xf32>
    %add3A_71 = vector.broadcast %get3A_70 : vector<1x256xf32> to vector<256x256xf32>
    %add3A_72 = arith.addf %dot_general3A_67, %add3A_71 : vector<256x256xf32>
    %swap3A_73 = arith.constant 0 : index
    %swap3A_74 = arith.constant 0 : index
    %swap3A_75 = vector.load %arg13[%swap3A_73, %swap3A_74] : memref<256x256xf32, #tpu.memory_space<vmem>>, vector<256x256xf32>
    tpu.vector_store %arg13[%swap3A_73, %swap3A_74], %add3A_72 {strides = array<i32>} : memref<256x256xf32, #tpu.memory_space<vmem>>, vector<256x256xf32>,
    return
  }
  func.func @transform_0(%arg0: i32) -> (i32, i32) {
    %c0_i32 = arith.constant 0 : i32
    %c0_i32_0 = arith.constant 0 : i32
    return %arg0, %c0_i32 : i32, i32
  }
  func.func @transform_1(%arg0: i32) -> (i32, i32) {
    %c0_i32 = arith.constant 0 : i32
    %c0_i32_0 = arith.constant 0 : i32
    return %arg0, %c0_i32 : i32, i32
  }
  func.func @transform_2(%arg0: i32) -> (i32, i32) {
    %c0_i32 = arith.constant 0 : i32
    %c0_i32_0 = arith.constant 0 : i32
    %c0_i32_1 = arith.constant 0 : i32
    return %c0_i32, %c0_i32_0 : i32, i32
  }
  func.func @transform_3(%arg0: i32) -> (i32, i32) {
    %c0_i32 = arith.constant 0 : i32
    %c0_i32_0 = arith.constant 0 : i32
    %c0_i32_1 = arith.constant 0 : i32
    return %c0_i32, %c0_i32_0 : i32, i32
  }
  func.func @transform_4(%arg0: i32) -> (i32, i32) {
    %c0_i32 = arith.constant 0 : i32
    %c0_i32_0 = arith.constant 0 : i32
    %c0_i32_1 = arith.constant 0 : i32
    return %c0_i32, %c0_i32_0 : i32, i32
  }
  func.func @transform_5(%arg0: i32) -> (i32, i32) {
    %c0_i32 = arith.constant 0 : i32
    %c0_i32_0 = arith.constant 0 : i32
    %c0_i32_1 = arith.constant 0 : i32
    return %c0_i32, %c0_i32_0 : i32, i32
  }
  func.func @transform_6(%arg0: i32) -> (i32, i32) {
    %c0_i32 = arith.constant 0 : i32
    %c0_i32_0 = arith.constant 0 : i32
    %c0_i32_1 = arith.constant 0 : i32
    return %c0_i32, %c0_i32_0 : i32, i32
  }
  func.func @transform_7(%arg0: i32) -> (i32, i32) {
    %c0_i32 = arith.constant 0 : i32
    %c0_i32_0 = arith.constant 0 : i32
    %c0_i32_1 = arith.constant 0 : i32
    return %c0_i32, %c0_i32_0 : i32, i32
  }
  func.func @transform_8(%arg0: i32) -> (i32, i32) {
    %c0_i32 = arith.constant 0 : i32
    %c0_i32_0 = arith.constant 0 : i32
    %c0_i32_1 = arith.constant 0 : i32
    return %c0_i32, %c0_i32_0 : i32, i32
  }
  func.func @transform_9(%arg0: i32) -> (i32, i32) {
    %c0_i32 = arith.constant 0 : i32
    %c0_i32_0 = arith.constant 0 : i32
    %c0_i32_1 = arith.constant 0 : i32
    return %c0_i32, %c0_i32_0 : i32, i32
  }
  func.func @transform_10(%arg0: i32) -> (i32, i32) {
    %c0_i32 = arith.constant 0 : i32
    %c0_i32_0 = arith.constant 0 : i32
    return %arg0, %c0_i32 : i32, i32
  }
  func.func @transform_11(%arg0: i32) -> (i32, i32) {
    %c0_i32 = arith.constant 0 : i32
    %c0_i32_0 = arith.constant 0 : i32
    return %arg0, %c0_i32 : i32, i32
  }
  func.func @transform_12(%arg0: i32) -> (i32, i32) {
    %c0_i32 = arith.constant 0 : i32
    %c0_i32_0 = arith.constant 0 : i32
    return %arg0, %c0_i32 : i32, i32
  }
}

module attributes {stable_mosaic.version = 14 : i64} {
  func.func @_attn_body(%arg0: i32, %arg1: memref<256x256xf32, #tpu.memory_space<vmem>>, %arg2: memref<256x256xf32, #tpu.memory_space<vmem>>, %arg3: memref<256x256xf32, #tpu.memory_space<vmem>>, %arg4: memref<8x256x256xi32, #tpu.memory_space<vmem>>, %arg5: memref<256x8xf32, #tpu.memory_space<vmem>>, %arg6: memref<256x256xf32, #tpu.memory_space<vmem>>, %arg7: memref<256x256xf32, #tpu.memory_space<vmem>>, %arg8: memref<1x256xf32, #tpu.memory_space<vmem>>, %arg9: memref<1x256xf32, #tpu.memory_space<vmem>>, %arg10: memref<1x256xf32, #tpu.memory_space<vmem>>, %arg11: memref<1x256xf32, #tpu.memory_space<vmem>>, %arg12: memref<1x256xf32, #tpu.memory_space<vmem>>, %arg13: memref<256x1024xf32, #tpu.memory_space<vmem>>, %arg14: memref<1x1024xf32, #tpu.memory_space<vmem>>, %arg15: memref<1024x256xf32, #tpu.memory_space<vmem>>, %arg16: memref<1x256xf32, #tpu.memory_space<vmem>>, %arg17: memref<256x256xf32, #tpu.memory_space<vmem>>) attributes {dimension_semantics = [#tpu.dimension_semantics<arbitrary>], iteration_bounds = array<i64: 32>, scalar_prefetch = 0 : i64, scratch_operands = 0 : i64, tpu.core_type = #tpu.core_type<tc>, window_params = [{transform_indices = @transform_0, window_bounds = array<i64: 256, 256>}, {transform_indices = @transform_1, window_bounds = array<i64: 256, 256>}, {transform_indices = @transform_2, window_bounds = array<i64: 256, 256>}, {transform_indices = @transform_3, window_bounds = array<i64: 8, 256, 256>}, {transform_indices = @transform_4, window_bounds = array<i64: 256, 8>}, {transform_indices = @transform_5, window_bounds = array<i64: 256, 256>}, {pipeline_mode = #tpu.pipeline_mode<synchronous>, transform_indices = @transform_6, window_bounds = array<i64: 256, 256>}, {pipeline_mode = #tpu.pipeline_mode<synchronous>, transform_indices = @transform_7, window_bounds = array<i64: 1, 256>}, {pipeline_mode = #tpu.pipeline_mode<synchronous>, transform_indices = @transform_8, window_bounds = array<i64: 1, 256>}, {pipeline_mode = #tpu.pipeline_mode<synchronous>, transform_indices = @transform_9, window_bounds = array<i64: 1, 256>}, {pipeline_mode = #tpu.pipeline_mode<synchronous>, transform_indices = @transform_10, window_bounds = array<i64: 1, 256>}, {pipeline_mode = #tpu.pipeline_mode<synchronous>, transform_indices = @transform_11, window_bounds = array<i64: 1, 256>}, {pipeline_mode = #tpu.pipeline_mode<synchronous>, transform_indices = @transform_12, window_bounds = array<i64: 256, 1024>}, {pipeline_mode = #tpu.pipeline_mode<synchronous>, transform_indices = @transform_13, window_bounds = array<i64: 1, 1024>}, {pipeline_mode = #tpu.pipeline_mode<synchronous>, transform_indices = @transform_14, window_bounds = array<i64: 1024, 256>}, {pipeline_mode = #tpu.pipeline_mode<synchronous>, transform_indices = @transform_15, window_bounds = array<i64: 1, 256>}, {transform_indices = @transform_16, window_bounds = array<i64: 256, 256>}]} {
    %iota3A = tpu.iota {dimensions = array<i32: 0>} : vector<128x128xi32>
    %iota3A_0 = tpu.iota {dimensions = array<i32: 1>} : vector<128x128xi32>
    %jit3A = arith.constant 16 : i32
    %div3A = vector.broadcast %jit3A : i32 to vector<128x128xi32>
    %div3A_1 = arith.divsi %iota3A, %div3A : vector<128x128xi32>
    %sign3A = arith.constant 0 : i32
    %sign3A_2 = vector.broadcast %sign3A : i32 to vector<128x128xi32>
    %sign3A_3 = arith.cmpi sgt, %iota3A, %sign3A_2 : vector<128x128xi32>
    %sign3A_4 = arith.extui %sign3A_3 : vector<128x128xi1> to vector<128x128xi32>
    %sign3A_5 = arith.constant 0 : i32
    %sign3A_6 = vector.broadcast %sign3A_5 : i32 to vector<128x128xi32>
    %sign3A_7 = arith.cmpi slt, %iota3A, %sign3A_6 : vector<128x128xi32>
    %sign3A_8 = arith.extui %sign3A_7 : vector<128x128xi1> to vector<128x128xi32>
    %sign3A_9 = arith.subi %sign3A_4, %sign3A_8 : vector<128x128xi32>
    %sign3A_10 = arith.constant 0 : i32
    %sign3A_11 = arith.cmpi sgt, %jit3A, %sign3A_10 : i32
    %sign3A_12 = arith.extui %sign3A_11 : i1 to i32
    %sign3A_13 = arith.constant 0 : i32
    %sign3A_14 = arith.cmpi slt, %jit3A, %sign3A_13 : i32
    %sign3A_15 = arith.extui %sign3A_14 : i1 to i32
    %sign3A_16 = arith.subi %sign3A_12, %sign3A_15 : i32
    %ne3A = vector.broadcast %sign3A_16 : i32 to vector<128x128xi32>
    %ne3A_17 = arith.cmpi ne, %sign3A_9, %ne3A : vector<128x128xi32>
    %rem3A = vector.broadcast %jit3A : i32 to vector<128x128xi32>
    %rem3A_18 = arith.remsi %iota3A, %rem3A : vector<128x128xi32>
    %ne3A_19 = arith.constant 0 : i32
    %ne3A_20 = vector.broadcast %ne3A_19 : i32 to vector<128x128xi32>
    %ne3A_21 = arith.cmpi ne, %rem3A_18, %ne3A_20 : vector<128x128xi32>
    %and3A = arith.andi %ne3A_17, %ne3A_21 : vector<128x128xi1>
    %sub3A = arith.constant 1 : i32
    %sub3A_22 = vector.broadcast %sub3A : i32 to vector<128x128xi32>
    %sub3A_23 = arith.subi %div3A_1, %sub3A_22 : vector<128x128xi32>
    %select_n3A = arith.select %and3A, %sub3A_23, %div3A_1 : vector<128x128xi1>, vector<128x128xi32>
    %jit3A_24 = arith.constant 16 : i32
    %div3A_25 = vector.broadcast %jit3A_24 : i32 to vector<128x128xi32>
    %div3A_26 = arith.divsi %iota3A_0, %div3A_25 : vector<128x128xi32>
    %sign3A_27 = arith.constant 0 : i32
    %sign3A_28 = vector.broadcast %sign3A_27 : i32 to vector<128x128xi32>
    %sign3A_29 = arith.cmpi sgt, %iota3A_0, %sign3A_28 : vector<128x128xi32>
    %sign3A_30 = arith.extui %sign3A_29 : vector<128x128xi1> to vector<128x128xi32>
    %sign3A_31 = arith.constant 0 : i32
    %sign3A_32 = vector.broadcast %sign3A_31 : i32 to vector<128x128xi32>
    %sign3A_33 = arith.cmpi slt, %iota3A_0, %sign3A_32 : vector<128x128xi32>
    %sign3A_34 = arith.extui %sign3A_33 : vector<128x128xi1> to vector<128x128xi32>
    %sign3A_35 = arith.subi %sign3A_30, %sign3A_34 : vector<128x128xi32>
    %sign3A_36 = arith.constant 0 : i32
    %sign3A_37 = arith.cmpi sgt, %jit3A_24, %sign3A_36 : i32
    %sign3A_38 = arith.extui %sign3A_37 : i1 to i32
    %sign3A_39 = arith.constant 0 : i32
    %sign3A_40 = arith.cmpi slt, %jit3A_24, %sign3A_39 : i32
    %sign3A_41 = arith.extui %sign3A_40 : i1 to i32
    %sign3A_42 = arith.subi %sign3A_38, %sign3A_41 : i32
    %ne3A_43 = vector.broadcast %sign3A_42 : i32 to vector<128x128xi32>
    %ne3A_44 = arith.cmpi ne, %sign3A_35, %ne3A_43 : vector<128x128xi32>
    %rem3A_45 = vector.broadcast %jit3A_24 : i32 to vector<128x128xi32>
    %rem3A_46 = arith.remsi %iota3A_0, %rem3A_45 : vector<128x128xi32>
    %ne3A_47 = arith.constant 0 : i32
    %ne3A_48 = vector.broadcast %ne3A_47 : i32 to vector<128x128xi32>
    %ne3A_49 = arith.cmpi ne, %rem3A_46, %ne3A_48 : vector<128x128xi32>
    %and3A_50 = arith.andi %ne3A_44, %ne3A_49 : vector<128x128xi1>
    %sub3A_51 = arith.constant 1 : i32
    %sub3A_52 = vector.broadcast %sub3A_51 : i32 to vector<128x128xi32>
    %sub3A_53 = arith.subi %div3A_26, %sub3A_52 : vector<128x128xi32>
    %select_n3A_54 = arith.select %and3A_50, %sub3A_53, %div3A_26 : vector<128x128xi1>, vector<128x128xi32>
    %eq3A = arith.cmpi eq, %select_n3A, %select_n3A_54 : vector<128x128xi32>
    %convert_element_type3A = arith.extui %eq3A : vector<128x128xi1> to vector<128x128xi32>
    %convert_element_type3A_55 = arith.sitofp %convert_element_type3A : vector<128x128xi32> to vector<128x128xf32>
    %convert_element_type3A_56 = arith.truncf %convert_element_type3A_55 : vector<128x128xf32> to vector<128x128xbf16>
    %get3A = arith.constant 0 : index
    %get3A_57 = arith.constant 0 : index
    %get3A_58 = vector.load %arg1[%get3A, %get3A_57] : memref<256x256xf32, #tpu.memory_space<vmem>>, vector<256x128xf32>
    %get3A_59 = arith.constant 0 : index
    %get3A_60 = arith.constant 128 : index
    %get3A_61 = vector.load %arg1[%get3A_59, %get3A_60] : memref<256x256xf32, #tpu.memory_space<vmem>>, vector<256x128xf32>
    %get3A_62 = arith.constant 0 : index
    %get3A_63 = arith.constant 0 : index
    %get3A_64 = vector.load %arg2[%get3A_62, %get3A_63] : memref<256x256xf32, #tpu.memory_space<vmem>>, vector<256x128xf32>
    %mul3A = arith.mulf %get3A_58, %get3A_64 : vector<256x128xf32>
    %get3A_65 = arith.constant 0 : index
    %get3A_66 = arith.constant 128 : index
    %get3A_67 = vector.load %arg2[%get3A_65, %get3A_66] : memref<256x256xf32, #tpu.memory_space<vmem>>, vector<256x128xf32>
    %mul3A_68 = arith.mulf %get3A_61, %get3A_67 : vector<256x128xf32>
    %add3A = arith.addf %mul3A, %mul3A_68 : vector<256x128xf32>
    %convert_element_type3A_69 = arith.truncf %add3A : vector<256x128xf32> to vector<256x128xbf16>
    %dot_general3A = arith.constant dense<0.000000e+00> : vector<256x128xf32>
    %dot_general3A_70 = tpu.matmul %convert_element_type3A_69, %convert_element_type3A_56, %dot_general3A {dimension_numbers = #tpu.dot_dimension_numbers<[1], [0], [0], [1], [0, 0, 1, 1], [], []>, transpose_lhs_hint = false} : vector<256x128xbf16>, vector<128x128xbf16>, vector<256x128xf32> -> vector<256x128xf32>
    %mul3A_71 = arith.constant 0.176776692 : f32
    %mul3A_72 = vector.broadcast %mul3A_71 : f32 to vector<256x128xf32>
    %mul3A_73 = arith.mulf %dot_general3A_70, %mul3A_72 : vector<256x128xf32>
    %get3A_74 = arith.constant 0 : index
    %get3A_75 = arith.constant 0 : index
    %get3A_76 = arith.constant 0 : index
    %get3A_77 = vector.load %arg4[%get3A_74, %get3A_75, %get3A_76] : memref<8x256x256xi32, #tpu.memory_space<vmem>>, vector<1x256x128xi32>
    %get3A_78 = vector.shape_cast %get3A_77 : vector<1x256x128xi32> to vector<256x128xi32>
    %shift_left3A = arith.constant 16 : i32
    %shift_left3A_79 = vector.broadcast %shift_left3A : i32 to vector<256x128xi32>
    %shift_left3A_80 = arith.shli %get3A_78, %shift_left3A_79 : vector<256x128xi32>
    %bitcast_convert_type3A = tpu.bitcast %shift_left3A_80 : vector<256x128xi32> -> vector<256x128xf32>
    %and3A_81 = arith.constant -65536 : i32
    %and3A_82 = vector.broadcast %and3A_81 : i32 to vector<256x128xi32>
    %and3A_83 = arith.andi %get3A_78, %and3A_82 : vector<256x128xi32>
    %bitcast_convert_type3A_84 = tpu.bitcast %and3A_83 : vector<256x128xi32> -> vector<256x128xf32>
    %get3A_85 = arith.constant 0 : index
    %get3A_86 = arith.constant 0 : index
    %get3A_87 = arith.constant 128 : index
    %get3A_88 = vector.load %arg4[%get3A_85, %get3A_86, %get3A_87] : memref<8x256x256xi32, #tpu.memory_space<vmem>>, vector<1x256x128xi32>
    %get3A_89 = vector.shape_cast %get3A_88 : vector<1x256x128xi32> to vector<256x128xi32>
    %shift_left3A_90 = arith.constant 16 : i32
    %shift_left3A_91 = vector.broadcast %shift_left3A_90 : i32 to vector<256x128xi32>
    %shift_left3A_92 = arith.shli %get3A_89, %shift_left3A_91 : vector<256x128xi32>
    %bitcast_convert_type3A_93 = tpu.bitcast %shift_left3A_92 : vector<256x128xi32> -> vector<256x128xf32>
    %and3A_94 = arith.constant -65536 : i32
    %and3A_95 = vector.broadcast %and3A_94 : i32 to vector<256x128xi32>
    %and3A_96 = arith.andi %get3A_89, %and3A_95 : vector<256x128xi32>
    %bitcast_convert_type3A_97 = tpu.bitcast %and3A_96 : vector<256x128xi32> -> vector<256x128xf32>
    %mul3A_98 = arith.mulf %get3A_58, %bitcast_convert_type3A : vector<256x128xf32>
    %mul3A_99 = arith.mulf %get3A_61, %bitcast_convert_type3A_84 : vector<256x128xf32>
    %add3A_100 = arith.addf %mul3A_98, %mul3A_99 : vector<256x128xf32>
    %convert_element_type3A_101 = arith.truncf %add3A_100 : vector<256x128xf32> to vector<256x128xbf16>
    %dot_general3A_102 = arith.constant dense<0.000000e+00> : vector<256x128xf32>
    %dot_general3A_103 = tpu.matmul %convert_element_type3A_101, %convert_element_type3A_56, %dot_general3A_102 {dimension_numbers = #tpu.dot_dimension_numbers<[1], [0], [0], [1], [0, 0, 1, 1], [], []>, transpose_lhs_hint = false} : vector<256x128xbf16>, vector<128x128xbf16>, vector<256x128xf32> -> vector<256x128xf32>
    %mul3A_104 = arith.constant 0.176776692 : f32
    %mul3A_105 = vector.broadcast %mul3A_104 : f32 to vector<256x128xf32>
    %mul3A_106 = arith.mulf %dot_general3A_103, %mul3A_105 : vector<256x128xf32>
    %get3A_107 = arith.constant 0 : index
    %get3A_108 = arith.constant 0 : index
    %get3A_109 = vector.load %arg5[%get3A_107, %get3A_108] : memref<256x8xf32, #tpu.memory_space<vmem>>, vector<256x1xf32>
    %gt3A = arith.constant 5.000000e-01 : f32
    %gt3A_110 = vector.broadcast %gt3A : f32 to vector<256x1xf32>
    %gt3A_111 = arith.cmpf ogt, %get3A_109, %gt3A_110 : vector<256x1xf32>
    %jit3A_112 = arith.constant -1.000000e+09 : f32
    %broadcast_in_dim3A = vector.shape_cast %gt3A_111 : vector<256x1xi1> to vector<256x1xi1>
    %broadcast_in_dim3A_113 = vector.broadcast %broadcast_in_dim3A : vector<256x1xi1> to vector<256x128xi1>
    %broadcast_in_dim3A_114 = vector.broadcast %jit3A_112 : f32 to vector<256x128xf32>
    %select_n3A_115 = arith.select %broadcast_in_dim3A_113, %broadcast_in_dim3A_114, %mul3A_106 : vector<256x128xi1>, vector<256x128xf32>
    %get3A_116 = arith.constant 1 : index
    %get3A_117 = arith.constant 0 : index
    %get3A_118 = arith.constant 0 : index
    %get3A_119 = vector.load %arg4[%get3A_116, %get3A_117, %get3A_118] : memref<8x256x256xi32, #tpu.memory_space<vmem>>, vector<1x256x128xi32>
    %get3A_120 = vector.shape_cast %get3A_119 : vector<1x256x128xi32> to vector<256x128xi32>
    %shift_left3A_121 = arith.constant 16 : i32
    %shift_left3A_122 = vector.broadcast %shift_left3A_121 : i32 to vector<256x128xi32>
    %shift_left3A_123 = arith.shli %get3A_120, %shift_left3A_122 : vector<256x128xi32>
    %bitcast_convert_type3A_124 = tpu.bitcast %shift_left3A_123 : vector<256x128xi32> -> vector<256x128xf32>
    %and3A_125 = arith.constant -65536 : i32
    %and3A_126 = vector.broadcast %and3A_125 : i32 to vector<256x128xi32>
    %and3A_127 = arith.andi %get3A_120, %and3A_126 : vector<256x128xi32>
    %bitcast_convert_type3A_128 = tpu.bitcast %and3A_127 : vector<256x128xi32> -> vector<256x128xf32>
    %get3A_129 = arith.constant 1 : index
    %get3A_130 = arith.constant 0 : index
    %get3A_131 = arith.constant 128 : index
    %get3A_132 = vector.load %arg4[%get3A_129, %get3A_130, %get3A_131] : memref<8x256x256xi32, #tpu.memory_space<vmem>>, vector<1x256x128xi32>
    %get3A_133 = vector.shape_cast %get3A_132 : vector<1x256x128xi32> to vector<256x128xi32>
    %shift_left3A_134 = arith.constant 16 : i32
    %shift_left3A_135 = vector.broadcast %shift_left3A_134 : i32 to vector<256x128xi32>
    %shift_left3A_136 = arith.shli %get3A_133, %shift_left3A_135 : vector<256x128xi32>
    %bitcast_convert_type3A_137 = tpu.bitcast %shift_left3A_136 : vector<256x128xi32> -> vector<256x128xf32>
    %and3A_138 = arith.constant -65536 : i32
    %and3A_139 = vector.broadcast %and3A_138 : i32 to vector<256x128xi32>
    %and3A_140 = arith.andi %get3A_133, %and3A_139 : vector<256x128xi32>
    %bitcast_convert_type3A_141 = tpu.bitcast %and3A_140 : vector<256x128xi32> -> vector<256x128xf32>
    %mul3A_142 = arith.mulf %get3A_58, %bitcast_convert_type3A_124 : vector<256x128xf32>
    %mul3A_143 = arith.mulf %get3A_61, %bitcast_convert_type3A_128 : vector<256x128xf32>
    %add3A_144 = arith.addf %mul3A_142, %mul3A_143 : vector<256x128xf32>
    %convert_element_type3A_145 = arith.truncf %add3A_144 : vector<256x128xf32> to vector<256x128xbf16>
    %dot_general3A_146 = arith.constant dense<0.000000e+00> : vector<256x128xf32>
    %dot_general3A_147 = tpu.matmul %convert_element_type3A_145, %convert_element_type3A_56, %dot_general3A_146 {dimension_numbers = #tpu.dot_dimension_numbers<[1], [0], [0], [1], [0, 0, 1, 1], [], []>, transpose_lhs_hint = false} : vector<256x128xbf16>, vector<128x128xbf16>, vector<256x128xf32> -> vector<256x128xf32>
    %mul3A_148 = arith.constant 0.176776692 : f32
    %mul3A_149 = vector.broadcast %mul3A_148 : f32 to vector<256x128xf32>
    %mul3A_150 = arith.mulf %dot_general3A_147, %mul3A_149 : vector<256x128xf32>
    %get3A_151 = arith.constant 0 : index
    %get3A_152 = arith.constant 1 : index
    %get3A_153 = vector.load %arg5[%get3A_151, %get3A_152] : memref<256x8xf32, #tpu.memory_space<vmem>>, vector<256x1xf32>
    %gt3A_154 = arith.constant 5.000000e-01 : f32
    %gt3A_155 = vector.broadcast %gt3A_154 : f32 to vector<256x1xf32>
    %gt3A_156 = arith.cmpf ogt, %get3A_153, %gt3A_155 : vector<256x1xf32>
    %jit3A_157 = arith.constant -1.000000e+09 : f32
    %broadcast_in_dim3A_158 = vector.shape_cast %gt3A_156 : vector<256x1xi1> to vector<256x1xi1>
    %broadcast_in_dim3A_159 = vector.broadcast %broadcast_in_dim3A_158 : vector<256x1xi1> to vector<256x128xi1>
    %broadcast_in_dim3A_160 = vector.broadcast %jit3A_157 : f32 to vector<256x128xf32>
    %select_n3A_161 = arith.select %broadcast_in_dim3A_159, %broadcast_in_dim3A_160, %mul3A_150 : vector<256x128xi1>, vector<256x128xf32>
    %get3A_162 = arith.constant 2 : index
    %get3A_163 = arith.constant 0 : index
    %get3A_164 = arith.constant 0 : index
    %get3A_165 = vector.load %arg4[%get3A_162, %get3A_163, %get3A_164] : memref<8x256x256xi32, #tpu.memory_space<vmem>>, vector<1x256x128xi32>
    %get3A_166 = vector.shape_cast %get3A_165 : vector<1x256x128xi32> to vector<256x128xi32>
    %shift_left3A_167 = arith.constant 16 : i32
    %shift_left3A_168 = vector.broadcast %shift_left3A_167 : i32 to vector<256x128xi32>
    %shift_left3A_169 = arith.shli %get3A_166, %shift_left3A_168 : vector<256x128xi32>
    %bitcast_convert_type3A_170 = tpu.bitcast %shift_left3A_169 : vector<256x128xi32> -> vector<256x128xf32>
    %and3A_171 = arith.constant -65536 : i32
    %and3A_172 = vector.broadcast %and3A_171 : i32 to vector<256x128xi32>
    %and3A_173 = arith.andi %get3A_166, %and3A_172 : vector<256x128xi32>
    %bitcast_convert_type3A_174 = tpu.bitcast %and3A_173 : vector<256x128xi32> -> vector<256x128xf32>
    %get3A_175 = arith.constant 2 : index
    %get3A_176 = arith.constant 0 : index
    %get3A_177 = arith.constant 128 : index
    %get3A_178 = vector.load %arg4[%get3A_175, %get3A_176, %get3A_177] : memref<8x256x256xi32, #tpu.memory_space<vmem>>, vector<1x256x128xi32>
    %get3A_179 = vector.shape_cast %get3A_178 : vector<1x256x128xi32> to vector<256x128xi32>
    %shift_left3A_180 = arith.constant 16 : i32
    %shift_left3A_181 = vector.broadcast %shift_left3A_180 : i32 to vector<256x128xi32>
    %shift_left3A_182 = arith.shli %get3A_179, %shift_left3A_181 : vector<256x128xi32>
    %bitcast_convert_type3A_183 = tpu.bitcast %shift_left3A_182 : vector<256x128xi32> -> vector<256x128xf32>
    %and3A_184 = arith.constant -65536 : i32
    %and3A_185 = vector.broadcast %and3A_184 : i32 to vector<256x128xi32>
    %and3A_186 = arith.andi %get3A_179, %and3A_185 : vector<256x128xi32>
    %bitcast_convert_type3A_187 = tpu.bitcast %and3A_186 : vector<256x128xi32> -> vector<256x128xf32>
    %mul3A_188 = arith.mulf %get3A_58, %bitcast_convert_type3A_170 : vector<256x128xf32>
    %mul3A_189 = arith.mulf %get3A_61, %bitcast_convert_type3A_174 : vector<256x128xf32>
    %add3A_190 = arith.addf %mul3A_188, %mul3A_189 : vector<256x128xf32>
    %convert_element_type3A_191 = arith.truncf %add3A_190 : vector<256x128xf32> to vector<256x128xbf16>
    %dot_general3A_192 = arith.constant dense<0.000000e+00> : vector<256x128xf32>
    %dot_general3A_193 = tpu.matmul %convert_element_type3A_191, %convert_element_type3A_56, %dot_general3A_192 {dimension_numbers = #tpu.dot_dimension_numbers<[1], [0], [0], [1], [0, 0, 1, 1], [], []>, transpose_lhs_hint = false} : vector<256x128xbf16>, vector<128x128xbf16>, vector<256x128xf32> -> vector<256x128xf32>
    %mul3A_194 = arith.constant 0.176776692 : f32
    %mul3A_195 = vector.broadcast %mul3A_194 : f32 to vector<256x128xf32>
    %mul3A_196 = arith.mulf %dot_general3A_193, %mul3A_195 : vector<256x128xf32>
    %get3A_197 = arith.constant 0 : index
    %get3A_198 = arith.constant 2 : index
    %get3A_199 = vector.load %arg5[%get3A_197, %get3A_198] : memref<256x8xf32, #tpu.memory_space<vmem>>, vector<256x1xf32>
    %gt3A_200 = arith.constant 5.000000e-01 : f32
    %gt3A_201 = vector.broadcast %gt3A_200 : f32 to vector<256x1xf32>
    %gt3A_202 = arith.cmpf ogt, %get3A_199, %gt3A_201 : vector<256x1xf32>
    %jit3A_203 = arith.constant -1.000000e+09 : f32
    %broadcast_in_dim3A_204 = vector.shape_cast %gt3A_202 : vector<256x1xi1> to vector<256x1xi1>
    %broadcast_in_dim3A_205 = vector.broadcast %broadcast_in_dim3A_204 : vector<256x1xi1> to vector<256x128xi1>
    %broadcast_in_dim3A_206 = vector.broadcast %jit3A_203 : f32 to vector<256x128xf32>
    %select_n3A_207 = arith.select %broadcast_in_dim3A_205, %broadcast_in_dim3A_206, %mul3A_196 : vector<256x128xi1>, vector<256x128xf32>
    %get3A_208 = arith.constant 3 : index
    %get3A_209 = arith.constant 0 : index
    %get3A_210 = arith.constant 0 : index
    %get3A_211 = vector.load %arg4[%get3A_208, %get3A_209, %get3A_210] : memref<8x256x256xi32, #tpu.memory_space<vmem>>, vector<1x256x128xi32>
    %get3A_212 = vector.shape_cast %get3A_211 : vector<1x256x128xi32> to vector<256x128xi32>
    %shift_left3A_213 = arith.constant 16 : i32
    %shift_left3A_214 = vector.broadcast %shift_left3A_213 : i32 to vector<256x128xi32>
    %shift_left3A_215 = arith.shli %get3A_212, %shift_left3A_214 : vector<256x128xi32>
    %bitcast_convert_type3A_216 = tpu.bitcast %shift_left3A_215 : vector<256x128xi32> -> vector<256x128xf32>
    %and3A_217 = arith.constant -65536 : i32
    %and3A_218 = vector.broadcast %and3A_217 : i32 to vector<256x128xi32>
    %and3A_219 = arith.andi %get3A_212, %and3A_218 : vector<256x128xi32>
    %bitcast_convert_type3A_220 = tpu.bitcast %and3A_219 : vector<256x128xi32> -> vector<256x128xf32>
    %get3A_221 = arith.constant 3 : index
    %get3A_222 = arith.constant 0 : index
    %get3A_223 = arith.constant 128 : index
    %get3A_224 = vector.load %arg4[%get3A_221, %get3A_222, %get3A_223] : memref<8x256x256xi32, #tpu.memory_space<vmem>>, vector<1x256x128xi32>
    %get3A_225 = vector.shape_cast %get3A_224 : vector<1x256x128xi32> to vector<256x128xi32>
    %shift_left3A_226 = arith.constant 16 : i32
    %shift_left3A_227 = vector.broadcast %shift_left3A_226 : i32 to vector<256x128xi32>
    %shift_left3A_228 = arith.shli %get3A_225, %shift_left3A_227 : vector<256x128xi32>
    %bitcast_convert_type3A_229 = tpu.bitcast %shift_left3A_228 : vector<256x128xi32> -> vector<256x128xf32>
    %and3A_230 = arith.constant -65536 : i32
    %and3A_231 = vector.broadcast %and3A_230 : i32 to vector<256x128xi32>
    %and3A_232 = arith.andi %get3A_225, %and3A_231 : vector<256x128xi32>
    %bitcast_convert_type3A_233 = tpu.bitcast %and3A_232 : vector<256x128xi32> -> vector<256x128xf32>
    %mul3A_234 = arith.mulf %get3A_58, %bitcast_convert_type3A_216 : vector<256x128xf32>
    %mul3A_235 = arith.mulf %get3A_61, %bitcast_convert_type3A_220 : vector<256x128xf32>
    %add3A_236 = arith.addf %mul3A_234, %mul3A_235 : vector<256x128xf32>
    %convert_element_type3A_237 = arith.truncf %add3A_236 : vector<256x128xf32> to vector<256x128xbf16>
    %dot_general3A_238 = arith.constant dense<0.000000e+00> : vector<256x128xf32>
    %dot_general3A_239 = tpu.matmul %convert_element_type3A_237, %convert_element_type3A_56, %dot_general3A_238 {dimension_numbers = #tpu.dot_dimension_numbers<[1], [0], [0], [1], [0, 0, 1, 1], [], []>, transpose_lhs_hint = false} : vector<256x128xbf16>, vector<128x128xbf16>, vector<256x128xf32> -> vector<256x128xf32>
    %mul3A_240 = arith.constant 0.176776692 : f32
    %mul3A_241 = vector.broadcast %mul3A_240 : f32 to vector<256x128xf32>
    %mul3A_242 = arith.mulf %dot_general3A_239, %mul3A_241 : vector<256x128xf32>
    %get3A_243 = arith.constant 0 : index
    %get3A_244 = arith.constant 3 : index
    %get3A_245 = vector.load %arg5[%get3A_243, %get3A_244] : memref<256x8xf32, #tpu.memory_space<vmem>>, vector<256x1xf32>
    %gt3A_246 = arith.constant 5.000000e-01 : f32
    %gt3A_247 = vector.broadcast %gt3A_246 : f32 to vector<256x1xf32>
    %gt3A_248 = arith.cmpf ogt, %get3A_245, %gt3A_247 : vector<256x1xf32>
    %jit3A_249 = arith.constant -1.000000e+09 : f32
    %broadcast_in_dim3A_250 = vector.shape_cast %gt3A_248 : vector<256x1xi1> to vector<256x1xi1>
    %broadcast_in_dim3A_251 = vector.broadcast %broadcast_in_dim3A_250 : vector<256x1xi1> to vector<256x128xi1>
    %broadcast_in_dim3A_252 = vector.broadcast %jit3A_249 : f32 to vector<256x128xf32>
    %select_n3A_253 = arith.select %broadcast_in_dim3A_251, %broadcast_in_dim3A_252, %mul3A_242 : vector<256x128xi1>, vector<256x128xf32>
    %get3A_254 = arith.constant 4 : index
    %get3A_255 = arith.constant 0 : index
    %get3A_256 = arith.constant 0 : index
    %get3A_257 = vector.load %arg4[%get3A_254, %get3A_255, %get3A_256] : memref<8x256x256xi32, #tpu.memory_space<vmem>>, vector<1x256x128xi32>
    %get3A_258 = vector.shape_cast %get3A_257 : vector<1x256x128xi32> to vector<256x128xi32>
    %shift_left3A_259 = arith.constant 16 : i32
    %shift_left3A_260 = vector.broadcast %shift_left3A_259 : i32 to vector<256x128xi32>
    %shift_left3A_261 = arith.shli %get3A_258, %shift_left3A_260 : vector<256x128xi32>
    %bitcast_convert_type3A_262 = tpu.bitcast %shift_left3A_261 : vector<256x128xi32> -> vector<256x128xf32>
    %and3A_263 = arith.constant -65536 : i32
    %and3A_264 = vector.broadcast %and3A_263 : i32 to vector<256x128xi32>
    %and3A_265 = arith.andi %get3A_258, %and3A_264 : vector<256x128xi32>
    %bitcast_convert_type3A_266 = tpu.bitcast %and3A_265 : vector<256x128xi32> -> vector<256x128xf32>
    %get3A_267 = arith.constant 4 : index
    %get3A_268 = arith.constant 0 : index
    %get3A_269 = arith.constant 128 : index
    %get3A_270 = vector.load %arg4[%get3A_267, %get3A_268, %get3A_269] : memref<8x256x256xi32, #tpu.memory_space<vmem>>, vector<1x256x128xi32>
    %get3A_271 = vector.shape_cast %get3A_270 : vector<1x256x128xi32> to vector<256x128xi32>
    %shift_left3A_272 = arith.constant 16 : i32
    %shift_left3A_273 = vector.broadcast %shift_left3A_272 : i32 to vector<256x128xi32>
    %shift_left3A_274 = arith.shli %get3A_271, %shift_left3A_273 : vector<256x128xi32>
    %bitcast_convert_type3A_275 = tpu.bitcast %shift_left3A_274 : vector<256x128xi32> -> vector<256x128xf32>
    %and3A_276 = arith.constant -65536 : i32
    %and3A_277 = vector.broadcast %and3A_276 : i32 to vector<256x128xi32>
    %and3A_278 = arith.andi %get3A_271, %and3A_277 : vector<256x128xi32>
    %bitcast_convert_type3A_279 = tpu.bitcast %and3A_278 : vector<256x128xi32> -> vector<256x128xf32>
    %mul3A_280 = arith.mulf %get3A_58, %bitcast_convert_type3A_262 : vector<256x128xf32>
    %mul3A_281 = arith.mulf %get3A_61, %bitcast_convert_type3A_266 : vector<256x128xf32>
    %add3A_282 = arith.addf %mul3A_280, %mul3A_281 : vector<256x128xf32>
    %convert_element_type3A_283 = arith.truncf %add3A_282 : vector<256x128xf32> to vector<256x128xbf16>
    %dot_general3A_284 = arith.constant dense<0.000000e+00> : vector<256x128xf32>
    %dot_general3A_285 = tpu.matmul %convert_element_type3A_283, %convert_element_type3A_56, %dot_general3A_284 {dimension_numbers = #tpu.dot_dimension_numbers<[1], [0], [0], [1], [0, 0, 1, 1], [], []>, transpose_lhs_hint = false} : vector<256x128xbf16>, vector<128x128xbf16>, vector<256x128xf32> -> vector<256x128xf32>
    %mul3A_286 = arith.constant 0.176776692 : f32
    %mul3A_287 = vector.broadcast %mul3A_286 : f32 to vector<256x128xf32>
    %mul3A_288 = arith.mulf %dot_general3A_285, %mul3A_287 : vector<256x128xf32>
    %get3A_289 = arith.constant 0 : index
    %get3A_290 = arith.constant 4 : index
    %get3A_291 = vector.load %arg5[%get3A_289, %get3A_290] : memref<256x8xf32, #tpu.memory_space<vmem>>, vector<256x1xf32>
    %gt3A_292 = arith.constant 5.000000e-01 : f32
    %gt3A_293 = vector.broadcast %gt3A_292 : f32 to vector<256x1xf32>
    %gt3A_294 = arith.cmpf ogt, %get3A_291, %gt3A_293 : vector<256x1xf32>
    %jit3A_295 = arith.constant -1.000000e+09 : f32
    %broadcast_in_dim3A_296 = vector.shape_cast %gt3A_294 : vector<256x1xi1> to vector<256x1xi1>
    %broadcast_in_dim3A_297 = vector.broadcast %broadcast_in_dim3A_296 : vector<256x1xi1> to vector<256x128xi1>
    %broadcast_in_dim3A_298 = vector.broadcast %jit3A_295 : f32 to vector<256x128xf32>
    %select_n3A_299 = arith.select %broadcast_in_dim3A_297, %broadcast_in_dim3A_298, %mul3A_288 : vector<256x128xi1>, vector<256x128xf32>
    %get3A_300 = arith.constant 5 : index
    %get3A_301 = arith.constant 0 : index
    %get3A_302 = arith.constant 0 : index
    %get3A_303 = vector.load %arg4[%get3A_300, %get3A_301, %get3A_302] : memref<8x256x256xi32, #tpu.memory_space<vmem>>, vector<1x256x128xi32>
    %get3A_304 = vector.shape_cast %get3A_303 : vector<1x256x128xi32> to vector<256x128xi32>
    %shift_left3A_305 = arith.constant 16 : i32
    %shift_left3A_306 = vector.broadcast %shift_left3A_305 : i32 to vector<256x128xi32>
    %shift_left3A_307 = arith.shli %get3A_304, %shift_left3A_306 : vector<256x128xi32>
    %bitcast_convert_type3A_308 = tpu.bitcast %shift_left3A_307 : vector<256x128xi32> -> vector<256x128xf32>
    %and3A_309 = arith.constant -65536 : i32
    %and3A_310 = vector.broadcast %and3A_309 : i32 to vector<256x128xi32>
    %and3A_311 = arith.andi %get3A_304, %and3A_310 : vector<256x128xi32>
    %bitcast_convert_type3A_312 = tpu.bitcast %and3A_311 : vector<256x128xi32> -> vector<256x128xf32>
    %get3A_313 = arith.constant 5 : index
    %get3A_314 = arith.constant 0 : index
    %get3A_315 = arith.constant 128 : index
    %get3A_316 = vector.load %arg4[%get3A_313, %get3A_314, %get3A_315] : memref<8x256x256xi32, #tpu.memory_space<vmem>>, vector<1x256x128xi32>
    %get3A_317 = vector.shape_cast %get3A_316 : vector<1x256x128xi32> to vector<256x128xi32>
    %shift_left3A_318 = arith.constant 16 : i32
    %shift_left3A_319 = vector.broadcast %shift_left3A_318 : i32 to vector<256x128xi32>
    %shift_left3A_320 = arith.shli %get3A_317, %shift_left3A_319 : vector<256x128xi32>
    %bitcast_convert_type3A_321 = tpu.bitcast %shift_left3A_320 : vector<256x128xi32> -> vector<256x128xf32>
    %and3A_322 = arith.constant -65536 : i32
    %and3A_323 = vector.broadcast %and3A_322 : i32 to vector<256x128xi32>
    %and3A_324 = arith.andi %get3A_317, %and3A_323 : vector<256x128xi32>
    %bitcast_convert_type3A_325 = tpu.bitcast %and3A_324 : vector<256x128xi32> -> vector<256x128xf32>
    %mul3A_326 = arith.mulf %get3A_58, %bitcast_convert_type3A_308 : vector<256x128xf32>
    %mul3A_327 = arith.mulf %get3A_61, %bitcast_convert_type3A_312 : vector<256x128xf32>
    %add3A_328 = arith.addf %mul3A_326, %mul3A_327 : vector<256x128xf32>
    %convert_element_type3A_329 = arith.truncf %add3A_328 : vector<256x128xf32> to vector<256x128xbf16>
    %dot_general3A_330 = arith.constant dense<0.000000e+00> : vector<256x128xf32>
    %dot_general3A_331 = tpu.matmul %convert_element_type3A_329, %convert_element_type3A_56, %dot_general3A_330 {dimension_numbers = #tpu.dot_dimension_numbers<[1], [0], [0], [1], [0, 0, 1, 1], [], []>, transpose_lhs_hint = false} : vector<256x128xbf16>, vector<128x128xbf16>, vector<256x128xf32> -> vector<256x128xf32>
    %mul3A_332 = arith.constant 0.176776692 : f32
    %mul3A_333 = vector.broadcast %mul3A_332 : f32 to vector<256x128xf32>
    %mul3A_334 = arith.mulf %dot_general3A_331, %mul3A_333 : vector<256x128xf32>
    %get3A_335 = arith.constant 0 : index
    %get3A_336 = arith.constant 5 : index
    %get3A_337 = vector.load %arg5[%get3A_335, %get3A_336] : memref<256x8xf32, #tpu.memory_space<vmem>>, vector<256x1xf32>
    %gt3A_338 = arith.constant 5.000000e-01 : f32
    %gt3A_339 = vector.broadcast %gt3A_338 : f32 to vector<256x1xf32>
    %gt3A_340 = arith.cmpf ogt, %get3A_337, %gt3A_339 : vector<256x1xf32>
    %jit3A_341 = arith.constant -1.000000e+09 : f32
    %broadcast_in_dim3A_342 = vector.shape_cast %gt3A_340 : vector<256x1xi1> to vector<256x1xi1>
    %broadcast_in_dim3A_343 = vector.broadcast %broadcast_in_dim3A_342 : vector<256x1xi1> to vector<256x128xi1>
    %broadcast_in_dim3A_344 = vector.broadcast %jit3A_341 : f32 to vector<256x128xf32>
    %select_n3A_345 = arith.select %broadcast_in_dim3A_343, %broadcast_in_dim3A_344, %mul3A_334 : vector<256x128xi1>, vector<256x128xf32>
    %get3A_346 = arith.constant 6 : index
    %get3A_347 = arith.constant 0 : index
    %get3A_348 = arith.constant 0 : index
    %get3A_349 = vector.load %arg4[%get3A_346, %get3A_347, %get3A_348] : memref<8x256x256xi32, #tpu.memory_space<vmem>>, vector<1x256x128xi32>
    %get3A_350 = vector.shape_cast %get3A_349 : vector<1x256x128xi32> to vector<256x128xi32>
    %shift_left3A_351 = arith.constant 16 : i32
    %shift_left3A_352 = vector.broadcast %shift_left3A_351 : i32 to vector<256x128xi32>
    %shift_left3A_353 = arith.shli %get3A_350, %shift_left3A_352 : vector<256x128xi32>
    %bitcast_convert_type3A_354 = tpu.bitcast %shift_left3A_353 : vector<256x128xi32> -> vector<256x128xf32>
    %and3A_355 = arith.constant -65536 : i32
    %and3A_356 = vector.broadcast %and3A_355 : i32 to vector<256x128xi32>
    %and3A_357 = arith.andi %get3A_350, %and3A_356 : vector<256x128xi32>
    %bitcast_convert_type3A_358 = tpu.bitcast %and3A_357 : vector<256x128xi32> -> vector<256x128xf32>
    %get3A_359 = arith.constant 6 : index
    %get3A_360 = arith.constant 0 : index
    %get3A_361 = arith.constant 128 : index
    %get3A_362 = vector.load %arg4[%get3A_359, %get3A_360, %get3A_361] : memref<8x256x256xi32, #tpu.memory_space<vmem>>, vector<1x256x128xi32>
    %get3A_363 = vector.shape_cast %get3A_362 : vector<1x256x128xi32> to vector<256x128xi32>
    %shift_left3A_364 = arith.constant 16 : i32
    %shift_left3A_365 = vector.broadcast %shift_left3A_364 : i32 to vector<256x128xi32>
    %shift_left3A_366 = arith.shli %get3A_363, %shift_left3A_365 : vector<256x128xi32>
    %bitcast_convert_type3A_367 = tpu.bitcast %shift_left3A_366 : vector<256x128xi32> -> vector<256x128xf32>
    %and3A_368 = arith.constant -65536 : i32
    %and3A_369 = vector.broadcast %and3A_368 : i32 to vector<256x128xi32>
    %and3A_370 = arith.andi %get3A_363, %and3A_369 : vector<256x128xi32>
    %bitcast_convert_type3A_371 = tpu.bitcast %and3A_370 : vector<256x128xi32> -> vector<256x128xf32>
    %mul3A_372 = arith.mulf %get3A_58, %bitcast_convert_type3A_354 : vector<256x128xf32>
    %mul3A_373 = arith.mulf %get3A_61, %bitcast_convert_type3A_358 : vector<256x128xf32>
    %add3A_374 = arith.addf %mul3A_372, %mul3A_373 : vector<256x128xf32>
    %convert_element_type3A_375 = arith.truncf %add3A_374 : vector<256x128xf32> to vector<256x128xbf16>
    %dot_general3A_376 = arith.constant dense<0.000000e+00> : vector<256x128xf32>
    %dot_general3A_377 = tpu.matmul %convert_element_type3A_375, %convert_element_type3A_56, %dot_general3A_376 {dimension_numbers = #tpu.dot_dimension_numbers<[1], [0], [0], [1], [0, 0, 1, 1], [], []>, transpose_lhs_hint = false} : vector<256x128xbf16>, vector<128x128xbf16>, vector<256x128xf32> -> vector<256x128xf32>
    %mul3A_378 = arith.constant 0.176776692 : f32
    %mul3A_379 = vector.broadcast %mul3A_378 : f32 to vector<256x128xf32>
    %mul3A_380 = arith.mulf %dot_general3A_377, %mul3A_379 : vector<256x128xf32>
    %get3A_381 = arith.constant 0 : index
    %get3A_382 = arith.constant 6 : index
    %get3A_383 = vector.load %arg5[%get3A_381, %get3A_382] : memref<256x8xf32, #tpu.memory_space<vmem>>, vector<256x1xf32>
    %gt3A_384 = arith.constant 5.000000e-01 : f32
    %gt3A_385 = vector.broadcast %gt3A_384 : f32 to vector<256x1xf32>
    %gt3A_386 = arith.cmpf ogt, %get3A_383, %gt3A_385 : vector<256x1xf32>
    %jit3A_387 = arith.constant -1.000000e+09 : f32
    %broadcast_in_dim3A_388 = vector.shape_cast %gt3A_386 : vector<256x1xi1> to vector<256x1xi1>
    %broadcast_in_dim3A_389 = vector.broadcast %broadcast_in_dim3A_388 : vector<256x1xi1> to vector<256x128xi1>
    %broadcast_in_dim3A_390 = vector.broadcast %jit3A_387 : f32 to vector<256x128xf32>
    %select_n3A_391 = arith.select %broadcast_in_dim3A_389, %broadcast_in_dim3A_390, %mul3A_380 : vector<256x128xi1>, vector<256x128xf32>
    %get3A_392 = arith.constant 7 : index
    %get3A_393 = arith.constant 0 : index
    %get3A_394 = arith.constant 0 : index
    %get3A_395 = vector.load %arg4[%get3A_392, %get3A_393, %get3A_394] : memref<8x256x256xi32, #tpu.memory_space<vmem>>, vector<1x256x128xi32>
    %get3A_396 = vector.shape_cast %get3A_395 : vector<1x256x128xi32> to vector<256x128xi32>
    %shift_left3A_397 = arith.constant 16 : i32
    %shift_left3A_398 = vector.broadcast %shift_left3A_397 : i32 to vector<256x128xi32>
    %shift_left3A_399 = arith.shli %get3A_396, %shift_left3A_398 : vector<256x128xi32>
    %bitcast_convert_type3A_400 = tpu.bitcast %shift_left3A_399 : vector<256x128xi32> -> vector<256x128xf32>
    %and3A_401 = arith.constant -65536 : i32
    %and3A_402 = vector.broadcast %and3A_401 : i32 to vector<256x128xi32>
    %and3A_403 = arith.andi %get3A_396, %and3A_402 : vector<256x128xi32>
    %bitcast_convert_type3A_404 = tpu.bitcast %and3A_403 : vector<256x128xi32> -> vector<256x128xf32>
    %get3A_405 = arith.constant 7 : index
    %get3A_406 = arith.constant 0 : index
    %get3A_407 = arith.constant 128 : index
    %get3A_408 = vector.load %arg4[%get3A_405, %get3A_406, %get3A_407] : memref<8x256x256xi32, #tpu.memory_space<vmem>>, vector<1x256x128xi32>
    %get3A_409 = vector.shape_cast %get3A_408 : vector<1x256x128xi32> to vector<256x128xi32>
    %shift_left3A_410 = arith.constant 16 : i32
    %shift_left3A_411 = vector.broadcast %shift_left3A_410 : i32 to vector<256x128xi32>
    %shift_left3A_412 = arith.shli %get3A_409, %shift_left3A_411 : vector<256x128xi32>
    %bitcast_convert_type3A_413 = tpu.bitcast %shift_left3A_412 : vector<256x128xi32> -> vector<256x128xf32>
    %and3A_414 = arith.constant -65536 : i32
    %and3A_415 = vector.broadcast %and3A_414 : i32 to vector<256x128xi32>
    %and3A_416 = arith.andi %get3A_409, %and3A_415 : vector<256x128xi32>
    %bitcast_convert_type3A_417 = tpu.bitcast %and3A_416 : vector<256x128xi32> -> vector<256x128xf32>
    %mul3A_418 = arith.mulf %get3A_58, %bitcast_convert_type3A_400 : vector<256x128xf32>
    %mul3A_419 = arith.mulf %get3A_61, %bitcast_convert_type3A_404 : vector<256x128xf32>
    %add3A_420 = arith.addf %mul3A_418, %mul3A_419 : vector<256x128xf32>
    %convert_element_type3A_421 = arith.truncf %add3A_420 : vector<256x128xf32> to vector<256x128xbf16>
    %dot_general3A_422 = arith.constant dense<0.000000e+00> : vector<256x128xf32>
    %dot_general3A_423 = tpu.matmul %convert_element_type3A_421, %convert_element_type3A_56, %dot_general3A_422 {dimension_numbers = #tpu.dot_dimension_numbers<[1], [0], [0], [1], [0, 0, 1, 1], [], []>, transpose_lhs_hint = false} : vector<256x128xbf16>, vector<128x128xbf16>, vector<256x128xf32> -> vector<256x128xf32>
    %mul3A_424 = arith.constant 0.176776692 : f32
    %mul3A_425 = vector.broadcast %mul3A_424 : f32 to vector<256x128xf32>
    %mul3A_426 = arith.mulf %dot_general3A_423, %mul3A_425 : vector<256x128xf32>
    %get3A_427 = arith.constant 0 : index
    %get3A_428 = arith.constant 7 : index
    %get3A_429 = vector.load %arg5[%get3A_427, %get3A_428] : memref<256x8xf32, #tpu.memory_space<vmem>>, vector<256x1xf32>
    %gt3A_430 = arith.constant 5.000000e-01 : f32
    %gt3A_431 = vector.broadcast %gt3A_430 : f32 to vector<256x1xf32>
    %gt3A_432 = arith.cmpf ogt, %get3A_429, %gt3A_431 : vector<256x1xf32>
    %jit3A_433 = arith.constant -1.000000e+09 : f32
    %broadcast_in_dim3A_434 = vector.shape_cast %gt3A_432 : vector<256x1xi1> to vector<256x1xi1>
    %broadcast_in_dim3A_435 = vector.broadcast %broadcast_in_dim3A_434 : vector<256x1xi1> to vector<256x128xi1>
    %broadcast_in_dim3A_436 = vector.broadcast %jit3A_433 : f32 to vector<256x128xf32>
    %select_n3A_437 = arith.select %broadcast_in_dim3A_435, %broadcast_in_dim3A_436, %mul3A_426 : vector<256x128xi1>, vector<256x128xf32>
    %max3A = arith.maximumf %mul3A_73, %select_n3A_115 : vector<256x128xf32>
    %max3A_438 = arith.maximumf %max3A, %select_n3A_161 : vector<256x128xf32>
    %max3A_439 = arith.maximumf %max3A_438, %select_n3A_207 : vector<256x128xf32>
    %max3A_440 = arith.maximumf %max3A_439, %select_n3A_253 : vector<256x128xf32>
    %max3A_441 = arith.maximumf %max3A_440, %select_n3A_299 : vector<256x128xf32>
    %max3A_442 = arith.maximumf %max3A_441, %select_n3A_345 : vector<256x128xf32>
    %max3A_443 = arith.maximumf %max3A_442, %select_n3A_391 : vector<256x128xf32>
    %max3A_444 = arith.maximumf %max3A_443, %select_n3A_437 : vector<256x128xf32>
    %sub3A_445 = arith.subf %mul3A_73, %max3A_444 : vector<256x128xf32>
    %exp3A = math.exp %sub3A_445 : vector<256x128xf32>
    %get3A_446 = arith.constant 0 : index
    %get3A_447 = arith.constant 0 : index
    %get3A_448 = vector.load %arg3[%get3A_446, %get3A_447] : memref<256x256xf32, #tpu.memory_space<vmem>>, vector<256x128xf32>
    %mul3A_449 = arith.mulf %exp3A, %get3A_448 : vector<256x128xf32>
    %get3A_450 = arith.constant 0 : index
    %get3A_451 = arith.constant 128 : index
    %get3A_452 = vector.load %arg3[%get3A_450, %get3A_451] : memref<256x256xf32, #tpu.memory_space<vmem>>, vector<256x128xf32>
    %mul3A_453 = arith.mulf %exp3A, %get3A_452 : vector<256x128xf32>
    %sub3A_454 = arith.subf %select_n3A_115, %max3A_444 : vector<256x128xf32>
    %exp3A_455 = math.exp %sub3A_454 : vector<256x128xf32>
    %add3A_456 = arith.addf %exp3A, %exp3A_455 : vector<256x128xf32>
    %mul3A_457 = arith.mulf %exp3A_455, %bitcast_convert_type3A_93 : vector<256x128xf32>
    %add3A_458 = arith.addf %mul3A_449, %mul3A_457 : vector<256x128xf32>
    %mul3A_459 = arith.mulf %exp3A_455, %bitcast_convert_type3A_97 : vector<256x128xf32>
    %add3A_460 = arith.addf %mul3A_453, %mul3A_459 : vector<256x128xf32>
    %sub3A_461 = arith.subf %select_n3A_161, %max3A_444 : vector<256x128xf32>
    %exp3A_462 = math.exp %sub3A_461 : vector<256x128xf32>
    %add3A_463 = arith.addf %add3A_456, %exp3A_462 : vector<256x128xf32>
    %mul3A_464 = arith.mulf %exp3A_462, %bitcast_convert_type3A_137 : vector<256x128xf32>
    %add3A_465 = arith.addf %add3A_458, %mul3A_464 : vector<256x128xf32>
    %mul3A_466 = arith.mulf %exp3A_462, %bitcast_convert_type3A_141 : vector<256x128xf32>
    %add3A_467 = arith.addf %add3A_460, %mul3A_466 : vector<256x128xf32>
    %sub3A_468 = arith.subf %select_n3A_207, %max3A_444 : vector<256x128xf32>
    %exp3A_469 = math.exp %sub3A_468 : vector<256x128xf32>
    %add3A_470 = arith.addf %add3A_463, %exp3A_469 : vector<256x128xf32>
    %mul3A_471 = arith.mulf %exp3A_469, %bitcast_convert_type3A_183 : vector<256x128xf32>
    %add3A_472 = arith.addf %add3A_465, %mul3A_471 : vector<256x128xf32>
    %mul3A_473 = arith.mulf %exp3A_469, %bitcast_convert_type3A_187 : vector<256x128xf32>
    %add3A_474 = arith.addf %add3A_467, %mul3A_473 : vector<256x128xf32>
    %sub3A_475 = arith.subf %select_n3A_253, %max3A_444 : vector<256x128xf32>
    %exp3A_476 = math.exp %sub3A_475 : vector<256x128xf32>
    %add3A_477 = arith.addf %add3A_470, %exp3A_476 : vector<256x128xf32>
    %mul3A_478 = arith.mulf %exp3A_476, %bitcast_convert_type3A_229 : vector<256x128xf32>
    %add3A_479 = arith.addf %add3A_472, %mul3A_478 : vector<256x128xf32>
    %mul3A_480 = arith.mulf %exp3A_476, %bitcast_convert_type3A_233 : vector<256x128xf32>
    %add3A_481 = arith.addf %add3A_474, %mul3A_480 : vector<256x128xf32>
    %sub3A_482 = arith.subf %select_n3A_299, %max3A_444 : vector<256x128xf32>
    %exp3A_483 = math.exp %sub3A_482 : vector<256x128xf32>
    %add3A_484 = arith.addf %add3A_477, %exp3A_483 : vector<256x128xf32>
    %mul3A_485 = arith.mulf %exp3A_483, %bitcast_convert_type3A_275 : vector<256x128xf32>
    %add3A_486 = arith.addf %add3A_479, %mul3A_485 : vector<256x128xf32>
    %mul3A_487 = arith.mulf %exp3A_483, %bitcast_convert_type3A_279 : vector<256x128xf32>
    %add3A_488 = arith.addf %add3A_481, %mul3A_487 : vector<256x128xf32>
    %sub3A_489 = arith.subf %select_n3A_345, %max3A_444 : vector<256x128xf32>
    %exp3A_490 = math.exp %sub3A_489 : vector<256x128xf32>
    %add3A_491 = arith.addf %add3A_484, %exp3A_490 : vector<256x128xf32>
    %mul3A_492 = arith.mulf %exp3A_490, %bitcast_convert_type3A_321 : vector<256x128xf32>
    %add3A_493 = arith.addf %add3A_486, %mul3A_492 : vector<256x128xf32>
    %mul3A_494 = arith.mulf %exp3A_490, %bitcast_convert_type3A_325 : vector<256x128xf32>
    %add3A_495 = arith.addf %add3A_488, %mul3A_494 : vector<256x128xf32>
    %sub3A_496 = arith.subf %select_n3A_391, %max3A_444 : vector<256x128xf32>
    %exp3A_497 = math.exp %sub3A_496 : vector<256x128xf32>
    %add3A_498 = arith.addf %add3A_491, %exp3A_497 : vector<256x128xf32>
    %mul3A_499 = arith.mulf %exp3A_497, %bitcast_convert_type3A_367 : vector<256x128xf32>
    %add3A_500 = arith.addf %add3A_493, %mul3A_499 : vector<256x128xf32>
    %mul3A_501 = arith.mulf %exp3A_497, %bitcast_convert_type3A_371 : vector<256x128xf32>
    %add3A_502 = arith.addf %add3A_495, %mul3A_501 : vector<256x128xf32>
    %sub3A_503 = arith.subf %select_n3A_437, %max3A_444 : vector<256x128xf32>
    %exp3A_504 = math.exp %sub3A_503 : vector<256x128xf32>
    %add3A_505 = arith.addf %add3A_498, %exp3A_504 : vector<256x128xf32>
    %mul3A_506 = arith.mulf %exp3A_504, %bitcast_convert_type3A_413 : vector<256x128xf32>
    %add3A_507 = arith.addf %add3A_500, %mul3A_506 : vector<256x128xf32>
    %mul3A_508 = arith.mulf %exp3A_504, %bitcast_convert_type3A_417 : vector<256x128xf32>
    %add3A_509 = arith.addf %add3A_502, %mul3A_508 : vector<256x128xf32>
    %div3A_510 = arith.divf %add3A_507, %add3A_505 : vector<256x128xf32>
    %div3A_511 = arith.divf %add3A_509, %add3A_505 : vector<256x128xf32>
    %concatenate3A = tpu.concatenate %div3A_510, %div3A_511 in 1 : vector<256x128xf32>, vector<256x128xf32> -> vector<256x256xf32>
    %convert_element_type3A_512 = arith.truncf %concatenate3A : vector<256x256xf32> to vector<256x256xbf16>
    %get3A_513 = arith.constant 0 : index
    %get3A_514 = arith.constant 0 : index
    %get3A_515 = vector.load %arg7[%get3A_513, %get3A_514] : memref<256x256xf32, #tpu.memory_space<vmem>>, vector<256x256xf32>
    %convert_element_type3A_516 = arith.truncf %get3A_515 : vector<256x256xf32> to vector<256x256xbf16>
    %dot_general3A_517 = arith.constant dense<0.000000e+00> : vector<256x256xf32>
    %dot_general3A_518 = tpu.matmul %convert_element_type3A_512, %convert_element_type3A_516, %dot_general3A_517 {dimension_numbers = #tpu.dot_dimension_numbers<[1], [0], [0], [1], [0, 0, 1, 1], [], []>, transpose_lhs_hint = false} : vector<256x256xbf16>, vector<256x256xbf16>, vector<256x256xf32> -> vector<256x256xf32>
    %get3A_519 = arith.constant 0 : index
    %get3A_520 = arith.constant 0 : index
    %get3A_521 = vector.load %arg8[%get3A_519, %get3A_520] : memref<1x256xf32, #tpu.memory_space<vmem>>, vector<1x256xf32>
    %add3A_522 = vector.broadcast %get3A_521 : vector<1x256xf32> to vector<256x256xf32>
    %add3A_523 = arith.addf %dot_general3A_518, %add3A_522 : vector<256x256xf32>
    %get3A_524 = arith.constant 0 : index
    %get3A_525 = arith.constant 0 : index
    %get3A_526 = vector.load %arg6[%get3A_524, %get3A_525] : memref<256x256xf32, #tpu.memory_space<vmem>>, vector<256x256xf32>
    %add3A_527 = arith.addf %get3A_526, %add3A_523 : vector<256x256xf32>
    %reduce_sum3A = arith.constant dense<0.000000e+00> : vector<256xf32>
    %reduce_sum3A_528 = vector.multi_reduction <add>, %add3A_527, %reduce_sum3A [1] : vector<256x256xf32> to vector<256xf32>
    %broadcast_in_dim3A_529 = vector.shape_cast %reduce_sum3A_528 : vector<256xf32> to vector<256x1xf32>
    %div3A_530 = arith.constant 2.560000e+02 : f32
    %div3A_531 = vector.broadcast %div3A_530 : f32 to vector<256x1xf32>
    %div3A_532 = arith.divf %broadcast_in_dim3A_529, %div3A_531 : vector<256x1xf32>
    %sub3A_533 = vector.broadcast %div3A_532 : vector<256x1xf32> to vector<256x256xf32>
    %sub3A_534 = arith.subf %add3A_527, %sub3A_533 : vector<256x256xf32>
    %mul3A_535 = arith.mulf %sub3A_534, %sub3A_534 : vector<256x256xf32>
    %reduce_sum3A_536 = arith.constant dense<0.000000e+00> : vector<256xf32>
    %reduce_sum3A_537 = vector.multi_reduction <add>, %mul3A_535, %reduce_sum3A_536 [1] : vector<256x256xf32> to vector<256xf32>
    %broadcast_in_dim3A_538 = vector.shape_cast %reduce_sum3A_537 : vector<256xf32> to vector<256x1xf32>
    %div3A_539 = arith.constant 2.560000e+02 : f32
    %div3A_540 = vector.broadcast %div3A_539 : f32 to vector<256x1xf32>
    %div3A_541 = arith.divf %broadcast_in_dim3A_538, %div3A_540 : vector<256x1xf32>
    %add3A_542 = arith.constant 9.99999974E-6 : f32
    %add3A_543 = vector.broadcast %add3A_542 : f32 to vector<256x1xf32>
    %add3A_544 = arith.addf %div3A_541, %add3A_543 : vector<256x1xf32>
    %sqrt3A = math.sqrt %add3A_544 : vector<256x1xf32>
    %div3A_545 = vector.broadcast %sqrt3A : vector<256x1xf32> to vector<256x256xf32>
    %div3A_546 = arith.divf %sub3A_534, %div3A_545 : vector<256x256xf32>
    %get3A_547 = arith.constant 0 : index
    %get3A_548 = arith.constant 0 : index
    %get3A_549 = vector.load %arg9[%get3A_547, %get3A_548] : memref<1x256xf32, #tpu.memory_space<vmem>>, vector<1x256xf32>
    %mul3A_550 = vector.broadcast %get3A_549 : vector<1x256xf32> to vector<256x256xf32>
    %mul3A_551 = arith.mulf %div3A_546, %mul3A_550 : vector<256x256xf32>
    %get3A_552 = arith.constant 0 : index
    %get3A_553 = arith.constant 0 : index
    %get3A_554 = vector.load %arg10[%get3A_552, %get3A_553] : memref<1x256xf32, #tpu.memory_space<vmem>>, vector<1x256xf32>
    %add3A_555 = vector.broadcast %get3A_554 : vector<1x256xf32> to vector<256x256xf32>
    %add3A_556 = arith.addf %mul3A_551, %add3A_555 : vector<256x256xf32>
    %convert_element_type3A_557 = arith.truncf %add3A_556 : vector<256x256xf32> to vector<256x256xbf16>
    %get3A_558 = arith.constant 0 : index
    %get3A_559 = arith.constant 0 : index
    %get3A_560 = vector.load %arg13[%get3A_558, %get3A_559] : memref<256x1024xf32, #tpu.memory_space<vmem>>, vector<256x1024xf32>
    %convert_element_type3A_561 = arith.truncf %get3A_560 : vector<256x1024xf32> to vector<256x1024xbf16>
    %dot_general3A_562 = arith.constant dense<0.000000e+00> : vector<256x1024xf32>
    %dot_general3A_563 = tpu.matmul %convert_element_type3A_557, %convert_element_type3A_561, %dot_general3A_562 {dimension_numbers = #tpu.dot_dimension_numbers<[1], [0], [0], [1], [0, 0, 1, 1], [], []>, transpose_lhs_hint = false} : vector<256x256xbf16>, vector<256x1024xbf16>, vector<256x1024xf32> -> vector<256x1024xf32>
    %get3A_564 = arith.constant 0 : index
    %get3A_565 = arith.constant 0 : index
    %get3A_566 = vector.load %arg14[%get3A_564, %get3A_565] : memref<1x1024xf32, #tpu.memory_space<vmem>>, vector<1x1024xf32>
    %add3A_567 = vector.broadcast %get3A_566 : vector<1x1024xf32> to vector<256x1024xf32>
    %add3A_568 = arith.addf %dot_general3A_563, %add3A_567 : vector<256x1024xf32>
    %max3A_569 = arith.constant 0.000000e+00 : f32
    %max3A_570 = vector.broadcast %max3A_569 : f32 to vector<256x1024xf32>
    %max3A_571 = arith.maximumf %add3A_568, %max3A_570 : vector<256x1024xf32>
    %convert_element_type3A_572 = arith.truncf %max3A_571 : vector<256x1024xf32> to vector<256x1024xbf16>
    %get3A_573 = arith.constant 0 : index
    %get3A_574 = arith.constant 0 : index
    %get3A_575 = vector.load %arg15[%get3A_573, %get3A_574] : memref<1024x256xf32, #tpu.memory_space<vmem>>, vector<1024x256xf32>
    %convert_element_type3A_576 = arith.truncf %get3A_575 : vector<1024x256xf32> to vector<1024x256xbf16>
    %dot_general3A_577 = arith.constant dense<0.000000e+00> : vector<256x256xf32>
    %dot_general3A_578 = tpu.matmul %convert_element_type3A_572, %convert_element_type3A_576, %dot_general3A_577 {dimension_numbers = #tpu.dot_dimension_numbers<[1], [0], [0], [1], [0, 0, 1, 1], [], []>, transpose_lhs_hint = false} : vector<256x1024xbf16>, vector<1024x256xbf16>, vector<256x256xf32> -> vector<256x256xf32>
    %get3A_579 = arith.constant 0 : index
    %get3A_580 = arith.constant 0 : index
    %get3A_581 = vector.load %arg16[%get3A_579, %get3A_580] : memref<1x256xf32, #tpu.memory_space<vmem>>, vector<1x256xf32>
    %add3A_582 = vector.broadcast %get3A_581 : vector<1x256xf32> to vector<256x256xf32>
    %add3A_583 = arith.addf %dot_general3A_578, %add3A_582 : vector<256x256xf32>
    %add3A_584 = arith.addf %add3A_556, %add3A_583 : vector<256x256xf32>
    %reduce_sum3A_585 = arith.constant dense<0.000000e+00> : vector<256xf32>
    %reduce_sum3A_586 = vector.multi_reduction <add>, %add3A_584, %reduce_sum3A_585 [1] : vector<256x256xf32> to vector<256xf32>
    %broadcast_in_dim3A_587 = vector.shape_cast %reduce_sum3A_586 : vector<256xf32> to vector<256x1xf32>
    %div3A_588 = arith.constant 2.560000e+02 : f32
    %div3A_589 = vector.broadcast %div3A_588 : f32 to vector<256x1xf32>
    %div3A_590 = arith.divf %broadcast_in_dim3A_587, %div3A_589 : vector<256x1xf32>
    %sub3A_591 = vector.broadcast %div3A_590 : vector<256x1xf32> to vector<256x256xf32>
    %sub3A_592 = arith.subf %add3A_584, %sub3A_591 : vector<256x256xf32>
    %mul3A_593 = arith.mulf %sub3A_592, %sub3A_592 : vector<256x256xf32>
    %reduce_sum3A_594 = arith.constant dense<0.000000e+00> : vector<256xf32>
    %reduce_sum3A_595 = vector.multi_reduction <add>, %mul3A_593, %reduce_sum3A_594 [1] : vector<256x256xf32> to vector<256xf32>
    %broadcast_in_dim3A_596 = vector.shape_cast %reduce_sum3A_595 : vector<256xf32> to vector<256x1xf32>
    %div3A_597 = arith.constant 2.560000e+02 : f32
    %div3A_598 = vector.broadcast %div3A_597 : f32 to vector<256x1xf32>
    %div3A_599 = arith.divf %broadcast_in_dim3A_596, %div3A_598 : vector<256x1xf32>
    %add3A_600 = arith.constant 9.99999974E-6 : f32
    %add3A_601 = vector.broadcast %add3A_600 : f32 to vector<256x1xf32>
    %add3A_602 = arith.addf %div3A_599, %add3A_601 : vector<256x1xf32>
    %sqrt3A_603 = math.sqrt %add3A_602 : vector<256x1xf32>
    %div3A_604 = vector.broadcast %sqrt3A_603 : vector<256x1xf32> to vector<256x256xf32>
    %div3A_605 = arith.divf %sub3A_592, %div3A_604 : vector<256x256xf32>
    %get3A_606 = arith.constant 0 : index
    %get3A_607 = arith.constant 0 : index
    %get3A_608 = vector.load %arg11[%get3A_606, %get3A_607] : memref<1x256xf32, #tpu.memory_space<vmem>>, vector<1x256xf32>
    %mul3A_609 = vector.broadcast %get3A_608 : vector<1x256xf32> to vector<256x256xf32>
    %mul3A_610 = arith.mulf %div3A_605, %mul3A_609 : vector<256x256xf32>
    %get3A_611 = arith.constant 0 : index
    %get3A_612 = arith.constant 0 : index
    %get3A_613 = vector.load %arg12[%get3A_611, %get3A_612] : memref<1x256xf32, #tpu.memory_space<vmem>>, vector<1x256xf32>
    %add3A_614 = vector.broadcast %get3A_613 : vector<1x256xf32> to vector<256x256xf32>
    %add3A_615 = arith.addf %mul3A_610, %add3A_614 : vector<256x256xf32>
    %get3A_616 = arith.constant 0 : index
    %get3A_617 = arith.constant 0 : index
    %get3A_618 = vector.load %arg6[%get3A_616, %get3A_617] : memref<256x256xf32, #tpu.memory_space<vmem>>, vector<256x256xf32>
    %add3A_619 = arith.addf %add3A_615, %get3A_618 : vector<256x256xf32>
    %swap3A = arith.constant 0 : index
    %swap3A_620 = arith.constant 0 : index
    %swap3A_621 = vector.load %arg17[%swap3A, %swap3A_620] : memref<256x256xf32, #tpu.memory_space<vmem>>, vector<256x256xf32>
    tpu.vector_store %arg17[%swap3A, %swap3A_620], %add3A_619 {strides = array<i32>} : memref<256x256xf32, #tpu.memory_space<vmem>>, vector<256x256xf32>,
    return
  }
  func.func @transform_0(%arg0: i32) -> (i32, i32) {
    %c0_i32 = arith.constant 0 : i32
    %c0_i32_0 = arith.constant 0 : i32
    return %arg0, %c0_i32 : i32, i32
  }
  func.func @transform_1(%arg0: i32) -> (i32, i32) {
    %c0_i32 = arith.constant 0 : i32
    %c0_i32_0 = arith.constant 0 : i32
    return %arg0, %c0_i32 : i32, i32
  }
  func.func @transform_2(%arg0: i32) -> (i32, i32) {
    %c0_i32 = arith.constant 0 : i32
    %c0_i32_0 = arith.constant 0 : i32
    return %arg0, %c0_i32 : i32, i32
  }
  func.func @transform_3(%arg0: i32) -> (i32, i32, i32) {
    %c0_i32 = arith.constant 0 : i32
    %c0_i32_0 = arith.constant 0 : i32
    %c0_i32_1 = arith.constant 0 : i32
    return %c0_i32, %arg0, %c0_i32_0 : i32, i32, i32
  }
  func.func @transform_4(%arg0: i32) -> (i32, i32) {
    %c0_i32 = arith.constant 0 : i32
    %c0_i32_0 = arith.constant 0 : i32
    return %arg0, %c0_i32 : i32, i32
  }
  func.func @transform_5(%arg0: i32) -> (i32, i32) {
    %c0_i32 = arith.constant 0 : i32
    %c0_i32_0 = arith.constant 0 : i32
    return %arg0, %c0_i32 : i32, i32
  }
  func.func @transform_6(%arg0: i32) -> (i32, i32) {
    %c0_i32 = arith.constant 0 : i32
    %c0_i32_0 = arith.constant 0 : i32
    %c0_i32_1 = arith.constant 0 : i32
    return %c0_i32, %c0_i32_0 : i32, i32
  }
  func.func @transform_7(%arg0: i32) -> (i32, i32) {
    %c0_i32 = arith.constant 0 : i32
    %c0_i32_0 = arith.constant 0 : i32
    %c0_i32_1 = arith.constant 0 : i32
    return %c0_i32, %c0_i32_0 : i32, i32
  }
  func.func @transform_8(%arg0: i32) -> (i32, i32) {
    %c0_i32 = arith.constant 0 : i32
    %c0_i32_0 = arith.constant 0 : i32
    %c0_i32_1 = arith.constant 0 : i32
    return %c0_i32, %c0_i32_0 : i32, i32
  }
  func.func @transform_9(%arg0: i32) -> (i32, i32) {
    %c0_i32 = arith.constant 0 : i32
    %c0_i32_0 = arith.constant 0 : i32
    %c0_i32_1 = arith.constant 0 : i32
    return %c0_i32, %c0_i32_0 : i32, i32
  }
  func.func @transform_10(%arg0: i32) -> (i32, i32) {
    %c0_i32 = arith.constant 0 : i32
    %c0_i32_0 = arith.constant 0 : i32
    %c0_i32_1 = arith.constant 0 : i32
    return %c0_i32, %c0_i32_0 : i32, i32
  }
  func.func @transform_11(%arg0: i32) -> (i32, i32) {
    %c0_i32 = arith.constant 0 : i32
    %c0_i32_0 = arith.constant 0 : i32
    %c0_i32_1 = arith.constant 0 : i32
    return %c0_i32, %c0_i32_0 : i32, i32
  }
  func.func @transform_12(%arg0: i32) -> (i32, i32) {
    %c0_i32 = arith.constant 0 : i32
    %c0_i32_0 = arith.constant 0 : i32
    %c0_i32_1 = arith.constant 0 : i32
    return %c0_i32, %c0_i32_0 : i32, i32
  }
  func.func @transform_13(%arg0: i32) -> (i32, i32) {
    %c0_i32 = arith.constant 0 : i32
    %c0_i32_0 = arith.constant 0 : i32
    %c0_i32_1 = arith.constant 0 : i32
    return %c0_i32, %c0_i32_0 : i32, i32
  }
  func.func @transform_14(%arg0: i32) -> (i32, i32) {
    %c0_i32 = arith.constant 0 : i32
    %c0_i32_0 = arith.constant 0 : i32
    %c0_i32_1 = arith.constant 0 : i32
    return %c0_i32, %c0_i32_0 : i32, i32
  }
  func.func @transform_15(%arg0: i32) -> (i32, i32) {
    %c0_i32 = arith.constant 0 : i32
    %c0_i32_0 = arith.constant 0 : i32
    %c0_i32_1 = arith.constant 0 : i32
    return %c0_i32, %c0_i32_0 : i32, i32
  }
  func.func @transform_16(%arg0: i32) -> (i32, i32) {
    %c0_i32 = arith.constant 0 : i32
    %c0_i32_0 = arith.constant 0 : i32
    return %arg0, %c0_i32 : i32, i32
  }
}

</mosaic_0001>

<sc_bundles>
// kernel: kernel.7.cloned.1.call-start
scs
__scs_entry_jumppad:
0x0: {  	(pc) =	sbr.rel $0x88, $3  }
0x1: {  	(tag) =	ssettag $0x0;
	lr =	simm.s32 $0x1  }
0x2: {  	[smem:$0x3F8B] =	sst lr;
	_ =	strace $0xD0000000  }
0x3: {  	_ = 	snop  }
0x4: {  	_ = 	snop  }
0x5: {  	_ = 	snop  }
0x6: {  	_ = 	snop  }
0x7: {  	_ = 	snop  }
__scs_overlays_trampoline_lowered:
0x8: {  	[smem:$0x3F9A] =	sst s0  }
0x9: {  	[smem:$0x3F9B] =	sst s1  }
0xa: {  	[smem:$0x3F9C] =	sst s2  }
0xb: {  	[smem:$0x3F9D] =	sst s3  }
0xc: {  	[smem:$0x3F9E] =	sst s4  }
0xd: {  	[smem:$0x3F9F] =	sst s5  }
0xe: {  	[smem:$0x3FA0] =	sst s6  }
0xf: {  	[smem:$0x3FA1] =	sst s7  }
0x10: {  	[smem:$0x3FA2] =	sst s8  }
0x11: {  	[smem:$0x3FA3] =	sst s9;
	s0 =	simm.s32 @!p0 $0x0  }
0x12: {  	s1 =	sld [smem:$0x3F89];
	s0 =	simm.s32 @p0 $0x1  }
0x13: {  	[smem:$0x3FA4] =	sst s0;
	s0 =	simm.s32 @!p1 $0x0  }
0x14: {  	s2 =	sld [smem:$0x3F88];
	s0 =	simm.s32 @p1 $0x1  }
0x15: {  	[smem:$0x3FA5] =	sst s0;
	s0 =	simm.s32 @!p2 $0x0  }
0x16: {  	s3 =	sld [smem:$0x3FDB];
	s0 =	simm.s32 @p2 $0x1  }
0x17: {  	s4 =	simm.s32 $0x1BF5;
	[smem:$0x3FA7] =	sst s0  }
0x18: {  	s0 =	sld [smem:$0x3F8A];
	_ =	swait.ge [sflag:s4], $0x0  }
0x19: {  	s7 =	sld [smem:$0x3F8B]  }
0x1a: {  	s8 =	sadd.s32 $0xFFFFE003, lr  }
0x1b: {  	s9 =	sadd.s32 $0xFFFFFEF7, lr;
	s5 =	simm.s32 $0xFFFFFFFF;
	p2 =	slt.u32 s8, $0xFFFFF086  }
0x1c: {  	p1 =	slt.u32 s9, $0xF7A;
	s5 =	simm.s32 @!p2 $0x0  }
0x1d: {  	s5 =	simm.s32 @p1 $0x1;
	p0 =	seq.s32 s7, s2  }
0x1e: {  	s7 =	smul.u32 @!p0 $0xF7A, s2;
	p2 =	seq.s32 @!p0 s5, $0x0  }
0x1f: {  	s9 =	smul.u32 $0xF7A, s1;
	s8 =	simm.s32 @!p0 $0x1BF5;
	p2 =	por !p2, p0  }
0x20: {  	[sflag:s8] =	ssyncset.s32 @!p0 $0xFFFFF086;
	s6 =	sadd.s32 @!p0 s3, s7;
	s7 =	simm.s32 @!p0 $0x108  }
0x21: {  	s3 =	sadd.s32 s3, s9;
	s6 =	sadd.s32 @!p0 $0x88, s6;
	s7 =	simm.s32 @p2 $0x1082  }
0x22: {  	[simem:s7], [sflag:s8] =	dma.local @!p0 [hbm:s6], $0xF7A  }
0x23: {  	s9 =	sor.u32 $0xD0000000, s2;
	s6 =	simm.s32 $0x108;
	_ =	swait.ge @!p0 [sflag:s8], $0x0  }
0x24: {  	s3 =	sadd.s32 $0x88, s3;
	s6 =	simm.s32 @!p1 $0x1082;
	[sflag:s4] =	ssyncset.s32 $0xFFFFF086  }
0x25: {  	[simem:s6], [sflag:s4] =	dma.local [hbm:s3], $0xF7A  }
0x26: {  	[smem:$0x3F8B] =	sst s1;
	(tag) =	ssettag s2;
	_ =	strace s9  }
0x27: {  	s1 =	sld [smem:$0x3F9B]  }
0x28: {  	s2 =	sld [smem:$0x3F9C]  }
0x29: {  	s4 =	sld [smem:$0x3F9E]  }
0x2a: {  	p0 =	seq.s32 s5, $0x0;
	s5 =	sld [smem:$0x3F9F]  }
0x2b: {  	s6 =	sld [smem:$0x3FA0]  }
0x2c: {  	s7 =	sld [smem:$0x3FA1]  }
0x2d: {  	s3 =	simm.s32 $0x108;
	s8 =	sld [smem:$0x3FA2]  }
0x2e: {  	s3 =	simm.s32 @!p0 $0x1082;
	s9 =	sld [smem:$0x3FA3]  }
0x2f: {  	lr =	sadd.s32 s0, s3;
	s0 =	sld [smem:$0x3F9A]  }
0x30: {  	s3 =	sld [smem:$0x3F9D]  }
0x31: {  	[smem:$0x3FA6] =	sst s10  }
0x32: {  	s10 =	sld [smem:$0x3FA4];
	_ =	sdelay $0x3  }
0x33: {  	p0 =	seq.s32 s10, $0x1;
	s10 =	sld [smem:$0x3FA6];
	_ =	sdelay $0x3  }
0x34: {  	[smem:$0x3FA6] =	sst s10  }
0x35: {  	s10 =	sld [smem:$0x3FA5];
	_ =	sdelay $0x3  }
0x36: {  	p1 =	seq.s32 s10, $0x1;
	s10 =	sld [smem:$0x3FA6];
	_ =	sdelay $0x3  }
0x37: {  	[smem:$0x3FA6] =	sst s10  }
0x38: {  	s10 =	sld [smem:$0x3FA7]  }
0x39: {  	_ = 	snop;
	(pc) =	sbr.ind lr, $3  }
0x3a: {  	_ = 	snop  }
0x3b: {  	_ = 	snop  }
0x3c: {  	p2 =	seq.s32 s10, $0x1;
	s10 =	sld [smem:$0x3FA6]  }
0x3d: {  	_ =	shalt  }
0x3e: {  	_ =	shalt  }
0x3f: {  	_ =	shalt  }
0x40: {  	_ =	shalt  }
0x41: {  	_ =	shalt  }
0x42: {  	_ =	shalt  }
0x43: {  	_ =	shalt  }
0x44: {  	_ =	shalt  }
0x45: {  	_ =	shalt  }
0x46: {  	_ =	shalt  }
0x47: {  	_ =	shalt  }
0x48: {  	_ =	shalt  }
0x49: {  	_ =	shalt  }
0x4a: {  	_ =	shalt  }
0x4b: {  	_ =	shalt  }
0x4c: {  	_ =	shalt  }
0x4d: {  	_ =	shalt  }
0x4e: {  	_ =	shalt  }
0x4f: {  	_ =	shalt  }
0x50: {  	_ =	shalt  }
0x51: {  	_ =	shalt  }
0x52: {  	_ =	shalt  }
0x53: {  	_ =	shalt  }
0x54: {  	_ =	shalt  }
0x55: {  	_ =	shalt  }
0x56: {  	_ =	shalt  }
0x57: {  	_ =	shalt  }
0x58: {  	_ =	shalt  }
0x59: {  	_ =	shalt  }
0x5a: {  	_ =	shalt  }
0x5b: {  	_ =	shalt  }
0x5c: {  	_ =	shalt  }
0x5d: {  	_ =	shalt  }
0x5e: {  	_ =	shalt  }
0x5f: {  	_ =	shalt  }
0x60: {  	_ =	shalt  }
0x61: {  	_ =	shalt  }
0x62: {  	_ =	shalt  }
0x63: {  	_ =	shalt  }
0x64: {  	_ =	shalt  }
0x65: {  	_ =	shalt  }
0x66: {  	_ =	shalt  }
0x67: {  	_ =	shalt  }
0x68: {  	_ =	shalt  }
0x69: {  	_ =	shalt  }
0x6a: {  	_ =	shalt  }
0x6b: {  	_ =	shalt  }
0x6c: {  	_ =	shalt  }
0x6d: {  	_ =	shalt  }
0x6e: {  	_ =	shalt  }
0x6f: {  	_ =	shalt  }
0x70: {  	_ =	shalt  }
0x71: {  	_ =	shalt  }
0x72: {  	_ =	shalt  }
0x73: {  	_ =	shalt  }
0x74: {  	_ =	shalt  }
0x75: {  	_ =	shalt  }
0x76: {  	_ =	shalt  }
0x77: {  	_ =	shalt  }
0x78: {  	_ =	shalt  }
0x79: {  	_ =	shalt  }
0x7a: {  	_ =	shalt  }
0x7b: {  	_ =	shalt  }
0x7c: {  	_ =	shalt  }
0x7d: {  	_ =	shalt  }
0x7e: {  	_ =	shalt  }
0x7f: {  	_ =	shalt  }
0x80: {  	_ =	shalt  }
0x81: {  	_ =	shalt  }
0x82: {  	_ =	shalt  }
0x83: {  	_ =	shalt  }
0x84: {  	_ =	shalt  }
0x85: {  	_ =	shalt  }
0x86: {  	_ =	shalt  }
0x87: {  	_ =	shalt  }
.Lfunc_end0:
.L_simem_size_0:
called_computation_lowered:
.L_overlay_start_0:
0x88: {  	s2 =	sld [smem:$0x3FD9]  }
0x89: {  	s3 =	sld [smem:$0x3FFE];
	_ =	sdelay $0x1  }
0x8a: {  	s1 =	srdreg.scid  }
0x8b: {  	s0 =	sand.u32 $0x1, s1  }
0x8c: {  	s16 =	sshll.u32 s0, $0xA;
	s2 =	sadd.s32 s3, s2  }
0x8d: {  	s2 =	sadd.s32 s2, s16  }
0x8e: {  	[smem:$0x3FB2] =	sst s2  }
0x8f: {  	_ = 	snop  }
0x90: {  	(tm) =	ssettm $0x1  }
0x91: {  	s17 =	sld [smem:$0x3FFB];
	_ =	sdelay $0x3  }
0x92: {  	_ =	strace s17  }
0x93: {  	s2 =	sld [smem:$0x3FFC];
	_ =	sdelay $0x3  }
0x94: {  	_ =	strace s2  }
0x95: {  	s2 =	sld [smem:$0x3FFD];
	_ =	sdelay $0x3  }
0x96: {  	_ =	strace s2  }
0x97: {  	_ =	strace $0x8FFFFFFF  }
0x98: {  	s18 =	sld [smem:$0x3FDB];
	_ =	sdelay $0x1  }
0x99: {  	s19 =	simm.s32 $_scs_section_size  }
0x9a: {  	s4 =	simm.s32 $_size__tile_overlayer_lowered;
	s5 =	simm.s32 $_tile_overlayer_lowered  }
0x9b: {  	s22 =	simm.s32 $0x1BFF;
	s21 =	sshll.u32 s5, $0x1;
	s2 =	sadd.s32 s19, s18  }
0x9c: {  	s6 =	simm.s32 $0x0;
	s20 =	sshll.u32 s4, $0x1;
	s4 =	sadd.s32 s21, s2  }
0x9d: {  	[timem:s6], [sflag:s22] =	dma.local [hbm:s4], s20  }
0x9e: {  	_ =	swait.ge [sflag:s22], s20  }
0x9f: {  	s3 =	ssub.s32 $0x0, s20;
	[sflag:s22] =	ssyncset.done $0x0  }
0xa0: {  	[sflag:s22] =	ssyncadd.s32 s3;
	_ =	sdelay $0x1  }
0xa1: {  	s23 =	simm.s32 $0x1B8B  }
0xa2: {  	_ =	swait.ge [sflag:s23], $0x1  }
0xa3: {  	[sflag:s23] =	ssyncset.done $0x0  }
0xa4: {  	s25 =	simm.s32 $0x1B8E;
	s24 =	sld [smem:$0x3FFE];
	[sflag:s23] =	ssyncadd.s32 $0xFFFFFFFF  }
0xa5: {  	s26 =	simm.s32 $execute0_lowered;
	[smem:$0x3FD2] =	sst s25  }
0xa6: {  	s4 =	sshll.u32 s26, $0x1;
	_ =	strace $0x80000046;
	[dreg:$0x1] =	wrdreg $0xFFFFFFFF  }
0xa7: {  	s28 =	simm.s32 $_size_execute0_lowered;
	s2 =	sadd.s32 s2, s4;
	[dreg:$0x0] =	wrdreg $0x0  }
0xa8: {  	s4 =	sshll.u32 s28, $0x1;
	[dreg:$0x2] =	wrdreg s2  }
0xa9: {  	[dreg:$0x3] =	wrdreg s4  }
0xaa: {  	[dreg:$0x4] =	wrdreg $0xC0  }
0xab: {  	_ =	task [dreg:s6], $0x5FFFF  }
0xac: {  	[dreg:$0x1] =	wrdreg $0xFFFFFFFF  }
0xad: {  	[dreg:$0x0] =	wrdreg $0x60  }
0xae: {  	[dreg:$0x2] =	wrdreg s24  }
0xaf: {  	[dreg:$0x3] =	wrdreg $0x9  }
0xb0: {  	_ =	task.clear_ibuf [dreg:s6], $0x4FFFF;
	_ =	strace $0x90000046  }
0xb1: {  	s29 =	simm.s32 $0x9;
	_ =	strace $0x80000048  }
0xb2: {  	_ =	swait.ge [sflag:s29], $0x1  }
0xb3: {  	[sflag:s29] =	ssyncadd.s32 $0xFFFFFFFF  }
0xb4: {  	_ =	strace $0x90000048  }
0xb5: {  	_ =	sfence  }
0xb6: {  	s30 =	sld [smem:$0x0];
	_ =	sdelay $0x2  }
0xb7: {  	s31 =	sshll.u32 s1, $0xD;
	s1 =	sshrl.u32 s1, $0x2  }
0xb8: {  	s3 =	sand.u32 $0x4000, s31;
	s1 =	sadd.s32 s1, s30  }
0xb9: {  	s0 =	sor.u32 s3, s0;
	s1 =	sshll.u32 s1, $0x11  }
0xba: {  	s0 =	sor.u32 s1, s0  }
0xbb: {  	s0 =	sadd.s32 $0x8F2B, s0  }
0xbc: {  	[sflag:s0] =	ssyncadd.remote.s32 $0x1  }
0xbd: {  	_ =	sfence.sel $0xFFFF  }
0xbe: {  	[dreg:$0x0] =	wrdreg $0xFFFFFFFF;
	(pc) =	sbr.abs _section_cstart, $3  }
0xbf: {  	[dreg:$0x1] =	wrdreg $0xFFFFFFFF  }
0xc0: {  	_ =	task.clear_ibuf [dreg:s6], $0x2FFFF;
	_ =	strace $0x9FFFFFFF  }
0xc1: {  	(tm) =	ssettm $0x7FFFFFFF  }
tec
execute0_lowered:
.L_overlay_start_1:
0x0: {  	(tag) =	ssettag $0x1  }
0x1: {  	s0 =	rddreg [dreg:$0x0]  }
0x2: {  	s1 =	srdreg.scid;
	s2 =	simm.s32 $0x0;
	s3 =	stileid.u32  }
0x3: {  	s5 =	sand.u32 $0x1, s1;
	[smem:$0x7FF] =	sst s2;
	s15 =	sshll.u32 s3, $0xC  }
0x4: {  	s3 =	sadd.s32 $0x3800, s0;
	s1 =	sadd.s32 $0x85800, s0;
	s16 =	sshll.u32 s5, $0xB  }
0x5: {  	_ =	strace $0x80000047;
	s5 =	ssub.s32 $0x2, s5;
	s4 =	sor.u32 s16, s15  }
0x6: {  	s6 =	sshrl.u32 s4, $0x3;
	s7 =	sor.u32 $0x80, s4;
	s18 =	sshll.u32 s4, $0x5  }
0x7: {  	s20 =	sor.u32 $0x100, s4;
	s9 =	sor.u32 $0x180, s4;
	s28 =	sor.u32 $0x200, s4  }
0x8: {  	s31 =	sor.u32 $0x280, s4;
	s14 =	sor.u32 $0x300, s4;
	s6 =	sadd.s32 s3, s6  }
0x9: {  	s8 =	sshrl.u32 s7, $0x3;
	s19 =	sadd.s32 s1, s18;
	s21 =	sshrl.u32 s20, $0x3  }
0xa: {  	s7 =	sshll.u32 s7, $0x5;
	s23 =	sshrl.u32 s9, $0x3;
	s25 =	sshll.u32 s20, $0x5  }
0xb: {  	s29 =	sshrl.u32 s28, $0x3;
	s30 =	sshll.u32 s9, $0x5;
	s11 =	sshrl.u32 s31, $0x3  }
0xc: {  	s15 =	sshrl.u32 s14, $0x3;
	s16 =	sshll.u32 s31, $0x5;
	[dreg:$0x2] =	wrdreg s6  }
0xd: {  	s31 =	sor.u32 $0x500, s4;
	s17 =	sadd.s32 s3, s8;
	[dreg:$0x4] =	wrdreg s19  }
0xe: {  	s6 =	sadd.s32 s3, s21;
	s22 =	sadd.s32 s1, s7;
	[dreg:$0x3] =	wrdreg s17  }
0xf: {  	s24 =	sadd.s32 s3, s23;
	s26 =	sadd.s32 s1, s25;
	[dreg:$0x5] =	wrdreg s6  }
0x10: {  	s10 =	sadd.s32 s1, s30;
	s12 =	sadd.s32 s3, s11;
	[dreg:$0x6] =	wrdreg s22  }
0x11: {  	s7 =	sshll.u32 s28, $0x5;
	s18 =	sadd.s32 s1, s16;
	[dreg:$0x7] =	wrdreg s24  }
0x12: {  	s25 =	sor.u32 $0x480, s4;
	s8 =	sshrl.u32 s31, $0x3;
	[dreg:$0x8] =	wrdreg s26  }
0x13: {  	s11 =	sor.u32 $0x580, s4;
	s16 =	sor.u32 $0x600, s4;
	[dreg:$0xa] =	wrdreg s10  }
0x14: {  	s6 =	sadd.s32 s3, s29;
	[dreg:$0xb] =	wrdreg s12;
	s13 =	sadd.s32 s1, s7  }
0x15: {  	s17 =	sor.u32 $0x380, s4;
	[dreg:$0xe] =	wrdreg s18;
	s7 =	sshll.u32 s14, $0x5  }
0x16: {  	s22 =	sor.u32 $0x400, s4;
	s28 =	sshrl.u32 s25, $0x3;
	s10 =	sshll.u32 s25, $0x5  }
0x17: {  	s18 =	sshll.u32 s11, $0x5;
	s25 =	sshrl.u32 s5, $0x1;
	[dreg:$0x9] =	wrdreg s6  }
0x18: {  	[dreg:$0xc] =	wrdreg s13;
	s6 =	sadd.s32 s3, s15;
	s19 =	sshrl.u32 s17, $0x3  }
0x19: {  	s21 =	sadd.s32 s1, s7;
	s23 =	sshrl.u32 s22, $0x3;
	[dreg:$0xd] =	wrdreg s6  }
0x1a: {  	s24 =	sshll.u32 s17, $0x5;
	s29 =	sadd.s32 s3, s28;
	[dreg:$0x10] =	wrdreg s21  }
0x1b: {  	s7 =	sshll.u32 s22, $0x5;
	s12 =	sadd.s32 s1, s10;
	[dreg:$0x13] =	wrdreg s29  }
0x1c: {  	s13 =	sshrl.u32 s11, $0x3;
	s20 =	sadd.s32 s3, s19;
	[dreg:$0x16] =	wrdreg s12  }
0x1d: {  	s17 =	sshrl.u32 s16, $0x3;
	s6 =	sadd.s32 s3, s23;
	[dreg:$0xf] =	wrdreg s20  }
0x1e: {  	s5 =	ssub.s32 s5, s25;
	s26 =	sadd.s32 s1, s24;
	[dreg:$0x11] =	wrdreg s6  }
0x1f: {  	s30 =	sadd.s32 s1, s7;
	s14 =	sadd.s32 s3, s13;
	[dreg:$0x12] =	wrdreg s26  }
0x20: {  	s7 =	sshll.u32 s31, $0x5;
	s19 =	sor.u32 $0x680, s4;
	[dreg:$0x14] =	wrdreg s30  }
0x21: {  	s24 =	sor.u32 $0x700, s4;
	s6 =	sadd.s32 s3, s8;
	[dreg:$0x17] =	wrdreg s14  }
0x22: {  	s4 =	sor.u32 $0x780, s4;
	s15 =	sadd.s32 s1, s7;
	[dreg:$0x15] =	wrdreg s6  }
0x23: {  	s20 =	sadd.s32 s1, s18;
	s21 =	sshrl.u32 s19, $0x3;
	[dreg:$0x18] =	wrdreg s15  }
0x24: {  	s7 =	sshll.u32 s16, $0x5;
	s6 =	sadd.s32 s3, s17;
	[dreg:$0x1a] =	wrdreg s20  }
0x25: {  	s9 =	sshll.u32 s19, $0x5;
	s22 =	sadd.s32 s3, s21;
	[dreg:$0x19] =	wrdreg s6  }
0x26: {  	s29 =	sshrl.u32 s4, $0x3;
	s23 =	sadd.s32 s1, s7;
	[dreg:$0x1b] =	wrdreg s22  }
0x27: {  	s30 =	sshll.u32 s24, $0x5;
	s28 =	sadd.s32 s1, s9;
	[dreg:$0x1c] =	wrdreg s23  }
0x28: {  	s4 =	sshll.u32 s4, $0x5;
	s31 =	sadd.s32 s1, s30;
	[dreg:$0x1e] =	wrdreg s28  }
0x29: {  	s26 =	sshrl.u32 s24, $0x3;
	s1 =	sadd.s32 s1, s4;
	[smem:$0x7FC] =	sst s31  }
0x2a: {  	s13 =	simm.s32 $0x1;
	s6 =	sadd.s32 s3, s26;
	[smem:$0x7FD] =	sst s1  }
0x2b: {  	v2 =	vlaneseq.u32;
	s14 =	simm.s32 $0x2;
	s3 =	sadd.s32 s3, s29;
	[dreg:$0x1d] =	wrdreg s6  }
0x2c: {  	vm0 =	vmmov $0xffff;
	v1 =	vshrl.u32 v2, $0x3;
	s23 =	simm.s32 $0x8100;
	[dreg:$0x1f] =	wrdreg s3;
	s3 =	sadd.s32 $0x5800, s0  }
0x2d: {  	v0 =	vand.u32 $0x7, v2;
	v2 =	vor.u32 $0x8, v2;
	v1 =	vmul.u32 $0x8, v1;
	s0 =	smax.u32 s5, $0x1;
	s5 =	simm.s32 $0x3;
	s6 =	simm.s32 $0x100  }
.LBB2_1:
0x2e: {  	[smem:$0x7FB] =	sst s0  }
0x2f: {  	s15 =	rddreg [dreg:$0x2]  }
0x30: {  	[tilespmem:s2], [sflag:$0x3] =	stream.linear.gather [hbm4b:s15+s2], $0x80, $0x38;
	[tilespmem:$0x10100] =	vst v63  }
0x31: {  	_ =	swait.ge [sflag:s5], $0x80  }
0x32: {  	[sflag:s5] =	ssyncset.done $0x0  }
0x33: {  	[sflag:s5] =	ssyncadd.s32 $0xFFFFFF80  }
0x34: {  	v3 =	vld [tilespmem:$0x0];
	_ =	sdelay $0x4  }
0x35: {  	v4 =	vshll.u32 v3, $0x1  }
0x36: {  	v3 =	vand.u32 $0x7, v3;
	v4 =	vand.u32 $0xFFFFFFF0, v4  }
0x37: {  	v3 =	vor.u32 v3, v4  }
0x38: {  	v4 =	vperm.xlane v3, v0;
	_ =	sdelay $0x1  }
0x39: {  	v3 =	vperm.xlane v3, v2;
	v4 =	vadd.s32 v1, v4;
	_ =	sdelay $0x1  }
0x3a: {  	v3 =	vadd.s32 v1, v3;
	_ =	sdelay $0x2  }
0x3b: {  	[tilespmem:s6], [sflag:$0x1] =	stream.indirect_vreg.gather [hbm4b:s3+s2], $0x80, v4, vm0, $0xb8;
	[tilespmem:$0x10100] =	vst v63  }
0x3c: {  	s7 =	simm.s32 $0x900  }
0x3d: {  	[tilespmem:s7], [sflag:$0x1] =	stream.indirect_vreg.gather [hbm4b:s3+s2], $0x80, v3, vm0, $0xb8;
	[tilespmem:$0x10100] =	vst v63  }
0x3e: {  	v3 =	vld [tilespmem:$0x10];
	_ =	sdelay $0x4  }
0x3f: {  	v49 =	vshll.u32 v3, $0x1  }
0x40: {  	v3 =	vand.u32 $0x7, v3;
	v4 =	vand.u32 $0xFFFFFFF0, v49  }
0x41: {  	v3 =	vor.u32 v3, v4  }
0x42: {  	v4 =	vperm.xlane v3, v0;
	_ =	sdelay $0x1  }
0x43: {  	v3 =	vperm.xlane v3, v2;
	v4 =	vadd.s32 v1, v4;
	_ =	sdelay $0x1  }
0x44: {  	v3 =	vadd.s32 v1, v3;
	_ =	sdelay $0x1  }
0x45: {  	s8 =	simm.s32 $0x1100  }
0x46: {  	[tilespmem:s8], [sflag:$0x1] =	stream.indirect_vreg.gather [hbm4b:s3+s2], $0x80, v4, vm0, $0xb8;
	[tilespmem:$0x10100] =	vst v63  }
0x47: {  	s9 =	simm.s32 $0x1900  }
0x48: {  	[tilespmem:s9], [sflag:$0x1] =	stream.indirect_vreg.gather [hbm4b:s3+s2], $0x80, v3, vm0, $0xb8;
	[tilespmem:$0x10100] =	vst v63  }
0x49: {  	v3 =	vld [tilespmem:$0x20];
	_ =	sdelay $0x4  }
0x4a: {  	v50 =	vshll.u32 v3, $0x1  }
0x4b: {  	v3 =	vand.u32 $0x7, v3;
	v4 =	vand.u32 $0xFFFFFFF0, v50  }
0x4c: {  	v3 =	vor.u32 v3, v4  }
0x4d: {  	v4 =	vperm.xlane v3, v0;
	_ =	sdelay $0x1  }
0x4e: {  	v3 =	vperm.xlane v3, v2;
	v4 =	vadd.s32 v1, v4;
	_ =	sdelay $0x1  }
0x4f: {  	v3 =	vadd.s32 v1, v3;
	_ =	sdelay $0x1  }
0x50: {  	s10 =	simm.s32 $0x2100  }
0x51: {  	[tilespmem:s10], [sflag:$0x1] =	stream.indirect_vreg.gather [hbm4b:s3+s2], $0x80, v4, vm0, $0xb8;
	[tilespmem:$0x10100] =	vst v63  }
0x52: {  	s11 =	simm.s32 $0x2900  }
0x53: {  	[tilespmem:s11], [sflag:$0x1] =	stream.indirect_vreg.gather [hbm4b:s3+s2], $0x80, v3, vm0, $0xb8;
	[tilespmem:$0x10100] =	vst v63  }
0x54: {  	v3 =	vld [tilespmem:$0x30];
	_ =	sdelay $0x4  }
0x55: {  	v51 =	vshll.u32 v3, $0x1  }
0x56: {  	v3 =	vand.u32 $0x7, v3;
	v4 =	vand.u32 $0xFFFFFFF0, v51  }
0x57: {  	v3 =	vor.u32 v3, v4  }
0x58: {  	v4 =	vperm.xlane v3, v0;
	_ =	sdelay $0x1  }
0x59: {  	v3 =	vperm.xlane v3, v2;
	v4 =	vadd.s32 v1, v4;
	_ =	sdelay $0x1  }
0x5a: {  	v3 =	vadd.s32 v1, v3;
	_ =	sdelay $0x1  }
0x5b: {  	s12 =	simm.s32 $0x3100  }
0x5c: {  	[tilespmem:s12], [sflag:$0x1] =	stream.indirect_vreg.gather [hbm4b:s3+s2], $0x80, v4, vm0, $0xb8;
	[tilespmem:$0x10100] =	vst v63  }
0x5d: {  	s15 =	simm.s32 $0x3900  }
0x5e: {  	[tilespmem:s15], [sflag:$0x1] =	stream.indirect_vreg.gather [hbm4b:s3+s2], $0x80, v3, vm0, $0xb8;
	[tilespmem:$0x10100] =	vst v63  }
0x5f: {  	v3 =	vld [tilespmem:$0x40];
	_ =	sdelay $0x4  }
0x60: {  	v52 =	vshll.u32 v3, $0x1  }
0x61: {  	v3 =	vand.u32 $0x7, v3;
	v4 =	vand.u32 $0xFFFFFFF0, v52  }
0x62: {  	v3 =	vor.u32 v3, v4  }
0x63: {  	v4 =	vperm.xlane v3, v0;
	_ =	sdelay $0x1  }
0x64: {  	v3 =	vperm.xlane v3, v2;
	v4 =	vadd.s32 v1, v4;
	_ =	sdelay $0x1  }
0x65: {  	v3 =	vadd.s32 v1, v3;
	_ =	sdelay $0x1  }
0x66: {  	s16 =	simm.s32 $0x4100  }
0x67: {  	[tilespmem:s16], [sflag:$0x1] =	stream.indirect_vreg.gather [hbm4b:s3+s2], $0x80, v4, vm0, $0xb8;
	[tilespmem:$0x10100] =	vst v63  }
0x68: {  	s17 =	simm.s32 $0x4900  }
0x69: {  	[tilespmem:s17], [sflag:$0x1] =	stream.indirect_vreg.gather [hbm4b:s3+s2], $0x80, v3, vm0, $0xb8;
	[tilespmem:$0x10100] =	vst v63  }
0x6a: {  	v3 =	vld [tilespmem:$0x50];
	_ =	sdelay $0x4  }
0x6b: {  	v53 =	vshll.u32 v3, $0x1  }
0x6c: {  	v3 =	vand.u32 $0x7, v3;
	v4 =	vand.u32 $0xFFFFFFF0, v53  }
0x6d: {  	v3 =	vor.u32 v3, v4  }
0x6e: {  	v4 =	vperm.xlane v3, v0;
	_ =	sdelay $0x1  }
0x6f: {  	v3 =	vperm.xlane v3, v2;
	v4 =	vadd.s32 v1, v4;
	_ =	sdelay $0x1  }
0x70: {  	v3 =	vadd.s32 v1, v3;
	_ =	sdelay $0x1  }
0x71: {  	s18 =	simm.s32 $0x5100  }
0x72: {  	[tilespmem:s18], [sflag:$0x1] =	stream.indirect_vreg.gather [hbm4b:s3+s2], $0x80, v4, vm0, $0xb8;
	[tilespmem:$0x10100] =	vst v63  }
0x73: {  	s19 =	simm.s32 $0x5900  }
0x74: {  	[tilespmem:s19], [sflag:$0x1] =	stream.indirect_vreg.gather [hbm4b:s3+s2], $0x80, v3, vm0, $0xb8;
	[tilespmem:$0x10100] =	vst v63  }
0x75: {  	v3 =	vld [tilespmem:$0x60];
	_ =	sdelay $0x4  }
0x76: {  	v54 =	vshll.u32 v3, $0x1  }
0x77: {  	v3 =	vand.u32 $0x7, v3;
	v4 =	vand.u32 $0xFFFFFFF0, v54  }
0x78: {  	v3 =	vor.u32 v3, v4  }
0x79: {  	v4 =	vperm.xlane v3, v0;
	_ =	sdelay $0x1  }
0x7a: {  	v3 =	vperm.xlane v3, v2;
	v4 =	vadd.s32 v1, v4;
	_ =	sdelay $0x1  }
0x7b: {  	v3 =	vadd.s32 v1, v3;
	_ =	sdelay $0x1  }
0x7c: {  	s25 =	simm.s32 $0x6100  }
0x7d: {  	[tilespmem:s25], [sflag:$0x1] =	stream.indirect_vreg.gather [hbm4b:s3+s2], $0x80, v4, vm0, $0xb8;
	[tilespmem:$0x10100] =	vst v63  }
0x7e: {  	s28 =	simm.s32 $0x6900  }
0x7f: {  	[tilespmem:s28], [sflag:$0x1] =	stream.indirect_vreg.gather [hbm4b:s3+s2], $0x80, v3, vm0, $0xb8;
	[tilespmem:$0x10100] =	vst v63  }
0x80: {  	v3 =	vld [tilespmem:$0x70];
	_ =	sdelay $0x4  }
0x81: {  	v55 =	vshll.u32 v3, $0x1  }
0x82: {  	v3 =	vand.u32 $0x7, v3;
	v4 =	vand.u32 $0xFFFFFFF0, v55  }
0x83: {  	v3 =	vor.u32 v3, v4  }
0x84: {  	v4 =	vperm.xlane v3, v0;
	_ =	sdelay $0x1  }
0x85: {  	v3 =	vperm.xlane v3, v2;
	v4 =	vadd.s32 v1, v4;
	_ =	sdelay $0x1  }
0x86: {  	v3 =	vadd.s32 v1, v3;
	_ =	sdelay $0x1  }
0x87: {  	s30 =	simm.s32 $0x7100  }
0x88: {  	[tilespmem:s30], [sflag:$0x1] =	stream.indirect_vreg.gather [hbm4b:s3+s2], $0x80, v4, vm0, $0xb8;
	[tilespmem:$0x10100] =	vst v63  }
0x89: {  	s1 =	simm.s32 $0x7900  }
0x8a: {  	[tilespmem:s1], [sflag:$0x1] =	stream.indirect_vreg.gather [hbm4b:s3+s2], $0x80, v3, vm0, $0xb8;
	[tilespmem:$0x10100] =	vst v63  }
0x8b: {  	s4 =	simm.s32 $0x80;
	s31 =	rddreg [dreg:$0x3]  }
0x8c: {  	[tilespmem:s4], [sflag:$0x3] =	stream.linear.gather [hbm4b:s31+s2], $0x80, $0x38;
	[tilespmem:$0x10100] =	vst v63  }
0x8d: {  	_ =	swait.ge [sflag:s5], $0x80  }
0x8e: {  	[sflag:s5] =	ssyncset.done $0x0  }
0x8f: {  	[sflag:s5] =	ssyncadd.s32 $0xFFFFFF80  }
0x90: {  	v3 =	vld [tilespmem:$0x80];
	_ =	sdelay $0x4  }
0x91: {  	v56 =	vshll.u32 v3, $0x1  }
0x92: {  	v3 =	vand.u32 $0x7, v3;
	v4 =	vand.u32 $0xFFFFFFF0, v56  }
0x93: {  	v3 =	vor.u32 v3, v4  }
0x94: {  	v4 =	vperm.xlane v3, v0;
	_ =	sdelay $0x1  }
0x95: {  	v3 =	vperm.xlane v3, v2;
	v4 =	vadd.s32 v1, v4;
	_ =	sdelay $0x1  }
0x96: {  	v3 =	vadd.s32 v1, v3;
	_ =	sdelay $0x2  }
0x97: {  	[tilespmem:s23], [sflag:$0x2] =	stream.indirect_vreg.gather [hbm4b:s3+s2], $0x80, v4, vm0, $0xb8;
	[tilespmem:$0x10100] =	vst v63  }
0x98: {  	s7 =	simm.s32 $0x8900  }
0x99: {  	[tilespmem:s7], [sflag:$0x2] =	stream.indirect_vreg.gather [hbm4b:s3+s2], $0x80, v3, vm0, $0xb8;
	[tilespmem:$0x10100] =	vst v63  }
0x9a: {  	v3 =	vld [tilespmem:$0x90];
	_ =	sdelay $0x4  }
0x9b: {  	v57 =	vshll.u32 v3, $0x1  }
0x9c: {  	v3 =	vand.u32 $0x7, v3;
	v4 =	vand.u32 $0xFFFFFFF0, v57  }
0x9d: {  	v3 =	vor.u32 v3, v4  }
0x9e: {  	v4 =	vperm.xlane v3, v0;
	_ =	sdelay $0x1  }
0x9f: {  	v3 =	vperm.xlane v3, v2;
	v4 =	vadd.s32 v1, v4;
	_ =	sdelay $0x1  }
0xa0: {  	v3 =	vadd.s32 v1, v3;
	_ =	sdelay $0x1  }
0xa1: {  	s9 =	simm.s32 $0x9100  }
0xa2: {  	[tilespmem:s9], [sflag:$0x2] =	stream.indirect_vreg.gather [hbm4b:s3+s2], $0x80, v4, vm0, $0xb8;
	[tilespmem:$0x10100] =	vst v63  }
0xa3: {  	s10 =	simm.s32 $0x9900  }
0xa4: {  	[tilespmem:s10], [sflag:$0x2] =	stream.indirect_vreg.gather [hbm4b:s3+s2], $0x80, v3, vm0, $0xb8;
	[tilespmem:$0x10100] =	vst v63  }
0xa5: {  	v3 =	vld [tilespmem:$0xA0];
	_ =	sdelay $0x4  }
0xa6: {  	v58 =	vshll.u32 v3, $0x1  }
0xa7: {  	v3 =	vand.u32 $0x7, v3;
	v4 =	vand.u32 $0xFFFFFFF0, v58  }
0xa8: {  	v3 =	vor.u32 v3, v4  }
0xa9: {  	v4 =	vperm.xlane v3, v0;
	_ =	sdelay $0x1  }
0xaa: {  	v3 =	vperm.xlane v3, v2;
	v4 =	vadd.s32 v1, v4;
	_ =	sdelay $0x1  }
0xab: {  	v3 =	vadd.s32 v1, v3;
	_ =	sdelay $0x1  }
0xac: {  	s11 =	simm.s32 $0xA100  }
0xad: {  	[tilespmem:s11], [sflag:$0x2] =	stream.indirect_vreg.gather [hbm4b:s3+s2], $0x80, v4, vm0, $0xb8;
	[tilespmem:$0x10100] =	vst v63  }
0xae: {  	s12 =	simm.s32 $0xA900  }
0xaf: {  	[tilespmem:s12], [sflag:$0x2] =	stream.indirect_vreg.gather [hbm4b:s3+s2], $0x80, v3, vm0, $0xb8;
	[tilespmem:$0x10100] =	vst v63  }
0xb0: {  	v3 =	vld [tilespmem:$0xB0];
	_ =	sdelay $0x4  }
0xb1: {  	v59 =	vshll.u32 v3, $0x1  }
0xb2: {  	v3 =	vand.u32 $0x7, v3;
	v4 =	vand.u32 $0xFFFFFFF0, v59  }
0xb3: {  	v3 =	vor.u32 v3, v4  }
0xb4: {  	v4 =	vperm.xlane v3, v0;
	_ =	sdelay $0x1  }
0xb5: {  	v3 =	vperm.xlane v3, v2;
	v4 =	vadd.s32 v1, v4;
	_ =	sdelay $0x1  }
0xb6: {  	v3 =	vadd.s32 v1, v3;
	_ =	sdelay $0x1  }
0xb7: {  	s15 =	simm.s32 $0xB100  }
0xb8: {  	[tilespmem:s15], [sflag:$0x2] =	stream.indirect_vreg.gather [hbm4b:s3+s2], $0x80, v4, vm0, $0xb8;
	[tilespmem:$0x10100] =	vst v63  }
0xb9: {  	s16 =	simm.s32 $0xB900  }
0xba: {  	[tilespmem:s16], [sflag:$0x2] =	stream.indirect_vreg.gather [hbm4b:s3+s2], $0x80, v3, vm0, $0xb8;
	[tilespmem:$0x10100] =	vst v63  }
0xbb: {  	v3 =	vld [tilespmem:$0xC0];
	_ =	sdelay $0x4  }
0xbc: {  	v60 =	vshll.u32 v3, $0x1  }
0xbd: {  	v3 =	vand.u32 $0x7, v3;
	v4 =	vand.u32 $0xFFFFFFF0, v60  }
0xbe: {  	v3 =	vor.u32 v3, v4  }
0xbf: {  	v4 =	vperm.xlane v3, v0;
	_ =	sdelay $0x1  }
0xc0: {  	v3 =	vperm.xlane v3, v2;
	v4 =	vadd.s32 v1, v4;
	_ =	sdelay $0x1  }
0xc1: {  	v3 =	vadd.s32 v1, v3;
	_ =	sdelay $0x1  }
0xc2: {  	s17 =	simm.s32 $0xC100  }
0xc3: {  	[tilespmem:s17], [sflag:$0x2] =	stream.indirect_vreg.gather [hbm4b:s3+s2], $0x80, v4, vm0, $0xb8;
	[tilespmem:$0x10100] =	vst v63  }
0xc4: {  	s18 =	simm.s32 $0xC900  }
0xc5: {  	[tilespmem:s18], [sflag:$0x2] =	stream.indirect_vreg.gather [hbm4b:s3+s2], $0x80, v3, vm0, $0xb8;
	[tilespmem:$0x10100] =	vst v63  }
0xc6: {  	v3 =	vld [tilespmem:$0xD0];
	_ =	sdelay $0x4  }
0xc7: {  	v61 =	vshll.u32 v3, $0x1  }
0xc8: {  	v3 =	vand.u32 $0x7, v3;
	v4 =	vand.u32 $0xFFFFFFF0, v61  }
0xc9: {  	v3 =	vor.u32 v3, v4  }
0xca: {  	v4 =	vperm.xlane v3, v0;
	_ =	sdelay $0x1  }
0xcb: {  	v3 =	vperm.xlane v3, v2;
	v4 =	vadd.s32 v1, v4;
	_ =	sdelay $0x1  }
0xcc: {  	v3 =	vadd.s32 v1, v3;
	_ =	sdelay $0x1  }
0xcd: {  	s19 =	simm.s32 $0xD100  }
0xce: {  	[tilespmem:s19], [sflag:$0x2] =	stream.indirect_vreg.gather [hbm4b:s3+s2], $0x80, v4, vm0, $0xb8;
	[tilespmem:$0x10100] =	vst v63  }
0xcf: {  	s25 =	simm.s32 $0xD900  }
0xd0: {  	[tilespmem:s25], [sflag:$0x2] =	stream.indirect_vreg.gather [hbm4b:s3+s2], $0x80, v3, vm0, $0xb8;
	[tilespmem:$0x10100] =	vst v63  }
0xd1: {  	v3 =	vld [tilespmem:$0xE0];
	_ =	sdelay $0x4  }
0xd2: {  	v62 =	vshll.u32 v3, $0x1  }
0xd3: {  	v3 =	vand.u32 $0x7, v3;
	v4 =	vand.u32 $0xFFFFFFF0, v62  }
0xd4: {  	v3 =	vor.u32 v3, v4  }
0xd5: {  	v4 =	vperm.xlane v3, v0;
	_ =	sdelay $0x1  }
0xd6: {  	v3 =	vperm.xlane v3, v2;
	v4 =	vadd.s32 v1, v4;
	_ =	sdelay $0x1  }
0xd7: {  	v3 =	vadd.s32 v1, v3;
	_ =	sdelay $0x1  }
0xd8: {  	s28 =	simm.s32 $0xE100  }
0xd9: {  	[tilespmem:s28], [sflag:$0x2] =	stream.indirect_vreg.gather [hbm4b:s3+s2], $0x80, v4, vm0, $0xb8;
	[tilespmem:$0x10100] =	vst v63  }
0xda: {  	s30 =	simm.s32 $0xE900  }
0xdb: {  	[tilespmem:s30], [sflag:$0x2] =	stream.indirect_vreg.gather [hbm4b:s3+s2], $0x80, v3, vm0, $0xb8;
	[tilespmem:$0x10100] =	vst v63  }
0xdc: {  	v3 =	vld [tilespmem:$0xF0];
	_ =	sdelay $0x4  }
0xdd: {  	v63 =	vshll.u32 v3, $0x1  }
0xde: {  	v3 =	vand.u32 $0x7, v3;
	v4 =	vand.u32 $0xFFFFFFF0, v63  }
0xdf: {  	v3 =	vor.u32 v3, v4  }
0xe0: {  	v4 =	vperm.xlane v3, v0;
	_ =	sdelay $0x1  }
0xe1: {  	v3 =	vperm.xlane v3, v2;
	v4 =	vadd.s32 v1, v4;
	_ =	sdelay $0x1  }
0xe2: {  	v3 =	vadd.s32 v1, v3;
	_ =	sdelay $0x1  }
0xe3: {  	s31 =	simm.s32 $0xF100  }
0xe4: {  	[tilespmem:s31], [sflag:$0x2] =	stream.indirect_vreg.gather [hbm4b:s3+s2], $0x80, v4, vm0, $0xb8;
	[tilespmem:$0x10100] =	vst v63  }
0xe5: {  	s0 =	simm.s32 $0xF900  }
0xe6: {  	[tilespmem:s0], [sflag:$0x2] =	stream.indirect_vreg.gather [hbm4b:s3+s2], $0x80, v3, vm0, $0xb8;
	[tilespmem:$0x10100] =	vst v63  }
0xe7: {  	_ =	swait.ge [sflag:s13], $0x8000  }
0xe8: {  	[sflag:s13] =	ssyncset.done $0x0  }
0xe9: {  	s11 =	rddreg [dreg:$0x4];
	[sflag:s13] =	ssyncadd.s32 $0xFFFF8000  }
0xea: {  	[hbm4b:s11+s2] =	stream.linear.scatter [tilespmem:s6], [sflag:$0x3], $0x8000, $0x38;
	[tilespmem:$0x10100] =	vst v63  }
0xeb: {  	_ =	swait.ge [sflag:s5], $0x8000  }
0xec: {  	[sflag:s5] =	ssyncset.done $0x0  }
0xed: {  	s16 =	rddreg [dreg:$0x5];
	[sflag:s5] =	ssyncadd.s32 $0xFFFF8000  }
0xee: {  	[tilespmem:s2], [sflag:$0x3] =	stream.linear.gather [hbm4b:s16+s2], $0x80, $0x38;
	[tilespmem:$0x10100] =	vst v63  }
0xef: {  	_ =	swait.ge [sflag:s5], $0x80  }
0xf0: {  	[sflag:s5] =	ssyncset.done $0x0  }
0xf1: {  	[sflag:s5] =	ssyncadd.s32 $0xFFFFFF80  }
0xf2: {  	v3 =	vld [tilespmem:$0x0];
	_ =	sdelay $0x4  }
0xf3: {  	v8 =	vshll.u32 v3, $0x1  }
0xf4: {  	v3 =	vand.u32 $0x7, v3;
	v4 =	vand.u32 $0xFFFFFFF0, v8  }
0xf5: {  	v3 =	vor.u32 v3, v4  }
0xf6: {  	v4 =	vperm.xlane v3, v0;
	_ =	sdelay $0x1  }
0xf7: {  	v3 =	vperm.xlane v3, v2;
	v4 =	vadd.s32 v1, v4;
	_ =	sdelay $0x1  }
0xf8: {  	v3 =	vadd.s32 v1, v3;
	_ =	sdelay $0x2  }
0xf9: {  	[tilespmem:s6], [sflag:$0x1] =	stream.indirect_vreg.gather [hbm4b:s3+s2], $0x80, v4, vm0, $0xb8;
	[tilespmem:$0x10100] =	vst v63  }
0xfa: {  	s24 =	simm.s32 $0x900  }
0xfb: {  	[tilespmem:s24], [sflag:$0x1] =	stream.indirect_vreg.gather [hbm4b:s3+s2], $0x80, v3, vm0, $0xb8;
	[tilespmem:$0x10100] =	vst v63  }
0xfc: {  	v3 =	vld [tilespmem:$0x10];
	_ =	sdelay $0x4  }
0xfd: {  	v9 =	vshll.u32 v3, $0x1  }
0xfe: {  	v3 =	vand.u32 $0x7, v3;
	v4 =	vand.u32 $0xFFFFFFF0, v9  }
0xff: {  	v3 =	vor.u32 v3, v4  }
0x100: {  	v4 =	vperm.xlane v3, v0;
	_ =	sdelay $0x1  }
0x101: {  	v3 =	vperm.xlane v3, v2;
	v4 =	vadd.s32 v1, v4;
	_ =	sdelay $0x1  }
0x102: {  	v3 =	vadd.s32 v1, v3;
	_ =	sdelay $0x1  }
0x103: {  	s20 =	simm.s32 $0x1100  }
0x104: {  	[tilespmem:s20], [sflag:$0x1] =	stream.indirect_vreg.gather [hbm4b:s3+s2], $0x80, v4, vm0, $0xb8;
	[tilespmem:$0x10100] =	vst v63  }
0x105: {  	s25 =	simm.s32 $0x1900  }
0x106: {  	[tilespmem:s25], [sflag:$0x1] =	stream.indirect_vreg.gather [hbm4b:s3+s2], $0x80, v3, vm0, $0xb8;
	[tilespmem:$0x10100] =	vst v63  }
0x107: {  	v3 =	vld [tilespmem:$0x20];
	_ =	sdelay $0x4  }
0x108: {  	v10 =	vshll.u32 v3, $0x1  }
0x109: {  	v3 =	vand.u32 $0x7, v3;
	v4 =	vand.u32 $0xFFFFFFF0, v10  }
0x10a: {  	v3 =	vor.u32 v3, v4  }
0x10b: {  	v4 =	vperm.xlane v3, v0;
	_ =	sdelay $0x1  }
0x10c: {  	v3 =	vperm.xlane v3, v2;
	v4 =	vadd.s32 v1, v4;
	_ =	sdelay $0x1  }
0x10d: {  	v3 =	vadd.s32 v1, v3;
	_ =	sdelay $0x1  }
0x10e: {  	s21 =	simm.s32 $0x2100  }
0x10f: {  	[tilespmem:s21], [sflag:$0x1] =	stream.indirect_vreg.gather [hbm4b:s3+s2], $0x80, v4, vm0, $0xb8;
	[tilespmem:$0x10100] =	vst v63  }
0x110: {  	s26 =	simm.s32 $0x2900  }
0x111: {  	[tilespmem:s26], [sflag:$0x1] =	stream.indirect_vreg.gather [hbm4b:s3+s2], $0x80, v3, vm0, $0xb8;
	[tilespmem:$0x10100] =	vst v63  }
0x112: {  	v3 =	vld [tilespmem:$0x30];
	_ =	sdelay $0x4  }
0x113: {  	v11 =	vshll.u32 v3, $0x1  }
0x114: {  	v3 =	vand.u32 $0x7, v3;
	v4 =	vand.u32 $0xFFFFFFF0, v11  }
0x115: {  	v3 =	vor.u32 v3, v4  }
0x116: {  	v4 =	vperm.xlane v3, v0;
	_ =	sdelay $0x1  }
0x117: {  	v3 =	vperm.xlane v3, v2;
	v4 =	vadd.s32 v1, v4;
	_ =	sdelay $0x1  }
0x118: {  	v3 =	vadd.s32 v1, v3;
	_ =	sdelay $0x1  }
0x119: {  	s22 =	simm.s32 $0x3100  }
0x11a: {  	[tilespmem:s22], [sflag:$0x1] =	stream.indirect_vreg.gather [hbm4b:s3+s2], $0x80, v4, vm0, $0xb8;
	[tilespmem:$0x10100] =	vst v63  }
0x11b: {  	s28 =	simm.s32 $0x3900  }
0x11c: {  	[tilespmem:s28], [sflag:$0x1] =	stream.indirect_vreg.gather [hbm4b:s3+s2], $0x80, v3, vm0, $0xb8;
	[tilespmem:$0x10100] =	vst v63  }
0x11d: {  	v3 =	vld [tilespmem:$0x40];
	_ =	sdelay $0x4  }
0x11e: {  	v12 =	vshll.u32 v3, $0x1  }
0x11f: {  	v3 =	vand.u32 $0x7, v3;
	v4 =	vand.u32 $0xFFFFFFF0, v12  }
0x120: {  	v3 =	vor.u32 v3, v4  }
0x121: {  	v4 =	vperm.xlane v3, v0;
	_ =	sdelay $0x1  }
0x122: {  	v3 =	vperm.xlane v3, v2;
	v4 =	vadd.s32 v1, v4;
	_ =	sdelay $0x1  }
0x123: {  	v3 =	vadd.s32 v1, v3;
	_ =	sdelay $0x1  }
0x124: {  	s24 =	simm.s32 $0x4100  }
0x125: {  	[tilespmem:s24], [sflag:$0x1] =	stream.indirect_vreg.gather [hbm4b:s3+s2], $0x80, v4, vm0, $0xb8;
	[tilespmem:$0x10100] =	vst v63  }
0x126: {  	s29 =	simm.s32 $0x4900  }
0x127: {  	[tilespmem:s29], [sflag:$0x1] =	stream.indirect_vreg.gather [hbm4b:s3+s2], $0x80, v3, vm0, $0xb8;
	[tilespmem:$0x10100] =	vst v63  }
0x128: {  	v3 =	vld [tilespmem:$0x50];
	_ =	sdelay $0x4  }
0x129: {  	v13 =	vshll.u32 v3, $0x1  }
0x12a: {  	v3 =	vand.u32 $0x7, v3;
	v4 =	vand.u32 $0xFFFFFFF0, v13  }
0x12b: {  	v3 =	vor.u32 v3, v4  }
0x12c: {  	v4 =	vperm.xlane v3, v0;
	_ =	sdelay $0x1  }
0x12d: {  	v3 =	vperm.xlane v3, v2;
	v4 =	vadd.s32 v1, v4;
	_ =	sdelay $0x1  }
0x12e: {  	v3 =	vadd.s32 v1, v3;
	_ =	sdelay $0x1  }
0x12f: {  	s26 =	simm.s32 $0x5100  }
0x130: {  	[tilespmem:s26], [sflag:$0x1] =	stream.indirect_vreg.gather [hbm4b:s3+s2], $0x80, v4, vm0, $0xb8;
	[tilespmem:$0x10100] =	vst v63  }
0x131: {  	s30 =	simm.s32 $0x5900  }
0x132: {  	[tilespmem:s30], [sflag:$0x1] =	stream.indirect_vreg.gather [hbm4b:s3+s2], $0x80, v3, vm0, $0xb8;
	[tilespmem:$0x10100] =	vst v63  }
0x133: {  	v3 =	vld [tilespmem:$0x60];
	_ =	sdelay $0x4  }
0x134: {  	v14 =	vshll.u32 v3, $0x1  }
0x135: {  	v3 =	vand.u32 $0x7, v3;
	v4 =	vand.u32 $0xFFFFFFF0, v14  }
0x136: {  	v3 =	vor.u32 v3, v4  }
0x137: {  	v4 =	vperm.xlane v3, v0;
	_ =	sdelay $0x1  }
0x138: {  	v3 =	vperm.xlane v3, v2;
	v4 =	vadd.s32 v1, v4;
	_ =	sdelay $0x1  }
0x139: {  	v3 =	vadd.s32 v1, v3;
	_ =	sdelay $0x1  }
0x13a: {  	s29 =	simm.s32 $0x6100  }
0x13b: {  	[tilespmem:s29], [sflag:$0x1] =	stream.indirect_vreg.gather [hbm4b:s3+s2], $0x80, v4, vm0, $0xb8;
	[tilespmem:$0x10100] =	vst v63  }
0x13c: {  	s31 =	simm.s32 $0x6900  }
0x13d: {  	[tilespmem:s31], [sflag:$0x1] =	stream.indirect_vreg.gather [hbm4b:s3+s2], $0x80, v3, vm0, $0xb8;
	[tilespmem:$0x10100] =	vst v63  }
0x13e: {  	v3 =	vld [tilespmem:$0x70];
	_ =	sdelay $0x4  }
0x13f: {  	v15 =	vshll.u32 v3, $0x1  }
0x140: {  	v3 =	vand.u32 $0x7, v3;
	v4 =	vand.u32 $0xFFFFFFF0, v15  }
0x141: {  	v3 =	vor.u32 v3, v4  }
0x142: {  	v4 =	vperm.xlane v3, v0;
	_ =	sdelay $0x1  }
0x143: {  	v3 =	vperm.xlane v3, v2;
	v4 =	vadd.s32 v1, v4;
	_ =	sdelay $0x1  }
0x144: {  	v3 =	vadd.s32 v1, v3;
	_ =	sdelay $0x1  }
0x145: {  	s16 =	simm.s32 $0x7100  }
0x146: {  	[tilespmem:s16], [sflag:$0x1] =	stream.indirect_vreg.gather [hbm4b:s3+s2], $0x80, v4, vm0, $0xb8;
	[tilespmem:$0x10100] =	vst v63  }
0x147: {  	s0 =	simm.s32 $0x7900  }
0x148: {  	[tilespmem:s0], [sflag:$0x1] =	stream.indirect_vreg.gather [hbm4b:s3+s2], $0x80, v3, vm0, $0xb8;
	[tilespmem:$0x10100] =	vst v63  }
0x149: {  	_ =	swait.ge [sflag:s14], $0x8000  }
0x14a: {  	[sflag:s14] =	ssyncset.done $0x0  }
0x14b: {  	s21 =	rddreg [dreg:$0x6];
	[sflag:s14] =	ssyncadd.s32 $0xFFFF8000  }
0x14c: {  	[hbm4b:s21+s2] =	stream.linear.scatter [tilespmem:s23], [sflag:$0x3], $0x8000, $0x38;
	[tilespmem:$0x10100] =	vst v63  }
0x14d: {  	_ =	swait.ge [sflag:s5], $0x8000  }
0x14e: {  	[sflag:s5] =	ssyncset.done $0x0  }
0x14f: {  	s8 =	simm.s32 $0x80;
	s22 =	rddreg [dreg:$0x7];
	[sflag:s5] =	ssyncadd.s32 $0xFFFF8000  }
0x150: {  	[tilespmem:s8], [sflag:$0x3] =	stream.linear.gather [hbm4b:s22+s2], $0x80, $0x38;
	[tilespmem:$0x10100] =	vst v63  }
0x151: {  	_ =	swait.ge [sflag:s5], $0x80  }
0x152: {  	[sflag:s5] =	ssyncset.done $0x0  }
0x153: {  	[sflag:s5] =	ssyncadd.s32 $0xFFFFFF80  }
0x154: {  	v3 =	vld [tilespmem:$0x80];
	_ =	sdelay $0x4  }
0x155: {  	v16 =	vshll.u32 v3, $0x1  }
0x156: {  	v3 =	vand.u32 $0x7, v3;
	v4 =	vand.u32 $0xFFFFFFF0, v16  }
0x157: {  	v3 =	vor.u32 v3, v4  }
0x158: {  	v4 =	vperm.xlane v3, v0;
	_ =	sdelay $0x1  }
0x159: {  	v3 =	vperm.xlane v3, v2;
	v4 =	vadd.s32 v1, v4;
	_ =	sdelay $0x1  }
0x15a: {  	v3 =	vadd.s32 v1, v3;
	_ =	sdelay $0x2  }
0x15b: {  	[tilespmem:s23], [sflag:$0x2] =	stream.indirect_vreg.gather [hbm4b:s3+s2], $0x80, v4, vm0, $0xb8;
	[tilespmem:$0x10100] =	vst v63  }
0x15c: {  	s20 =	simm.s32 $0x8900  }
0x15d: {  	[tilespmem:s20], [sflag:$0x2] =	stream.indirect_vreg.gather [hbm4b:s3+s2], $0x80, v3, vm0, $0xb8;
	[tilespmem:$0x10100] =	vst v63  }
0x15e: {  	v3 =	vld [tilespmem:$0x90];
	_ =	sdelay $0x4  }
0x15f: {  	v17 =	vshll.u32 v3, $0x1  }
0x160: {  	v3 =	vand.u32 $0x7, v3;
	v4 =	vand.u32 $0xFFFFFFF0, v17  }
0x161: {  	v3 =	vor.u32 v3, v4  }
0x162: {  	v4 =	vperm.xlane v3, v0;
	_ =	sdelay $0x1  }
0x163: {  	v3 =	vperm.xlane v3, v2;
	v4 =	vadd.s32 v1, v4;
	_ =	sdelay $0x1  }
0x164: {  	v3 =	vadd.s32 v1, v3;
	_ =	sdelay $0x1  }
0x165: {  	s8 =	simm.s32 $0x9100  }
0x166: {  	[tilespmem:s8], [sflag:$0x2] =	stream.indirect_vreg.gather [hbm4b:s3+s2], $0x80, v4, vm0, $0xb8;
	[tilespmem:$0x10100] =	vst v63  }
0x167: {  	s21 =	simm.s32 $0x9900  }
0x168: {  	[tilespmem:s21], [sflag:$0x2] =	stream.indirect_vreg.gather [hbm4b:s3+s2], $0x80, v3, vm0, $0xb8;
	[tilespmem:$0x10100] =	vst v63  }
0x169: {  	v3 =	vld [tilespmem:$0xA0];
	_ =	sdelay $0x4  }
0x16a: {  	v18 =	vshll.u32 v3, $0x1  }
0x16b: {  	v3 =	vand.u32 $0x7, v3;
	v4 =	vand.u32 $0xFFFFFFF0, v18  }
0x16c: {  	v3 =	vor.u32 v3, v4  }
0x16d: {  	v4 =	vperm.xlane v3, v0;
	_ =	sdelay $0x1  }
0x16e: {  	v3 =	vperm.xlane v3, v2;
	v4 =	vadd.s32 v1, v4;
	_ =	sdelay $0x1  }
0x16f: {  	v3 =	vadd.s32 v1, v3;
	_ =	sdelay $0x1  }
0x170: {  	s9 =	simm.s32 $0xA100  }
0x171: {  	[tilespmem:s9], [sflag:$0x2] =	stream.indirect_vreg.gather [hbm4b:s3+s2], $0x80, v4, vm0, $0xb8;
	[tilespmem:$0x10100] =	vst v63  }
0x172: {  	s22 =	simm.s32 $0xA900  }
0x173: {  	[tilespmem:s22], [sflag:$0x2] =	stream.indirect_vreg.gather [hbm4b:s3+s2], $0x80, v3, vm0, $0xb8;
	[tilespmem:$0x10100] =	vst v63  }
0x174: {  	v3 =	vld [tilespmem:$0xB0];
	_ =	sdelay $0x4  }
0x175: {  	v19 =	vshll.u32 v3, $0x1  }
0x176: {  	v3 =	vand.u32 $0x7, v3;
	v4 =	vand.u32 $0xFFFFFFF0, v19  }
0x177: {  	v3 =	vor.u32 v3, v4  }
0x178: {  	v4 =	vperm.xlane v3, v0;
	_ =	sdelay $0x1  }
0x179: {  	v3 =	vperm.xlane v3, v2;
	v4 =	vadd.s32 v1, v4;
	_ =	sdelay $0x1  }
0x17a: {  	v3 =	vadd.s32 v1, v3;
	_ =	sdelay $0x1  }
0x17b: {  	s1 =	simm.s32 $0xB100  }
0x17c: {  	[tilespmem:s1], [sflag:$0x2] =	stream.indirect_vreg.gather [hbm4b:s3+s2], $0x80, v4, vm0, $0xb8;
	[tilespmem:$0x10100] =	vst v63  }
0x17d: {  	s10 =	simm.s32 $0xB900  }
0x17e: {  	[tilespmem:s10], [sflag:$0x2] =	stream.indirect_vreg.gather [hbm4b:s3+s2], $0x80, v3, vm0, $0xb8;
	[tilespmem:$0x10100] =	vst v63  }
0x17f: {  	v3 =	vld [tilespmem:$0xC0];
	_ =	sdelay $0x4  }
0x180: {  	v20 =	vshll.u32 v3, $0x1  }
0x181: {  	v3 =	vand.u32 $0x7, v3;
	v4 =	vand.u32 $0xFFFFFFF0, v20  }
0x182: {  	v3 =	vor.u32 v3, v4  }
0x183: {  	v4 =	vperm.xlane v3, v0;
	_ =	sdelay $0x1  }
0x184: {  	v3 =	vperm.xlane v3, v2;
	v4 =	vadd.s32 v1, v4;
	_ =	sdelay $0x1  }
0x185: {  	v3 =	vadd.s32 v1, v3;
	_ =	sdelay $0x1  }
0x186: {  	s4 =	simm.s32 $0xC100  }
0x187: {  	[tilespmem:s4], [sflag:$0x2] =	stream.indirect_vreg.gather [hbm4b:s3+s2], $0x80, v4, vm0, $0xb8;
	[tilespmem:$0x10100] =	vst v63  }
0x188: {  	s12 =	simm.s32 $0xC900  }
0x189: {  	[tilespmem:s12], [sflag:$0x2] =	stream.indirect_vreg.gather [hbm4b:s3+s2], $0x80, v3, vm0, $0xb8;
	[tilespmem:$0x10100] =	vst v63  }
0x18a: {  	v3 =	vld [tilespmem:$0xD0];
	_ =	sdelay $0x4  }
0x18b: {  	v21 =	vshll.u32 v3, $0x1  }
0x18c: {  	v3 =	vand.u32 $0x7, v3;
	v4 =	vand.u32 $0xFFFFFFF0, v21  }
0x18d: {  	v3 =	vor.u32 v3, v4  }
0x18e: {  	v4 =	vperm.xlane v3, v0;
	_ =	sdelay $0x1  }
0x18f: {  	v3 =	vperm.xlane v3, v2;
	v4 =	vadd.s32 v1, v4;
	_ =	sdelay $0x1  }
0x190: {  	v3 =	vadd.s32 v1, v3;
	_ =	sdelay $0x1  }
0x191: {  	s7 =	simm.s32 $0xD100  }
0x192: {  	[tilespmem:s7], [sflag:$0x2] =	stream.indirect_vreg.gather [hbm4b:s3+s2], $0x80, v4, vm0, $0xb8;
	[tilespmem:$0x10100] =	vst v63  }
0x193: {  	s17 =	simm.s32 $0xD900  }
0x194: {  	[tilespmem:s17], [sflag:$0x2] =	stream.indirect_vreg.gather [hbm4b:s3+s2], $0x80, v3, vm0, $0xb8;
	[tilespmem:$0x10100] =	vst v63  }
0x195: {  	v3 =	vld [tilespmem:$0xE0];
	_ =	sdelay $0x4  }
0x196: {  	v22 =	vshll.u32 v3, $0x1  }
0x197: {  	v3 =	vand.u32 $0x7, v3;
	v4 =	vand.u32 $0xFFFFFFF0, v22  }
0x198: {  	v3 =	vor.u32 v3, v4  }
0x199: {  	v4 =	vperm.xlane v3, v0;
	_ =	sdelay $0x1  }
0x19a: {  	v3 =	vperm.xlane v3, v2;
	v4 =	vadd.s32 v1, v4;
	_ =	sdelay $0x1  }
0x19b: {  	v3 =	vadd.s32 v1, v3;
	_ =	sdelay $0x1  }
0x19c: {  	s9 =	simm.s32 $0xE100  }
0x19d: {  	[tilespmem:s9], [sflag:$0x2] =	stream.indirect_vreg.gather [hbm4b:s3+s2], $0x80, v4, vm0, $0xb8;
	[tilespmem:$0x10100] =	vst v63  }
0x19e: {  	s18 =	simm.s32 $0xE900  }
0x19f: {  	[tilespmem:s18], [sflag:$0x2] =	stream.indirect_vreg.gather [hbm4b:s3+s2], $0x80, v3, vm0, $0xb8;
	[tilespmem:$0x10100] =	vst v63  }
0x1a0: {  	v3 =	vld [tilespmem:$0xF0];
	_ =	sdelay $0x4  }
0x1a1: {  	v23 =	vshll.u32 v3, $0x1  }
0x1a2: {  	v3 =	vand.u32 $0x7, v3;
	v4 =	vand.u32 $0xFFFFFFF0, v23  }
0x1a3: {  	v3 =	vor.u32 v3, v4  }
0x1a4: {  	v4 =	vperm.xlane v3, v0;
	_ =	sdelay $0x1  }
0x1a5: {  	v3 =	vperm.xlane v3, v2;
	v4 =	vadd.s32 v1, v4;
	_ =	sdelay $0x1  }
0x1a6: {  	v3 =	vadd.s32 v1, v3;
	_ =	sdelay $0x1  }
0x1a7: {  	s15 =	simm.s32 $0xF100  }
0x1a8: {  	[tilespmem:s15], [sflag:$0x2] =	stream.indirect_vreg.gather [hbm4b:s3+s2], $0x80, v4, vm0, $0xb8;
	[tilespmem:$0x10100] =	vst v63  }
0x1a9: {  	s19 =	simm.s32 $0xF900  }
0x1aa: {  	[tilespmem:s19], [sflag:$0x2] =	stream.indirect_vreg.gather [hbm4b:s3+s2], $0x80, v3, vm0, $0xb8;
	[tilespmem:$0x10100] =	vst v63  }
0x1ab: {  	_ =	swait.ge [sflag:s13], $0x8000  }
0x1ac: {  	[sflag:s13] =	ssyncset.done $0x0  }
0x1ad: {  	s15 =	rddreg [dreg:$0x8];
	[sflag:s13] =	ssyncadd.s32 $0xFFFF8000  }
0x1ae: {  	[hbm4b:s15+s2] =	stream.linear.scatter [tilespmem:s6], [sflag:$0x3], $0x8000, $0x38;
	[tilespmem:$0x10100] =	vst v63  }
0x1af: {  	_ =	swait.ge [sflag:s5], $0x8000  }
0x1b0: {  	[sflag:s5] =	ssyncset.done $0x0  }
0x1b1: {  	s15 =	rddreg [dreg:$0x9];
	[sflag:s5] =	ssyncadd.s32 $0xFFFF8000  }
0x1b2: {  	[tilespmem:s2], [sflag:$0x3] =	stream.linear.gather [hbm4b:s15+s2], $0x80, $0x38;
	[tilespmem:$0x10100] =	vst v63  }
0x1b3: {  	_ =	swait.ge [sflag:s5], $0x80  }
0x1b4: {  	[sflag:s5] =	ssyncset.done $0x0  }
0x1b5: {  	[sflag:s5] =	ssyncadd.s32 $0xFFFFFF80  }
0x1b6: {  	v3 =	vld [tilespmem:$0x0];
	_ =	sdelay $0x4  }
0x1b7: {  	v24 =	vshll.u32 v3, $0x1  }
0x1b8: {  	v3 =	vand.u32 $0x7, v3;
	v4 =	vand.u32 $0xFFFFFFF0, v24  }
0x1b9: {  	v3 =	vor.u32 v3, v4  }
0x1ba: {  	v4 =	vperm.xlane v3, v0;
	_ =	sdelay $0x1  }
0x1bb: {  	v3 =	vperm.xlane v3, v2;
	v4 =	vadd.s32 v1, v4;
	_ =	sdelay $0x1  }
0x1bc: {  	v3 =	vadd.s32 v1, v3;
	_ =	sdelay $0x2  }
0x1bd: {  	[tilespmem:s6], [sflag:$0x1] =	stream.indirect_vreg.gather [hbm4b:s3+s2], $0x80, v4, vm0, $0xb8;
	[tilespmem:$0x10100] =	vst v63  }
0x1be: {  	s15 =	simm.s32 $0x900  }
0x1bf: {  	[tilespmem:s15], [sflag:$0x1] =	stream.indirect_vreg.gather [hbm4b:s3+s2], $0x80, v3, vm0, $0xb8;
	[tilespmem:$0x10100] =	vst v63  }
0x1c0: {  	v3 =	vld [tilespmem:$0x10];
	_ =	sdelay $0x4  }
0x1c1: {  	v25 =	vshll.u32 v3, $0x1  }
0x1c2: {  	v3 =	vand.u32 $0x7, v3;
	v4 =	vand.u32 $0xFFFFFFF0, v25  }
0x1c3: {  	v3 =	vor.u32 v3, v4  }
0x1c4: {  	v4 =	vperm.xlane v3, v0;
	_ =	sdelay $0x1  }
0x1c5: {  	v3 =	vperm.xlane v3, v2;
	v4 =	vadd.s32 v1, v4;
	_ =	sdelay $0x1  }
0x1c6: {  	v3 =	vadd.s32 v1, v3;
	_ =	sdelay $0x1  }
0x1c7: {  	s15 =	simm.s32 $0x1100  }
0x1c8: {  	[tilespmem:s15], [sflag:$0x1] =	stream.indirect_vreg.gather [hbm4b:s3+s2], $0x80, v4, vm0, $0xb8;
	[tilespmem:$0x10100] =	vst v63  }
0x1c9: {  	_ = 	snop  }
0x1ca: {  	[tilespmem:s25], [sflag:$0x1] =	stream.indirect_vreg.gather [hbm4b:s3+s2], $0x80, v3, vm0, $0xb8;
	[tilespmem:$0x10100] =	vst v63  }
0x1cb: {  	v3 =	vld [tilespmem:$0x20];
	_ =	sdelay $0x4  }
0x1cc: {  	v26 =	vshll.u32 v3, $0x1  }
0x1cd: {  	v3 =	vand.u32 $0x7, v3;
	v4 =	vand.u32 $0xFFFFFFF0, v26  }
0x1ce: {  	v3 =	vor.u32 v3, v4  }
0x1cf: {  	v4 =	vperm.xlane v3, v0;
	_ =	sdelay $0x1  }
0x1d0: {  	v3 =	vperm.xlane v3, v2;
	v4 =	vadd.s32 v1, v4;
	_ =	sdelay $0x1  }
0x1d1: {  	v3 =	vadd.s32 v1, v3;
	_ =	sdelay $0x1  }
0x1d2: {  	s15 =	simm.s32 $0x2100  }
0x1d3: {  	[tilespmem:s15], [sflag:$0x1] =	stream.indirect_vreg.gather [hbm4b:s3+s2], $0x80, v4, vm0, $0xb8;
	[tilespmem:$0x10100] =	vst v63  }
0x1d4: {  	s15 =	simm.s32 $0x2900  }
0x1d5: {  	[tilespmem:s15], [sflag:$0x1] =	stream.indirect_vreg.gather [hbm4b:s3+s2], $0x80, v3, vm0, $0xb8;
	[tilespmem:$0x10100] =	vst v63  }
0x1d6: {  	v3 =	vld [tilespmem:$0x30];
	_ =	sdelay $0x4  }
0x1d7: {  	v27 =	vshll.u32 v3, $0x1  }
0x1d8: {  	v3 =	vand.u32 $0x7, v3;
	v4 =	vand.u32 $0xFFFFFFF0, v27  }
0x1d9: {  	v3 =	vor.u32 v3, v4  }
0x1da: {  	v4 =	vperm.xlane v3, v0;
	_ =	sdelay $0x1  }
0x1db: {  	v3 =	vperm.xlane v3, v2;
	v4 =	vadd.s32 v1, v4;
	_ =	sdelay $0x1  }
0x1dc: {  	v3 =	vadd.s32 v1, v3;
	_ =	sdelay $0x1  }
0x1dd: {  	s15 =	simm.s32 $0x3100  }
0x1de: {  	[tilespmem:s15], [sflag:$0x1] =	stream.indirect_vreg.gather [hbm4b:s3+s2], $0x80, v4, vm0, $0xb8;
	[tilespmem:$0x10100] =	vst v63  }
0x1df: {  	_ = 	snop  }
0x1e0: {  	[tilespmem:s28], [sflag:$0x1] =	stream.indirect_vreg.gather [hbm4b:s3+s2], $0x80, v3, vm0, $0xb8;
	[tilespmem:$0x10100] =	vst v63  }
0x1e1: {  	v3 =	vld [tilespmem:$0x40];
	_ =	sdelay $0x4  }
0x1e2: {  	v28 =	vshll.u32 v3, $0x1  }
0x1e3: {  	v3 =	vand.u32 $0x7, v3;
	v4 =	vand.u32 $0xFFFFFFF0, v28  }
0x1e4: {  	v3 =	vor.u32 v3, v4  }
0x1e5: {  	v4 =	vperm.xlane v3, v0;
	_ =	sdelay $0x1  }
0x1e6: {  	v3 =	vperm.xlane v3, v2;
	v4 =	vadd.s32 v1, v4;
	_ =	sdelay $0x1  }
0x1e7: {  	v3 =	vadd.s32 v1, v3;
	_ =	sdelay $0x2  }
0x1e8: {  	[tilespmem:s24], [sflag:$0x1] =	stream.indirect_vreg.gather [hbm4b:s3+s2], $0x80, v4, vm0, $0xb8;
	[tilespmem:$0x10100] =	vst v63  }
0x1e9: {  	s15 =	simm.s32 $0x4900  }
0x1ea: {  	[tilespmem:s15], [sflag:$0x1] =	stream.indirect_vreg.gather [hbm4b:s3+s2], $0x80, v3, vm0, $0xb8;
	[tilespmem:$0x10100] =	vst v63  }
0x1eb: {  	v3 =	vld [tilespmem:$0x50];
	_ =	sdelay $0x4  }
0x1ec: {  	v29 =	vshll.u32 v3, $0x1  }
0x1ed: {  	v3 =	vand.u32 $0x7, v3;
	v4 =	vand.u32 $0xFFFFFFF0, v29  }
0x1ee: {  	v3 =	vor.u32 v3, v4  }
0x1ef: {  	v4 =	vperm.xlane v3, v0;
	_ =	sdelay $0x1  }
0x1f0: {  	v3 =	vperm.xlane v3, v2;
	v4 =	vadd.s32 v1, v4;
	_ =	sdelay $0x1  }
0x1f1: {  	v3 =	vadd.s32 v1, v3;
	_ =	sdelay $0x2  }
0x1f2: {  	[tilespmem:s26], [sflag:$0x1] =	stream.indirect_vreg.gather [hbm4b:s3+s2], $0x80, v4, vm0, $0xb8;
	[tilespmem:$0x10100] =	vst v63  }
0x1f3: {  	_ = 	snop  }
0x1f4: {  	[tilespmem:s30], [sflag:$0x1] =	stream.indirect_vreg.gather [hbm4b:s3+s2], $0x80, v3, vm0, $0xb8;
	[tilespmem:$0x10100] =	vst v63  }
0x1f5: {  	v3 =	vld [tilespmem:$0x60];
	_ =	sdelay $0x4  }
0x1f6: {  	v30 =	vshll.u32 v3, $0x1  }
0x1f7: {  	v3 =	vand.u32 $0x7, v3;
	v4 =	vand.u32 $0xFFFFFFF0, v30  }
0x1f8: {  	v3 =	vor.u32 v3, v4  }
0x1f9: {  	v4 =	vperm.xlane v3, v0;
	_ =	sdelay $0x1  }
0x1fa: {  	v3 =	vperm.xlane v3, v2;
	v4 =	vadd.s32 v1, v4;
	_ =	sdelay $0x1  }
0x1fb: {  	v3 =	vadd.s32 v1, v3;
	_ =	sdelay $0x2  }
0x1fc: {  	[tilespmem:s29], [sflag:$0x1] =	stream.indirect_vreg.gather [hbm4b:s3+s2], $0x80, v4, vm0, $0xb8;
	[tilespmem:$0x10100] =	vst v63  }
0x1fd: {  	_ = 	snop  }
0x1fe: {  	[tilespmem:s31], [sflag:$0x1] =	stream.indirect_vreg.gather [hbm4b:s3+s2], $0x80, v3, vm0, $0xb8;
	[tilespmem:$0x10100] =	vst v63  }
0x1ff: {  	v3 =	vld [tilespmem:$0x70];
	_ =	sdelay $0x4  }
0x200: {  	v31 =	vshll.u32 v3, $0x1  }
0x201: {  	v3 =	vand.u32 $0x7, v3;
	v4 =	vand.u32 $0xFFFFFFF0, v31  }
0x202: {  	v3 =	vor.u32 v3, v4  }
0x203: {  	v4 =	vperm.xlane v3, v0;
	_ =	sdelay $0x1  }
0x204: {  	v3 =	vperm.xlane v3, v2;
	v4 =	vadd.s32 v1, v4;
	_ =	sdelay $0x1  }
0x205: {  	v3 =	vadd.s32 v1, v3;
	_ =	sdelay $0x2  }
0x206: {  	[tilespmem:s16], [sflag:$0x1] =	stream.indirect_vreg.gather [hbm4b:s3+s2], $0x80, v4, vm0, $0xb8;
	[tilespmem:$0x10100] =	vst v63  }
0x207: {  	_ = 	snop  }
0x208: {  	[tilespmem:s0], [sflag:$0x1] =	stream.indirect_vreg.gather [hbm4b:s3+s2], $0x80, v3, vm0, $0xb8;
	[tilespmem:$0x10100] =	vst v63  }
0x209: {  	_ =	swait.ge [sflag:s14], $0x8000  }
0x20a: {  	[sflag:s14] =	ssyncset.done $0x0  }
0x20b: {  	s16 =	rddreg [dreg:$0xa];
	[sflag:s14] =	ssyncadd.s32 $0xFFFF8000  }
0x20c: {  	[hbm4b:s16+s2] =	stream.linear.scatter [tilespmem:s23], [sflag:$0x3], $0x8000, $0x38;
	[tilespmem:$0x10100] =	vst v63  }
0x20d: {  	_ =	swait.ge [sflag:s5], $0x8000  }
0x20e: {  	[sflag:s5] =	ssyncset.done $0x0  }
0x20f: {  	s16 =	simm.s32 $0x80;
	s0 =	rddreg [dreg:$0xb];
	[sflag:s5] =	ssyncadd.s32 $0xFFFF8000  }
0x210: {  	[tilespmem:s16], [sflag:$0x3] =	stream.linear.gather [hbm4b:s0+s2], $0x80, $0x38;
	[tilespmem:$0x10100] =	vst v63  }
0x211: {  	_ =	swait.ge [sflag:s5], $0x80  }
0x212: {  	[sflag:s5] =	ssyncset.done $0x0  }
0x213: {  	[sflag:s5] =	ssyncadd.s32 $0xFFFFFF80  }
0x214: {  	v3 =	vld [tilespmem:$0x80];
	_ =	sdelay $0x4  }
0x215: {  	v32 =	vshll.u32 v3, $0x1  }
0x216: {  	v3 =	vand.u32 $0x7, v3;
	v4 =	vand.u32 $0xFFFFFFF0, v32  }
0x217: {  	v3 =	vor.u32 v3, v4  }
0x218: {  	v4 =	vperm.xlane v3, v0;
	_ =	sdelay $0x1  }
0x219: {  	v3 =	vperm.xlane v3, v2;
	v4 =	vadd.s32 v1, v4;
	_ =	sdelay $0x1  }
0x21a: {  	v3 =	vadd.s32 v1, v3;
	_ =	sdelay $0x2  }
0x21b: {  	[tilespmem:s23], [sflag:$0x2] =	stream.indirect_vreg.gather [hbm4b:s3+s2], $0x80, v4, vm0, $0xb8;
	[tilespmem:$0x10100] =	vst v63  }
0x21c: {  	_ = 	snop  }
0x21d: {  	[tilespmem:s20], [sflag:$0x2] =	stream.indirect_vreg.gather [hbm4b:s3+s2], $0x80, v3, vm0, $0xb8;
	[tilespmem:$0x10100] =	vst v63  }
0x21e: {  	v3 =	vld [tilespmem:$0x90];
	_ =	sdelay $0x4  }
0x21f: {  	v33 =	vshll.u32 v3, $0x1  }
0x220: {  	v3 =	vand.u32 $0x7, v3;
	v4 =	vand.u32 $0xFFFFFFF0, v33  }
0x221: {  	v3 =	vor.u32 v3, v4  }
0x222: {  	v4 =	vperm.xlane v3, v0;
	_ =	sdelay $0x1  }
0x223: {  	v3 =	vperm.xlane v3, v2;
	v4 =	vadd.s32 v1, v4;
	_ =	sdelay $0x1  }
0x224: {  	v3 =	vadd.s32 v1, v3;
	_ =	sdelay $0x2  }
0x225: {  	[tilespmem:s8], [sflag:$0x2] =	stream.indirect_vreg.gather [hbm4b:s3+s2], $0x80, v4, vm0, $0xb8;
	[tilespmem:$0x10100] =	vst v63  }
0x226: {  	_ = 	snop  }
0x227: {  	[tilespmem:s21], [sflag:$0x2] =	stream.indirect_vreg.gather [hbm4b:s3+s2], $0x80, v3, vm0, $0xb8;
	[tilespmem:$0x10100] =	vst v63  }
0x228: {  	v3 =	vld [tilespmem:$0xA0];
	_ =	sdelay $0x4  }
0x229: {  	v34 =	vshll.u32 v3, $0x1  }
0x22a: {  	v3 =	vand.u32 $0x7, v3;
	v4 =	vand.u32 $0xFFFFFFF0, v34  }
0x22b: {  	v3 =	vor.u32 v3, v4  }
0x22c: {  	v4 =	vperm.xlane v3, v0;
	_ =	sdelay $0x1  }
0x22d: {  	v3 =	vperm.xlane v3, v2;
	v4 =	vadd.s32 v1, v4;
	_ =	sdelay $0x1  }
0x22e: {  	v3 =	vadd.s32 v1, v3;
	_ =	sdelay $0x1  }
0x22f: {  	s11 =	simm.s32 $0xA100  }
0x230: {  	[tilespmem:s11], [sflag:$0x2] =	stream.indirect_vreg.gather [hbm4b:s3+s2], $0x80, v4, vm0, $0xb8;
	[tilespmem:$0x10100] =	vst v63  }
0x231: {  	_ = 	snop  }
0x232: {  	[tilespmem:s22], [sflag:$0x2] =	stream.indirect_vreg.gather [hbm4b:s3+s2], $0x80, v3, vm0, $0xb8;
	[tilespmem:$0x10100] =	vst v63  }
0x233: {  	v3 =	vld [tilespmem:$0xB0];
	_ =	sdelay $0x4  }
0x234: {  	v35 =	vshll.u32 v3, $0x1  }
0x235: {  	v3 =	vand.u32 $0x7, v3;
	v4 =	vand.u32 $0xFFFFFFF0, v35  }
0x236: {  	v3 =	vor.u32 v3, v4  }
0x237: {  	v4 =	vperm.xlane v3, v0;
	_ =	sdelay $0x1  }
0x238: {  	v3 =	vperm.xlane v3, v2;
	v4 =	vadd.s32 v1, v4;
	_ =	sdelay $0x1  }
0x239: {  	v3 =	vadd.s32 v1, v3;
	_ =	sdelay $0x1  }
0x23a: {  	s15 =	simm.s32 $0xB100  }
0x23b: {  	[tilespmem:s15], [sflag:$0x2] =	stream.indirect_vreg.gather [hbm4b:s3+s2], $0x80, v4, vm0, $0xb8;
	[tilespmem:$0x10100] =	vst v63  }
0x23c: {  	s10 =	simm.s32 $0xB900  }
0x23d: {  	[tilespmem:s10], [sflag:$0x2] =	stream.indirect_vreg.gather [hbm4b:s3+s2], $0x80, v3, vm0, $0xb8;
	[tilespmem:$0x10100] =	vst v63  }
0x23e: {  	v3 =	vld [tilespmem:$0xC0];
	_ =	sdelay $0x4  }
0x23f: {  	v36 =	vshll.u32 v3, $0x1  }
0x240: {  	v3 =	vand.u32 $0x7, v3;
	v4 =	vand.u32 $0xFFFFFFF0, v36  }
0x241: {  	v3 =	vor.u32 v3, v4  }
0x242: {  	v4 =	vperm.xlane v3, v0;
	_ =	sdelay $0x1  }
0x243: {  	v3 =	vperm.xlane v3, v2;
	v4 =	vadd.s32 v1, v4;
	_ =	sdelay $0x1  }
0x244: {  	v3 =	vadd.s32 v1, v3;
	_ =	sdelay $0x1  }
0x245: {  	s1 =	simm.s32 $0xC100  }
0x246: {  	[tilespmem:s1], [sflag:$0x2] =	stream.indirect_vreg.gather [hbm4b:s3+s2], $0x80, v4, vm0, $0xb8;
	[tilespmem:$0x10100] =	vst v63  }
0x247: {  	s12 =	simm.s32 $0xC900  }
0x248: {  	[tilespmem:s12], [sflag:$0x2] =	stream.indirect_vreg.gather [hbm4b:s3+s2], $0x80, v3, vm0, $0xb8;
	[tilespmem:$0x10100] =	vst v63  }
0x249: {  	v3 =	vld [tilespmem:$0xD0];
	_ =	sdelay $0x4  }
0x24a: {  	v37 =	vshll.u32 v3, $0x1  }
0x24b: {  	v3 =	vand.u32 $0x7, v3;
	v4 =	vand.u32 $0xFFFFFFF0, v37  }
0x24c: {  	v3 =	vor.u32 v3, v4  }
0x24d: {  	v4 =	vperm.xlane v3, v0;
	_ =	sdelay $0x1  }
0x24e: {  	v3 =	vperm.xlane v3, v2;
	v4 =	vadd.s32 v1, v4;
	_ =	sdelay $0x1  }
0x24f: {  	v3 =	vadd.s32 v1, v3;
	_ =	sdelay $0x1  }
0x250: {  	s4 =	simm.s32 $0xD100  }
0x251: {  	[tilespmem:s4], [sflag:$0x2] =	stream.indirect_vreg.gather [hbm4b:s3+s2], $0x80, v4, vm0, $0xb8;
	[tilespmem:$0x10100] =	vst v63  }
0x252: {  	s17 =	simm.s32 $0xD900  }
0x253: {  	[tilespmem:s17], [sflag:$0x2] =	stream.indirect_vreg.gather [hbm4b:s3+s2], $0x80, v3, vm0, $0xb8;
	[tilespmem:$0x10100] =	vst v63  }
0x254: {  	v3 =	vld [tilespmem:$0xE0];
	_ =	sdelay $0x4  }
0x255: {  	v38 =	vshll.u32 v3, $0x1  }
0x256: {  	v3 =	vand.u32 $0x7, v3;
	v4 =	vand.u32 $0xFFFFFFF0, v38  }
0x257: {  	v3 =	vor.u32 v3, v4  }
0x258: {  	v4 =	vperm.xlane v3, v0;
	_ =	sdelay $0x1  }
0x259: {  	v3 =	vperm.xlane v3, v2;
	v4 =	vadd.s32 v1, v4;
	_ =	sdelay $0x1  }
0x25a: {  	v3 =	vadd.s32 v1, v3;
	_ =	sdelay $0x1  }
0x25b: {  	s7 =	simm.s32 $0xE100  }
0x25c: {  	[tilespmem:s7], [sflag:$0x2] =	stream.indirect_vreg.gather [hbm4b:s3+s2], $0x80, v4, vm0, $0xb8;
	[tilespmem:$0x10100] =	vst v63  }
0x25d: {  	s18 =	simm.s32 $0xE900  }
0x25e: {  	[tilespmem:s18], [sflag:$0x2] =	stream.indirect_vreg.gather [hbm4b:s3+s2], $0x80, v3, vm0, $0xb8;
	[tilespmem:$0x10100] =	vst v63  }
0x25f: {  	v3 =	vld [tilespmem:$0xF0];
	_ =	sdelay $0x4  }
0x260: {  	v39 =	vshll.u32 v3, $0x1  }
0x261: {  	v3 =	vand.u32 $0x7, v3;
	v4 =	vand.u32 $0xFFFFFFF0, v39  }
0x262: {  	v3 =	vor.u32 v3, v4  }
0x263: {  	v4 =	vperm.xlane v3, v0;
	_ =	sdelay $0x1  }
0x264: {  	v3 =	vperm.xlane v3, v2;
	v4 =	vadd.s32 v1, v4;
	_ =	sdelay $0x1  }
0x265: {  	v3 =	vadd.s32 v1, v3;
	_ =	sdelay $0x1  }
0x266: {  	s9 =	simm.s32 $0xF100  }
0x267: {  	[tilespmem:s9], [sflag:$0x2] =	stream.indirect_vreg.gather [hbm4b:s3+s2], $0x80, v4, vm0, $0xb8;
	[tilespmem:$0x10100] =	vst v63  }
0x268: {  	s19 =	simm.s32 $0xF900  }
0x269: {  	[tilespmem:s19], [sflag:$0x2] =	stream.indirect_vreg.gather [hbm4b:s3+s2], $0x80, v3, vm0, $0xb8;
	[tilespmem:$0x10100] =	vst v63  }
0x26a: {  	_ =	swait.ge [sflag:s13], $0x8000  }
0x26b: {  	[sflag:s13] =	ssyncset.done $0x0  }
0x26c: {  	s19 =	rddreg [dreg:$0xc];
	[sflag:s13] =	ssyncadd.s32 $0xFFFF8000  }
0x26d: {  	[hbm4b:s19+s2] =	stream.linear.scatter [tilespmem:s6], [sflag:$0x3], $0x8000, $0x38;
	[tilespmem:$0x10100] =	vst v63  }
0x26e: {  	_ =	swait.ge [sflag:s5], $0x8000  }
0x26f: {  	[sflag:s5] =	ssyncset.done $0x0  }
0x270: {  	s0 =	rddreg [dreg:$0xd];
	[sflag:s5] =	ssyncadd.s32 $0xFFFF8000  }
0x271: {  	[tilespmem:s2], [sflag:$0x3] =	stream.linear.gather [hbm4b:s0+s2], $0x80, $0x38;
	[tilespmem:$0x10100] =	vst v63  }
0x272: {  	_ =	swait.ge [sflag:s5], $0x80  }
0x273: {  	[sflag:s5] =	ssyncset.done $0x0  }
0x274: {  	[sflag:s5] =	ssyncadd.s32 $0xFFFFFF80  }
0x275: {  	v3 =	vld [tilespmem:$0x0];
	_ =	sdelay $0x4  }
0x276: {  	v40 =	vshll.u32 v3, $0x1  }
0x277: {  	v3 =	vand.u32 $0x7, v3;
	v4 =	vand.u32 $0xFFFFFFF0, v40  }
0x278: {  	v3 =	vor.u32 v3, v4  }
0x279: {  	v4 =	vperm.xlane v3, v0;
	_ =	sdelay $0x1  }
0x27a: {  	v3 =	vperm.xlane v3, v2;
	v4 =	vadd.s32 v1, v4;
	_ =	sdelay $0x1  }
0x27b: {  	v3 =	vadd.s32 v1, v3;
	_ =	sdelay $0x2  }
0x27c: {  	[tilespmem:s6], [sflag:$0x1] =	stream.indirect_vreg.gather [hbm4b:s3+s2], $0x80, v4, vm0, $0xb8;
	[tilespmem:$0x10100] =	vst v63  }
0x27d: {  	s19 =	simm.s32 $0x900  }
0x27e: {  	[tilespmem:s19], [sflag:$0x1] =	stream.indirect_vreg.gather [hbm4b:s3+s2], $0x80, v3, vm0, $0xb8;
	[tilespmem:$0x10100] =	vst v63  }
0x27f: {  	v3 =	vld [tilespmem:$0x10];
	_ =	sdelay $0x4  }
0x280: {  	v41 =	vshll.u32 v3, $0x1  }
0x281: {  	v3 =	vand.u32 $0x7, v3;
	v4 =	vand.u32 $0xFFFFFFF0, v41  }
0x282: {  	v3 =	vor.u32 v3, v4  }
0x283: {  	v4 =	vperm.xlane v3, v0;
	_ =	sdelay $0x1  }
0x284: {  	v3 =	vperm.xlane v3, v2;
	v4 =	vadd.s32 v1, v4;
	_ =	sdelay $0x1  }
0x285: {  	v3 =	vadd.s32 v1, v3;
	_ =	sdelay $0x1  }
0x286: {  	s15 =	simm.s32 $0x1100  }
0x287: {  	[tilespmem:s15], [sflag:$0x1] =	stream.indirect_vreg.gather [hbm4b:s3+s2], $0x80, v4, vm0, $0xb8;
	[tilespmem:$0x10100] =	vst v63  }
0x288: {  	s25 =	simm.s32 $0x1900  }
0x289: {  	[tilespmem:s25], [sflag:$0x1] =	stream.indirect_vreg.gather [hbm4b:s3+s2], $0x80, v3, vm0, $0xb8;
	[tilespmem:$0x10100] =	vst v63  }
0x28a: {  	v3 =	vld [tilespmem:$0x20];
	_ =	sdelay $0x4  }
0x28b: {  	v42 =	vshll.u32 v3, $0x1  }
0x28c: {  	v3 =	vand.u32 $0x7, v3;
	v4 =	vand.u32 $0xFFFFFFF0, v42  }
0x28d: {  	v3 =	vor.u32 v3, v4  }
0x28e: {  	v4 =	vperm.xlane v3, v0;
	_ =	sdelay $0x1  }
0x28f: {  	v3 =	vperm.xlane v3, v2;
	v4 =	vadd.s32 v1, v4;
	_ =	sdelay $0x1  }
0x290: {  	v3 =	vadd.s32 v1, v3;
	_ =	sdelay $0x1  }
0x291: {  	s19 =	simm.s32 $0x2100  }
0x292: {  	[tilespmem:s19], [sflag:$0x1] =	stream.indirect_vreg.gather [hbm4b:s3+s2], $0x80, v4, vm0, $0xb8;
	[tilespmem:$0x10100] =	vst v63  }
0x293: {  	s15 =	simm.s32 $0x2900  }
0x294: {  	[tilespmem:s15], [sflag:$0x1] =	stream.indirect_vreg.gather [hbm4b:s3+s2], $0x80, v3, vm0, $0xb8;
	[tilespmem:$0x10100] =	vst v63  }
0x295: {  	v3 =	vld [tilespmem:$0x30];
	_ =	sdelay $0x4  }
0x296: {  	v43 =	vshll.u32 v3, $0x1  }
0x297: {  	v3 =	vand.u32 $0x7, v3;
	v4 =	vand.u32 $0xFFFFFFF0, v43  }
0x298: {  	v3 =	vor.u32 v3, v4  }
0x299: {  	v4 =	vperm.xlane v3, v0;
	_ =	sdelay $0x1  }
0x29a: {  	v3 =	vperm.xlane v3, v2;
	v4 =	vadd.s32 v1, v4;
	_ =	sdelay $0x1  }
0x29b: {  	v3 =	vadd.s32 v1, v3;
	_ =	sdelay $0x1  }
0x29c: {  	s19 =	simm.s32 $0x3100  }
0x29d: {  	[tilespmem:s19], [sflag:$0x1] =	stream.indirect_vreg.gather [hbm4b:s3+s2], $0x80, v4, vm0, $0xb8;
	[tilespmem:$0x10100] =	vst v63  }
0x29e: {  	s28 =	simm.s32 $0x3900  }
0x29f: {  	[tilespmem:s28], [sflag:$0x1] =	stream.indirect_vreg.gather [hbm4b:s3+s2], $0x80, v3, vm0, $0xb8;
	[tilespmem:$0x10100] =	vst v63  }
0x2a0: {  	v3 =	vld [tilespmem:$0x40];
	_ =	sdelay $0x4  }
0x2a1: {  	v44 =	vshll.u32 v3, $0x1  }
0x2a2: {  	v3 =	vand.u32 $0x7, v3;
	v4 =	vand.u32 $0xFFFFFFF0, v44  }
0x2a3: {  	v3 =	vor.u32 v3, v4  }
0x2a4: {  	v4 =	vperm.xlane v3, v0;
	_ =	sdelay $0x1  }
0x2a5: {  	v3 =	vperm.xlane v3, v2;
	v4 =	vadd.s32 v1, v4;
	_ =	sdelay $0x1  }
0x2a6: {  	v3 =	vadd.s32 v1, v3;
	_ =	sdelay $0x1  }
0x2a7: {  	s24 =	simm.s32 $0x4100  }
0x2a8: {  	[tilespmem:s24], [sflag:$0x1] =	stream.indirect_vreg.gather [hbm4b:s3+s2], $0x80, v4, vm0, $0xb8;
	[tilespmem:$0x10100] =	vst v63  }
0x2a9: {  	s24 =	simm.s32 $0x4900  }
0x2aa: {  	[tilespmem:s24], [sflag:$0x1] =	stream.indirect_vreg.gather [hbm4b:s3+s2], $0x80, v3, vm0, $0xb8;
	[tilespmem:$0x10100] =	vst v63  }
0x2ab: {  	v3 =	vld [tilespmem:$0x50];
	_ =	sdelay $0x4  }
0x2ac: {  	v45 =	vshll.u32 v3, $0x1  }
0x2ad: {  	v3 =	vand.u32 $0x7, v3;
	v4 =	vand.u32 $0xFFFFFFF0, v45  }
0x2ae: {  	v3 =	vor.u32 v3, v4  }
0x2af: {  	v4 =	vperm.xlane v3, v0;
	_ =	sdelay $0x1  }
0x2b0: {  	v3 =	vperm.xlane v3, v2;
	v4 =	vadd.s32 v1, v4;
	_ =	sdelay $0x1  }
0x2b1: {  	v3 =	vadd.s32 v1, v3;
	_ =	sdelay $0x1  }
0x2b2: {  	s26 =	simm.s32 $0x5100  }
0x2b3: {  	[tilespmem:s26], [sflag:$0x1] =	stream.indirect_vreg.gather [hbm4b:s3+s2], $0x80, v4, vm0, $0xb8;
	[tilespmem:$0x10100] =	vst v63  }
0x2b4: {  	s30 =	simm.s32 $0x5900  }
0x2b5: {  	[tilespmem:s30], [sflag:$0x1] =	stream.indirect_vreg.gather [hbm4b:s3+s2], $0x80, v3, vm0, $0xb8;
	[tilespmem:$0x10100] =	vst v63  }
0x2b6: {  	v3 =	vld [tilespmem:$0x60];
	_ =	sdelay $0x4  }
0x2b7: {  	v46 =	vshll.u32 v3, $0x1  }
0x2b8: {  	v3 =	vand.u32 $0x7, v3;
	v4 =	vand.u32 $0xFFFFFFF0, v46  }
0x2b9: {  	v3 =	vor.u32 v3, v4  }
0x2ba: {  	v4 =	vperm.xlane v3, v0;
	_ =	sdelay $0x1  }
0x2bb: {  	v3 =	vperm.xlane v3, v2;
	v4 =	vadd.s32 v1, v4;
	_ =	sdelay $0x1  }
0x2bc: {  	v3 =	vadd.s32 v1, v3;
	_ =	sdelay $0x1  }
0x2bd: {  	s29 =	simm.s32 $0x6100  }
0x2be: {  	[tilespmem:s29], [sflag:$0x1] =	stream.indirect_vreg.gather [hbm4b:s3+s2], $0x80, v4, vm0, $0xb8;
	[tilespmem:$0x10100] =	vst v63  }
0x2bf: {  	s31 =	simm.s32 $0x6900  }
0x2c0: {  	[tilespmem:s31], [sflag:$0x1] =	stream.indirect_vreg.gather [hbm4b:s3+s2], $0x80, v3, vm0, $0xb8;
	[tilespmem:$0x10100] =	vst v63  }
0x2c1: {  	v3 =	vld [tilespmem:$0x70];
	_ =	sdelay $0x4  }
0x2c2: {  	v47 =	vshll.u32 v3, $0x1  }
0x2c3: {  	v3 =	vand.u32 $0x7, v3;
	v4 =	vand.u32 $0xFFFFFFF0, v47  }
0x2c4: {  	v3 =	vor.u32 v3, v4  }
0x2c5: {  	v4 =	vperm.xlane v3, v0;
	_ =	sdelay $0x1  }
0x2c6: {  	v3 =	vperm.xlane v3, v2;
	v4 =	vadd.s32 v1, v4;
	_ =	sdelay $0x1  }
0x2c7: {  	v3 =	vadd.s32 v1, v3;
	_ =	sdelay $0x1  }
0x2c8: {  	s0 =	simm.s32 $0x7100  }
0x2c9: {  	[tilespmem:s0], [sflag:$0x1] =	stream.indirect_vreg.gather [hbm4b:s3+s2], $0x80, v4, vm0, $0xb8;
	[tilespmem:$0x10100] =	vst v63  }
0x2ca: {  	s31 =	simm.s32 $0x7900  }
0x2cb: {  	[tilespmem:s31], [sflag:$0x1] =	stream.indirect_vreg.gather [hbm4b:s3+s2], $0x80, v3, vm0, $0xb8;
	[tilespmem:$0x10100] =	vst v63  }
0x2cc: {  	_ =	swait.ge [sflag:s14], $0x8000  }
0x2cd: {  	[sflag:s14] =	ssyncset.done $0x0  }
0x2ce: {  	s0 =	rddreg [dreg:$0xe];
	[sflag:s14] =	ssyncadd.s32 $0xFFFF8000  }
0x2cf: {  	[hbm4b:s0+s2] =	stream.linear.scatter [tilespmem:s23], [sflag:$0x3], $0x8000, $0x38;
	[tilespmem:$0x10100] =	vst v63  }
0x2d0: {  	_ =	swait.ge [sflag:s5], $0x8000  }
0x2d1: {  	[sflag:s5] =	ssyncset.done $0x0  }
0x2d2: {  	s0 =	simm.s32 $0x80;
	s15 =	rddreg [dreg:$0xf];
	[sflag:s5] =	ssyncadd.s32 $0xFFFF8000  }
0x2d3: {  	[tilespmem:s0], [sflag:$0x3] =	stream.linear.gather [hbm4b:s15+s2], $0x80, $0x38;
	[tilespmem:$0x10100] =	vst v63  }
0x2d4: {  	_ =	swait.ge [sflag:s5], $0x80  }
0x2d5: {  	[sflag:s5] =	ssyncset.done $0x0  }
0x2d6: {  	[sflag:s5] =	ssyncadd.s32 $0xFFFFFF80  }
0x2d7: {  	v3 =	vld [tilespmem:$0x80];
	_ =	sdelay $0x4  }
0x2d8: {  	v48 =	vshll.u32 v3, $0x1  }
0x2d9: {  	v3 =	vand.u32 $0x7, v3;
	v4 =	vand.u32 $0xFFFFFFF0, v48  }
0x2da: {  	v3 =	vor.u32 v3, v4  }
0x2db: {  	v4 =	vperm.xlane v3, v0;
	_ =	sdelay $0x1  }
0x2dc: {  	v3 =	vperm.xlane v3, v2;
	v4 =	vadd.s32 v1, v4;
	_ =	sdelay $0x1  }
0x2dd: {  	v3 =	vadd.s32 v1, v3;
	_ =	sdelay $0x2  }
0x2de: {  	[tilespmem:s23], [sflag:$0x2] =	stream.indirect_vreg.gather [hbm4b:s3+s2], $0x80, v4, vm0, $0xb8;
	[tilespmem:$0x10100] =	vst v63  }
0x2df: {  	s15 =	simm.s32 $0x8900  }
0x2e0: {  	[tilespmem:s15], [sflag:$0x2] =	stream.indirect_vreg.gather [hbm4b:s3+s2], $0x80, v3, vm0, $0xb8;
	[tilespmem:$0x10100] =	vst v63  }
0x2e1: {  	v3 =	vld [tilespmem:$0x90];
	_ =	sdelay $0x4  }
0x2e2: {  	v49 =	vshll.u32 v3, $0x1  }
0x2e3: {  	v3 =	vand.u32 $0x7, v3;
	v4 =	vand.u32 $0xFFFFFFF0, v49  }
0x2e4: {  	v3 =	vor.u32 v3, v4  }
0x2e5: {  	v4 =	vperm.xlane v3, v0;
	_ =	sdelay $0x1  }
0x2e6: {  	v3 =	vperm.xlane v3, v2;
	v4 =	vadd.s32 v1, v4;
	_ =	sdelay $0x1  }
0x2e7: {  	v3 =	vadd.s32 v1, v3;
	_ =	sdelay $0x1  }
0x2e8: {  	s20 =	simm.s32 $0x9100  }
0x2e9: {  	[tilespmem:s20], [sflag:$0x2] =	stream.indirect_vreg.gather [hbm4b:s3+s2], $0x80, v4, vm0, $0xb8;
	[tilespmem:$0x10100] =	vst v63  }
0x2ea: {  	s16 =	simm.s32 $0x9900  }
0x2eb: {  	[tilespmem:s16], [sflag:$0x2] =	stream.indirect_vreg.gather [hbm4b:s3+s2], $0x80, v3, vm0, $0xb8;
	[tilespmem:$0x10100] =	vst v63  }
0x2ec: {  	v3 =	vld [tilespmem:$0xA0];
	_ =	sdelay $0x4  }
0x2ed: {  	v50 =	vshll.u32 v3, $0x1  }
0x2ee: {  	v3 =	vand.u32 $0x7, v3;
	v4 =	vand.u32 $0xFFFFFFF0, v50  }
0x2ef: {  	v3 =	vor.u32 v3, v4  }
0x2f0: {  	v4 =	vperm.xlane v3, v0;
	_ =	sdelay $0x1  }
0x2f1: {  	v3 =	vperm.xlane v3, v2;
	v4 =	vadd.s32 v1, v4;
	_ =	sdelay $0x1  }
0x2f2: {  	v3 =	vadd.s32 v1, v3;
	_ =	sdelay $0x1  }
0x2f3: {  	s21 =	simm.s32 $0xA100  }
0x2f4: {  	[tilespmem:s21], [sflag:$0x2] =	stream.indirect_vreg.gather [hbm4b:s3+s2], $0x80, v4, vm0, $0xb8;
	[tilespmem:$0x10100] =	vst v63  }
0x2f5: {  	s8 =	simm.s32 $0xA900  }
0x2f6: {  	[tilespmem:s8], [sflag:$0x2] =	stream.indirect_vreg.gather [hbm4b:s3+s2], $0x80, v3, vm0, $0xb8;
	[tilespmem:$0x10100] =	vst v63  }
0x2f7: {  	v3 =	vld [tilespmem:$0xB0];
	_ =	sdelay $0x4  }
0x2f8: {  	v51 =	vshll.u32 v3, $0x1  }
0x2f9: {  	v3 =	vand.u32 $0x7, v3;
	v4 =	vand.u32 $0xFFFFFFF0, v51  }
0x2fa: {  	v3 =	vor.u32 v3, v4  }
0x2fb: {  	v4 =	vperm.xlane v3, v0;
	_ =	sdelay $0x1  }
0x2fc: {  	v3 =	vperm.xlane v3, v2;
	v4 =	vadd.s32 v1, v4;
	_ =	sdelay $0x1  }
0x2fd: {  	v3 =	vadd.s32 v1, v3;
	_ =	sdelay $0x1  }
0x2fe: {  	s22 =	simm.s32 $0xB100  }
0x2ff: {  	[tilespmem:s22], [sflag:$0x2] =	stream.indirect_vreg.gather [hbm4b:s3+s2], $0x80, v4, vm0, $0xb8;
	[tilespmem:$0x10100] =	vst v63  }
0x300: {  	s10 =	simm.s32 $0xB900  }
0x301: {  	[tilespmem:s10], [sflag:$0x2] =	stream.indirect_vreg.gather [hbm4b:s3+s2], $0x80, v3, vm0, $0xb8;
	[tilespmem:$0x10100] =	vst v63  }
0x302: {  	v3 =	vld [tilespmem:$0xC0];
	_ =	sdelay $0x4  }
0x303: {  	v52 =	vshll.u32 v3, $0x1  }
0x304: {  	v3 =	vand.u32 $0x7, v3;
	v4 =	vand.u32 $0xFFFFFFF0, v52  }
0x305: {  	v3 =	vor.u32 v3, v4  }
0x306: {  	v4 =	vperm.xlane v3, v0;
	_ =	sdelay $0x1  }
0x307: {  	v3 =	vperm.xlane v3, v2;
	v4 =	vadd.s32 v1, v4;
	_ =	sdelay $0x1  }
0x308: {  	v3 =	vadd.s32 v1, v3;
	_ =	sdelay $0x1  }
0x309: {  	s1 =	simm.s32 $0xC100  }
0x30a: {  	[tilespmem:s1], [sflag:$0x2] =	stream.indirect_vreg.gather [hbm4b:s3+s2], $0x80, v4, vm0, $0xb8;
	[tilespmem:$0x10100] =	vst v63  }
0x30b: {  	s11 =	simm.s32 $0xC900  }
0x30c: {  	[tilespmem:s11], [sflag:$0x2] =	stream.indirect_vreg.gather [hbm4b:s3+s2], $0x80, v3, vm0, $0xb8;
	[tilespmem:$0x10100] =	vst v63  }
0x30d: {  	v3 =	vld [tilespmem:$0xD0];
	_ =	sdelay $0x4  }
0x30e: {  	v53 =	vshll.u32 v3, $0x1  }
0x30f: {  	v3 =	vand.u32 $0x7, v3;
	v4 =	vand.u32 $0xFFFFFFF0, v53  }
0x310: {  	v3 =	vor.u32 v3, v4  }
0x311: {  	v4 =	vperm.xlane v3, v0;
	_ =	sdelay $0x1  }
0x312: {  	v3 =	vperm.xlane v3, v2;
	v4 =	vadd.s32 v1, v4;
	_ =	sdelay $0x1  }
0x313: {  	v3 =	vadd.s32 v1, v3;
	_ =	sdelay $0x1  }
0x314: {  	s4 =	simm.s32 $0xD100  }
0x315: {  	[tilespmem:s4], [sflag:$0x2] =	stream.indirect_vreg.gather [hbm4b:s3+s2], $0x80, v4, vm0, $0xb8;
	[tilespmem:$0x10100] =	vst v63  }
0x316: {  	s12 =	simm.s32 $0xD900  }
0x317: {  	[tilespmem:s12], [sflag:$0x2] =	stream.indirect_vreg.gather [hbm4b:s3+s2], $0x80, v3, vm0, $0xb8;
	[tilespmem:$0x10100] =	vst v63  }
0x318: {  	v3 =	vld [tilespmem:$0xE0];
	_ =	sdelay $0x4  }
0x319: {  	v54 =	vshll.u32 v3, $0x1  }
0x31a: {  	v3 =	vand.u32 $0x7, v3;
	v4 =	vand.u32 $0xFFFFFFF0, v54  }
0x31b: {  	v3 =	vor.u32 v3, v4  }
0x31c: {  	v4 =	vperm.xlane v3, v0;
	_ =	sdelay $0x1  }
0x31d: {  	v3 =	vperm.xlane v3, v2;
	v4 =	vadd.s32 v1, v4;
	_ =	sdelay $0x1  }
0x31e: {  	v3 =	vadd.s32 v1, v3;
	_ =	sdelay $0x1  }
0x31f: {  	s7 =	simm.s32 $0xE100  }
0x320: {  	[tilespmem:s7], [sflag:$0x2] =	stream.indirect_vreg.gather [hbm4b:s3+s2], $0x80, v4, vm0, $0xb8;
	[tilespmem:$0x10100] =	vst v63  }
0x321: {  	s17 =	simm.s32 $0xE900  }
0x322: {  	[tilespmem:s17], [sflag:$0x2] =	stream.indirect_vreg.gather [hbm4b:s3+s2], $0x80, v3, vm0, $0xb8;
	[tilespmem:$0x10100] =	vst v63  }
0x323: {  	v3 =	vld [tilespmem:$0xF0];
	_ =	sdelay $0x4  }
0x324: {  	v55 =	vshll.u32 v3, $0x1  }
0x325: {  	v3 =	vand.u32 $0x7, v3;
	v4 =	vand.u32 $0xFFFFFFF0, v55  }
0x326: {  	v3 =	vor.u32 v3, v4  }
0x327: {  	v4 =	vperm.xlane v3, v0;
	_ =	sdelay $0x1  }
0x328: {  	v3 =	vperm.xlane v3, v2;
	v4 =	vadd.s32 v1, v4;
	_ =	sdelay $0x1  }
0x329: {  	v3 =	vadd.s32 v1, v3;
	_ =	sdelay $0x1  }
0x32a: {  	s9 =	simm.s32 $0xF100  }
0x32b: {  	[tilespmem:s9], [sflag:$0x2] =	stream.indirect_vreg.gather [hbm4b:s3+s2], $0x80, v4, vm0, $0xb8;
	[tilespmem:$0x10100] =	vst v63  }
0x32c: {  	s18 =	simm.s32 $0xF900  }
0x32d: {  	[tilespmem:s18], [sflag:$0x2] =	stream.indirect_vreg.gather [hbm4b:s3+s2], $0x80, v3, vm0, $0xb8;
	[tilespmem:$0x10100] =	vst v63  }
0x32e: {  	_ =	swait.ge [sflag:s13], $0x8000  }
0x32f: {  	[sflag:s13] =	ssyncset.done $0x0  }
0x330: {  	s18 =	rddreg [dreg:$0x10];
	[sflag:s13] =	ssyncadd.s32 $0xFFFF8000  }
0x331: {  	[hbm4b:s18+s2] =	stream.linear.scatter [tilespmem:s6], [sflag:$0x3], $0x8000, $0x38;
	[tilespmem:$0x10100] =	vst v63  }
0x332: {  	_ =	swait.ge [sflag:s5], $0x8000  }
0x333: {  	[sflag:s5] =	ssyncset.done $0x0  }
0x334: {  	s0 =	rddreg [dreg:$0x11];
	[sflag:s5] =	ssyncadd.s32 $0xFFFF8000  }
0x335: {  	[tilespmem:s2], [sflag:$0x3] =	stream.linear.gather [hbm4b:s0+s2], $0x80, $0x38;
	[tilespmem:$0x10100] =	vst v63  }
0x336: {  	_ =	swait.ge [sflag:s5], $0x80  }
0x337: {  	[sflag:s5] =	ssyncset.done $0x0  }
0x338: {  	[sflag:s5] =	ssyncadd.s32 $0xFFFFFF80  }
0x339: {  	v3 =	vld [tilespmem:$0x0];
	_ =	sdelay $0x4  }
0x33a: {  	v56 =	vshll.u32 v3, $0x1  }
0x33b: {  	v3 =	vand.u32 $0x7, v3;
	v4 =	vand.u32 $0xFFFFFFF0, v56  }
0x33c: {  	v3 =	vor.u32 v3, v4  }
0x33d: {  	v4 =	vperm.xlane v3, v0;
	_ =	sdelay $0x1  }
0x33e: {  	v3 =	vperm.xlane v3, v2;
	v4 =	vadd.s32 v1, v4;
	_ =	sdelay $0x1  }
0x33f: {  	v3 =	vadd.s32 v1, v3;
	_ =	sdelay $0x2  }
0x340: {  	[tilespmem:s6], [sflag:$0x1] =	stream.indirect_vreg.gather [hbm4b:s3+s2], $0x80, v4, vm0, $0xb8;
	[tilespmem:$0x10100] =	vst v63  }
0x341: {  	s15 =	simm.s32 $0x900  }
0x342: {  	[tilespmem:s15], [sflag:$0x1] =	stream.indirect_vreg.gather [hbm4b:s3+s2], $0x80, v3, vm0, $0xb8;
	[tilespmem:$0x10100] =	vst v63  }
0x343: {  	v3 =	vld [tilespmem:$0x10];
	_ =	sdelay $0x4  }
0x344: {  	v57 =	vshll.u32 v3, $0x1  }
0x345: {  	v3 =	vand.u32 $0x7, v3;
	v4 =	vand.u32 $0xFFFFFFF0, v57  }
0x346: {  	v3 =	vor.u32 v3, v4  }
0x347: {  	v4 =	vperm.xlane v3, v0;
	_ =	sdelay $0x1  }
0x348: {  	v3 =	vperm.xlane v3, v2;
	v4 =	vadd.s32 v1, v4;
	_ =	sdelay $0x1  }
0x349: {  	v3 =	vadd.s32 v1, v3;
	_ =	sdelay $0x1  }
0x34a: {  	s18 =	simm.s32 $0x1100  }
0x34b: {  	[tilespmem:s18], [sflag:$0x1] =	stream.indirect_vreg.gather [hbm4b:s3+s2], $0x80, v4, vm0, $0xb8;
	[tilespmem:$0x10100] =	vst v63  }
0x34c: {  	s25 =	simm.s32 $0x1900  }
0x34d: {  	[tilespmem:s25], [sflag:$0x1] =	stream.indirect_vreg.gather [hbm4b:s3+s2], $0x80, v3, vm0, $0xb8;
	[tilespmem:$0x10100] =	vst v63  }
0x34e: {  	v3 =	vld [tilespmem:$0x20];
	_ =	sdelay $0x4  }
0x34f: {  	v58 =	vshll.u32 v3, $0x1  }
0x350: {  	v3 =	vand.u32 $0x7, v3;
	v4 =	vand.u32 $0xFFFFFFF0, v58  }
0x351: {  	v3 =	vor.u32 v3, v4  }
0x352: {  	v4 =	vperm.xlane v3, v0;
	_ =	sdelay $0x1  }
0x353: {  	v3 =	vperm.xlane v3, v2;
	v4 =	vadd.s32 v1, v4;
	_ =	sdelay $0x1  }
0x354: {  	v3 =	vadd.s32 v1, v3;
	_ =	sdelay $0x1  }
0x355: {  	s15 =	simm.s32 $0x2100  }
0x356: {  	[tilespmem:s15], [sflag:$0x1] =	stream.indirect_vreg.gather [hbm4b:s3+s2], $0x80, v4, vm0, $0xb8;
	[tilespmem:$0x10100] =	vst v63  }
0x357: {  	s25 =	simm.s32 $0x2900  }
0x358: {  	[tilespmem:s25], [sflag:$0x1] =	stream.indirect_vreg.gather [hbm4b:s3+s2], $0x80, v3, vm0, $0xb8;
	[tilespmem:$0x10100] =	vst v63  }
0x359: {  	v3 =	vld [tilespmem:$0x30];
	_ =	sdelay $0x4  }
0x35a: {  	v59 =	vshll.u32 v3, $0x1  }
0x35b: {  	v3 =	vand.u32 $0x7, v3;
	v4 =	vand.u32 $0xFFFFFFF0, v59  }
0x35c: {  	v3 =	vor.u32 v3, v4  }
0x35d: {  	v4 =	vperm.xlane v3, v0;
	_ =	sdelay $0x1  }
0x35e: {  	v3 =	vperm.xlane v3, v2;
	v4 =	vadd.s32 v1, v4;
	_ =	sdelay $0x1  }
0x35f: {  	v3 =	vadd.s32 v1, v3;
	_ =	sdelay $0x1  }
0x360: {  	s15 =	simm.s32 $0x3100  }
0x361: {  	[tilespmem:s15], [sflag:$0x1] =	stream.indirect_vreg.gather [hbm4b:s3+s2], $0x80, v4, vm0, $0xb8;
	[tilespmem:$0x10100] =	vst v63  }
0x362: {  	s28 =	simm.s32 $0x3900  }
0x363: {  	[tilespmem:s28], [sflag:$0x1] =	stream.indirect_vreg.gather [hbm4b:s3+s2], $0x80, v3, vm0, $0xb8;
	[tilespmem:$0x10100] =	vst v63  }
0x364: {  	v3 =	vld [tilespmem:$0x40];
	_ =	sdelay $0x4  }
0x365: {  	v60 =	vshll.u32 v3, $0x1  }
0x366: {  	v3 =	vand.u32 $0x7, v3;
	v4 =	vand.u32 $0xFFFFFFF0, v60  }
0x367: {  	v3 =	vor.u32 v3, v4  }
0x368: {  	v4 =	vperm.xlane v3, v0;
	_ =	sdelay $0x1  }
0x369: {  	v3 =	vperm.xlane v3, v2;
	v4 =	vadd.s32 v1, v4;
	_ =	sdelay $0x1  }
0x36a: {  	v3 =	vadd.s32 v1, v3;
	_ =	sdelay $0x1  }
0x36b: {  	s19 =	simm.s32 $0x4100  }
0x36c: {  	[tilespmem:s19], [sflag:$0x1] =	stream.indirect_vreg.gather [hbm4b:s3+s2], $0x80, v4, vm0, $0xb8;
	[tilespmem:$0x10100] =	vst v63  }
0x36d: {  	s25 =	simm.s32 $0x4900  }
0x36e: {  	[tilespmem:s25], [sflag:$0x1] =	stream.indirect_vreg.gather [hbm4b:s3+s2], $0x80, v3, vm0, $0xb8;
	[tilespmem:$0x10100] =	vst v63  }
0x36f: {  	v3 =	vld [tilespmem:$0x50];
	_ =	sdelay $0x4  }
0x370: {  	v61 =	vshll.u32 v3, $0x1  }
0x371: {  	v3 =	vand.u32 $0x7, v3;
	v4 =	vand.u32 $0xFFFFFFF0, v61  }
0x372: {  	v3 =	vor.u32 v3, v4  }
0x373: {  	v4 =	vperm.xlane v3, v0;
	_ =	sdelay $0x1  }
0x374: {  	v3 =	vperm.xlane v3, v2;
	v4 =	vadd.s32 v1, v4;
	_ =	sdelay $0x1  }
0x375: {  	v3 =	vadd.s32 v1, v3;
	_ =	sdelay $0x1  }
0x376: {  	s26 =	simm.s32 $0x5100  }
0x377: {  	[tilespmem:s26], [sflag:$0x1] =	stream.indirect_vreg.gather [hbm4b:s3+s2], $0x80, v4, vm0, $0xb8;
	[tilespmem:$0x10100] =	vst v63  }
0x378: {  	s24 =	simm.s32 $0x5900  }
0x379: {  	[tilespmem:s24], [sflag:$0x1] =	stream.indirect_vreg.gather [hbm4b:s3+s2], $0x80, v3, vm0, $0xb8;
	[tilespmem:$0x10100] =	vst v63  }
0x37a: {  	v3 =	vld [tilespmem:$0x60];
	_ =	sdelay $0x4  }
0x37b: {  	v62 =	vshll.u32 v3, $0x1  }
0x37c: {  	v3 =	vand.u32 $0x7, v3;
	v4 =	vand.u32 $0xFFFFFFF0, v62  }
0x37d: {  	v3 =	vor.u32 v3, v4  }
0x37e: {  	v4 =	vperm.xlane v3, v0;
	_ =	sdelay $0x1  }
0x37f: {  	v3 =	vperm.xlane v3, v2;
	v4 =	vadd.s32 v1, v4;
	_ =	sdelay $0x1  }
0x380: {  	v3 =	vadd.s32 v1, v3;
	_ =	sdelay $0x1  }
0x381: {  	s29 =	simm.s32 $0x6100  }
0x382: {  	[tilespmem:s29], [sflag:$0x1] =	stream.indirect_vreg.gather [hbm4b:s3+s2], $0x80, v4, vm0, $0xb8;
	[tilespmem:$0x10100] =	vst v63  }
0x383: {  	s30 =	simm.s32 $0x6900  }
0x384: {  	[tilespmem:s30], [sflag:$0x1] =	stream.indirect_vreg.gather [hbm4b:s3+s2], $0x80, v3, vm0, $0xb8;
	[tilespmem:$0x10100] =	vst v63  }
0x385: {  	v3 =	vld [tilespmem:$0x70];
	_ =	sdelay $0x4  }
0x386: {  	v63 =	vshll.u32 v3, $0x1  }
0x387: {  	v3 =	vand.u32 $0x7, v3;
	v4 =	vand.u32 $0xFFFFFFF0, v63  }
0x388: {  	v3 =	vor.u32 v3, v4  }
0x389: {  	v4 =	vperm.xlane v3, v0;
	_ =	sdelay $0x1  }
0x38a: {  	v3 =	vperm.xlane v3, v2;
	v4 =	vadd.s32 v1, v4;
	_ =	sdelay $0x1  }
0x38b: {  	v3 =	vadd.s32 v1, v3;
	_ =	sdelay $0x1  }
0x38c: {  	s30 =	simm.s32 $0x7100  }
0x38d: {  	[tilespmem:s30], [sflag:$0x1] =	stream.indirect_vreg.gather [hbm4b:s3+s2], $0x80, v4, vm0, $0xb8;
	[tilespmem:$0x10100] =	vst v63  }
0x38e: {  	s31 =	simm.s32 $0x7900  }
0x38f: {  	[tilespmem:s31], [sflag:$0x1] =	stream.indirect_vreg.gather [hbm4b:s3+s2], $0x80, v3, vm0, $0xb8;
	[tilespmem:$0x10100] =	vst v63  }
0x390: {  	_ =	swait.ge [sflag:s14], $0x8000  }
0x391: {  	[sflag:s14] =	ssyncset.done $0x0  }
0x392: {  	s0 =	rddreg [dreg:$0x12];
	[sflag:s14] =	ssyncadd.s32 $0xFFFF8000  }
0x393: {  	[hbm4b:s0+s2] =	stream.linear.scatter [tilespmem:s23], [sflag:$0x3], $0x8000, $0x38;
	[tilespmem:$0x10100] =	vst v63  }
0x394: {  	_ =	swait.ge [sflag:s5], $0x8000  }
0x395: {  	[sflag:s5] =	ssyncset.done $0x0  }
0x396: {  	s0 =	simm.s32 $0x80;
	s15 =	rddreg [dreg:$0x13];
	[sflag:s5] =	ssyncadd.s32 $0xFFFF8000  }
0x397: {  	[tilespmem:s0], [sflag:$0x3] =	stream.linear.gather [hbm4b:s15+s2], $0x80, $0x38;
	[tilespmem:$0x10100] =	vst v63  }
0x398: {  	_ =	swait.ge [sflag:s5], $0x80  }
0x399: {  	[sflag:s5] =	ssyncset.done $0x0  }
0x39a: {  	[sflag:s5] =	ssyncadd.s32 $0xFFFFFF80  }
0x39b: {  	v3 =	vld [tilespmem:$0x80];
	_ =	sdelay $0x4  }
0x39c: {  	v8 =	vshll.u32 v3, $0x1  }
0x39d: {  	v3 =	vand.u32 $0x7, v3;
	v4 =	vand.u32 $0xFFFFFFF0, v8  }
0x39e: {  	v3 =	vor.u32 v3, v4  }
0x39f: {  	v4 =	vperm.xlane v3, v0;
	_ =	sdelay $0x1  }
0x3a0: {  	v3 =	vperm.xlane v3, v2;
	v4 =	vadd.s32 v1, v4;
	_ =	sdelay $0x1  }
0x3a1: {  	v3 =	vadd.s32 v1, v3;
	_ =	sdelay $0x2  }
0x3a2: {  	[tilespmem:s23], [sflag:$0x2] =	stream.indirect_vreg.gather [hbm4b:s3+s2], $0x80, v4, vm0, $0xb8;
	[tilespmem:$0x10100] =	vst v63  }
0x3a3: {  	s15 =	simm.s32 $0x8900  }
0x3a4: {  	[tilespmem:s15], [sflag:$0x2] =	stream.indirect_vreg.gather [hbm4b:s3+s2], $0x80, v3, vm0, $0xb8;
	[tilespmem:$0x10100] =	vst v63  }
0x3a5: {  	v3 =	vld [tilespmem:$0x90];
	_ =	sdelay $0x4  }
0x3a6: {  	v9 =	vshll.u32 v3, $0x1  }
0x3a7: {  	v3 =	vand.u32 $0x7, v3;
	v4 =	vand.u32 $0xFFFFFFF0, v9  }
0x3a8: {  	v3 =	vor.u32 v3, v4  }
0x3a9: {  	v4 =	vperm.xlane v3, v0;
	_ =	sdelay $0x1  }
0x3aa: {  	v3 =	vperm.xlane v3, v2;
	v4 =	vadd.s32 v1, v4;
	_ =	sdelay $0x1  }
0x3ab: {  	v3 =	vadd.s32 v1, v3;
	_ =	sdelay $0x1  }
0x3ac: {  	s20 =	simm.s32 $0x9100  }
0x3ad: {  	[tilespmem:s20], [sflag:$0x2] =	stream.indirect_vreg.gather [hbm4b:s3+s2], $0x80, v4, vm0, $0xb8;
	[tilespmem:$0x10100] =	vst v63  }
0x3ae: {  	s16 =	simm.s32 $0x9900  }
0x3af: {  	[tilespmem:s16], [sflag:$0x2] =	stream.indirect_vreg.gather [hbm4b:s3+s2], $0x80, v3, vm0, $0xb8;
	[tilespmem:$0x10100] =	vst v63  }
0x3b0: {  	v3 =	vld [tilespmem:$0xA0];
	_ =	sdelay $0x4  }
0x3b1: {  	v10 =	vshll.u32 v3, $0x1  }
0x3b2: {  	v3 =	vand.u32 $0x7, v3;
	v4 =	vand.u32 $0xFFFFFFF0, v10  }
0x3b3: {  	v3 =	vor.u32 v3, v4  }
0x3b4: {  	v4 =	vperm.xlane v3, v0;
	_ =	sdelay $0x1  }
0x3b5: {  	v3 =	vperm.xlane v3, v2;
	v4 =	vadd.s32 v1, v4;
	_ =	sdelay $0x1  }
0x3b6: {  	v3 =	vadd.s32 v1, v3;
	_ =	sdelay $0x1  }
0x3b7: {  	s21 =	simm.s32 $0xA100  }
0x3b8: {  	[tilespmem:s21], [sflag:$0x2] =	stream.indirect_vreg.gather [hbm4b:s3+s2], $0x80, v4, vm0, $0xb8;
	[tilespmem:$0x10100] =	vst v63  }
0x3b9: {  	s8 =	simm.s32 $0xA900  }
0x3ba: {  	[tilespmem:s8], [sflag:$0x2] =	stream.indirect_vreg.gather [hbm4b:s3+s2], $0x80, v3, vm0, $0xb8;
	[tilespmem:$0x10100] =	vst v63  }
0x3bb: {  	v3 =	vld [tilespmem:$0xB0];
	_ =	sdelay $0x4  }
0x3bc: {  	v11 =	vshll.u32 v3, $0x1  }
0x3bd: {  	v3 =	vand.u32 $0x7, v3;
	v4 =	vand.u32 $0xFFFFFFF0, v11  }
0x3be: {  	v3 =	vor.u32 v3, v4  }
0x3bf: {  	v4 =	vperm.xlane v3, v0;
	_ =	sdelay $0x1  }
0x3c0: {  	v3 =	vperm.xlane v3, v2;
	v4 =	vadd.s32 v1, v4;
	_ =	sdelay $0x1  }
0x3c1: {  	v3 =	vadd.s32 v1, v3;
	_ =	sdelay $0x1  }
0x3c2: {  	s15 =	simm.s32 $0xB100  }
0x3c3: {  	[tilespmem:s15], [sflag:$0x2] =	stream.indirect_vreg.gather [hbm4b:s3+s2], $0x80, v4, vm0, $0xb8;
	[tilespmem:$0x10100] =	vst v63  }
0x3c4: {  	s10 =	simm.s32 $0xB900  }
0x3c5: {  	[tilespmem:s10], [sflag:$0x2] =	stream.indirect_vreg.gather [hbm4b:s3+s2], $0x80, v3, vm0, $0xb8;
	[tilespmem:$0x10100] =	vst v63  }
0x3c6: {  	v3 =	vld [tilespmem:$0xC0];
	_ =	sdelay $0x4  }
0x3c7: {  	v12 =	vshll.u32 v3, $0x1  }
0x3c8: {  	v3 =	vand.u32 $0x7, v3;
	v4 =	vand.u32 $0xFFFFFFF0, v12  }
0x3c9: {  	v3 =	vor.u32 v3, v4  }
0x3ca: {  	v4 =	vperm.xlane v3, v0;
	_ =	sdelay $0x1  }
0x3cb: {  	v3 =	vperm.xlane v3, v2;
	v4 =	vadd.s32 v1, v4;
	_ =	sdelay $0x1  }
0x3cc: {  	v3 =	vadd.s32 v1, v3;
	_ =	sdelay $0x1  }
0x3cd: {  	s22 =	simm.s32 $0xC100  }
0x3ce: {  	[tilespmem:s22], [sflag:$0x2] =	stream.indirect_vreg.gather [hbm4b:s3+s2], $0x80, v4, vm0, $0xb8;
	[tilespmem:$0x10100] =	vst v63  }
0x3cf: {  	s11 =	simm.s32 $0xC900  }
0x3d0: {  	[tilespmem:s11], [sflag:$0x2] =	stream.indirect_vreg.gather [hbm4b:s3+s2], $0x80, v3, vm0, $0xb8;
	[tilespmem:$0x10100] =	vst v63  }
0x3d1: {  	v3 =	vld [tilespmem:$0xD0];
	_ =	sdelay $0x4  }
0x3d2: {  	v13 =	vshll.u32 v3, $0x1  }
0x3d3: {  	v3 =	vand.u32 $0x7, v3;
	v4 =	vand.u32 $0xFFFFFFF0, v13  }
0x3d4: {  	v3 =	vor.u32 v3, v4  }
0x3d5: {  	v4 =	vperm.xlane v3, v0;
	_ =	sdelay $0x1  }
0x3d6: {  	v3 =	vperm.xlane v3, v2;
	v4 =	vadd.s32 v1, v4;
	_ =	sdelay $0x1  }
0x3d7: {  	v3 =	vadd.s32 v1, v3;
	_ =	sdelay $0x1  }
0x3d8: {  	s1 =	simm.s32 $0xD100  }
0x3d9: {  	[tilespmem:s1], [sflag:$0x2] =	stream.indirect_vreg.gather [hbm4b:s3+s2], $0x80, v4, vm0, $0xb8;
	[tilespmem:$0x10100] =	vst v63  }
0x3da: {  	s12 =	simm.s32 $0xD900  }
0x3db: {  	[tilespmem:s12], [sflag:$0x2] =	stream.indirect_vreg.gather [hbm4b:s3+s2], $0x80, v3, vm0, $0xb8;
	[tilespmem:$0x10100] =	vst v63  }
0x3dc: {  	v3 =	vld [tilespmem:$0xE0];
	_ =	sdelay $0x4  }
0x3dd: {  	v14 =	vshll.u32 v3, $0x1  }
0x3de: {  	v3 =	vand.u32 $0x7, v3;
	v4 =	vand.u32 $0xFFFFFFF0, v14  }
0x3df: {  	v3 =	vor.u32 v3, v4  }
0x3e0: {  	v4 =	vperm.xlane v3, v0;
	_ =	sdelay $0x1  }
0x3e1: {  	v3 =	vperm.xlane v3, v2;
	v4 =	vadd.s32 v1, v4;
	_ =	sdelay $0x1  }
0x3e2: {  	v3 =	vadd.s32 v1, v3;
	_ =	sdelay $0x1  }
0x3e3: {  	s4 =	simm.s32 $0xE100  }
0x3e4: {  	[tilespmem:s4], [sflag:$0x2] =	stream.indirect_vreg.gather [hbm4b:s3+s2], $0x80, v4, vm0, $0xb8;
	[tilespmem:$0x10100] =	vst v63  }
0x3e5: {  	s17 =	simm.s32 $0xE900  }
0x3e6: {  	[tilespmem:s17], [sflag:$0x2] =	stream.indirect_vreg.gather [hbm4b:s3+s2], $0x80, v3, vm0, $0xb8;
	[tilespmem:$0x10100] =	vst v63  }
0x3e7: {  	v3 =	vld [tilespmem:$0xF0];
	_ =	sdelay $0x4  }
0x3e8: {  	v15 =	vshll.u32 v3, $0x1  }
0x3e9: {  	v3 =	vand.u32 $0x7, v3;
	v4 =	vand.u32 $0xFFFFFFF0, v15  }
0x3ea: {  	v3 =	vor.u32 v3, v4  }
0x3eb: {  	v4 =	vperm.xlane v3, v0;
	_ =	sdelay $0x1  }
0x3ec: {  	v3 =	vperm.xlane v3, v2;
	v4 =	vadd.s32 v1, v4;
	_ =	sdelay $0x1  }
0x3ed: {  	v3 =	vadd.s32 v1, v3;
	_ =	sdelay $0x1  }
0x3ee: {  	s7 =	simm.s32 $0xF100  }
0x3ef: {  	[tilespmem:s7], [sflag:$0x2] =	stream.indirect_vreg.gather [hbm4b:s3+s2], $0x80, v4, vm0, $0xb8;
	[tilespmem:$0x10100] =	vst v63  }
0x3f0: {  	s9 =	simm.s32 $0xF900  }
0x3f1: {  	[tilespmem:s9], [sflag:$0x2] =	stream.indirect_vreg.gather [hbm4b:s3+s2], $0x80, v3, vm0, $0xb8;
	[tilespmem:$0x10100] =	vst v63  }
0x3f2: {  	_ =	swait.ge [sflag:s13], $0x8000  }
0x3f3: {  	[sflag:s13] =	ssyncset.done $0x0  }
0x3f4: {  	s9 =	rddreg [dreg:$0x14];
	[sflag:s13] =	ssyncadd.s32 $0xFFFF8000  }
0x3f5: {  	[hbm4b:s9+s2] =	stream.linear.scatter [tilespmem:s6], [sflag:$0x3], $0x8000, $0x38;
	[tilespmem:$0x10100] =	vst v63  }
0x3f6: {  	_ =	swait.ge [sflag:s5], $0x8000  }
0x3f7: {  	[sflag:s5] =	ssyncset.done $0x0  }
0x3f8: {  	s9 =	rddreg [dreg:$0x15];
	[sflag:s5] =	ssyncadd.s32 $0xFFFF8000  }
0x3f9: {  	[tilespmem:s2], [sflag:$0x3] =	stream.linear.gather [hbm4b:s9+s2], $0x80, $0x38;
	[tilespmem:$0x10100] =	vst v63  }
0x3fa: {  	_ =	swait.ge [sflag:s5], $0x80  }
0x3fb: {  	[sflag:s5] =	ssyncset.done $0x0  }
0x3fc: {  	[sflag:s5] =	ssyncadd.s32 $0xFFFFFF80  }
0x3fd: {  	v3 =	vld [tilespmem:$0x0];
	_ =	sdelay $0x4  }
0x3fe: {  	v16 =	vshll.u32 v3, $0x1  }
0x3ff: {  	v3 =	vand.u32 $0x7, v3;
	v4 =	vand.u32 $0xFFFFFFF0, v16  }
0x400: {  	v3 =	vor.u32 v3, v4  }
0x401: {  	v4 =	vperm.xlane v3, v0;
	_ =	sdelay $0x1  }
0x402: {  	v3 =	vperm.xlane v3, v2;
	v4 =	vadd.s32 v1, v4;
	_ =	sdelay $0x1  }
0x403: {  	v3 =	vadd.s32 v1, v3;
	_ =	sdelay $0x2  }
0x404: {  	[tilespmem:s6], [sflag:$0x1] =	stream.indirect_vreg.gather [hbm4b:s3+s2], $0x80, v4, vm0, $0xb8;
	[tilespmem:$0x10100] =	vst v63  }
0x405: {  	s15 =	simm.s32 $0x900  }
0x406: {  	[tilespmem:s15], [sflag:$0x1] =	stream.indirect_vreg.gather [hbm4b:s3+s2], $0x80, v3, vm0, $0xb8;
	[tilespmem:$0x10100] =	vst v63  }
0x407: {  	v3 =	vld [tilespmem:$0x10];
	_ =	sdelay $0x4  }
0x408: {  	v17 =	vshll.u32 v3, $0x1  }
0x409: {  	v3 =	vand.u32 $0x7, v3;
	v4 =	vand.u32 $0xFFFFFFF0, v17  }
0x40a: {  	v3 =	vor.u32 v3, v4  }
0x40b: {  	v4 =	vperm.xlane v3, v0;
	_ =	sdelay $0x1  }
0x40c: {  	v3 =	vperm.xlane v3, v2;
	v4 =	vadd.s32 v1, v4;
	_ =	sdelay $0x1  }
0x40d: {  	v3 =	vadd.s32 v1, v3;
	_ =	sdelay $0x1  }
0x40e: {  	s15 =	simm.s32 $0x1100  }
0x40f: {  	[tilespmem:s15], [sflag:$0x1] =	stream.indirect_vreg.gather [hbm4b:s3+s2], $0x80, v4, vm0, $0xb8;
	[tilespmem:$0x10100] =	vst v63  }
0x410: {  	s18 =	simm.s32 $0x1900  }
0x411: {  	[tilespmem:s18], [sflag:$0x1] =	stream.indirect_vreg.gather [hbm4b:s3+s2], $0x80, v3, vm0, $0xb8;
	[tilespmem:$0x10100] =	vst v63  }
0x412: {  	v3 =	vld [tilespmem:$0x20];
	_ =	sdelay $0x4  }
0x413: {  	v18 =	vshll.u32 v3, $0x1  }
0x414: {  	v3 =	vand.u32 $0x7, v3;
	v4 =	vand.u32 $0xFFFFFFF0, v18  }
0x415: {  	v3 =	vor.u32 v3, v4  }
0x416: {  	v4 =	vperm.xlane v3, v0;
	_ =	sdelay $0x1  }
0x417: {  	v3 =	vperm.xlane v3, v2;
	v4 =	vadd.s32 v1, v4;
	_ =	sdelay $0x1  }
0x418: {  	v3 =	vadd.s32 v1, v3;
	_ =	sdelay $0x1  }
0x419: {  	s18 =	simm.s32 $0x2100  }
0x41a: {  	[tilespmem:s18], [sflag:$0x1] =	stream.indirect_vreg.gather [hbm4b:s3+s2], $0x80, v4, vm0, $0xb8;
	[tilespmem:$0x10100] =	vst v63  }
0x41b: {  	s18 =	simm.s32 $0x2900  }
0x41c: {  	[tilespmem:s18], [sflag:$0x1] =	stream.indirect_vreg.gather [hbm4b:s3+s2], $0x80, v3, vm0, $0xb8;
	[tilespmem:$0x10100] =	vst v63  }
0x41d: {  	v3 =	vld [tilespmem:$0x30];
	_ =	sdelay $0x4  }
0x41e: {  	v19 =	vshll.u32 v3, $0x1  }
0x41f: {  	v3 =	vand.u32 $0x7, v3;
	v4 =	vand.u32 $0xFFFFFFF0, v19  }
0x420: {  	v3 =	vor.u32 v3, v4  }
0x421: {  	v4 =	vperm.xlane v3, v0;
	_ =	sdelay $0x1  }
0x422: {  	v3 =	vperm.xlane v3, v2;
	v4 =	vadd.s32 v1, v4;
	_ =	sdelay $0x1  }
0x423: {  	v3 =	vadd.s32 v1, v3;
	_ =	sdelay $0x1  }
0x424: {  	s18 =	simm.s32 $0x3100  }
0x425: {  	[tilespmem:s18], [sflag:$0x1] =	stream.indirect_vreg.gather [hbm4b:s3+s2], $0x80, v4, vm0, $0xb8;
	[tilespmem:$0x10100] =	vst v63  }
0x426: {  	s28 =	simm.s32 $0x3900  }
0x427: {  	[tilespmem:s28], [sflag:$0x1] =	stream.indirect_vreg.gather [hbm4b:s3+s2], $0x80, v3, vm0, $0xb8;
	[tilespmem:$0x10100] =	vst v63  }
0x428: {  	v3 =	vld [tilespmem:$0x40];
	_ =	sdelay $0x4  }
0x429: {  	v20 =	vshll.u32 v3, $0x1  }
0x42a: {  	v3 =	vand.u32 $0x7, v3;
	v4 =	vand.u32 $0xFFFFFFF0, v20  }
0x42b: {  	v3 =	vor.u32 v3, v4  }
0x42c: {  	v4 =	vperm.xlane v3, v0;
	_ =	sdelay $0x1  }
0x42d: {  	v3 =	vperm.xlane v3, v2;
	v4 =	vadd.s32 v1, v4;
	_ =	sdelay $0x1  }
0x42e: {  	v3 =	vadd.s32 v1, v3;
	_ =	sdelay $0x1  }
0x42f: {  	s19 =	simm.s32 $0x4100  }
0x430: {  	[tilespmem:s19], [sflag:$0x1] =	stream.indirect_vreg.gather [hbm4b:s3+s2], $0x80, v4, vm0, $0xb8;
	[tilespmem:$0x10100] =	vst v63  }
0x431: {  	s18 =	simm.s32 $0x4900  }
0x432: {  	[tilespmem:s18], [sflag:$0x1] =	stream.indirect_vreg.gather [hbm4b:s3+s2], $0x80, v3, vm0, $0xb8;
	[tilespmem:$0x10100] =	vst v63  }
0x433: {  	v3 =	vld [tilespmem:$0x50];
	_ =	sdelay $0x4  }
0x434: {  	v21 =	vshll.u32 v3, $0x1  }
0x435: {  	v3 =	vand.u32 $0x7, v3;
	v4 =	vand.u32 $0xFFFFFFF0, v21  }
0x436: {  	v3 =	vor.u32 v3, v4  }
0x437: {  	v4 =	vperm.xlane v3, v0;
	_ =	sdelay $0x1  }
0x438: {  	v3 =	vperm.xlane v3, v2;
	v4 =	vadd.s32 v1, v4;
	_ =	sdelay $0x1  }
0x439: {  	v3 =	vadd.s32 v1, v3;
	_ =	sdelay $0x1  }
0x43a: {  	s25 =	simm.s32 $0x5100  }
0x43b: {  	[tilespmem:s25], [sflag:$0x1] =	stream.indirect_vreg.gather [hbm4b:s3+s2], $0x80, v4, vm0, $0xb8;
	[tilespmem:$0x10100] =	vst v63  }
0x43c: {  	s24 =	simm.s32 $0x5900  }
0x43d: {  	[tilespmem:s24], [sflag:$0x1] =	stream.indirect_vreg.gather [hbm4b:s3+s2], $0x80, v3, vm0, $0xb8;
	[tilespmem:$0x10100] =	vst v63  }
0x43e: {  	v3 =	vld [tilespmem:$0x60];
	_ =	sdelay $0x4  }
0x43f: {  	v22 =	vshll.u32 v3, $0x1  }
0x440: {  	v3 =	vand.u32 $0x7, v3;
	v4 =	vand.u32 $0xFFFFFFF0, v22  }
0x441: {  	v3 =	vor.u32 v3, v4  }
0x442: {  	v4 =	vperm.xlane v3, v0;
	_ =	sdelay $0x1  }
0x443: {  	v3 =	vperm.xlane v3, v2;
	v4 =	vadd.s32 v1, v4;
	_ =	sdelay $0x1  }
0x444: {  	v3 =	vadd.s32 v1, v3;
	_ =	sdelay $0x1  }
0x445: {  	s26 =	simm.s32 $0x6100  }
0x446: {  	[tilespmem:s26], [sflag:$0x1] =	stream.indirect_vreg.gather [hbm4b:s3+s2], $0x80, v4, vm0, $0xb8;
	[tilespmem:$0x10100] =	vst v63  }
0x447: {  	s29 =	simm.s32 $0x6900  }
0x448: {  	[tilespmem:s29], [sflag:$0x1] =	stream.indirect_vreg.gather [hbm4b:s3+s2], $0x80, v3, vm0, $0xb8;
	[tilespmem:$0x10100] =	vst v63  }
0x449: {  	v3 =	vld [tilespmem:$0x70];
	_ =	sdelay $0x4  }
0x44a: {  	v23 =	vshll.u32 v3, $0x1  }
0x44b: {  	v3 =	vand.u32 $0x7, v3;
	v4 =	vand.u32 $0xFFFFFFF0, v23  }
0x44c: {  	v3 =	vor.u32 v3, v4  }
0x44d: {  	v4 =	vperm.xlane v3, v0;
	_ =	sdelay $0x1  }
0x44e: {  	v3 =	vperm.xlane v3, v2;
	v4 =	vadd.s32 v1, v4;
	_ =	sdelay $0x1  }
0x44f: {  	v3 =	vadd.s32 v1, v3;
	_ =	sdelay $0x1  }
0x450: {  	s30 =	simm.s32 $0x7100  }
0x451: {  	[tilespmem:s30], [sflag:$0x1] =	stream.indirect_vreg.gather [hbm4b:s3+s2], $0x80, v4, vm0, $0xb8;
	[tilespmem:$0x10100] =	vst v63  }
0x452: {  	s31 =	simm.s32 $0x7900  }
0x453: {  	[tilespmem:s31], [sflag:$0x1] =	stream.indirect_vreg.gather [hbm4b:s3+s2], $0x80, v3, vm0, $0xb8;
	[tilespmem:$0x10100] =	vst v63  }
0x454: {  	_ =	swait.ge [sflag:s14], $0x8000  }
0x455: {  	[sflag:s14] =	ssyncset.done $0x0  }
0x456: {  	s18 =	rddreg [dreg:$0x16];
	[sflag:s14] =	ssyncadd.s32 $0xFFFF8000  }
0x457: {  	[hbm4b:s18+s2] =	stream.linear.scatter [tilespmem:s23], [sflag:$0x3], $0x8000, $0x38;
	[tilespmem:$0x10100] =	vst v63  }
0x458: {  	_ =	swait.ge [sflag:s5], $0x8000  }
0x459: {  	[sflag:s5] =	ssyncset.done $0x0  }
0x45a: {  	s18 =	simm.s32 $0x80;
	s15 =	rddreg [dreg:$0x17];
	[sflag:s5] =	ssyncadd.s32 $0xFFFF8000  }
0x45b: {  	[tilespmem:s18], [sflag:$0x3] =	stream.linear.gather [hbm4b:s15+s2], $0x80, $0x38;
	[tilespmem:$0x10100] =	vst v63  }
0x45c: {  	_ =	swait.ge [sflag:s5], $0x80  }
0x45d: {  	[sflag:s5] =	ssyncset.done $0x0  }
0x45e: {  	[sflag:s5] =	ssyncadd.s32 $0xFFFFFF80  }
0x45f: {  	v3 =	vld [tilespmem:$0x80];
	_ =	sdelay $0x4  }
0x460: {  	v24 =	vshll.u32 v3, $0x1  }
0x461: {  	v3 =	vand.u32 $0x7, v3;
	v4 =	vand.u32 $0xFFFFFFF0, v24  }
0x462: {  	v3 =	vor.u32 v3, v4  }
0x463: {  	v4 =	vperm.xlane v3, v0;
	_ =	sdelay $0x1  }
0x464: {  	v3 =	vperm.xlane v3, v2;
	v4 =	vadd.s32 v1, v4;
	_ =	sdelay $0x1  }
0x465: {  	v3 =	vadd.s32 v1, v3;
	_ =	sdelay $0x2  }
0x466: {  	[tilespmem:s23], [sflag:$0x2] =	stream.indirect_vreg.gather [hbm4b:s3+s2], $0x80, v4, vm0, $0xb8;
	[tilespmem:$0x10100] =	vst v63  }
0x467: {  	s0 =	simm.s32 $0x8900  }
0x468: {  	[tilespmem:s0], [sflag:$0x2] =	stream.indirect_vreg.gather [hbm4b:s3+s2], $0x80, v3, vm0, $0xb8;
	[tilespmem:$0x10100] =	vst v63  }
0x469: {  	v3 =	vld [tilespmem:$0x90];
	_ =	sdelay $0x4  }
0x46a: {  	v25 =	vshll.u32 v3, $0x1  }
0x46b: {  	v3 =	vand.u32 $0x7, v3;
	v4 =	vand.u32 $0xFFFFFFF0, v25  }
0x46c: {  	v3 =	vor.u32 v3, v4  }
0x46d: {  	v4 =	vperm.xlane v3, v0;
	_ =	sdelay $0x1  }
0x46e: {  	v3 =	vperm.xlane v3, v2;
	v4 =	vadd.s32 v1, v4;
	_ =	sdelay $0x1  }
0x46f: {  	v3 =	vadd.s32 v1, v3;
	_ =	sdelay $0x1  }
0x470: {  	s20 =	simm.s32 $0x9100  }
0x471: {  	[tilespmem:s20], [sflag:$0x2] =	stream.indirect_vreg.gather [hbm4b:s3+s2], $0x80, v4, vm0, $0xb8;
	[tilespmem:$0x10100] =	vst v63  }
0x472: {  	s16 =	simm.s32 $0x9900  }
0x473: {  	[tilespmem:s16], [sflag:$0x2] =	stream.indirect_vreg.gather [hbm4b:s3+s2], $0x80, v3, vm0, $0xb8;
	[tilespmem:$0x10100] =	vst v63  }
0x474: {  	v3 =	vld [tilespmem:$0xA0];
	_ =	sdelay $0x4  }
0x475: {  	v26 =	vshll.u32 v3, $0x1  }
0x476: {  	v3 =	vand.u32 $0x7, v3;
	v4 =	vand.u32 $0xFFFFFFF0, v26  }
0x477: {  	v3 =	vor.u32 v3, v4  }
0x478: {  	v4 =	vperm.xlane v3, v0;
	_ =	sdelay $0x1  }
0x479: {  	v3 =	vperm.xlane v3, v2;
	v4 =	vadd.s32 v1, v4;
	_ =	sdelay $0x1  }
0x47a: {  	v3 =	vadd.s32 v1, v3;
	_ =	sdelay $0x1  }
0x47b: {  	s21 =	simm.s32 $0xA100  }
0x47c: {  	[tilespmem:s21], [sflag:$0x2] =	stream.indirect_vreg.gather [hbm4b:s3+s2], $0x80, v4, vm0, $0xb8;
	[tilespmem:$0x10100] =	vst v63  }
0x47d: {  	s8 =	simm.s32 $0xA900  }
0x47e: {  	[tilespmem:s8], [sflag:$0x2] =	stream.indirect_vreg.gather [hbm4b:s3+s2], $0x80, v3, vm0, $0xb8;
	[tilespmem:$0x10100] =	vst v63  }
0x47f: {  	v3 =	vld [tilespmem:$0xB0];
	_ =	sdelay $0x4  }
0x480: {  	v27 =	vshll.u32 v3, $0x1  }
0x481: {  	v3 =	vand.u32 $0x7, v3;
	v4 =	vand.u32 $0xFFFFFFF0, v27  }
0x482: {  	v3 =	vor.u32 v3, v4  }
0x483: {  	v4 =	vperm.xlane v3, v0;
	_ =	sdelay $0x1  }
0x484: {  	v3 =	vperm.xlane v3, v2;
	v4 =	vadd.s32 v1, v4;
	_ =	sdelay $0x1  }
0x485: {  	v3 =	vadd.s32 v1, v3;
	_ =	sdelay $0x1  }
0x486: {  	s16 =	simm.s32 $0xB100  }
0x487: {  	[tilespmem:s16], [sflag:$0x2] =	stream.indirect_vreg.gather [hbm4b:s3+s2], $0x80, v4, vm0, $0xb8;
	[tilespmem:$0x10100] =	vst v63  }
0x488: {  	s10 =	simm.s32 $0xB900  }
0x489: {  	[tilespmem:s10], [sflag:$0x2] =	stream.indirect_vreg.gather [hbm4b:s3+s2], $0x80, v3, vm0, $0xb8;
	[tilespmem:$0x10100] =	vst v63  }
0x48a: {  	v3 =	vld [tilespmem:$0xC0];
	_ =	sdelay $0x4  }
0x48b: {  	v28 =	vshll.u32 v3, $0x1  }
0x48c: {  	v3 =	vand.u32 $0x7, v3;
	v4 =	vand.u32 $0xFFFFFFF0, v28  }
0x48d: {  	v3 =	vor.u32 v3, v4  }
0x48e: {  	v4 =	vperm.xlane v3, v0;
	_ =	sdelay $0x1  }
0x48f: {  	v3 =	vperm.xlane v3, v2;
	v4 =	vadd.s32 v1, v4;
	_ =	sdelay $0x1  }
0x490: {  	v3 =	vadd.s32 v1, v3;
	_ =	sdelay $0x1  }
0x491: {  	s22 =	simm.s32 $0xC100  }
0x492: {  	[tilespmem:s22], [sflag:$0x2] =	stream.indirect_vreg.gather [hbm4b:s3+s2], $0x80, v4, vm0, $0xb8;
	[tilespmem:$0x10100] =	vst v63  }
0x493: {  	s11 =	simm.s32 $0xC900  }
0x494: {  	[tilespmem:s11], [sflag:$0x2] =	stream.indirect_vreg.gather [hbm4b:s3+s2], $0x80, v3, vm0, $0xb8;
	[tilespmem:$0x10100] =	vst v63  }
0x495: {  	v3 =	vld [tilespmem:$0xD0];
	_ =	sdelay $0x4  }
0x496: {  	v29 =	vshll.u32 v3, $0x1  }
0x497: {  	v3 =	vand.u32 $0x7, v3;
	v4 =	vand.u32 $0xFFFFFFF0, v29  }
0x498: {  	v3 =	vor.u32 v3, v4  }
0x499: {  	v4 =	vperm.xlane v3, v0;
	_ =	sdelay $0x1  }
0x49a: {  	v3 =	vperm.xlane v3, v2;
	v4 =	vadd.s32 v1, v4;
	_ =	sdelay $0x1  }
0x49b: {  	v3 =	vadd.s32 v1, v3;
	_ =	sdelay $0x1  }
0x49c: {  	s15 =	simm.s32 $0xD100  }
0x49d: {  	[tilespmem:s15], [sflag:$0x2] =	stream.indirect_vreg.gather [hbm4b:s3+s2], $0x80, v4, vm0, $0xb8;
	[tilespmem:$0x10100] =	vst v63  }
0x49e: {  	s12 =	simm.s32 $0xD900  }
0x49f: {  	[tilespmem:s12], [sflag:$0x2] =	stream.indirect_vreg.gather [hbm4b:s3+s2], $0x80, v3, vm0, $0xb8;
	[tilespmem:$0x10100] =	vst v63  }
0x4a0: {  	v3 =	vld [tilespmem:$0xE0];
	_ =	sdelay $0x4  }
0x4a1: {  	v30 =	vshll.u32 v3, $0x1  }
0x4a2: {  	v3 =	vand.u32 $0x7, v3;
	v4 =	vand.u32 $0xFFFFFFF0, v30  }
0x4a3: {  	v3 =	vor.u32 v3, v4  }
0x4a4: {  	v4 =	vperm.xlane v3, v0;
	_ =	sdelay $0x1  }
0x4a5: {  	v3 =	vperm.xlane v3, v2;
	v4 =	vadd.s32 v1, v4;
	_ =	sdelay $0x1  }
0x4a6: {  	v3 =	vadd.s32 v1, v3;
	_ =	sdelay $0x1  }
0x4a7: {  	s1 =	simm.s32 $0xE100  }
0x4a8: {  	[tilespmem:s1], [sflag:$0x2] =	stream.indirect_vreg.gather [hbm4b:s3+s2], $0x80, v4, vm0, $0xb8;
	[tilespmem:$0x10100] =	vst v63  }
0x4a9: {  	s17 =	simm.s32 $0xE900  }
0x4aa: {  	[tilespmem:s17], [sflag:$0x2] =	stream.indirect_vreg.gather [hbm4b:s3+s2], $0x80, v3, vm0, $0xb8;
	[tilespmem:$0x10100] =	vst v63  }
0x4ab: {  	v3 =	vld [tilespmem:$0xF0];
	_ =	sdelay $0x4  }
0x4ac: {  	v31 =	vshll.u32 v3, $0x1  }
0x4ad: {  	v3 =	vand.u32 $0x7, v3;
	v4 =	vand.u32 $0xFFFFFFF0, v31  }
0x4ae: {  	v3 =	vor.u32 v3, v4  }
0x4af: {  	v4 =	vperm.xlane v3, v0;
	_ =	sdelay $0x1  }
0x4b0: {  	v3 =	vperm.xlane v3, v2;
	v4 =	vadd.s32 v1, v4;
	_ =	sdelay $0x1  }
0x4b1: {  	v3 =	vadd.s32 v1, v3;
	_ =	sdelay $0x1  }
0x4b2: {  	s4 =	simm.s32 $0xF100  }
0x4b3: {  	[tilespmem:s4], [sflag:$0x2] =	stream.indirect_vreg.gather [hbm4b:s3+s2], $0x80, v4, vm0, $0xb8;
	[tilespmem:$0x10100] =	vst v63  }
0x4b4: {  	s7 =	simm.s32 $0xF900  }
0x4b5: {  	[tilespmem:s7], [sflag:$0x2] =	stream.indirect_vreg.gather [hbm4b:s3+s2], $0x80, v3, vm0, $0xb8;
	[tilespmem:$0x10100] =	vst v63  }
0x4b6: {  	_ =	swait.ge [sflag:s13], $0x8000  }
0x4b7: {  	[sflag:s13] =	ssyncset.done $0x0  }
0x4b8: {  	s17 =	rddreg [dreg:$0x18];
	[sflag:s13] =	ssyncadd.s32 $0xFFFF8000  }
0x4b9: {  	[hbm4b:s17+s2] =	stream.linear.scatter [tilespmem:s6], [sflag:$0x3], $0x8000, $0x38;
	[tilespmem:$0x10100] =	vst v63  }
0x4ba: {  	_ =	swait.ge [sflag:s5], $0x8000  }
0x4bb: {  	[sflag:s5] =	ssyncset.done $0x0  }
0x4bc: {  	s0 =	rddreg [dreg:$0x19];
	[sflag:s5] =	ssyncadd.s32 $0xFFFF8000  }
0x4bd: {  	[tilespmem:s2], [sflag:$0x3] =	stream.linear.gather [hbm4b:s0+s2], $0x80, $0x38;
	[tilespmem:$0x10100] =	vst v63  }
0x4be: {  	_ =	swait.ge [sflag:s5], $0x80  }
0x4bf: {  	[sflag:s5] =	ssyncset.done $0x0  }
0x4c0: {  	[sflag:s5] =	ssyncadd.s32 $0xFFFFFF80  }
0x4c1: {  	v3 =	vld [tilespmem:$0x0];
	_ =	sdelay $0x4  }
0x4c2: {  	v32 =	vshll.u32 v3, $0x1  }
0x4c3: {  	v3 =	vand.u32 $0x7, v3;
	v4 =	vand.u32 $0xFFFFFFF0, v32  }
0x4c4: {  	v3 =	vor.u32 v3, v4  }
0x4c5: {  	v4 =	vperm.xlane v3, v0;
	_ =	sdelay $0x1  }
0x4c6: {  	v3 =	vperm.xlane v3, v2;
	v4 =	vadd.s32 v1, v4;
	_ =	sdelay $0x1  }
0x4c7: {  	v3 =	vadd.s32 v1, v3;
	_ =	sdelay $0x2  }
0x4c8: {  	[tilespmem:s6], [sflag:$0x1] =	stream.indirect_vreg.gather [hbm4b:s3+s2], $0x80, v4, vm0, $0xb8;
	[tilespmem:$0x10100] =	vst v63  }
0x4c9: {  	s1 =	simm.s32 $0x900  }
0x4ca: {  	[tilespmem:s1], [sflag:$0x1] =	stream.indirect_vreg.gather [hbm4b:s3+s2], $0x80, v3, vm0, $0xb8;
	[tilespmem:$0x10100] =	vst v63  }
0x4cb: {  	v3 =	vld [tilespmem:$0x10];
	_ =	sdelay $0x4  }
0x4cc: {  	v33 =	vshll.u32 v3, $0x1  }
0x4cd: {  	v3 =	vand.u32 $0x7, v3;
	v4 =	vand.u32 $0xFFFFFFF0, v33  }
0x4ce: {  	v3 =	vor.u32 v3, v4  }
0x4cf: {  	v4 =	vperm.xlane v3, v0;
	_ =	sdelay $0x1  }
0x4d0: {  	v3 =	vperm.xlane v3, v2;
	v4 =	vadd.s32 v1, v4;
	_ =	sdelay $0x1  }
0x4d1: {  	v3 =	vadd.s32 v1, v3;
	_ =	sdelay $0x1  }
0x4d2: {  	s7 =	simm.s32 $0x1100  }
0x4d3: {  	[tilespmem:s7], [sflag:$0x1] =	stream.indirect_vreg.gather [hbm4b:s3+s2], $0x80, v4, vm0, $0xb8;
	[tilespmem:$0x10100] =	vst v63  }
0x4d4: {  	s9 =	simm.s32 $0x1900  }
0x4d5: {  	[tilespmem:s9], [sflag:$0x1] =	stream.indirect_vreg.gather [hbm4b:s3+s2], $0x80, v3, vm0, $0xb8;
	[tilespmem:$0x10100] =	vst v63  }
0x4d6: {  	v3 =	vld [tilespmem:$0x20];
	_ =	sdelay $0x4  }
0x4d7: {  	v34 =	vshll.u32 v3, $0x1  }
0x4d8: {  	v3 =	vand.u32 $0x7, v3;
	v4 =	vand.u32 $0xFFFFFFF0, v34  }
0x4d9: {  	v3 =	vor.u32 v3, v4  }
0x4da: {  	v4 =	vperm.xlane v3, v0;
	_ =	sdelay $0x1  }
0x4db: {  	v3 =	vperm.xlane v3, v2;
	v4 =	vadd.s32 v1, v4;
	_ =	sdelay $0x1  }
0x4dc: {  	v3 =	vadd.s32 v1, v3;
	_ =	sdelay $0x1  }
0x4dd: {  	s12 =	simm.s32 $0x2100  }
0x4de: {  	[tilespmem:s12], [sflag:$0x1] =	stream.indirect_vreg.gather [hbm4b:s3+s2], $0x80, v4, vm0, $0xb8;
	[tilespmem:$0x10100] =	vst v63  }
0x4df: {  	s15 =	simm.s32 $0x2900  }
0x4e0: {  	[tilespmem:s15], [sflag:$0x1] =	stream.indirect_vreg.gather [hbm4b:s3+s2], $0x80, v3, vm0, $0xb8;
	[tilespmem:$0x10100] =	vst v63  }
0x4e1: {  	v3 =	vld [tilespmem:$0x30];
	_ =	sdelay $0x4  }
0x4e2: {  	v35 =	vshll.u32 v3, $0x1  }
0x4e3: {  	v3 =	vand.u32 $0x7, v3;
	v4 =	vand.u32 $0xFFFFFFF0, v35  }
0x4e4: {  	v3 =	vor.u32 v3, v4  }
0x4e5: {  	v4 =	vperm.xlane v3, v0;
	_ =	sdelay $0x1  }
0x4e6: {  	v3 =	vperm.xlane v3, v2;
	v4 =	vadd.s32 v1, v4;
	_ =	sdelay $0x1  }
0x4e7: {  	v3 =	vadd.s32 v1, v3;
	_ =	sdelay $0x1  }
0x4e8: {  	s17 =	simm.s32 $0x3100  }
0x4e9: {  	[tilespmem:s17], [sflag:$0x1] =	stream.indirect_vreg.gather [hbm4b:s3+s2], $0x80, v4, vm0, $0xb8;
	[tilespmem:$0x10100] =	vst v63  }
0x4ea: {  	s28 =	simm.s32 $0x3900  }
0x4eb: {  	[tilespmem:s28], [sflag:$0x1] =	stream.indirect_vreg.gather [hbm4b:s3+s2], $0x80, v3, vm0, $0xb8;
	[tilespmem:$0x10100] =	vst v63  }
0x4ec: {  	v3 =	vld [tilespmem:$0x40];
	_ =	sdelay $0x4  }
0x4ed: {  	v36 =	vshll.u32 v3, $0x1  }
0x4ee: {  	v3 =	vand.u32 $0x7, v3;
	v4 =	vand.u32 $0xFFFFFFF0, v36  }
0x4ef: {  	v3 =	vor.u32 v3, v4  }
0x4f0: {  	v4 =	vperm.xlane v3, v0;
	_ =	sdelay $0x1  }
0x4f1: {  	v3 =	vperm.xlane v3, v2;
	v4 =	vadd.s32 v1, v4;
	_ =	sdelay $0x1  }
0x4f2: {  	v3 =	vadd.s32 v1, v3;
	_ =	sdelay $0x1  }
0x4f3: {  	s19 =	simm.s32 $0x4100  }
0x4f4: {  	[tilespmem:s19], [sflag:$0x1] =	stream.indirect_vreg.gather [hbm4b:s3+s2], $0x80, v4, vm0, $0xb8;
	[tilespmem:$0x10100] =	vst v63  }
0x4f5: {  	s28 =	simm.s32 $0x4900  }
0x4f6: {  	[tilespmem:s28], [sflag:$0x1] =	stream.indirect_vreg.gather [hbm4b:s3+s2], $0x80, v3, vm0, $0xb8;
	[tilespmem:$0x10100] =	vst v63  }
0x4f7: {  	v3 =	vld [tilespmem:$0x50];
	_ =	sdelay $0x4  }
0x4f8: {  	v37 =	vshll.u32 v3, $0x1  }
0x4f9: {  	v3 =	vand.u32 $0x7, v3;
	v4 =	vand.u32 $0xFFFFFFF0, v37  }
0x4fa: {  	v3 =	vor.u32 v3, v4  }
0x4fb: {  	v4 =	vperm.xlane v3, v0;
	_ =	sdelay $0x1  }
0x4fc: {  	v3 =	vperm.xlane v3, v2;
	v4 =	vadd.s32 v1, v4;
	_ =	sdelay $0x1  }
0x4fd: {  	v3 =	vadd.s32 v1, v3;
	_ =	sdelay $0x1  }
0x4fe: {  	s25 =	simm.s32 $0x5100  }
0x4ff: {  	[tilespmem:s25], [sflag:$0x1] =	stream.indirect_vreg.gather [hbm4b:s3+s2], $0x80, v4, vm0, $0xb8;
	[tilespmem:$0x10100] =	vst v63  }
0x500: {  	s24 =	simm.s32 $0x5900  }
0x501: {  	[tilespmem:s24], [sflag:$0x1] =	stream.indirect_vreg.gather [hbm4b:s3+s2], $0x80, v3, vm0, $0xb8;
	[tilespmem:$0x10100] =	vst v63  }
0x502: {  	v3 =	vld [tilespmem:$0x60];
	_ =	sdelay $0x4  }
0x503: {  	v38 =	vshll.u32 v3, $0x1  }
0x504: {  	v3 =	vand.u32 $0x7, v3;
	v4 =	vand.u32 $0xFFFFFFF0, v38  }
0x505: {  	v3 =	vor.u32 v3, v4  }
0x506: {  	v4 =	vperm.xlane v3, v0;
	_ =	sdelay $0x1  }
0x507: {  	v3 =	vperm.xlane v3, v2;
	v4 =	vadd.s32 v1, v4;
	_ =	sdelay $0x1  }
0x508: {  	v3 =	vadd.s32 v1, v3;
	_ =	sdelay $0x1  }
0x509: {  	s26 =	simm.s32 $0x6100  }
0x50a: {  	[tilespmem:s26], [sflag:$0x1] =	stream.indirect_vreg.gather [hbm4b:s3+s2], $0x80, v4, vm0, $0xb8;
	[tilespmem:$0x10100] =	vst v63  }
0x50b: {  	s29 =	simm.s32 $0x6900  }
0x50c: {  	[tilespmem:s29], [sflag:$0x1] =	stream.indirect_vreg.gather [hbm4b:s3+s2], $0x80, v3, vm0, $0xb8;
	[tilespmem:$0x10100] =	vst v63  }
0x50d: {  	v3 =	vld [tilespmem:$0x70];
	_ =	sdelay $0x4  }
0x50e: {  	v39 =	vshll.u32 v3, $0x1  }
0x50f: {  	v3 =	vand.u32 $0x7, v3;
	v4 =	vand.u32 $0xFFFFFFF0, v39  }
0x510: {  	v3 =	vor.u32 v3, v4  }
0x511: {  	v4 =	vperm.xlane v3, v0;
	_ =	sdelay $0x1  }
0x512: {  	v3 =	vperm.xlane v3, v2;
	v4 =	vadd.s32 v1, v4;
	_ =	sdelay $0x1  }
0x513: {  	v3 =	vadd.s32 v1, v3;
	_ =	sdelay $0x1  }
0x514: {  	s30 =	simm.s32 $0x7100  }
0x515: {  	[tilespmem:s30], [sflag:$0x1] =	stream.indirect_vreg.gather [hbm4b:s3+s2], $0x80, v4, vm0, $0xb8;
	[tilespmem:$0x10100] =	vst v63  }
0x516: {  	s31 =	simm.s32 $0x7900  }
0x517: {  	[tilespmem:s31], [sflag:$0x1] =	stream.indirect_vreg.gather [hbm4b:s3+s2], $0x80, v3, vm0, $0xb8;
	[tilespmem:$0x10100] =	vst v63  }
0x518: {  	_ =	swait.ge [sflag:s14], $0x8000  }
0x519: {  	[sflag:s14] =	ssyncset.done $0x0  }
0x51a: {  	s12 =	rddreg [dreg:$0x1a];
	[sflag:s14] =	ssyncadd.s32 $0xFFFF8000  }
0x51b: {  	[hbm4b:s12+s2] =	stream.linear.scatter [tilespmem:s23], [sflag:$0x3], $0x8000, $0x38;
	[tilespmem:$0x10100] =	vst v63  }
0x51c: {  	_ =	swait.ge [sflag:s5], $0x8000  }
0x51d: {  	[sflag:s5] =	ssyncset.done $0x0  }
0x51e: {  	s30 =	simm.s32 $0x80;
	s17 =	rddreg [dreg:$0x1b];
	[sflag:s5] =	ssyncadd.s32 $0xFFFF8000  }
0x51f: {  	[tilespmem:s30], [sflag:$0x3] =	stream.linear.gather [hbm4b:s17+s2], $0x80, $0x38;
	[tilespmem:$0x10100] =	vst v63  }
0x520: {  	_ =	swait.ge [sflag:s5], $0x80  }
0x521: {  	[sflag:s5] =	ssyncset.done $0x0  }
0x522: {  	[sflag:s5] =	ssyncadd.s32 $0xFFFFFF80  }
0x523: {  	v3 =	vld [tilespmem:$0x80];
	_ =	sdelay $0x4  }
0x524: {  	v40 =	vshll.u32 v3, $0x1  }
0x525: {  	v3 =	vand.u32 $0x7, v3;
	v4 =	vand.u32 $0xFFFFFFF0, v40  }
0x526: {  	v3 =	vor.u32 v3, v4  }
0x527: {  	v4 =	vperm.xlane v3, v0;
	_ =	sdelay $0x1  }
0x528: {  	v3 =	vperm.xlane v3, v2;
	v4 =	vadd.s32 v1, v4;
	_ =	sdelay $0x1  }
0x529: {  	v3 =	vadd.s32 v1, v3;
	_ =	sdelay $0x2  }
0x52a: {  	[tilespmem:s23], [sflag:$0x2] =	stream.indirect_vreg.gather [hbm4b:s3+s2], $0x80, v4, vm0, $0xb8;
	[tilespmem:$0x10100] =	vst v63  }
0x52b: {  	s18 =	simm.s32 $0x8900  }
0x52c: {  	[tilespmem:s18], [sflag:$0x2] =	stream.indirect_vreg.gather [hbm4b:s3+s2], $0x80, v3, vm0, $0xb8;
	[tilespmem:$0x10100] =	vst v63  }
0x52d: {  	v3 =	vld [tilespmem:$0x90];
	_ =	sdelay $0x4  }
0x52e: {  	v41 =	vshll.u32 v3, $0x1  }
0x52f: {  	v3 =	vand.u32 $0x7, v3;
	v4 =	vand.u32 $0xFFFFFFF0, v41  }
0x530: {  	v3 =	vor.u32 v3, v4  }
0x531: {  	v4 =	vperm.xlane v3, v0;
	_ =	sdelay $0x1  }
0x532: {  	v3 =	vperm.xlane v3, v2;
	v4 =	vadd.s32 v1, v4;
	_ =	sdelay $0x1  }
0x533: {  	v3 =	vadd.s32 v1, v3;
	_ =	sdelay $0x1  }
0x534: {  	s20 =	simm.s32 $0x9100  }
0x535: {  	[tilespmem:s20], [sflag:$0x2] =	stream.indirect_vreg.gather [hbm4b:s3+s2], $0x80, v4, vm0, $0xb8;
	[tilespmem:$0x10100] =	vst v63  }
0x536: {  	s31 =	simm.s32 $0x9900  }
0x537: {  	[tilespmem:s31], [sflag:$0x2] =	stream.indirect_vreg.gather [hbm4b:s3+s2], $0x80, v3, vm0, $0xb8;
	[tilespmem:$0x10100] =	vst v63  }
0x538: {  	v3 =	vld [tilespmem:$0xA0];
	_ =	sdelay $0x4  }
0x539: {  	v42 =	vshll.u32 v3, $0x1  }
0x53a: {  	v3 =	vand.u32 $0x7, v3;
	v4 =	vand.u32 $0xFFFFFFF0, v42  }
0x53b: {  	v3 =	vor.u32 v3, v4  }
0x53c: {  	v4 =	vperm.xlane v3, v0;
	_ =	sdelay $0x1  }
0x53d: {  	v3 =	vperm.xlane v3, v2;
	v4 =	vadd.s32 v1, v4;
	_ =	sdelay $0x1  }
0x53e: {  	v3 =	vadd.s32 v1, v3;
	_ =	sdelay $0x1  }
0x53f: {  	s21 =	simm.s32 $0xA100  }
0x540: {  	[tilespmem:s21], [sflag:$0x2] =	stream.indirect_vreg.gather [hbm4b:s3+s2], $0x80, v4, vm0, $0xb8;
	[tilespmem:$0x10100] =	vst v63  }
0x541: {  	s8 =	simm.s32 $0xA900  }
0x542: {  	[tilespmem:s8], [sflag:$0x2] =	stream.indirect_vreg.gather [hbm4b:s3+s2], $0x80, v3, vm0, $0xb8;
	[tilespmem:$0x10100] =	vst v63  }
0x543: {  	v3 =	vld [tilespmem:$0xB0];
	_ =	sdelay $0x4  }
0x544: {  	v43 =	vshll.u32 v3, $0x1  }
0x545: {  	v3 =	vand.u32 $0x7, v3;
	v4 =	vand.u32 $0xFFFFFFF0, v43  }
0x546: {  	v3 =	vor.u32 v3, v4  }
0x547: {  	v4 =	vperm.xlane v3, v0;
	_ =	sdelay $0x1  }
0x548: {  	v3 =	vperm.xlane v3, v2;
	v4 =	vadd.s32 v1, v4;
	_ =	sdelay $0x1  }
0x549: {  	v3 =	vadd.s32 v1, v3;
	_ =	sdelay $0x1  }
0x54a: {  	s12 =	simm.s32 $0xB100  }
0x54b: {  	[tilespmem:s12], [sflag:$0x2] =	stream.indirect_vreg.gather [hbm4b:s3+s2], $0x80, v4, vm0, $0xb8;
	[tilespmem:$0x10100] =	vst v63  }
0x54c: {  	s16 =	simm.s32 $0xB900  }
0x54d: {  	[tilespmem:s16], [sflag:$0x2] =	stream.indirect_vreg.gather [hbm4b:s3+s2], $0x80, v3, vm0, $0xb8;
	[tilespmem:$0x10100] =	vst v63  }
0x54e: {  	v3 =	vld [tilespmem:$0xC0];
	_ =	sdelay $0x4  }
0x54f: {  	v44 =	vshll.u32 v3, $0x1  }
0x550: {  	v3 =	vand.u32 $0x7, v3;
	v4 =	vand.u32 $0xFFFFFFF0, v44  }
0x551: {  	v3 =	vor.u32 v3, v4  }
0x552: {  	v4 =	vperm.xlane v3, v0;
	_ =	sdelay $0x1  }
0x553: {  	v3 =	vperm.xlane v3, v2;
	v4 =	vadd.s32 v1, v4;
	_ =	sdelay $0x1  }
0x554: {  	v3 =	vadd.s32 v1, v3;
	_ =	sdelay $0x1  }
0x555: {  	s22 =	simm.s32 $0xC100  }
0x556: {  	[tilespmem:s22], [sflag:$0x2] =	stream.indirect_vreg.gather [hbm4b:s3+s2], $0x80, v4, vm0, $0xb8;
	[tilespmem:$0x10100] =	vst v63  }
0x557: {  	s11 =	simm.s32 $0xC900  }
0x558: {  	[tilespmem:s11], [sflag:$0x2] =	stream.indirect_vreg.gather [hbm4b:s3+s2], $0x80, v3, vm0, $0xb8;
	[tilespmem:$0x10100] =	vst v63  }
0x559: {  	v3 =	vld [tilespmem:$0xD0];
	_ =	sdelay $0x4  }
0x55a: {  	v45 =	vshll.u32 v3, $0x1  }
0x55b: {  	v3 =	vand.u32 $0x7, v3;
	v4 =	vand.u32 $0xFFFFFFF0, v45  }
0x55c: {  	v3 =	vor.u32 v3, v4  }
0x55d: {  	v4 =	vperm.xlane v3, v0;
	_ =	sdelay $0x1  }
0x55e: {  	v3 =	vperm.xlane v3, v2;
	v4 =	vadd.s32 v1, v4;
	_ =	sdelay $0x1  }
0x55f: {  	v3 =	vadd.s32 v1, v3;
	_ =	sdelay $0x1  }
0x560: {  	s15 =	simm.s32 $0xD100  }
0x561: {  	[tilespmem:s15], [sflag:$0x2] =	stream.indirect_vreg.gather [hbm4b:s3+s2], $0x80, v4, vm0, $0xb8;
	[tilespmem:$0x10100] =	vst v63  }
0x562: {  	s22 =	simm.s32 $0xD900  }
0x563: {  	[tilespmem:s22], [sflag:$0x2] =	stream.indirect_vreg.gather [hbm4b:s3+s2], $0x80, v3, vm0, $0xb8;
	[tilespmem:$0x10100] =	vst v63  }
0x564: {  	v3 =	vld [tilespmem:$0xE0];
	_ =	sdelay $0x4  }
0x565: {  	v46 =	vshll.u32 v3, $0x1  }
0x566: {  	v3 =	vand.u32 $0x7, v3;
	v4 =	vand.u32 $0xFFFFFFF0, v46  }
0x567: {  	v3 =	vor.u32 v3, v4  }
0x568: {  	v4 =	vperm.xlane v3, v0;
	_ =	sdelay $0x1  }
0x569: {  	v3 =	vperm.xlane v3, v2;
	v4 =	vadd.s32 v1, v4;
	_ =	sdelay $0x1  }
0x56a: {  	v3 =	vadd.s32 v1, v3;
	_ =	sdelay $0x1  }
0x56b: {  	s10 =	simm.s32 $0xE100  }
0x56c: {  	[tilespmem:s10], [sflag:$0x2] =	stream.indirect_vreg.gather [hbm4b:s3+s2], $0x80, v4, vm0, $0xb8;
	[tilespmem:$0x10100] =	vst v63  }
0x56d: {  	s15 =	simm.s32 $0xE900  }
0x56e: {  	[tilespmem:s15], [sflag:$0x2] =	stream.indirect_vreg.gather [hbm4b:s3+s2], $0x80, v3, vm0, $0xb8;
	[tilespmem:$0x10100] =	vst v63  }
0x56f: {  	v3 =	vld [tilespmem:$0xF0];
	_ =	sdelay $0x4  }
0x570: {  	v47 =	vshll.u32 v3, $0x1  }
0x571: {  	v3 =	vand.u32 $0x7, v3;
	v4 =	vand.u32 $0xFFFFFFF0, v47  }
0x572: {  	v3 =	vor.u32 v3, v4  }
0x573: {  	v4 =	vperm.xlane v3, v0;
	_ =	sdelay $0x1  }
0x574: {  	v3 =	vperm.xlane v3, v2;
	v4 =	vadd.s32 v1, v4;
	_ =	sdelay $0x1  }
0x575: {  	v3 =	vadd.s32 v1, v3;
	_ =	sdelay $0x1  }
0x576: {  	s4 =	simm.s32 $0xF100  }
0x577: {  	[tilespmem:s4], [sflag:$0x2] =	stream.indirect_vreg.gather [hbm4b:s3+s2], $0x80, v4, vm0, $0xb8;
	[tilespmem:$0x10100] =	vst v63  }
0x578: {  	s15 =	simm.s32 $0xF900  }
0x579: {  	[tilespmem:s15], [sflag:$0x2] =	stream.indirect_vreg.gather [hbm4b:s3+s2], $0x80, v3, vm0, $0xb8;
	[tilespmem:$0x10100] =	vst v63  }
0x57a: {  	_ =	swait.ge [sflag:s13], $0x8000  }
0x57b: {  	[sflag:s13] =	ssyncset.done $0x0  }
0x57c: {  	s15 =	rddreg [dreg:$0x1c];
	[sflag:s13] =	ssyncadd.s32 $0xFFFF8000  }
0x57d: {  	[hbm4b:s15+s2] =	stream.linear.scatter [tilespmem:s6], [sflag:$0x3], $0x8000, $0x38;
	[tilespmem:$0x10100] =	vst v63  }
0x57e: {  	_ =	swait.ge [sflag:s5], $0x8000  }
0x57f: {  	[sflag:s5] =	ssyncset.done $0x0  }
0x580: {  	s15 =	rddreg [dreg:$0x1d];
	[sflag:s5] =	ssyncadd.s32 $0xFFFF8000  }
0x581: {  	[tilespmem:s2], [sflag:$0x3] =	stream.linear.gather [hbm4b:s15+s2], $0x80, $0x38;
	[tilespmem:$0x10100] =	vst v63  }
0x582: {  	_ =	swait.ge [sflag:s5], $0x80  }
0x583: {  	[sflag:s5] =	ssyncset.done $0x0  }
0x584: {  	[sflag:s5] =	ssyncadd.s32 $0xFFFFFF80  }
0x585: {  	v3 =	vld [tilespmem:$0x0];
	_ =	sdelay $0x4  }
0x586: {  	v48 =	vshll.u32 v3, $0x1  }
0x587: {  	v3 =	vand.u32 $0x7, v3;
	v4 =	vand.u32 $0xFFFFFFF0, v48  }
0x588: {  	v3 =	vor.u32 v3, v4  }
0x589: {  	v4 =	vperm.xlane v3, v0;
	_ =	sdelay $0x1  }
0x58a: {  	v3 =	vperm.xlane v3, v2;
	v4 =	vadd.s32 v1, v4;
	_ =	sdelay $0x1  }
0x58b: {  	v3 =	vadd.s32 v1, v3;
	_ =	sdelay $0x2  }
0x58c: {  	[tilespmem:s6], [sflag:$0x1] =	stream.indirect_vreg.gather [hbm4b:s3+s2], $0x80, v4, vm0, $0xb8;
	[tilespmem:$0x10100] =	vst v63  }
0x58d: {  	s15 =	simm.s32 $0x900  }
0x58e: {  	[tilespmem:s15], [sflag:$0x1] =	stream.indirect_vreg.gather [hbm4b:s3+s2], $0x80, v3, vm0, $0xb8;
	[tilespmem:$0x10100] =	vst v63  }
0x58f: {  	v3 =	vld [tilespmem:$0x10];
	_ =	sdelay $0x4  }
0x590: {  	v49 =	vshll.u32 v3, $0x1  }
0x591: {  	v3 =	vand.u32 $0x7, v3;
	v4 =	vand.u32 $0xFFFFFFF0, v49  }
0x592: {  	v3 =	vor.u32 v3, v4  }
0x593: {  	v4 =	vperm.xlane v3, v0;
	_ =	sdelay $0x1  }
0x594: {  	v3 =	vperm.xlane v3, v2;
	v4 =	vadd.s32 v1, v4;
	_ =	sdelay $0x1  }
0x595: {  	v3 =	vadd.s32 v1, v3;
	_ =	sdelay $0x1  }
0x596: {  	s15 =	simm.s32 $0x1100  }
0x597: {  	[tilespmem:s15], [sflag:$0x1] =	stream.indirect_vreg.gather [hbm4b:s3+s2], $0x80, v4, vm0, $0xb8;
	[tilespmem:$0x10100] =	vst v63  }
0x598: {  	s0 =	simm.s32 $0x1900  }
0x599: {  	[tilespmem:s0], [sflag:$0x1] =	stream.indirect_vreg.gather [hbm4b:s3+s2], $0x80, v3, vm0, $0xb8;
	[tilespmem:$0x10100] =	vst v63  }
0x59a: {  	v3 =	vld [tilespmem:$0x20];
	_ =	sdelay $0x4  }
0x59b: {  	v50 =	vshll.u32 v3, $0x1  }
0x59c: {  	v3 =	vand.u32 $0x7, v3;
	v4 =	vand.u32 $0xFFFFFFF0, v50  }
0x59d: {  	v3 =	vor.u32 v3, v4  }
0x59e: {  	v4 =	vperm.xlane v3, v0;
	_ =	sdelay $0x1  }
0x59f: {  	v3 =	vperm.xlane v3, v2;
	v4 =	vadd.s32 v1, v4;
	_ =	sdelay $0x1  }
0x5a0: {  	v3 =	vadd.s32 v1, v3;
	_ =	sdelay $0x1  }
0x5a1: {  	s15 =	simm.s32 $0x2100  }
0x5a2: {  	[tilespmem:s15], [sflag:$0x1] =	stream.indirect_vreg.gather [hbm4b:s3+s2], $0x80, v4, vm0, $0xb8;
	[tilespmem:$0x10100] =	vst v63  }
0x5a3: {  	s15 =	simm.s32 $0x2900  }
0x5a4: {  	[tilespmem:s15], [sflag:$0x1] =	stream.indirect_vreg.gather [hbm4b:s3+s2], $0x80, v3, vm0, $0xb8;
	[tilespmem:$0x10100] =	vst v63  }
0x5a5: {  	v3 =	vld [tilespmem:$0x30];
	_ =	sdelay $0x4  }
0x5a6: {  	v51 =	vshll.u32 v3, $0x1  }
0x5a7: {  	v3 =	vand.u32 $0x7, v3;
	v4 =	vand.u32 $0xFFFFFFF0, v51  }
0x5a8: {  	v3 =	vor.u32 v3, v4  }
0x5a9: {  	v4 =	vperm.xlane v3, v0;
	_ =	sdelay $0x1  }
0x5aa: {  	v3 =	vperm.xlane v3, v2;
	v4 =	vadd.s32 v1, v4;
	_ =	sdelay $0x1  }
0x5ab: {  	v3 =	vadd.s32 v1, v3;
	_ =	sdelay $0x1  }
0x5ac: {  	s15 =	simm.s32 $0x3100  }
0x5ad: {  	[tilespmem:s15], [sflag:$0x1] =	stream.indirect_vreg.gather [hbm4b:s3+s2], $0x80, v4, vm0, $0xb8;
	[tilespmem:$0x10100] =	vst v63  }
0x5ae: {  	s1 =	simm.s32 $0x3900  }
0x5af: {  	[tilespmem:s1], [sflag:$0x1] =	stream.indirect_vreg.gather [hbm4b:s3+s2], $0x80, v3, vm0, $0xb8;
	[tilespmem:$0x10100] =	vst v63  }
0x5b0: {  	v3 =	vld [tilespmem:$0x40];
	_ =	sdelay $0x4  }
0x5b1: {  	v52 =	vshll.u32 v3, $0x1  }
0x5b2: {  	v3 =	vand.u32 $0x7, v3;
	v4 =	vand.u32 $0xFFFFFFF0, v52  }
0x5b3: {  	v3 =	vor.u32 v3, v4  }
0x5b4: {  	v4 =	vperm.xlane v3, v0;
	_ =	sdelay $0x1  }
0x5b5: {  	v3 =	vperm.xlane v3, v2;
	v4 =	vadd.s32 v1, v4;
	_ =	sdelay $0x1  }
0x5b6: {  	v3 =	vadd.s32 v1, v3;
	_ =	sdelay $0x1  }
0x5b7: {  	s9 =	simm.s32 $0x4100  }
0x5b8: {  	[tilespmem:s9], [sflag:$0x1] =	stream.indirect_vreg.gather [hbm4b:s3+s2], $0x80, v4, vm0, $0xb8;
	[tilespmem:$0x10100] =	vst v63  }
0x5b9: {  	s15 =	simm.s32 $0x4900  }
0x5ba: {  	[tilespmem:s15], [sflag:$0x1] =	stream.indirect_vreg.gather [hbm4b:s3+s2], $0x80, v3, vm0, $0xb8;
	[tilespmem:$0x10100] =	vst v63  }
0x5bb: {  	v3 =	vld [tilespmem:$0x50];
	_ =	sdelay $0x4  }
0x5bc: {  	v53 =	vshll.u32 v3, $0x1  }
0x5bd: {  	v3 =	vand.u32 $0x7, v3;
	v4 =	vand.u32 $0xFFFFFFF0, v53  }
0x5be: {  	v3 =	vor.u32 v3, v4  }
0x5bf: {  	v4 =	vperm.xlane v3, v0;
	_ =	sdelay $0x1  }
0x5c0: {  	v3 =	vperm.xlane v3, v2;
	v4 =	vadd.s32 v1, v4;
	_ =	sdelay $0x1  }
0x5c1: {  	v3 =	vadd.s32 v1, v3;
	_ =	sdelay $0x1  }
0x5c2: {  	s19 =	simm.s32 $0x5100  }
0x5c3: {  	[tilespmem:s19], [sflag:$0x1] =	stream.indirect_vreg.gather [hbm4b:s3+s2], $0x80, v4, vm0, $0xb8;
	[tilespmem:$0x10100] =	vst v63  }
0x5c4: {  	s25 =	simm.s32 $0x5900  }
0x5c5: {  	[tilespmem:s25], [sflag:$0x1] =	stream.indirect_vreg.gather [hbm4b:s3+s2], $0x80, v3, vm0, $0xb8;
	[tilespmem:$0x10100] =	vst v63  }
0x5c6: {  	v3 =	vld [tilespmem:$0x60];
	_ =	sdelay $0x4  }
0x5c7: {  	v54 =	vshll.u32 v3, $0x1  }
0x5c8: {  	v3 =	vand.u32 $0x7, v3;
	v4 =	vand.u32 $0xFFFFFFF0, v54  }
0x5c9: {  	v3 =	vor.u32 v3, v4  }
0x5ca: {  	v4 =	vperm.xlane v3, v0;
	_ =	sdelay $0x1  }
0x5cb: {  	v3 =	vperm.xlane v3, v2;
	v4 =	vadd.s32 v1, v4;
	_ =	sdelay $0x1  }
0x5cc: {  	v3 =	vadd.s32 v1, v3;
	_ =	sdelay $0x1  }
0x5cd: {  	s24 =	simm.s32 $0x6100  }
0x5ce: {  	[tilespmem:s24], [sflag:$0x1] =	stream.indirect_vreg.gather [hbm4b:s3+s2], $0x80, v4, vm0, $0xb8;
	[tilespmem:$0x10100] =	vst v63  }
0x5cf: {  	s26 =	simm.s32 $0x6900  }
0x5d0: {  	[tilespmem:s26], [sflag:$0x1] =	stream.indirect_vreg.gather [hbm4b:s3+s2], $0x80, v3, vm0, $0xb8;
	[tilespmem:$0x10100] =	vst v63  }
0x5d1: {  	v3 =	vld [tilespmem:$0x70];
	_ =	sdelay $0x4  }
0x5d2: {  	v55 =	vshll.u32 v3, $0x1  }
0x5d3: {  	v3 =	vand.u32 $0x7, v3;
	v4 =	vand.u32 $0xFFFFFFF0, v55  }
0x5d4: {  	v3 =	vor.u32 v3, v4  }
0x5d5: {  	v4 =	vperm.xlane v3, v0;
	_ =	sdelay $0x1  }
0x5d6: {  	v3 =	vperm.xlane v3, v2;
	v4 =	vadd.s32 v1, v4;
	_ =	sdelay $0x1  }
0x5d7: {  	v3 =	vadd.s32 v1, v3;
	_ =	sdelay $0x1  }
0x5d8: {  	s28 =	simm.s32 $0x7100  }
0x5d9: {  	[tilespmem:s28], [sflag:$0x1] =	stream.indirect_vreg.gather [hbm4b:s3+s2], $0x80, v4, vm0, $0xb8;
	[tilespmem:$0x10100] =	vst v63  }
0x5da: {  	s29 =	simm.s32 $0x7900  }
0x5db: {  	[tilespmem:s29], [sflag:$0x1] =	stream.indirect_vreg.gather [hbm4b:s3+s2], $0x80, v3, vm0, $0xb8;
	[tilespmem:$0x10100] =	vst v63  }
0x5dc: {  	s9 =	sld [smem:$0x7FB];
	_ =	swait.ge [sflag:s14], $0x8000  }
0x5dd: {  	[sflag:s14] =	ssyncset.done $0x0  }
0x5de: {  	s25 =	rddreg [dreg:$0x1e];
	[sflag:s14] =	ssyncadd.s32 $0xFFFF8000  }
0x5df: {  	[hbm4b:s25+s2] =	stream.linear.scatter [tilespmem:s23], [sflag:$0x3], $0x8000, $0x38;
	[tilespmem:$0x10100] =	vst v63  }
0x5e0: {  	_ =	swait.ge [sflag:s5], $0x8000  }
0x5e1: {  	[sflag:s5] =	ssyncset.done $0x0  }
0x5e2: {  	s28 =	simm.s32 $0x80;
	s26 =	rddreg [dreg:$0x1f];
	[sflag:s5] =	ssyncadd.s32 $0xFFFF8000  }
0x5e3: {  	[tilespmem:s28], [sflag:$0x3] =	stream.linear.gather [hbm4b:s26+s2], $0x80, $0x38;
	[tilespmem:$0x10100] =	vst v63  }
0x5e4: {  	_ =	swait.ge [sflag:s5], $0x80  }
0x5e5: {  	[sflag:s5] =	ssyncset.done $0x0  }
0x5e6: {  	[sflag:s5] =	ssyncadd.s32 $0xFFFFFF80  }
0x5e7: {  	v3 =	vld [tilespmem:$0x80];
	_ =	sdelay $0x4  }
0x5e8: {  	v56 =	vshll.u32 v3, $0x1  }
0x5e9: {  	v3 =	vand.u32 $0x7, v3;
	v4 =	vand.u32 $0xFFFFFFF0, v56  }
0x5ea: {  	v3 =	vor.u32 v3, v4  }
0x5eb: {  	v4 =	vperm.xlane v3, v0;
	_ =	sdelay $0x1  }
0x5ec: {  	v3 =	vperm.xlane v3, v2;
	v4 =	vadd.s32 v1, v4;
	_ =	sdelay $0x1  }
0x5ed: {  	v3 =	vadd.s32 v1, v3;
	_ =	sdelay $0x2  }
0x5ee: {  	[tilespmem:s23], [sflag:$0x2] =	stream.indirect_vreg.gather [hbm4b:s3+s2], $0x80, v4, vm0, $0xb8;
	[tilespmem:$0x10100] =	vst v63  }
0x5ef: {  	s7 =	simm.s32 $0x8900  }
0x5f0: {  	[tilespmem:s7], [sflag:$0x2] =	stream.indirect_vreg.gather [hbm4b:s3+s2], $0x80, v3, vm0, $0xb8;
	[tilespmem:$0x10100] =	vst v63  }
0x5f1: {  	v3 =	vld [tilespmem:$0x90];
	_ =	sdelay $0x4  }
0x5f2: {  	v57 =	vshll.u32 v3, $0x1  }
0x5f3: {  	v3 =	vand.u32 $0x7, v3;
	v4 =	vand.u32 $0xFFFFFFF0, v57  }
0x5f4: {  	v3 =	vor.u32 v3, v4  }
0x5f5: {  	v4 =	vperm.xlane v3, v0;
	_ =	sdelay $0x1  }
0x5f6: {  	v3 =	vperm.xlane v3, v2;
	v4 =	vadd.s32 v1, v4;
	_ =	sdelay $0x1  }
0x5f7: {  	v3 =	vadd.s32 v1, v3;
	_ =	sdelay $0x1  }
0x5f8: {  	s18 =	simm.s32 $0x9100  }
0x5f9: {  	[tilespmem:s18], [sflag:$0x2] =	stream.indirect_vreg.gather [hbm4b:s3+s2], $0x80, v4, vm0, $0xb8;
	[tilespmem:$0x10100] =	vst v63  }
0x5fa: {  	s30 =	simm.s32 $0x9900  }
0x5fb: {  	[tilespmem:s30], [sflag:$0x2] =	stream.indirect_vreg.gather [hbm4b:s3+s2], $0x80, v3, vm0, $0xb8;
	[tilespmem:$0x10100] =	vst v63  }
0x5fc: {  	v3 =	vld [tilespmem:$0xA0];
	_ =	sdelay $0x4  }
0x5fd: {  	v58 =	vshll.u32 v3, $0x1  }
0x5fe: {  	v3 =	vand.u32 $0x7, v3;
	v4 =	vand.u32 $0xFFFFFFF0, v58  }
0x5ff: {  	v3 =	vor.u32 v3, v4  }
0x600: {  	v4 =	vperm.xlane v3, v0;
	_ =	sdelay $0x1  }
0x601: {  	v3 =	vperm.xlane v3, v2;
	v4 =	vadd.s32 v1, v4;
	_ =	sdelay $0x1  }
0x602: {  	v3 =	vadd.s32 v1, v3;
	_ =	sdelay $0x1  }
0x603: {  	s31 =	simm.s32 $0xA100  }
0x604: {  	[tilespmem:s31], [sflag:$0x2] =	stream.indirect_vreg.gather [hbm4b:s3+s2], $0x80, v4, vm0, $0xb8;
	[tilespmem:$0x10100] =	vst v63  }
0x605: {  	s17 =	simm.s32 $0xA900  }
0x606: {  	[tilespmem:s17], [sflag:$0x2] =	stream.indirect_vreg.gather [hbm4b:s3+s2], $0x80, v3, vm0, $0xb8;
	[tilespmem:$0x10100] =	vst v63  }
0x607: {  	v3 =	vld [tilespmem:$0xB0];
	_ =	sdelay $0x4  }
0x608: {  	v59 =	vshll.u32 v3, $0x1  }
0x609: {  	v3 =	vand.u32 $0x7, v3;
	v4 =	vand.u32 $0xFFFFFFF0, v59  }
0x60a: {  	v3 =	vor.u32 v3, v4  }
0x60b: {  	v4 =	vperm.xlane v3, v0;
	_ =	sdelay $0x1  }
0x60c: {  	v3 =	vperm.xlane v3, v2;
	v4 =	vadd.s32 v1, v4;
	_ =	sdelay $0x1  }
0x60d: {  	v3 =	vadd.s32 v1, v3;
	_ =	sdelay $0x1  }
0x60e: {  	s12 =	simm.s32 $0xB100  }
0x60f: {  	[tilespmem:s12], [sflag:$0x2] =	stream.indirect_vreg.gather [hbm4b:s3+s2], $0x80, v4, vm0, $0xb8;
	[tilespmem:$0x10100] =	vst v63  }
0x610: {  	s20 =	simm.s32 $0xB900  }
0x611: {  	[tilespmem:s20], [sflag:$0x2] =	stream.indirect_vreg.gather [hbm4b:s3+s2], $0x80, v3, vm0, $0xb8;
	[tilespmem:$0x10100] =	vst v63  }
0x612: {  	v3 =	vld [tilespmem:$0xC0];
	_ =	sdelay $0x4  }
0x613: {  	v60 =	vshll.u32 v3, $0x1  }
0x614: {  	v3 =	vand.u32 $0x7, v3;
	v4 =	vand.u32 $0xFFFFFFF0, v60  }
0x615: {  	v3 =	vor.u32 v3, v4  }
0x616: {  	v4 =	vperm.xlane v3, v0;
	_ =	sdelay $0x1  }
0x617: {  	v3 =	vperm.xlane v3, v2;
	v4 =	vadd.s32 v1, v4;
	_ =	sdelay $0x1  }
0x618: {  	v3 =	vadd.s32 v1, v3;
	_ =	sdelay $0x1  }
0x619: {  	s21 =	simm.s32 $0xC100  }
0x61a: {  	[tilespmem:s21], [sflag:$0x2] =	stream.indirect_vreg.gather [hbm4b:s3+s2], $0x80, v4, vm0, $0xb8;
	[tilespmem:$0x10100] =	vst v63  }
0x61b: {  	s16 =	simm.s32 $0xC900  }
0x61c: {  	[tilespmem:s16], [sflag:$0x2] =	stream.indirect_vreg.gather [hbm4b:s3+s2], $0x80, v3, vm0, $0xb8;
	[tilespmem:$0x10100] =	vst v63  }
0x61d: {  	v3 =	vld [tilespmem:$0xD0];
	_ =	sdelay $0x4  }
0x61e: {  	v61 =	vshll.u32 v3, $0x1  }
0x61f: {  	v3 =	vand.u32 $0x7, v3;
	v4 =	vand.u32 $0xFFFFFFF0, v61  }
0x620: {  	v3 =	vor.u32 v3, v4  }
0x621: {  	v4 =	vperm.xlane v3, v0;
	_ =	sdelay $0x1  }
0x622: {  	v3 =	vperm.xlane v3, v2;
	v4 =	vadd.s32 v1, v4;
	_ =	sdelay $0x1  }
0x623: {  	v3 =	vadd.s32 v1, v3;
	_ =	sdelay $0x1  }
0x624: {  	s11 =	simm.s32 $0xD100  }
0x625: {  	[tilespmem:s11], [sflag:$0x2] =	stream.indirect_vreg.gather [hbm4b:s3+s2], $0x80, v4, vm0, $0xb8;
	[tilespmem:$0x10100] =	vst v63  }
0x626: {  	s22 =	simm.s32 $0xD900  }
0x627: {  	[tilespmem:s22], [sflag:$0x2] =	stream.indirect_vreg.gather [hbm4b:s3+s2], $0x80, v3, vm0, $0xb8;
	[tilespmem:$0x10100] =	vst v63  }
0x628: {  	v3 =	vld [tilespmem:$0xE0];
	_ =	sdelay $0x4  }
0x629: {  	v62 =	vshll.u32 v3, $0x1  }
0x62a: {  	v3 =	vand.u32 $0x7, v3;
	v4 =	vand.u32 $0xFFFFFFF0, v62  }
0x62b: {  	v3 =	vor.u32 v3, v4  }
0x62c: {  	v4 =	vperm.xlane v3, v0;
	_ =	sdelay $0x1  }
0x62d: {  	v3 =	vperm.xlane v3, v2;
	v4 =	vadd.s32 v1, v4;
	_ =	sdelay $0x1  }
0x62e: {  	v3 =	vadd.s32 v1, v3;
	_ =	sdelay $0x1  }
0x62f: {  	s8 =	simm.s32 $0xE100  }
0x630: {  	[tilespmem:s8], [sflag:$0x2] =	stream.indirect_vreg.gather [hbm4b:s3+s2], $0x80, v4, vm0, $0xb8;
	[tilespmem:$0x10100] =	vst v63  }
0x631: {  	s29 =	simm.s32 $0xE900  }
0x632: {  	[tilespmem:s29], [sflag:$0x2] =	stream.indirect_vreg.gather [hbm4b:s3+s2], $0x80, v3, vm0, $0xb8;
	[tilespmem:$0x10100] =	vst v63  }
0x633: {  	v3 =	vld [tilespmem:$0xF0];
	_ =	sdelay $0x4  }
0x634: {  	v63 =	vshll.u32 v3, $0x1  }
0x635: {  	v3 =	vand.u32 $0x7, v3;
	v4 =	vand.u32 $0xFFFFFFF0, v63  }
0x636: {  	v3 =	vor.u32 v3, v4  }
0x637: {  	v4 =	vperm.xlane v3, v0;
	_ =	sdelay $0x1  }
0x638: {  	v3 =	vperm.xlane v3, v2;
	v4 =	vadd.s32 v1, v4;
	_ =	sdelay $0x1  }
0x639: {  	v3 =	vadd.s32 v1, v3;
	_ =	sdelay $0x1  }
0x63a: {  	s10 =	simm.s32 $0xF100  }
0x63b: {  	[tilespmem:s10], [sflag:$0x2] =	stream.indirect_vreg.gather [hbm4b:s3+s2], $0x80, v4, vm0, $0xb8;
	[tilespmem:$0x10100] =	vst v63  }
0x63c: {  	s4 =	simm.s32 $0xF900  }
0x63d: {  	[tilespmem:s4], [sflag:$0x2] =	stream.indirect_vreg.gather [hbm4b:s3+s2], $0x80, v3, vm0, $0xb8;
	[tilespmem:$0x10100] =	vst v63  }
0x63e: {  	_ =	swait.ge [sflag:s13], $0x8000  }
0x63f: {  	s30 =	sld [smem:$0x7FC]  }
0x640: {  	[sflag:s13] =	ssyncset.done $0x0  }
0x641: {  	[sflag:s13] =	ssyncadd.s32 $0xFFFF8000  }
0x642: {  	[hbm4b:s30+s2] =	stream.linear.scatter [tilespmem:s6], [sflag:$0x3], $0x8000, $0x38;
	[tilespmem:$0x10100] =	vst v63  }
0x643: {  	_ =	swait.ge [sflag:s5], $0x8000  }
0x644: {  	[sflag:s5] =	ssyncset.done $0x0  }
0x645: {  	[sflag:s5] =	ssyncadd.s32 $0xFFFF8000  }
0x646: {  	_ =	swait.ge [sflag:s14], $0x8000  }
0x647: {  	s31 =	sld [smem:$0x7FD]  }
0x648: {  	p0 =	sne.s32 s9, $0x1;
	[sflag:s14] =	ssyncset.done $0x0  }
.Ltmp0:
0x649: {  	[sflag:s14] =	ssyncadd.s32 $0xFFFF8000;
	(pc) =	sbr.rel @p0 .LBB2_1-.Ltmp0, $4  }
0x64a: {  	[hbm4b:s31+s2] =	stream.linear.scatter [tilespmem:s23], [sflag:$0x3], $0x8000, $0x38;
	[tilespmem:$0x10100] =	vst v63  }
0x64b: {  	_ =	swait.ge [sflag:s5], $0x8000  }
0x64c: {  	[sflag:s5] =	ssyncset.done $0x0  }
0x64d: {  	s0 =	sadd.s32 $0xFFFFFFFF, s9;
	[sflag:s5] =	ssyncadd.s32 $0xFFFF8000  }
0x64e: {  	_ =	sfence.sel $0x180000  }
0x64f: {  	[bflag:$0x0] =	sbarrier.arrive $0xFFFF  }
0x650: {  	_ =	strace $0x90000047  }
0x651: {  	s0 =	stileid.u32;
	[bflag:$0x2] =	sbarrier.arrive $0xFFFF  }
0x652: {  	p0 =	sne.s32 s0, $0x0;
	s0 =	rddreg [dreg:$0x1]  }
0x653: {  	s0 =	sadd.s32 @!p0 $0x100000, s0  }
0x654: {  	[sflag:s0] =	ssyncadd.tile.s32 @!p0 $0x1;
	_ =	shalt  }
.Lfunc_end2:
_tile_overlayer_lowered:
.L_overlay_start_2:
0x655: {  	(tag) =	ssettag $0x2  }
0x656: {  	s0 =	rddreg [dreg:$0x0];
	s2 =	stileid.u32  }
0x657: {  	s1 =	rddreg [dreg:$0x1];
	p0 =	sne.s32 s2, $0x0  }
0x658: {  	s3 =	rddreg [dreg:$0x2];
	[bflag:$0x3] =	sbarrier.arrive $0xFFFF;
	s2 =	simm.s32 @!p0 $0x1C03  }
0x659: {  	[timem:s3], [sflag:s2] =	dma.local @!p0 [hbm:s0], s1  }
0x65a: {  	s0 =	simm.s32 @!p0 $0x3  }
0x65b: {  	_ =	swait.ge @!p0 [sflag:s0], s1  }
0x65c: {  	s1 =	ssub.s32 @!p0 $0x0, s1;
	[sflag:s0] =	ssyncset.done @!p0 $0x0  }
0x65d: {  	[sflag:s0] =	ssyncadd.s32 @!p0 s1  }
0x65e: {  	[bflag:$0x3] =	sbarrier.arrive $0xFFFF  }
0x65f: {  	_ =	shalt  }

</sc_bundles>
